<compile_context>
chip_gen: v7x
topology: tpu7x:2x2x1
jax: 0.10.2.dev20260603
libtpu: 0.0.44.dev20260713+nightly
codegen_flags: <defaults>
</compile_context>

<pallas_src>
import functools

import jax
import jax.numpy as jnp
from jax import lax
from jax.experimental import pallas as pl
from jax.experimental.pallas import tpu as pltpu
from jax.experimental.pallas import tpu_sc as plsc

_N = 10000
_E = 320000
_G = 64
_D = 128

_NC = 2
_NS = 16
_NW = _NC * _NS

_N_PAD = 10240
_IDXW = 128
_E_ROWS = 2560
_E_PAD = _E_ROWS * _IDXW
_IR_PER_TILE = _E_ROWS // _NW

_mesh = plsc.VectorSubcoreMesh(
    core_axis_name="c", subcore_axis_name="s", num_cores=_NC, num_subcores=_NS
)



@functools.partial(
    pl.kernel,
    out_type=jax.ShapeDtypeStruct((_NC, _N_PAD, _D), jnp.float32),
    mesh=_mesh,
    scratch_types=[
        pltpu.VMEM((_IR_PER_TILE, _IDXW), jnp.int32),
        pltpu.VMEM((_IDXW, _D), jnp.float32),
        pltpu.VMEM_SHARED((_N_PAD, _D), jnp.float32),
        pltpu.SemaphoreType.DMA,
    ],
)
def _sc_deg(dst_hbm, ones_hbm, zeros_hbm, out_hbm, dst_v, ones_v, deg_sh, sem):
    cid = lax.axis_index("c")
    sid = lax.axis_index("s")
    wid = cid * _NS + sid
    nz = _N_PAD // _NS
    pltpu.sync_copy(zeros_hbm, ones_v)
    for k in range(nz // _IDXW):
        pltpu.sync_copy(ones_v, deg_sh.at[pl.ds(sid * nz + k * _IDXW, _IDXW)])
    pltpu.sync_copy(ones_hbm, ones_v)
    pltpu.sync_copy(dst_hbm.at[pl.ds(wid * _IR_PER_TILE, _IR_PER_TILE)], dst_v)
    plsc.subcore_barrier()

    def body(g, carry):
        for k in range(8):
            pltpu.async_copy(ones_v, deg_sh.at[dst_v.at[g * 8 + k]], sem,
                             add=True)
        for k in range(8):
            pltpu.make_async_copy(ones_v, deg_sh.at[dst_v.at[g * 8 + k]],
                                  sem).wait()
        return carry

    lax.fori_loop(0, _IR_PER_TILE // 8, body, 0)
    plsc.subcore_barrier()
    pltpu.sync_copy(
        deg_sh.at[pl.ds(sid * nz, nz)], out_hbm.at[cid, pl.ds(sid * nz, nz)]
    )


@functools.partial(
    pl.kernel,
    out_type=jax.ShapeDtypeStruct((_NC, _N_PAD, _D), jnp.float32),
    mesh=_mesh,
    scratch_types=[
        pltpu.VMEM((2, _IDXW), jnp.int32),
        pltpu.VMEM((2, _IDXW), jnp.int32),
        pltpu.VMEM((2, _IDXW), jnp.int32),
        pltpu.VMEM((2, _IDXW), jnp.int32),
        pltpu.VMEM((_IDXW, _D), jnp.float32),
        pltpu.VMEM((_IDXW, _D), jnp.float32),
        pltpu.VMEM_SHARED((_N_PAD, _D), jnp.float32),
        pltpu.SemaphoreType.DMA,
        pltpu.SemaphoreType.DMA,
        pltpu.SemaphoreType.DMA,
        pltpu.SemaphoreType.DMA,
        pltpu.SemaphoreType.DMA,
    ],
)
def _sc_edge(y_hbm, sd_hbm, zeros_hbm, out_hbm, idx0, idx1, idx2, idx3,
             rows0_v, rows1_v, acc_sh, sem_g0, sem_g1, sem_s0, sem_s1, sem_i):
    cid = lax.axis_index("c")
    sid = lax.axis_index("s")
    wid = cid * _NS + sid
    nz = _N_PAD // _NS
    base = wid * _IR_PER_TILE
    nq = _IR_PER_TILE // 4
    pltpu.sync_copy(zeros_hbm, rows0_v)
    for k in range(nz // _IDXW):
        pltpu.sync_copy(rows0_v, acc_sh.at[pl.ds(sid * nz + k * _IDXW, _IDXW)])
    plsc.subcore_barrier()

    pltpu.sync_copy(sd_hbm.at[base], idx0)
    pltpu.sync_copy(sd_hbm.at[base + 1], idx1)
    pltpu.async_copy(y_hbm.at[idx0.at[0]], rows0_v, sem_g0)
    pltpu.async_copy(y_hbm.at[idx1.at[0]], rows1_v, sem_g1)
    pltpu.async_copy(sd_hbm.at[base + 2], idx2, sem_i)
    pltpu.async_copy(sd_hbm.at[base + 3], idx3, sem_i)

    def body(q, carry):
        j0 = base + q * 4
        pltpu.make_async_copy(y_hbm.at[idx0.at[0]], rows0_v, sem_g0).wait()
        pltpu.async_copy(rows0_v, acc_sh.at[idx0.at[1]], sem_s0, add=True)
        pltpu.make_async_copy(y_hbm.at[idx1.at[0]], rows1_v, sem_g1).wait()
        pltpu.async_copy(rows1_v, acc_sh.at[idx1.at[1]], sem_s1, add=True)
        pltpu.make_async_copy(sd_hbm.at[j0 + 2], idx2, sem_i).wait()
        pltpu.make_async_copy(sd_hbm.at[j0 + 3], idx3, sem_i).wait()
        pltpu.make_async_copy(rows0_v, acc_sh.at[idx0.at[1]], sem_s0).wait()
        pltpu.async_copy(y_hbm.at[idx2.at[0]], rows0_v, sem_g0)
        pltpu.make_async_copy(rows1_v, acc_sh.at[idx1.at[1]], sem_s1).wait()
        pltpu.async_copy(y_hbm.at[idx3.at[0]], rows1_v, sem_g1)

        @pl.when(q < nq - 1)
        def _():
            pltpu.async_copy(sd_hbm.at[j0 + 4], idx0, sem_i)
            pltpu.async_copy(sd_hbm.at[j0 + 5], idx1, sem_i)

        pltpu.make_async_copy(y_hbm.at[idx2.at[0]], rows0_v, sem_g0).wait()
        pltpu.async_copy(rows0_v, acc_sh.at[idx2.at[1]], sem_s0, add=True)
        pltpu.make_async_copy(y_hbm.at[idx3.at[0]], rows1_v, sem_g1).wait()
        pltpu.async_copy(rows1_v, acc_sh.at[idx3.at[1]], sem_s1, add=True)

        @pl.when(q < nq - 1)
        def _():
            pltpu.make_async_copy(sd_hbm.at[j0 + 4], idx0, sem_i).wait()
            pltpu.make_async_copy(sd_hbm.at[j0 + 5], idx1, sem_i).wait()
            pltpu.make_async_copy(rows0_v, acc_sh.at[idx2.at[1]], sem_s0).wait()
            pltpu.async_copy(y_hbm.at[idx0.at[0]], rows0_v, sem_g0)
            pltpu.make_async_copy(rows1_v, acc_sh.at[idx3.at[1]], sem_s1).wait()
            pltpu.async_copy(y_hbm.at[idx1.at[0]], rows1_v, sem_g1)
            pltpu.async_copy(sd_hbm.at[j0 + 6], idx2, sem_i)
            pltpu.async_copy(sd_hbm.at[j0 + 7], idx3, sem_i)

        return carry

    lax.fori_loop(0, nq, body, 0)
    pltpu.make_async_copy(rows0_v, acc_sh.at[idx2.at[1]], sem_s0).wait()
    pltpu.make_async_copy(rows1_v, acc_sh.at[idx3.at[1]], sem_s1).wait()
    plsc.subcore_barrier()
    pltpu.sync_copy(
        acc_sh.at[pl.ds(sid * nz, nz)], out_hbm.at[cid, pl.ds(sid * nz, nz)]
    )



_BLK = 1000
_NBLK = _N // _BLK


def _dinv_of(deg_ref):
    deg = deg_ref[0, :, 0:1] + deg_ref[1, :, 0:1] + 1.0
    return lax.rsqrt(deg)


def _tc_first_body(x_ref, w_ref, deg_ref, y_ref, dinv_ref):
    dinv = _dinv_of(deg_ref)
    y_ref[...] = (
        jnp.dot(x_ref[...], w_ref[...], preferred_element_type=jnp.float32) * dinv
    )
    dinv_ref[0, 0, :] = dinv[:, 0]


def _tc_first(x, W, deg2):
    return pl.pallas_call(
        _tc_first_body,
        grid=(_NBLK,),
        in_specs=[
            pl.BlockSpec((_BLK, _D), lambda i: (i, 0)),
            pl.BlockSpec((_D, _D), lambda i: (0, 0)),
            pl.BlockSpec((_NC, _BLK, _D), lambda i: (0, i, 0)),
        ],
        out_specs=[
            pl.BlockSpec((_BLK, _D), lambda i: (i, 0)),
            pl.BlockSpec((1, 1, _BLK), lambda i: (i, 0, 0)),
        ],
        out_shape=[
            jax.ShapeDtypeStruct((_N, _D), jnp.float32),
            jax.ShapeDtypeStruct((_NBLK, 1, _BLK), jnp.float32),
        ],
    )(x, W, deg2)


def _tc_mid_body(acc_ref, y_ref, dinv_ref, b_ref, w_ref, out_ref):
    dinv = dinv_ref[0, 0, :].reshape(_BLK, 1)
    s = acc_ref[0] + acc_ref[1] + y_ref[...]
    h = jnp.maximum(dinv * s + b_ref[...], 0.0)
    out_ref[...] = (
        jnp.dot(h, w_ref[...], preferred_element_type=jnp.float32) * dinv
    )


def _tc_mid(acc, y, dinv3, b, Wn):
    return pl.pallas_call(
        _tc_mid_body,
        grid=(_NBLK,),
        in_specs=[
            pl.BlockSpec((_NC, _BLK, _D), lambda i: (0, i, 0)),
            pl.BlockSpec((_BLK, _D), lambda i: (i, 0)),
            pl.BlockSpec((1, 1, _BLK), lambda i: (i, 0, 0)),
            pl.BlockSpec((1, _D), lambda i: (0, 0)),
            pl.BlockSpec((_D, _D), lambda i: (0, 0)),
        ],
        out_specs=pl.BlockSpec((_BLK, _D), lambda i: (i, 0)),
        out_shape=jax.ShapeDtypeStruct((_N, _D), jnp.float32),
    )(acc, y, dinv3, b, Wn)


def _tc_final_body(acc_ref, y_ref, dinv_ref, b_ref, batch_ref, fw1_ref, fb1_ref,
                   fw2_ref, fb2_ref, out_ref, hg_acc, cnt_acc):
    i = pl.program_id(0)

    @pl.when(i == 0)
    def _():
        hg_acc[...] = jnp.zeros_like(hg_acc)
        cnt_acc[...] = jnp.zeros_like(cnt_acc)

    dinv = dinv_ref[0, 0, :].reshape(_BLK, 1)
    s = acc_ref[0] + acc_ref[1] + y_ref[...]
    h = jnp.maximum(dinv * s + b_ref[...], 0.0)
    bvec = batch_ref[0, 0, :]
    onehot = (
        bvec[None, :] == lax.broadcasted_iota(jnp.int32, (_G, _BLK), 0)
    ).astype(jnp.float32)
    hg_acc[...] += jnp.dot(onehot, h, preferred_element_type=jnp.float32)
    cnt_acc[...] += jnp.dot(
        onehot, jnp.ones((_BLK, _D), jnp.float32), preferred_element_type=jnp.float32
    )

    @pl.when(i == _NBLK - 1)
    def _():
        hg = hg_acc[...] / jnp.maximum(cnt_acc[...], 1.0)
        a = jnp.maximum(
            jnp.dot(hg, fw1_ref[...], preferred_element_type=jnp.float32)
            + fb1_ref[...],
            0.0,
        )
        out_ref[...] = (
            jnp.dot(a, fw2_ref[...], preferred_element_type=jnp.float32)
            + fb2_ref[...]
        )


def _tc_final(acc, y, dinv3, b, batch3, fW1, fb1, fW2, fb2):
    return pl.pallas_call(
        _tc_final_body,
        grid=(_NBLK,),
        in_specs=[
            pl.BlockSpec((_NC, _BLK, _D), lambda i: (0, i, 0)),
            pl.BlockSpec((_BLK, _D), lambda i: (i, 0)),
            pl.BlockSpec((1, 1, _BLK), lambda i: (i, 0, 0)),
            pl.BlockSpec((1, _D), lambda i: (0, 0)),
            pl.BlockSpec((1, 1, _BLK), lambda i: (i, 0, 0)),
            pl.BlockSpec((_D, _G), lambda i: (0, 0)),
            pl.BlockSpec((1, _G), lambda i: (0, 0)),
            pl.BlockSpec((_G, 1), lambda i: (0, 0)),
            pl.BlockSpec((1, 1), lambda i: (0, 0)),
        ],
        out_specs=pl.BlockSpec((_G, 1), lambda i: (0, 0)),
        out_shape=jax.ShapeDtypeStruct((_G, 1), jnp.float32),
        scratch_shapes=[
            pltpu.VMEM((_G, _D), jnp.float32),
            pltpu.VMEM((_G, _D), jnp.float32),
        ],
    )(acc, y, dinv3, b, batch3, fW1, fb1, fW2, fb2)



def kernel(x, edge_index, batch, W1, b1, W2, b2, W3, b3, fW1, fb1, fW2, fb2):
    src = edge_index[0].astype(jnp.int32)
    dst = edge_index[1].astype(jnp.int32)
    npad = _E_PAD - _E
    pad_iota = jnp.arange(npad, dtype=jnp.int32)
    pad_src = pad_iota % _N
    pad_dst = _N + pad_iota % (_N_PAD - _N)
    src2d = jnp.concatenate([src, pad_src]).reshape(_E_ROWS, _IDXW)
    dst2d = jnp.concatenate([dst, pad_dst]).reshape(_E_ROWS, _IDXW)
    sd2d = jnp.stack([src2d, dst2d], axis=1)

    ones128 = jnp.ones((_IDXW, _D), jnp.float32)
    zeros128 = jnp.zeros((_IDXW, _D), jnp.float32)

    deg2 = _sc_deg(dst2d, ones128, zeros128)
    y1, dinv3 = _tc_first(x, W1, deg2)
    acc1 = _sc_edge(y1, sd2d, zeros128)
    y2 = _tc_mid(acc1, y1, dinv3, b1.reshape(1, _D), W2)
    acc2 = _sc_edge(y2, sd2d, zeros128)
    y3 = _tc_mid(acc2, y2, dinv3, b2.reshape(1, _D), W3)
    acc3 = _sc_edge(y3, sd2d, zeros128)

    batch3 = batch.astype(jnp.int32).reshape(_NBLK, 1, _BLK)
    return _tc_final(
        acc3, y3, dinv3, b3.reshape(1, _D), batch3,
        fW1, fb1.reshape(1, _G), fW2, fb2.reshape(1, 1),
    )

# --- scband reference (transcript-rebuilt; emitter-appended) ---
"""Pipeline reference for scband-gcn-40321152975136 (READ-ONLY COPY).

The authoritative reference and input builder live on the scoring server;
editing this copy changes nothing except your own understanding.
"""

import jax, jax.numpy as jnp
import numpy as np

N_NODES = 10000
N_EDGES = 320000
N_GRAPHS = 64
D_IN = 128
D_HID = 128
D_FC = 64
D_OUT = 1


def gcn_conv(x, edge_index, W, b):
    # PyG GCNConv: add self-loops, symmetric normalization, linear transform, aggregate
    src = edge_index[0]
    dst = edge_index[1]
    loop = jnp.arange(N_NODES, dtype=src.dtype)
    src = jnp.concatenate([src, loop])
    dst = jnp.concatenate([dst, loop])
    deg = jnp.zeros((N_NODES,), dtype=x.dtype).at[dst].add(jnp.ones((src.shape[0],), dtype=x.dtype))
    dinv = jax.lax.rsqrt(deg)  # deg >= 1 because of self-loops
    norm = dinv[src] * dinv[dst]
    xw = x @ W
    msg = jnp.take(xw, src, axis=0) * norm[:, None]
    out = jnp.zeros((N_NODES, W.shape[1]), dtype=x.dtype).at[dst].add(msg)
    return out + b


def global_mean_pool(h, batch):
    sums = jax.ops.segment_sum(h, batch, num_segments=N_GRAPHS)
    cnt = jax.ops.segment_sum(jnp.ones((h.shape[0], 1), dtype=h.dtype), batch, num_segments=N_GRAPHS)
    return sums / jnp.maximum(cnt, 1.0)


def _lin_init(k, fan_in, shape):
    s = 1.0 / np.sqrt(fan_in)
    return jax.random.uniform(k, shape, jnp.float32, -s, s)


def setup_inputs(seed: int = 0):
    key = jax.random.key(seed)
    ks = jax.random.split(key, 16)
    x = jax.random.normal(ks[0], (N_NODES, D_IN), dtype=jnp.float32)
    edge_index = jax.random.randint(ks[1], (2, N_EDGES), 0, N_NODES, dtype=jnp.int32)
    batch = jnp.sort(jax.random.randint(ks[2], (N_NODES,), 0, N_GRAPHS, dtype=jnp.int32))
    W1 = _lin_init(ks[3], D_IN, (D_IN, D_HID));  b1 = _lin_init(ks[4], D_IN, (D_HID,))
    W2 = _lin_init(ks[5], D_HID, (D_HID, D_HID)); b2 = _lin_init(ks[6], D_HID, (D_HID,))
    W3 = _lin_init(ks[7], D_HID, (D_HID, D_HID)); b3 = _lin_init(ks[8], D_HID, (D_HID,))
    fW1 = _lin_init(ks[9], D_HID, (D_HID, D_FC)); fb1 = _lin_init(ks[10], D_HID, (D_FC,))
    fW2 = _lin_init(ks[11], D_FC, (D_FC, D_OUT)); fb2 = _lin_init(ks[12], D_FC, (D_OUT,))
    return {"x": x, "edge_index": edge_index, "batch": batch,
            "W1": W1, "b1": b1, "W2": W2, "b2": b2, "W3": W3, "b3": b3,
            "fW1": fW1, "fb1": fb1, "fW2": fW2, "fb2": fb2}


def reference(x, edge_index, batch, W1, b1, W2, b2, W3, b3, fW1, fb1, fW2, fb2):
    h = jax.nn.relu(gcn_conv(x, edge_index, W1, b1))
    h = jax.nn.relu(gcn_conv(h, edge_index, W2, b2))
    h = jax.nn.relu(gcn_conv(h, edge_index, W3, b3))
    hg = global_mean_pool(h, batch)
    h = jax.nn.relu(hg @ fW1 + fb1)
    out = h @ fW2 + fb2
    return out

if __name__ == "__main__":
    import jax
    _d = setup_inputs()
    print(jax.jit(kernel)(*tuple(_d.values())))

</pallas_src>

<mosaic_0001>
#map = affine_map<(d0, d1) -> (0, 0)>
#map1 = affine_map<(d0, d1) -> (0, 0, 0)>
module attributes {stable_mosaic.version = 14 : i64} {
  func.func @_sc_deg(%arg0: i32, %arg1: i32, %arg2: memref<2560x128xi32, #tpu.memory_space<hbm>>, %arg3: memref<128x128xf32, #tpu.memory_space<hbm>>, %arg4: memref<128x128xf32, #tpu.memory_space<hbm>>, %arg5: memref<2x10240x128xf32, #tpu.memory_space<hbm>>, %arg6: memref<80x128xi32, #tpu.memory_space<vmem>>, %arg7: memref<128x128xf32, #tpu.memory_space<vmem>>, %arg8: memref<10240x128xf32, #tpu.memory_space<vmem_shared>>, %arg9: memref<!tpu.dma_semaphore, #tpu.memory_space<semaphore_mem>>) attributes {dimension_semantics = [#tpu.dimension_semantics<core_parallel>, #tpu.dimension_semantics<subcore_parallel>], iteration_bounds = array<i64: 2, 16>, scalar_prefetch = 0 : i64, scratch_operands = 4 : i64, tpu.core_type = #tpu.core_type<sc_vector_subcore>, window_params = [{transform_indices = #map}, {transform_indices = #map}, {transform_indices = #map}, {transform_indices = #map1}]} {
    %mul3A = arith.constant 16 : i32
    %mul3A_0 = arith.muli %arg0, %mul3A : i32
    %add3A = arith.addi %mul3A_0, %arg1 : i32
    "tpu.region"() ({
      %run_scoped3A = tpu.sem_alloc : memref<!tpu.dma_semaphore, #tpu.memory_space<semaphore_mem>>
      tpu.enqueue_dma source(%arg4 : memref<128x128xf32, #tpu.memory_space<hbm>>) target(%arg7 : memref<128x128xf32, #tpu.memory_space<vmem>>) target_semaphore(%run_scoped3A : memref<!tpu.dma_semaphore, #tpu.memory_space<semaphore_mem>>)
      tpu.wait_dma2 semaphore(%run_scoped3A : memref<!tpu.dma_semaphore, #tpu.memory_space<semaphore_mem>>) src(%arg4 : memref<128x128xf32, #tpu.memory_space<hbm>>) dst(%arg7 : memref<128x128xf32, #tpu.memory_space<vmem>>)
      tpu.yield
    }) : () -> ()
    %mul3A_1 = arith.constant 640 : i32
    %mul3A_2 = arith.muli %arg1, %mul3A_1 : i32
    %add3A_3 = arith.constant 0 : i32
    %add3A_4 = arith.addi %mul3A_2, %add3A_3 : i32
    "tpu.region"() ({
      %run_scoped3A = tpu.sem_alloc : memref<!tpu.dma_semaphore, #tpu.memory_space<semaphore_mem>>
      %dma_start3A = arith.constant 0 : i32
      %dma_start3A_33 = tpu.memref_slice %arg8[%add3A_4, %dma_start3A] : memref<10240x128xf32, #tpu.memory_space<vmem_shared>> -> memref<128x128xf32, #tpu.memory_space<vmem_shared>>
      %dma_start3A_34 = arith.constant 0 : i32
      %dma_start3A_35 = tpu.memref_slice %arg8[%add3A_4, %dma_start3A_34] : memref<10240x128xf32, #tpu.memory_space<vmem_shared>> -> memref<128x128xf32, #tpu.memory_space<vmem_shared>>
      tpu.enqueue_dma source(%arg7 : memref<128x128xf32, #tpu.memory_space<vmem>>) target(%dma_start3A_35 : memref<128x128xf32, #tpu.memory_space<vmem_shared>>) target_semaphore(%run_scoped3A : memref<!tpu.dma_semaphore, #tpu.memory_space<semaphore_mem>>)
      %dma_wait3A = arith.constant 0 : i32
      %dma_wait3A_36 = tpu.memref_slice %arg8[%add3A_4, %dma_wait3A] : memref<10240x128xf32, #tpu.memory_space<vmem_shared>> -> memref<128x128xf32, #tpu.memory_space<vmem_shared>>
      %dma_wait3A_37 = arith.constant 0 : i32
      %dma_wait3A_38 = tpu.memref_slice %arg8[%add3A_4, %dma_wait3A_37] : memref<10240x128xf32, #tpu.memory_space<vmem_shared>> -> memref<128x128xf32, #tpu.memory_space<vmem_shared>>
      tpu.wait_dma2 semaphore(%run_scoped3A : memref<!tpu.dma_semaphore, #tpu.memory_space<semaphore_mem>>) src(%arg7 : memref<128x128xf32, #tpu.memory_space<vmem>>) dst(%dma_wait3A_38 : memref<128x128xf32, #tpu.memory_space<vmem_shared>>)
      tpu.yield
    }) : () -> ()
    %mul3A_5 = arith.constant 640 : i32
    %mul3A_6 = arith.muli %arg1, %mul3A_5 : i32
    %add3A_7 = arith.constant 128 : i32
    %add3A_8 = arith.addi %mul3A_6, %add3A_7 : i32
    "tpu.region"() ({
      %run_scoped3A = tpu.sem_alloc : memref<!tpu.dma_semaphore, #tpu.memory_space<semaphore_mem>>
      %dma_start3A = arith.constant 0 : i32
      %dma_start3A_33 = tpu.memref_slice %arg8[%add3A_8, %dma_start3A] : memref<10240x128xf32, #tpu.memory_space<vmem_shared>> -> memref<128x128xf32, #tpu.memory_space<vmem_shared>>
      %dma_start3A_34 = arith.constant 0 : i32
      %dma_start3A_35 = tpu.memref_slice %arg8[%add3A_8, %dma_start3A_34] : memref<10240x128xf32, #tpu.memory_space<vmem_shared>> -> memref<128x128xf32, #tpu.memory_space<vmem_shared>>
      tpu.enqueue_dma source(%arg7 : memref<128x128xf32, #tpu.memory_space<vmem>>) target(%dma_start3A_35 : memref<128x128xf32, #tpu.memory_space<vmem_shared>>) target_semaphore(%run_scoped3A : memref<!tpu.dma_semaphore, #tpu.memory_space<semaphore_mem>>)
      %dma_wait3A = arith.constant 0 : i32
      %dma_wait3A_36 = tpu.memref_slice %arg8[%add3A_8, %dma_wait3A] : memref<10240x128xf32, #tpu.memory_space<vmem_shared>> -> memref<128x128xf32, #tpu.memory_space<vmem_shared>>
      %dma_wait3A_37 = arith.constant 0 : i32
      %dma_wait3A_38 = tpu.memref_slice %arg8[%add3A_8, %dma_wait3A_37] : memref<10240x128xf32, #tpu.memory_space<vmem_shared>> -> memref<128x128xf32, #tpu.memory_space<vmem_shared>>
      tpu.wait_dma2 semaphore(%run_scoped3A : memref<!tpu.dma_semaphore, #tpu.memory_space<semaphore_mem>>) src(%arg7 : memref<128x128xf32, #tpu.memory_space<vmem>>) dst(%dma_wait3A_38 : memref<128x128xf32, #tpu.memory_space<vmem_shared>>)
      tpu.yield
    }) : () -> ()
    %mul3A_9 = arith.constant 640 : i32
    %mul3A_10 = arith.muli %arg1, %mul3A_9 : i32
    %add3A_11 = arith.constant 256 : i32
    %add3A_12 = arith.addi %mul3A_10, %add3A_11 : i32
    "tpu.region"() ({
      %run_scoped3A = tpu.sem_alloc : memref<!tpu.dma_semaphore, #tpu.memory_space<semaphore_mem>>
      %dma_start3A = arith.constant 0 : i32
      %dma_start3A_33 = tpu.memref_slice %arg8[%add3A_12, %dma_start3A] : memref<10240x128xf32, #tpu.memory_space<vmem_shared>> -> memref<128x128xf32, #tpu.memory_space<vmem_shared>>
      %dma_start3A_34 = arith.constant 0 : i32
      %dma_start3A_35 = tpu.memref_slice %arg8[%add3A_12, %dma_start3A_34] : memref<10240x128xf32, #tpu.memory_space<vmem_shared>> -> memref<128x128xf32, #tpu.memory_space<vmem_shared>>
      tpu.enqueue_dma source(%arg7 : memref<128x128xf32, #tpu.memory_space<vmem>>) target(%dma_start3A_35 : memref<128x128xf32, #tpu.memory_space<vmem_shared>>) target_semaphore(%run_scoped3A : memref<!tpu.dma_semaphore, #tpu.memory_space<semaphore_mem>>)
      %dma_wait3A = arith.constant 0 : i32
      %dma_wait3A_36 = tpu.memref_slice %arg8[%add3A_12, %dma_wait3A] : memref<10240x128xf32, #tpu.memory_space<vmem_shared>> -> memref<128x128xf32, #tpu.memory_space<vmem_shared>>
      %dma_wait3A_37 = arith.constant 0 : i32
      %dma_wait3A_38 = tpu.memref_slice %arg8[%add3A_12, %dma_wait3A_37] : memref<10240x128xf32, #tpu.memory_space<vmem_shared>> -> memref<128x128xf32, #tpu.memory_space<vmem_shared>>
      tpu.wait_dma2 semaphore(%run_scoped3A : memref<!tpu.dma_semaphore, #tpu.memory_space<semaphore_mem>>) src(%arg7 : memref<128x128xf32, #tpu.memory_space<vmem>>) dst(%dma_wait3A_38 : memref<128x128xf32, #tpu.memory_space<vmem_shared>>)
      tpu.yield
    }) : () -> ()
    %mul3A_13 = arith.constant 640 : i32
    %mul3A_14 = arith.muli %arg1, %mul3A_13 : i32
    %add3A_15 = arith.constant 384 : i32
    %add3A_16 = arith.addi %mul3A_14, %add3A_15 : i32
    "tpu.region"() ({
      %run_scoped3A = tpu.sem_alloc : memref<!tpu.dma_semaphore, #tpu.memory_space<semaphore_mem>>
      %dma_start3A = arith.constant 0 : i32
      %dma_start3A_33 = tpu.memref_slice %arg8[%add3A_16, %dma_start3A] : memref<10240x128xf32, #tpu.memory_space<vmem_shared>> -> memref<128x128xf32, #tpu.memory_space<vmem_shared>>
      %dma_start3A_34 = arith.constant 0 : i32
      %dma_start3A_35 = tpu.memref_slice %arg8[%add3A_16, %dma_start3A_34] : memref<10240x128xf32, #tpu.memory_space<vmem_shared>> -> memref<128x128xf32, #tpu.memory_space<vmem_shared>>
      tpu.enqueue_dma source(%arg7 : memref<128x128xf32, #tpu.memory_space<vmem>>) target(%dma_start3A_35 : memref<128x128xf32, #tpu.memory_space<vmem_shared>>) target_semaphore(%run_scoped3A : memref<!tpu.dma_semaphore, #tpu.memory_space<semaphore_mem>>)
      %dma_wait3A = arith.constant 0 : i32
      %dma_wait3A_36 = tpu.memref_slice %arg8[%add3A_16, %dma_wait3A] : memref<10240x128xf32, #tpu.memory_space<vmem_shared>> -> memref<128x128xf32, #tpu.memory_space<vmem_shared>>
      %dma_wait3A_37 = arith.constant 0 : i32
      %dma_wait3A_38 = tpu.memref_slice %arg8[%add3A_16, %dma_wait3A_37] : memref<10240x128xf32, #tpu.memory_space<vmem_shared>> -> memref<128x128xf32, #tpu.memory_space<vmem_shared>>
      tpu.wait_dma2 semaphore(%run_scoped3A : memref<!tpu.dma_semaphore, #tpu.memory_space<semaphore_mem>>) src(%arg7 : memref<128x128xf32, #tpu.memory_space<vmem>>) dst(%dma_wait3A_38 : memref<128x128xf32, #tpu.memory_space<vmem_shared>>)
      tpu.yield
    }) : () -> ()
    %mul3A_17 = arith.constant 640 : i32
    %mul3A_18 = arith.muli %arg1, %mul3A_17 : i32
    %add3A_19 = arith.constant 512 : i32
    %add3A_20 = arith.addi %mul3A_18, %add3A_19 : i32
    "tpu.region"() ({
      %run_scoped3A = tpu.sem_alloc : memref<!tpu.dma_semaphore, #tpu.memory_space<semaphore_mem>>
      %dma_start3A = arith.constant 0 : i32
      %dma_start3A_33 = tpu.memref_slice %arg8[%add3A_20, %dma_start3A] : memref<10240x128xf32, #tpu.memory_space<vmem_shared>> -> memref<128x128xf32, #tpu.memory_space<vmem_shared>>
      %dma_start3A_34 = arith.constant 0 : i32
      %dma_start3A_35 = tpu.memref_slice %arg8[%add3A_20, %dma_start3A_34] : memref<10240x128xf32, #tpu.memory_space<vmem_shared>> -> memref<128x128xf32, #tpu.memory_space<vmem_shared>>
      tpu.enqueue_dma source(%arg7 : memref<128x128xf32, #tpu.memory_space<vmem>>) target(%dma_start3A_35 : memref<128x128xf32, #tpu.memory_space<vmem_shared>>) target_semaphore(%run_scoped3A : memref<!tpu.dma_semaphore, #tpu.memory_space<semaphore_mem>>)
      %dma_wait3A = arith.constant 0 : i32
      %dma_wait3A_36 = tpu.memref_slice %arg8[%add3A_20, %dma_wait3A] : memref<10240x128xf32, #tpu.memory_space<vmem_shared>> -> memref<128x128xf32, #tpu.memory_space<vmem_shared>>
      %dma_wait3A_37 = arith.constant 0 : i32
      %dma_wait3A_38 = tpu.memref_slice %arg8[%add3A_20, %dma_wait3A_37] : memref<10240x128xf32, #tpu.memory_space<vmem_shared>> -> memref<128x128xf32, #tpu.memory_space<vmem_shared>>
      tpu.wait_dma2 semaphore(%run_scoped3A : memref<!tpu.dma_semaphore, #tpu.memory_space<semaphore_mem>>) src(%arg7 : memref<128x128xf32, #tpu.memory_space<vmem>>) dst(%dma_wait3A_38 : memref<128x128xf32, #tpu.memory_space<vmem_shared>>)
      tpu.yield
    }) : () -> ()
    "tpu.region"() ({
      %run_scoped3A = tpu.sem_alloc : memref<!tpu.dma_semaphore, #tpu.memory_space<semaphore_mem>>
      tpu.enqueue_dma source(%arg3 : memref<128x128xf32, #tpu.memory_space<hbm>>) target(%arg7 : memref<128x128xf32, #tpu.memory_space<vmem>>) target_semaphore(%run_scoped3A : memref<!tpu.dma_semaphore, #tpu.memory_space<semaphore_mem>>)
      tpu.wait_dma2 semaphore(%run_scoped3A : memref<!tpu.dma_semaphore, #tpu.memory_space<semaphore_mem>>) src(%arg3 : memref<128x128xf32, #tpu.memory_space<hbm>>) dst(%arg7 : memref<128x128xf32, #tpu.memory_space<vmem>>)
      tpu.yield
    }) : () -> ()
    %mul3A_21 = arith.constant 80 : i32
    %mul3A_22 = arith.muli %add3A, %mul3A_21 : i32
    "tpu.region"() ({
      %run_scoped3A = tpu.sem_alloc : memref<!tpu.dma_semaphore, #tpu.memory_space<semaphore_mem>>
      %dma_start3A = arith.constant 0 : i32
      %dma_start3A_33 = tpu.memref_slice %arg2[%mul3A_22, %dma_start3A] : memref<2560x128xi32, #tpu.memory_space<hbm>> -> memref<80x128xi32, #tpu.memory_space<hbm>>
      %dma_start3A_34 = arith.constant 0 : i32
      %dma_start3A_35 = tpu.memref_slice %arg2[%mul3A_22, %dma_start3A_34] : memref<2560x128xi32, #tpu.memory_space<hbm>> -> memref<80x128xi32, #tpu.memory_space<hbm>>
      tpu.enqueue_dma source(%dma_start3A_35 : memref<80x128xi32, #tpu.memory_space<hbm>>) target(%arg6 : memref<80x128xi32, #tpu.memory_space<vmem>>) target_semaphore(%run_scoped3A : memref<!tpu.dma_semaphore, #tpu.memory_space<semaphore_mem>>)
      %dma_wait3A = arith.constant 0 : i32
      %dma_wait3A_36 = tpu.memref_slice %arg2[%mul3A_22, %dma_wait3A] : memref<2560x128xi32, #tpu.memory_space<hbm>> -> memref<80x128xi32, #tpu.memory_space<hbm>>
      %dma_wait3A_37 = arith.constant 0 : i32
      %dma_wait3A_38 = tpu.memref_slice %arg2[%mul3A_22, %dma_wait3A_37] : memref<2560x128xi32, #tpu.memory_space<hbm>> -> memref<80x128xi32, #tpu.memory_space<hbm>>
      tpu.wait_dma2 semaphore(%run_scoped3A : memref<!tpu.dma_semaphore, #tpu.memory_space<semaphore_mem>>) src(%dma_wait3A_38 : memref<80x128xi32, #tpu.memory_space<hbm>>) dst(%arg6 : memref<80x128xi32, #tpu.memory_space<vmem>>)
      tpu.yield
    }) : () -> ()
    %barrier3A = arith.constant 0 : index
    tpu.barrier barrier_id(%barrier3A)
    %scan3A = arith.constant 0 : i32
    %scan3A_23 = arith.constant 0 : i32
    %scan3A_24 = arith.constant 10 : i32
    %scan3A_25 = arith.addi %scan3A_23, %scan3A_24 : i32
    %scan3A_26 = arith.constant 1 : i32
    scf.for %scan3A_33 = %scan3A_23 to %scan3A_25 step %scan3A_26  : i32 {
      %mul3A_34 = arith.constant 8 : i32
      %mul3A_35 = arith.muli %scan3A_33, %mul3A_34 : i32
      %add3A_36 = arith.constant 0 : i32
      %add3A_37 = arith.addi %mul3A_35, %add3A_36 : i32
      %dma_start3A = arith.constant 0 : i32
      %dma_start3A_38 = tpu.memref_slice %arg6[%add3A_37, %dma_start3A] : memref<80x128xi32, #tpu.memory_space<vmem>> -> memref<1x128xi32, #tpu.memory_space<vmem>>
      %dma_start3A_39 = tpu.memref_squeeze %dma_start3A_38 : memref<1x128xi32, #tpu.memory_space<vmem>> -> memref<128xi32, #tpu.memory_space<vmem>>
      %dma_start3A_40 = arith.constant 0 : i32
      %dma_start3A_41 = arith.constant 0 : i32
      %dma_start3A_42 = tpu.memref_slice %arg8[%dma_start3A_40, %dma_start3A_41] : memref<10240x128xf32, #tpu.memory_space<vmem_shared>> -> memref<10240x128xf32, #tpu.memory_space<vmem_shared>>
      tpu.enqueue_indirect_dma source(%arg7 : memref<128x128xf32, #tpu.memory_space<vmem>>) target(%dma_start3A_42 : memref<10240x128xf32, #tpu.memory_space<vmem_shared>>) offsets(%dma_start3A_39 : memref<128xi32, #tpu.memory_space<vmem>>) semaphore(%arg9 : memref<!tpu.dma_semaphore, #tpu.memory_space<semaphore_mem>>) {add = true}
      %mul3A_43 = arith.constant 8 : i32
      %mul3A_44 = arith.muli %scan3A_33, %mul3A_43 : i32
      %add3A_45 = arith.constant 1 : i32
      %add3A_46 = arith.addi %mul3A_44, %add3A_45 : i32
      %dma_start3A_47 = arith.constant 0 : i32
      %dma_start3A_48 = tpu.memref_slice %arg6[%add3A_46, %dma_start3A_47] : memref<80x128xi32, #tpu.memory_space<vmem>> -> memref<1x128xi32, #tpu.memory_space<vmem>>
      %dma_start3A_49 = tpu.memref_squeeze %dma_start3A_48 : memref<1x128xi32, #tpu.memory_space<vmem>> -> memref<128xi32, #tpu.memory_space<vmem>>
      %dma_start3A_50 = arith.constant 0 : i32
      %dma_start3A_51 = arith.constant 0 : i32
      %dma_start3A_52 = tpu.memref_slice %arg8[%dma_start3A_50, %dma_start3A_51] : memref<10240x128xf32, #tpu.memory_space<vmem_shared>> -> memref<10240x128xf32, #tpu.memory_space<vmem_shared>>
      tpu.enqueue_indirect_dma source(%arg7 : memref<128x128xf32, #tpu.memory_space<vmem>>) target(%dma_start3A_52 : memref<10240x128xf32, #tpu.memory_space<vmem_shared>>) offsets(%dma_start3A_49 : memref<128xi32, #tpu.memory_space<vmem>>) semaphore(%arg9 : memref<!tpu.dma_semaphore, #tpu.memory_space<semaphore_mem>>) {add = true}
      %mul3A_53 = arith.constant 8 : i32
      %mul3A_54 = arith.muli %scan3A_33, %mul3A_53 : i32
      %add3A_55 = arith.constant 2 : i32
      %add3A_56 = arith.addi %mul3A_54, %add3A_55 : i32
      %dma_start3A_57 = arith.constant 0 : i32
      %dma_start3A_58 = tpu.memref_slice %arg6[%add3A_56, %dma_start3A_57] : memref<80x128xi32, #tpu.memory_space<vmem>> -> memref<1x128xi32, #tpu.memory_space<vmem>>
      %dma_start3A_59 = tpu.memref_squeeze %dma_start3A_58 : memref<1x128xi32, #tpu.memory_space<vmem>> -> memref<128xi32, #tpu.memory_space<vmem>>
      %dma_start3A_60 = arith.constant 0 : i32
      %dma_start3A_61 = arith.constant 0 : i32
      %dma_start3A_62 = tpu.memref_slice %arg8[%dma_start3A_60, %dma_start3A_61] : memref<10240x128xf32, #tpu.memory_space<vmem_shared>> -> memref<10240x128xf32, #tpu.memory_space<vmem_shared>>
      tpu.enqueue_indirect_dma source(%arg7 : memref<128x128xf32, #tpu.memory_space<vmem>>) target(%dma_start3A_62 : memref<10240x128xf32, #tpu.memory_space<vmem_shared>>) offsets(%dma_start3A_59 : memref<128xi32, #tpu.memory_space<vmem>>) semaphore(%arg9 : memref<!tpu.dma_semaphore, #tpu.memory_space<semaphore_mem>>) {add = true}
      %mul3A_63 = arith.constant 8 : i32
      %mul3A_64 = arith.muli %scan3A_33, %mul3A_63 : i32
      %add3A_65 = arith.constant 3 : i32
      %add3A_66 = arith.addi %mul3A_64, %add3A_65 : i32
      %dma_start3A_67 = arith.constant 0 : i32
      %dma_start3A_68 = tpu.memref_slice %arg6[%add3A_66, %dma_start3A_67] : memref<80x128xi32, #tpu.memory_space<vmem>> -> memref<1x128xi32, #tpu.memory_space<vmem>>
      %dma_start3A_69 = tpu.memref_squeeze %dma_start3A_68 : memref<1x128xi32, #tpu.memory_space<vmem>> -> memref<128xi32, #tpu.memory_space<vmem>>
      %dma_start3A_70 = arith.constant 0 : i32
      %dma_start3A_71 = arith.constant 0 : i32
      %dma_start3A_72 = tpu.memref_slice %arg8[%dma_start3A_70, %dma_start3A_71] : memref<10240x128xf32, #tpu.memory_space<vmem_shared>> -> memref<10240x128xf32, #tpu.memory_space<vmem_shared>>
      tpu.enqueue_indirect_dma source(%arg7 : memref<128x128xf32, #tpu.memory_space<vmem>>) target(%dma_start3A_72 : memref<10240x128xf32, #tpu.memory_space<vmem_shared>>) offsets(%dma_start3A_69 : memref<128xi32, #tpu.memory_space<vmem>>) semaphore(%arg9 : memref<!tpu.dma_semaphore, #tpu.memory_space<semaphore_mem>>) {add = true}
      %mul3A_73 = arith.constant 8 : i32
      %mul3A_74 = arith.muli %scan3A_33, %mul3A_73 : i32
      %add3A_75 = arith.constant 4 : i32
      %add3A_76 = arith.addi %mul3A_74, %add3A_75 : i32
      %dma_start3A_77 = arith.constant 0 : i32
      %dma_start3A_78 = tpu.memref_slice %arg6[%add3A_76, %dma_start3A_77] : memref<80x128xi32, #tpu.memory_space<vmem>> -> memref<1x128xi32, #tpu.memory_space<vmem>>
      %dma_start3A_79 = tpu.memref_squeeze %dma_start3A_78 : memref<1x128xi32, #tpu.memory_space<vmem>> -> memref<128xi32, #tpu.memory_space<vmem>>
      %dma_start3A_80 = arith.constant 0 : i32
      %dma_start3A_81 = arith.constant 0 : i32
      %dma_start3A_82 = tpu.memref_slice %arg8[%dma_start3A_80, %dma_start3A_81] : memref<10240x128xf32, #tpu.memory_space<vmem_shared>> -> memref<10240x128xf32, #tpu.memory_space<vmem_shared>>
      tpu.enqueue_indirect_dma source(%arg7 : memref<128x128xf32, #tpu.memory_space<vmem>>) target(%dma_start3A_82 : memref<10240x128xf32, #tpu.memory_space<vmem_shared>>) offsets(%dma_start3A_79 : memref<128xi32, #tpu.memory_space<vmem>>) semaphore(%arg9 : memref<!tpu.dma_semaphore, #tpu.memory_space<semaphore_mem>>) {add = true}
      %mul3A_83 = arith.constant 8 : i32
      %mul3A_84 = arith.muli %scan3A_33, %mul3A_83 : i32
      %add3A_85 = arith.constant 5 : i32
      %add3A_86 = arith.addi %mul3A_84, %add3A_85 : i32
      %dma_start3A_87 = arith.constant 0 : i32
      %dma_start3A_88 = tpu.memref_slice %arg6[%add3A_86, %dma_start3A_87] : memref<80x128xi32, #tpu.memory_space<vmem>> -> memref<1x128xi32, #tpu.memory_space<vmem>>
      %dma_start3A_89 = tpu.memref_squeeze %dma_start3A_88 : memref<1x128xi32, #tpu.memory_space<vmem>> -> memref<128xi32, #tpu.memory_space<vmem>>
      %dma_start3A_90 = arith.constant 0 : i32
      %dma_start3A_91 = arith.constant 0 : i32
      %dma_start3A_92 = tpu.memref_slice %arg8[%dma_start3A_90, %dma_start3A_91] : memref<10240x128xf32, #tpu.memory_space<vmem_shared>> -> memref<10240x128xf32, #tpu.memory_space<vmem_shared>>
      tpu.enqueue_indirect_dma source(%arg7 : memref<128x128xf32, #tpu.memory_space<vmem>>) target(%dma_start3A_92 : memref<10240x128xf32, #tpu.memory_space<vmem_shared>>) offsets(%dma_start3A_89 : memref<128xi32, #tpu.memory_space<vmem>>) semaphore(%arg9 : memref<!tpu.dma_semaphore, #tpu.memory_space<semaphore_mem>>) {add = true}
      %mul3A_93 = arith.constant 8 : i32
      %mul3A_94 = arith.muli %scan3A_33, %mul3A_93 : i32
      %add3A_95 = arith.constant 6 : i32
      %add3A_96 = arith.addi %mul3A_94, %add3A_95 : i32
      %dma_start3A_97 = arith.constant 0 : i32
      %dma_start3A_98 = tpu.memref_slice %arg6[%add3A_96, %dma_start3A_97] : memref<80x128xi32, #tpu.memory_space<vmem>> -> memref<1x128xi32, #tpu.memory_space<vmem>>
      %dma_start3A_99 = tpu.memref_squeeze %dma_start3A_98 : memref<1x128xi32, #tpu.memory_space<vmem>> -> memref<128xi32, #tpu.memory_space<vmem>>
      %dma_start3A_100 = arith.constant 0 : i32
      %dma_start3A_101 = arith.constant 0 : i32
      %dma_start3A_102 = tpu.memref_slice %arg8[%dma_start3A_100, %dma_start3A_101] : memref<10240x128xf32, #tpu.memory_space<vmem_shared>> -> memref<10240x128xf32, #tpu.memory_space<vmem_shared>>
      tpu.enqueue_indirect_dma source(%arg7 : memref<128x128xf32, #tpu.memory_space<vmem>>) target(%dma_start3A_102 : memref<10240x128xf32, #tpu.memory_space<vmem_shared>>) offsets(%dma_start3A_99 : memref<128xi32, #tpu.memory_space<vmem>>) semaphore(%arg9 : memref<!tpu.dma_semaphore, #tpu.memory_space<semaphore_mem>>) {add = true}
      %mul3A_103 = arith.constant 8 : i32
      %mul3A_104 = arith.muli %scan3A_33, %mul3A_103 : i32
      %add3A_105 = arith.constant 7 : i32
      %add3A_106 = arith.addi %mul3A_104, %add3A_105 : i32
      %dma_start3A_107 = arith.constant 0 : i32
      %dma_start3A_108 = tpu.memref_slice %arg6[%add3A_106, %dma_start3A_107] : memref<80x128xi32, #tpu.memory_space<vmem>> -> memref<1x128xi32, #tpu.memory_space<vmem>>
      %dma_start3A_109 = tpu.memref_squeeze %dma_start3A_108 : memref<1x128xi32, #tpu.memory_space<vmem>> -> memref<128xi32, #tpu.memory_space<vmem>>
      %dma_start3A_110 = arith.constant 0 : i32
      %dma_start3A_111 = arith.constant 0 : i32
      %dma_start3A_112 = tpu.memref_slice %arg8[%dma_start3A_110, %dma_start3A_111] : memref<10240x128xf32, #tpu.memory_space<vmem_shared>> -> memref<10240x128xf32, #tpu.memory_space<vmem_shared>>
      tpu.enqueue_indirect_dma source(%arg7 : memref<128x128xf32, #tpu.memory_space<vmem>>) target(%dma_start3A_112 : memref<10240x128xf32, #tpu.memory_space<vmem_shared>>) offsets(%dma_start3A_109 : memref<128xi32, #tpu.memory_space<vmem>>) semaphore(%arg9 : memref<!tpu.dma_semaphore, #tpu.memory_space<semaphore_mem>>) {add = true}
      %mul3A_113 = arith.constant 8 : i32
      %mul3A_114 = arith.muli %scan3A_33, %mul3A_113 : i32
      %add3A_115 = arith.constant 0 : i32
      %add3A_116 = arith.addi %mul3A_114, %add3A_115 : i32
      %dma_wait3A = arith.constant 0 : i32
      %dma_wait3A_117 = tpu.memref_slice %arg6[%add3A_116, %dma_wait3A] : memref<80x128xi32, #tpu.memory_space<vmem>> -> memref<1x128xi32, #tpu.memory_space<vmem>>
      %dma_wait3A_118 = tpu.memref_squeeze %dma_wait3A_117 : memref<1x128xi32, #tpu.memory_space<vmem>> -> memref<128xi32, #tpu.memory_space<vmem>>
      %dma_wait3A_119 = arith.constant 0 : i32
      %dma_wait3A_120 = arith.constant 0 : i32
      %dma_wait3A_121 = tpu.memref_slice %arg8[%dma_wait3A_119, %dma_wait3A_120] : memref<10240x128xf32, #tpu.memory_space<vmem_shared>> -> memref<10240x128xf32, #tpu.memory_space<vmem_shared>>
      tpu.wait_indirect_dma semaphore(%arg9 : memref<!tpu.dma_semaphore, #tpu.memory_space<semaphore_mem>>) src(%arg7 : memref<128x128xf32, #tpu.memory_space<vmem>>) dst(%dma_wait3A_121 : memref<10240x128xf32, #tpu.memory_space<vmem_shared>>)
      %mul3A_122 = arith.constant 8 : i32
      %mul3A_123 = arith.muli %scan3A_33, %mul3A_122 : i32
      %add3A_124 = arith.constant 1 : i32
      %add3A_125 = arith.addi %mul3A_123, %add3A_124 : i32
      %dma_wait3A_126 = arith.constant 0 : i32
      %dma_wait3A_127 = tpu.memref_slice %arg6[%add3A_125, %dma_wait3A_126] : memref<80x128xi32, #tpu.memory_space<vmem>> -> memref<1x128xi32, #tpu.memory_space<vmem>>
      %dma_wait3A_128 = tpu.memref_squeeze %dma_wait3A_127 : memref<1x128xi32, #tpu.memory_space<vmem>> -> memref<128xi32, #tpu.memory_space<vmem>>
      %dma_wait3A_129 = arith.constant 0 : i32
      %dma_wait3A_130 = arith.constant 0 : i32
      %dma_wait3A_131 = tpu.memref_slice %arg8[%dma_wait3A_129, %dma_wait3A_130] : memref<10240x128xf32, #tpu.memory_space<vmem_shared>> -> memref<10240x128xf32, #tpu.memory_space<vmem_shared>>
      tpu.wait_indirect_dma semaphore(%arg9 : memref<!tpu.dma_semaphore, #tpu.memory_space<semaphore_mem>>) src(%arg7 : memref<128x128xf32, #tpu.memory_space<vmem>>) dst(%dma_wait3A_131 : memref<10240x128xf32, #tpu.memory_space<vmem_shared>>)
      %mul3A_132 = arith.constant 8 : i32
      %mul3A_133 = arith.muli %scan3A_33, %mul3A_132 : i32
      %add3A_134 = arith.constant 2 : i32
      %add3A_135 = arith.addi %mul3A_133, %add3A_134 : i32
      %dma_wait3A_136 = arith.constant 0 : i32
      %dma_wait3A_137 = tpu.memref_slice %arg6[%add3A_135, %dma_wait3A_136] : memref<80x128xi32, #tpu.memory_space<vmem>> -> memref<1x128xi32, #tpu.memory_space<vmem>>
      %dma_wait3A_138 = tpu.memref_squeeze %dma_wait3A_137 : memref<1x128xi32, #tpu.memory_space<vmem>> -> memref<128xi32, #tpu.memory_space<vmem>>
      %dma_wait3A_139 = arith.constant 0 : i32
      %dma_wait3A_140 = arith.constant 0 : i32
      %dma_wait3A_141 = tpu.memref_slice %arg8[%dma_wait3A_139, %dma_wait3A_140] : memref<10240x128xf32, #tpu.memory_space<vmem_shared>> -> memref<10240x128xf32, #tpu.memory_space<vmem_shared>>
      tpu.wait_indirect_dma semaphore(%arg9 : memref<!tpu.dma_semaphore, #tpu.memory_space<semaphore_mem>>) src(%arg7 : memref<128x128xf32, #tpu.memory_space<vmem>>) dst(%dma_wait3A_141 : memref<10240x128xf32, #tpu.memory_space<vmem_shared>>)
      %mul3A_142 = arith.constant 8 : i32
      %mul3A_143 = arith.muli %scan3A_33, %mul3A_142 : i32
      %add3A_144 = arith.constant 3 : i32
      %add3A_145 = arith.addi %mul3A_143, %add3A_144 : i32
      %dma_wait3A_146 = arith.constant 0 : i32
      %dma_wait3A_147 = tpu.memref_slice %arg6[%add3A_145, %dma_wait3A_146] : memref<80x128xi32, #tpu.memory_space<vmem>> -> memref<1x128xi32, #tpu.memory_space<vmem>>
      %dma_wait3A_148 = tpu.memref_squeeze %dma_wait3A_147 : memref<1x128xi32, #tpu.memory_space<vmem>> -> memref<128xi32, #tpu.memory_space<vmem>>
      %dma_wait3A_149 = arith.constant 0 : i32
      %dma_wait3A_150 = arith.constant 0 : i32
      %dma_wait3A_151 = tpu.memref_slice %arg8[%dma_wait3A_149, %dma_wait3A_150] : memref<10240x128xf32, #tpu.memory_space<vmem_shared>> -> memref<10240x128xf32, #tpu.memory_space<vmem_shared>>
      tpu.wait_indirect_dma semaphore(%arg9 : memref<!tpu.dma_semaphore, #tpu.memory_space<semaphore_mem>>) src(%arg7 : memref<128x128xf32, #tpu.memory_space<vmem>>) dst(%dma_wait3A_151 : memref<10240x128xf32, #tpu.memory_space<vmem_shared>>)
      %mul3A_152 = arith.constant 8 : i32
      %mul3A_153 = arith.muli %scan3A_33, %mul3A_152 : i32
      %add3A_154 = arith.constant 4 : i32
      %add3A_155 = arith.addi %mul3A_153, %add3A_154 : i32
      %dma_wait3A_156 = arith.constant 0 : i32
      %dma_wait3A_157 = tpu.memref_slice %arg6[%add3A_155, %dma_wait3A_156] : memref<80x128xi32, #tpu.memory_space<vmem>> -> memref<1x128xi32, #tpu.memory_space<vmem>>
      %dma_wait3A_158 = tpu.memref_squeeze %dma_wait3A_157 : memref<1x128xi32, #tpu.memory_space<vmem>> -> memref<128xi32, #tpu.memory_space<vmem>>
      %dma_wait3A_159 = arith.constant 0 : i32
      %dma_wait3A_160 = arith.constant 0 : i32
      %dma_wait3A_161 = tpu.memref_slice %arg8[%dma_wait3A_159, %dma_wait3A_160] : memref<10240x128xf32, #tpu.memory_space<vmem_shared>> -> memref<10240x128xf32, #tpu.memory_space<vmem_shared>>
      tpu.wait_indirect_dma semaphore(%arg9 : memref<!tpu.dma_semaphore, #tpu.memory_space<semaphore_mem>>) src(%arg7 : memref<128x128xf32, #tpu.memory_space<vmem>>) dst(%dma_wait3A_161 : memref<10240x128xf32, #tpu.memory_space<vmem_shared>>)
      %mul3A_162 = arith.constant 8 : i32
      %mul3A_163 = arith.muli %scan3A_33, %mul3A_162 : i32
      %add3A_164 = arith.constant 5 : i32
      %add3A_165 = arith.addi %mul3A_163, %add3A_164 : i32
      %dma_wait3A_166 = arith.constant 0 : i32
      %dma_wait3A_167 = tpu.memref_slice %arg6[%add3A_165, %dma_wait3A_166] : memref<80x128xi32, #tpu.memory_space<vmem>> -> memref<1x128xi32, #tpu.memory_space<vmem>>
      %dma_wait3A_168 = tpu.memref_squeeze %dma_wait3A_167 : memref<1x128xi32, #tpu.memory_space<vmem>> -> memref<128xi32, #tpu.memory_space<vmem>>
      %dma_wait3A_169 = arith.constant 0 : i32
      %dma_wait3A_170 = arith.constant 0 : i32
      %dma_wait3A_171 = tpu.memref_slice %arg8[%dma_wait3A_169, %dma_wait3A_170] : memref<10240x128xf32, #tpu.memory_space<vmem_shared>> -> memref<10240x128xf32, #tpu.memory_space<vmem_shared>>
      tpu.wait_indirect_dma semaphore(%arg9 : memref<!tpu.dma_semaphore, #tpu.memory_space<semaphore_mem>>) src(%arg7 : memref<128x128xf32, #tpu.memory_space<vmem>>) dst(%dma_wait3A_171 : memref<10240x128xf32, #tpu.memory_space<vmem_shared>>)
      %mul3A_172 = arith.constant 8 : i32
      %mul3A_173 = arith.muli %scan3A_33, %mul3A_172 : i32
      %add3A_174 = arith.constant 6 : i32
      %add3A_175 = arith.addi %mul3A_173, %add3A_174 : i32
      %dma_wait3A_176 = arith.constant 0 : i32
      %dma_wait3A_177 = tpu.memref_slice %arg6[%add3A_175, %dma_wait3A_176] : memref<80x128xi32, #tpu.memory_space<vmem>> -> memref<1x128xi32, #tpu.memory_space<vmem>>
      %dma_wait3A_178 = tpu.memref_squeeze %dma_wait3A_177 : memref<1x128xi32, #tpu.memory_space<vmem>> -> memref<128xi32, #tpu.memory_space<vmem>>
      %dma_wait3A_179 = arith.constant 0 : i32
      %dma_wait3A_180 = arith.constant 0 : i32
      %dma_wait3A_181 = tpu.memref_slice %arg8[%dma_wait3A_179, %dma_wait3A_180] : memref<10240x128xf32, #tpu.memory_space<vmem_shared>> -> memref<10240x128xf32, #tpu.memory_space<vmem_shared>>
      tpu.wait_indirect_dma semaphore(%arg9 : memref<!tpu.dma_semaphore, #tpu.memory_space<semaphore_mem>>) src(%arg7 : memref<128x128xf32, #tpu.memory_space<vmem>>) dst(%dma_wait3A_181 : memref<10240x128xf32, #tpu.memory_space<vmem_shared>>)
      %mul3A_182 = arith.constant 8 : i32
      %mul3A_183 = arith.muli %scan3A_33, %mul3A_182 : i32
      %add3A_184 = arith.constant 7 : i32
      %add3A_185 = arith.addi %mul3A_183, %add3A_184 : i32
      %dma_wait3A_186 = arith.constant 0 : i32
      %dma_wait3A_187 = tpu.memref_slice %arg6[%add3A_185, %dma_wait3A_186] : memref<80x128xi32, #tpu.memory_space<vmem>> -> memref<1x128xi32, #tpu.memory_space<vmem>>
      %dma_wait3A_188 = tpu.memref_squeeze %dma_wait3A_187 : memref<1x128xi32, #tpu.memory_space<vmem>> -> memref<128xi32, #tpu.memory_space<vmem>>
      %dma_wait3A_189 = arith.constant 0 : i32
      %dma_wait3A_190 = arith.constant 0 : i32
      %dma_wait3A_191 = tpu.memref_slice %arg8[%dma_wait3A_189, %dma_wait3A_190] : memref<10240x128xf32, #tpu.memory_space<vmem_shared>> -> memref<10240x128xf32, #tpu.memory_space<vmem_shared>>
      tpu.wait_indirect_dma semaphore(%arg9 : memref<!tpu.dma_semaphore, #tpu.memory_space<semaphore_mem>>) src(%arg7 : memref<128x128xf32, #tpu.memory_space<vmem>>) dst(%dma_wait3A_191 : memref<10240x128xf32, #tpu.memory_space<vmem_shared>>)
    }
    %scan3A_27 = arith.constant 10 : i32
    %barrier3A_28 = arith.constant 0 : index
    tpu.barrier barrier_id(%barrier3A_28)
    %mul3A_29 = arith.constant 640 : i32
    %mul3A_30 = arith.muli %arg1, %mul3A_29 : i32
    %mul3A_31 = arith.constant 640 : i32
    %mul3A_32 = arith.muli %arg1, %mul3A_31 : i32
    "tpu.region"() ({
      %run_scoped3A = tpu.sem_alloc : memref<!tpu.dma_semaphore, #tpu.memory_space<semaphore_mem>>
      %dma_start3A = arith.constant 0 : i32
      %dma_start3A_33 = tpu.memref_slice %arg5[%arg0, %mul3A_32, %dma_start3A] : memref<2x10240x128xf32, #tpu.memory_space<hbm>> -> memref<1x640x128xf32, #tpu.memory_space<hbm>>
      %dma_start3A_34 = tpu.memref_squeeze %dma_start3A_33 : memref<1x640x128xf32, #tpu.memory_space<hbm>> -> memref<640x128xf32, #tpu.memory_space<hbm>>
      %dma_start3A_35 = arith.constant 0 : i32
      %dma_start3A_36 = tpu.memref_slice %arg8[%mul3A_30, %dma_start3A_35] : memref<10240x128xf32, #tpu.memory_space<vmem_shared>> -> memref<640x128xf32, #tpu.memory_space<vmem_shared>>
      tpu.enqueue_dma source(%dma_start3A_36 : memref<640x128xf32, #tpu.memory_space<vmem_shared>>) target(%dma_start3A_34 : memref<640x128xf32, #tpu.memory_space<hbm>>) target_semaphore(%run_scoped3A : memref<!tpu.dma_semaphore, #tpu.memory_space<semaphore_mem>>)
      %dma_wait3A = arith.constant 0 : i32
      %dma_wait3A_37 = tpu.memref_slice %arg5[%arg0, %mul3A_32, %dma_wait3A] : memref<2x10240x128xf32, #tpu.memory_space<hbm>> -> memref<1x640x128xf32, #tpu.memory_space<hbm>>
      %dma_wait3A_38 = tpu.memref_squeeze %dma_wait3A_37 : memref<1x640x128xf32, #tpu.memory_space<hbm>> -> memref<640x128xf32, #tpu.memory_space<hbm>>
      %dma_wait3A_39 = arith.constant 0 : i32
      %dma_wait3A_40 = tpu.memref_slice %arg8[%mul3A_30, %dma_wait3A_39] : memref<10240x128xf32, #tpu.memory_space<vmem_shared>> -> memref<640x128xf32, #tpu.memory_space<vmem_shared>>
      tpu.wait_dma2 semaphore(%run_scoped3A : memref<!tpu.dma_semaphore, #tpu.memory_space<semaphore_mem>>) src(%dma_wait3A_40 : memref<640x128xf32, #tpu.memory_space<vmem_shared>>) dst(%dma_wait3A_38 : memref<640x128xf32, #tpu.memory_space<hbm>>)
      tpu.yield
    }) : () -> ()
    return
  }
}

#map = affine_map<(d0, d1) -> (0, 0)>
#map1 = affine_map<(d0, d1) -> (0, 0, 0)>
module attributes {stable_mosaic.version = 14 : i64} {
  func.func @_sc_edge(%arg0: i32, %arg1: i32, %arg2: memref<10000x128xf32, #tpu.memory_space<hbm>>, %arg3: memref<2560x2x128xi32, #tpu.memory_space<hbm>>, %arg4: memref<128x128xf32, #tpu.memory_space<hbm>>, %arg5: memref<2x10240x128xf32, #tpu.memory_space<hbm>>, %arg6: memref<2x128xi32, #tpu.memory_space<vmem>>, %arg7: memref<2x128xi32, #tpu.memory_space<vmem>>, %arg8: memref<2x128xi32, #tpu.memory_space<vmem>>, %arg9: memref<2x128xi32, #tpu.memory_space<vmem>>, %arg10: memref<128x128xf32, #tpu.memory_space<vmem>>, %arg11: memref<128x128xf32, #tpu.memory_space<vmem>>, %arg12: memref<10240x128xf32, #tpu.memory_space<vmem_shared>>, %arg13: memref<!tpu.dma_semaphore, #tpu.memory_space<semaphore_mem>>, %arg14: memref<!tpu.dma_semaphore, #tpu.memory_space<semaphore_mem>>, %arg15: memref<!tpu.dma_semaphore, #tpu.memory_space<semaphore_mem>>, %arg16: memref<!tpu.dma_semaphore, #tpu.memory_space<semaphore_mem>>, %arg17: memref<!tpu.dma_semaphore, #tpu.memory_space<semaphore_mem>>) attributes {dimension_semantics = [#tpu.dimension_semantics<core_parallel>, #tpu.dimension_semantics<subcore_parallel>], iteration_bounds = array<i64: 2, 16>, scalar_prefetch = 0 : i64, scratch_operands = 12 : i64, tpu.core_type = #tpu.core_type<sc_vector_subcore>, window_params = [{transform_indices = #map}, {transform_indices = #map1}, {transform_indices = #map}, {transform_indices = #map1}]} {
    %mul3A = arith.constant 16 : i32
    %mul3A_0 = arith.muli %arg0, %mul3A : i32
    %add3A = arith.addi %mul3A_0, %arg1 : i32
    %mul3A_1 = arith.constant 80 : i32
    %mul3A_2 = arith.muli %add3A, %mul3A_1 : i32
    "tpu.region"() ({
      %run_scoped3A = tpu.sem_alloc : memref<!tpu.dma_semaphore, #tpu.memory_space<semaphore_mem>>
      tpu.enqueue_dma source(%arg4 : memref<128x128xf32, #tpu.memory_space<hbm>>) target(%arg10 : memref<128x128xf32, #tpu.memory_space<vmem>>) target_semaphore(%run_scoped3A : memref<!tpu.dma_semaphore, #tpu.memory_space<semaphore_mem>>)
      tpu.wait_dma2 semaphore(%run_scoped3A : memref<!tpu.dma_semaphore, #tpu.memory_space<semaphore_mem>>) src(%arg4 : memref<128x128xf32, #tpu.memory_space<hbm>>) dst(%arg10 : memref<128x128xf32, #tpu.memory_space<vmem>>)
      tpu.yield
    }) : () -> ()
    %mul3A_3 = arith.constant 640 : i32
    %mul3A_4 = arith.muli %arg1, %mul3A_3 : i32
    %add3A_5 = arith.constant 0 : i32
    %add3A_6 = arith.addi %mul3A_4, %add3A_5 : i32
    "tpu.region"() ({
      %run_scoped3A = tpu.sem_alloc : memref<!tpu.dma_semaphore, #tpu.memory_space<semaphore_mem>>
      %dma_start3A_81 = arith.constant 0 : i32
      %dma_start3A_82 = tpu.memref_slice %arg12[%add3A_6, %dma_start3A_81] : memref<10240x128xf32, #tpu.memory_space<vmem_shared>> -> memref<128x128xf32, #tpu.memory_space<vmem_shared>>
      %dma_start3A_83 = arith.constant 0 : i32
      %dma_start3A_84 = tpu.memref_slice %arg12[%add3A_6, %dma_start3A_83] : memref<10240x128xf32, #tpu.memory_space<vmem_shared>> -> memref<128x128xf32, #tpu.memory_space<vmem_shared>>
      tpu.enqueue_dma source(%arg10 : memref<128x128xf32, #tpu.memory_space<vmem>>) target(%dma_start3A_84 : memref<128x128xf32, #tpu.memory_space<vmem_shared>>) target_semaphore(%run_scoped3A : memref<!tpu.dma_semaphore, #tpu.memory_space<semaphore_mem>>)
      %dma_wait3A_85 = arith.constant 0 : i32
      %dma_wait3A_86 = tpu.memref_slice %arg12[%add3A_6, %dma_wait3A_85] : memref<10240x128xf32, #tpu.memory_space<vmem_shared>> -> memref<128x128xf32, #tpu.memory_space<vmem_shared>>
      %dma_wait3A_87 = arith.constant 0 : i32
      %dma_wait3A_88 = tpu.memref_slice %arg12[%add3A_6, %dma_wait3A_87] : memref<10240x128xf32, #tpu.memory_space<vmem_shared>> -> memref<128x128xf32, #tpu.memory_space<vmem_shared>>
      tpu.wait_dma2 semaphore(%run_scoped3A : memref<!tpu.dma_semaphore, #tpu.memory_space<semaphore_mem>>) src(%arg10 : memref<128x128xf32, #tpu.memory_space<vmem>>) dst(%dma_wait3A_88 : memref<128x128xf32, #tpu.memory_space<vmem_shared>>)
      tpu.yield
    }) : () -> ()
    %mul3A_7 = arith.constant 640 : i32
    %mul3A_8 = arith.muli %arg1, %mul3A_7 : i32
    %add3A_9 = arith.constant 128 : i32
    %add3A_10 = arith.addi %mul3A_8, %add3A_9 : i32
    "tpu.region"() ({
      %run_scoped3A = tpu.sem_alloc : memref<!tpu.dma_semaphore, #tpu.memory_space<semaphore_mem>>
      %dma_start3A_81 = arith.constant 0 : i32
      %dma_start3A_82 = tpu.memref_slice %arg12[%add3A_10, %dma_start3A_81] : memref<10240x128xf32, #tpu.memory_space<vmem_shared>> -> memref<128x128xf32, #tpu.memory_space<vmem_shared>>
      %dma_start3A_83 = arith.constant 0 : i32
      %dma_start3A_84 = tpu.memref_slice %arg12[%add3A_10, %dma_start3A_83] : memref<10240x128xf32, #tpu.memory_space<vmem_shared>> -> memref<128x128xf32, #tpu.memory_space<vmem_shared>>
      tpu.enqueue_dma source(%arg10 : memref<128x128xf32, #tpu.memory_space<vmem>>) target(%dma_start3A_84 : memref<128x128xf32, #tpu.memory_space<vmem_shared>>) target_semaphore(%run_scoped3A : memref<!tpu.dma_semaphore, #tpu.memory_space<semaphore_mem>>)
      %dma_wait3A_85 = arith.constant 0 : i32
      %dma_wait3A_86 = tpu.memref_slice %arg12[%add3A_10, %dma_wait3A_85] : memref<10240x128xf32, #tpu.memory_space<vmem_shared>> -> memref<128x128xf32, #tpu.memory_space<vmem_shared>>
      %dma_wait3A_87 = arith.constant 0 : i32
      %dma_wait3A_88 = tpu.memref_slice %arg12[%add3A_10, %dma_wait3A_87] : memref<10240x128xf32, #tpu.memory_space<vmem_shared>> -> memref<128x128xf32, #tpu.memory_space<vmem_shared>>
      tpu.wait_dma2 semaphore(%run_scoped3A : memref<!tpu.dma_semaphore, #tpu.memory_space<semaphore_mem>>) src(%arg10 : memref<128x128xf32, #tpu.memory_space<vmem>>) dst(%dma_wait3A_88 : memref<128x128xf32, #tpu.memory_space<vmem_shared>>)
      tpu.yield
    }) : () -> ()
    %mul3A_11 = arith.constant 640 : i32
    %mul3A_12 = arith.muli %arg1, %mul3A_11 : i32
    %add3A_13 = arith.constant 256 : i32
    %add3A_14 = arith.addi %mul3A_12, %add3A_13 : i32
    "tpu.region"() ({
      %run_scoped3A = tpu.sem_alloc : memref<!tpu.dma_semaphore, #tpu.memory_space<semaphore_mem>>
      %dma_start3A_81 = arith.constant 0 : i32
      %dma_start3A_82 = tpu.memref_slice %arg12[%add3A_14, %dma_start3A_81] : memref<10240x128xf32, #tpu.memory_space<vmem_shared>> -> memref<128x128xf32, #tpu.memory_space<vmem_shared>>
      %dma_start3A_83 = arith.constant 0 : i32
      %dma_start3A_84 = tpu.memref_slice %arg12[%add3A_14, %dma_start3A_83] : memref<10240x128xf32, #tpu.memory_space<vmem_shared>> -> memref<128x128xf32, #tpu.memory_space<vmem_shared>>
      tpu.enqueue_dma source(%arg10 : memref<128x128xf32, #tpu.memory_space<vmem>>) target(%dma_start3A_84 : memref<128x128xf32, #tpu.memory_space<vmem_shared>>) target_semaphore(%run_scoped3A : memref<!tpu.dma_semaphore, #tpu.memory_space<semaphore_mem>>)
      %dma_wait3A_85 = arith.constant 0 : i32
      %dma_wait3A_86 = tpu.memref_slice %arg12[%add3A_14, %dma_wait3A_85] : memref<10240x128xf32, #tpu.memory_space<vmem_shared>> -> memref<128x128xf32, #tpu.memory_space<vmem_shared>>
      %dma_wait3A_87 = arith.constant 0 : i32
      %dma_wait3A_88 = tpu.memref_slice %arg12[%add3A_14, %dma_wait3A_87] : memref<10240x128xf32, #tpu.memory_space<vmem_shared>> -> memref<128x128xf32, #tpu.memory_space<vmem_shared>>
      tpu.wait_dma2 semaphore(%run_scoped3A : memref<!tpu.dma_semaphore, #tpu.memory_space<semaphore_mem>>) src(%arg10 : memref<128x128xf32, #tpu.memory_space<vmem>>) dst(%dma_wait3A_88 : memref<128x128xf32, #tpu.memory_space<vmem_shared>>)
      tpu.yield
    }) : () -> ()
    %mul3A_15 = arith.constant 640 : i32
    %mul3A_16 = arith.muli %arg1, %mul3A_15 : i32
    %add3A_17 = arith.constant 384 : i32
    %add3A_18 = arith.addi %mul3A_16, %add3A_17 : i32
    "tpu.region"() ({
      %run_scoped3A = tpu.sem_alloc : memref<!tpu.dma_semaphore, #tpu.memory_space<semaphore_mem>>
      %dma_start3A_81 = arith.constant 0 : i32
      %dma_start3A_82 = tpu.memref_slice %arg12[%add3A_18, %dma_start3A_81] : memref<10240x128xf32, #tpu.memory_space<vmem_shared>> -> memref<128x128xf32, #tpu.memory_space<vmem_shared>>
      %dma_start3A_83 = arith.constant 0 : i32
      %dma_start3A_84 = tpu.memref_slice %arg12[%add3A_18, %dma_start3A_83] : memref<10240x128xf32, #tpu.memory_space<vmem_shared>> -> memref<128x128xf32, #tpu.memory_space<vmem_shared>>
      tpu.enqueue_dma source(%arg10 : memref<128x128xf32, #tpu.memory_space<vmem>>) target(%dma_start3A_84 : memref<128x128xf32, #tpu.memory_space<vmem_shared>>) target_semaphore(%run_scoped3A : memref<!tpu.dma_semaphore, #tpu.memory_space<semaphore_mem>>)
      %dma_wait3A_85 = arith.constant 0 : i32
      %dma_wait3A_86 = tpu.memref_slice %arg12[%add3A_18, %dma_wait3A_85] : memref<10240x128xf32, #tpu.memory_space<vmem_shared>> -> memref<128x128xf32, #tpu.memory_space<vmem_shared>>
      %dma_wait3A_87 = arith.constant 0 : i32
      %dma_wait3A_88 = tpu.memref_slice %arg12[%add3A_18, %dma_wait3A_87] : memref<10240x128xf32, #tpu.memory_space<vmem_shared>> -> memref<128x128xf32, #tpu.memory_space<vmem_shared>>
      tpu.wait_dma2 semaphore(%run_scoped3A : memref<!tpu.dma_semaphore, #tpu.memory_space<semaphore_mem>>) src(%arg10 : memref<128x128xf32, #tpu.memory_space<vmem>>) dst(%dma_wait3A_88 : memref<128x128xf32, #tpu.memory_space<vmem_shared>>)
      tpu.yield
    }) : () -> ()
    %mul3A_19 = arith.constant 640 : i32
    %mul3A_20 = arith.muli %arg1, %mul3A_19 : i32
    %add3A_21 = arith.constant 512 : i32
    %add3A_22 = arith.addi %mul3A_20, %add3A_21 : i32
    "tpu.region"() ({
      %run_scoped3A = tpu.sem_alloc : memref<!tpu.dma_semaphore, #tpu.memory_space<semaphore_mem>>
      %dma_start3A_81 = arith.constant 0 : i32
      %dma_start3A_82 = tpu.memref_slice %arg12[%add3A_22, %dma_start3A_81] : memref<10240x128xf32, #tpu.memory_space<vmem_shared>> -> memref<128x128xf32, #tpu.memory_space<vmem_shared>>
      %dma_start3A_83 = arith.constant 0 : i32
      %dma_start3A_84 = tpu.memref_slice %arg12[%add3A_22, %dma_start3A_83] : memref<10240x128xf32, #tpu.memory_space<vmem_shared>> -> memref<128x128xf32, #tpu.memory_space<vmem_shared>>
      tpu.enqueue_dma source(%arg10 : memref<128x128xf32, #tpu.memory_space<vmem>>) target(%dma_start3A_84 : memref<128x128xf32, #tpu.memory_space<vmem_shared>>) target_semaphore(%run_scoped3A : memref<!tpu.dma_semaphore, #tpu.memory_space<semaphore_mem>>)
      %dma_wait3A_85 = arith.constant 0 : i32
      %dma_wait3A_86 = tpu.memref_slice %arg12[%add3A_22, %dma_wait3A_85] : memref<10240x128xf32, #tpu.memory_space<vmem_shared>> -> memref<128x128xf32, #tpu.memory_space<vmem_shared>>
      %dma_wait3A_87 = arith.constant 0 : i32
      %dma_wait3A_88 = tpu.memref_slice %arg12[%add3A_22, %dma_wait3A_87] : memref<10240x128xf32, #tpu.memory_space<vmem_shared>> -> memref<128x128xf32, #tpu.memory_space<vmem_shared>>
      tpu.wait_dma2 semaphore(%run_scoped3A : memref<!tpu.dma_semaphore, #tpu.memory_space<semaphore_mem>>) src(%arg10 : memref<128x128xf32, #tpu.memory_space<vmem>>) dst(%dma_wait3A_88 : memref<128x128xf32, #tpu.memory_space<vmem_shared>>)
      tpu.yield
    }) : () -> ()
    %barrier3A = arith.constant 0 : index
    tpu.barrier barrier_id(%barrier3A)
    "tpu.region"() ({
      %run_scoped3A = tpu.sem_alloc : memref<!tpu.dma_semaphore, #tpu.memory_space<semaphore_mem>>
      %dma_start3A_81 = arith.constant 0 : i32
      %dma_start3A_82 = arith.constant 0 : i32
      %dma_start3A_83 = tpu.memref_slice %arg3[%mul3A_2, %dma_start3A_81, %dma_start3A_82] : memref<2560x2x128xi32, #tpu.memory_space<hbm>> -> memref<1x2x128xi32, #tpu.memory_space<hbm>>
      %dma_start3A_84 = tpu.memref_squeeze %dma_start3A_83 : memref<1x2x128xi32, #tpu.memory_space<hbm>> -> memref<2x128xi32, #tpu.memory_space<hbm>>
      %dma_start3A_85 = arith.constant 0 : i32
      %dma_start3A_86 = arith.constant 0 : i32
      %dma_start3A_87 = tpu.memref_slice %arg3[%mul3A_2, %dma_start3A_85, %dma_start3A_86] : memref<2560x2x128xi32, #tpu.memory_space<hbm>> -> memref<1x2x128xi32, #tpu.memory_space<hbm>>
      %dma_start3A_88 = tpu.memref_squeeze %dma_start3A_87 : memref<1x2x128xi32, #tpu.memory_space<hbm>> -> memref<2x128xi32, #tpu.memory_space<hbm>>
      tpu.enqueue_dma source(%dma_start3A_88 : memref<2x128xi32, #tpu.memory_space<hbm>>) target(%arg6 : memref<2x128xi32, #tpu.memory_space<vmem>>) target_semaphore(%run_scoped3A : memref<!tpu.dma_semaphore, #tpu.memory_space<semaphore_mem>>)
      %dma_wait3A_89 = arith.constant 0 : i32
      %dma_wait3A_90 = arith.constant 0 : i32
      %dma_wait3A_91 = tpu.memref_slice %arg3[%mul3A_2, %dma_wait3A_89, %dma_wait3A_90] : memref<2560x2x128xi32, #tpu.memory_space<hbm>> -> memref<1x2x128xi32, #tpu.memory_space<hbm>>
      %dma_wait3A_92 = tpu.memref_squeeze %dma_wait3A_91 : memref<1x2x128xi32, #tpu.memory_space<hbm>> -> memref<2x128xi32, #tpu.memory_space<hbm>>
      %dma_wait3A_93 = arith.constant 0 : i32
      %dma_wait3A_94 = arith.constant 0 : i32
      %dma_wait3A_95 = tpu.memref_slice %arg3[%mul3A_2, %dma_wait3A_93, %dma_wait3A_94] : memref<2560x2x128xi32, #tpu.memory_space<hbm>> -> memref<1x2x128xi32, #tpu.memory_space<hbm>>
      %dma_wait3A_96 = tpu.memref_squeeze %dma_wait3A_95 : memref<1x2x128xi32, #tpu.memory_space<hbm>> -> memref<2x128xi32, #tpu.memory_space<hbm>>
      tpu.wait_dma2 semaphore(%run_scoped3A : memref<!tpu.dma_semaphore, #tpu.memory_space<semaphore_mem>>) src(%dma_wait3A_96 : memref<2x128xi32, #tpu.memory_space<hbm>>) dst(%arg6 : memref<2x128xi32, #tpu.memory_space<vmem>>)
      tpu.yield
    }) : () -> ()
    %add3A_23 = arith.constant 1 : i32
    %add3A_24 = arith.addi %mul3A_2, %add3A_23 : i32
    "tpu.region"() ({
      %run_scoped3A = tpu.sem_alloc : memref<!tpu.dma_semaphore, #tpu.memory_space<semaphore_mem>>
      %dma_start3A_81 = arith.constant 0 : i32
      %dma_start3A_82 = arith.constant 0 : i32
      %dma_start3A_83 = tpu.memref_slice %arg3[%add3A_24, %dma_start3A_81, %dma_start3A_82] : memref<2560x2x128xi32, #tpu.memory_space<hbm>> -> memref<1x2x128xi32, #tpu.memory_space<hbm>>
      %dma_start3A_84 = tpu.memref_squeeze %dma_start3A_83 : memref<1x2x128xi32, #tpu.memory_space<hbm>> -> memref<2x128xi32, #tpu.memory_space<hbm>>
      %dma_start3A_85 = arith.constant 0 : i32
      %dma_start3A_86 = arith.constant 0 : i32
      %dma_start3A_87 = tpu.memref_slice %arg3[%add3A_24, %dma_start3A_85, %dma_start3A_86] : memref<2560x2x128xi32, #tpu.memory_space<hbm>> -> memref<1x2x128xi32, #tpu.memory_space<hbm>>
      %dma_start3A_88 = tpu.memref_squeeze %dma_start3A_87 : memref<1x2x128xi32, #tpu.memory_space<hbm>> -> memref<2x128xi32, #tpu.memory_space<hbm>>
      tpu.enqueue_dma source(%dma_start3A_88 : memref<2x128xi32, #tpu.memory_space<hbm>>) target(%arg7 : memref<2x128xi32, #tpu.memory_space<vmem>>) target_semaphore(%run_scoped3A : memref<!tpu.dma_semaphore, #tpu.memory_space<semaphore_mem>>)
      %dma_wait3A_89 = arith.constant 0 : i32
      %dma_wait3A_90 = arith.constant 0 : i32
      %dma_wait3A_91 = tpu.memref_slice %arg3[%add3A_24, %dma_wait3A_89, %dma_wait3A_90] : memref<2560x2x128xi32, #tpu.memory_space<hbm>> -> memref<1x2x128xi32, #tpu.memory_space<hbm>>
      %dma_wait3A_92 = tpu.memref_squeeze %dma_wait3A_91 : memref<1x2x128xi32, #tpu.memory_space<hbm>> -> memref<2x128xi32, #tpu.memory_space<hbm>>
      %dma_wait3A_93 = arith.constant 0 : i32
      %dma_wait3A_94 = arith.constant 0 : i32
      %dma_wait3A_95 = tpu.memref_slice %arg3[%add3A_24, %dma_wait3A_93, %dma_wait3A_94] : memref<2560x2x128xi32, #tpu.memory_space<hbm>> -> memref<1x2x128xi32, #tpu.memory_space<hbm>>
      %dma_wait3A_96 = tpu.memref_squeeze %dma_wait3A_95 : memref<1x2x128xi32, #tpu.memory_space<hbm>> -> memref<2x128xi32, #tpu.memory_space<hbm>>
      tpu.wait_dma2 semaphore(%run_scoped3A : memref<!tpu.dma_semaphore, #tpu.memory_space<semaphore_mem>>) src(%dma_wait3A_96 : memref<2x128xi32, #tpu.memory_space<hbm>>) dst(%arg7 : memref<2x128xi32, #tpu.memory_space<vmem>>)
      tpu.yield
    }) : () -> ()
    %dma_start3A = arith.constant 0 : i32
    %dma_start3A_25 = arith.constant 0 : i32
    %dma_start3A_26 = tpu.memref_slice %arg6[%dma_start3A, %dma_start3A_25] : memref<2x128xi32, #tpu.memory_space<vmem>> -> memref<1x128xi32, #tpu.memory_space<vmem>>
    %dma_start3A_27 = tpu.memref_squeeze %dma_start3A_26 : memref<1x128xi32, #tpu.memory_space<vmem>> -> memref<128xi32, #tpu.memory_space<vmem>>
    %dma_start3A_28 = arith.constant 0 : i32
    %dma_start3A_29 = arith.constant 0 : i32
    %dma_start3A_30 = tpu.memref_slice %arg2[%dma_start3A_28, %dma_start3A_29] : memref<10000x128xf32, #tpu.memory_space<hbm>> -> memref<10000x128xf32, #tpu.memory_space<hbm>>
    tpu.enqueue_indirect_dma source(%dma_start3A_30 : memref<10000x128xf32, #tpu.memory_space<hbm>>) target(%arg10 : memref<128x128xf32, #tpu.memory_space<vmem>>) offsets(%dma_start3A_27 : memref<128xi32, #tpu.memory_space<vmem>>) semaphore(%arg13 : memref<!tpu.dma_semaphore, #tpu.memory_space<semaphore_mem>>)
    %dma_start3A_31 = arith.constant 0 : i32
    %dma_start3A_32 = arith.constant 0 : i32
    %dma_start3A_33 = tpu.memref_slice %arg7[%dma_start3A_31, %dma_start3A_32] : memref<2x128xi32, #tpu.memory_space<vmem>> -> memref<1x128xi32, #tpu.memory_space<vmem>>
    %dma_start3A_34 = tpu.memref_squeeze %dma_start3A_33 : memref<1x128xi32, #tpu.memory_space<vmem>> -> memref<128xi32, #tpu.memory_space<vmem>>
    %dma_start3A_35 = arith.constant 0 : i32
    %dma_start3A_36 = arith.constant 0 : i32
    %dma_start3A_37 = tpu.memref_slice %arg2[%dma_start3A_35, %dma_start3A_36] : memref<10000x128xf32, #tpu.memory_space<hbm>> -> memref<10000x128xf32, #tpu.memory_space<hbm>>
    tpu.enqueue_indirect_dma source(%dma_start3A_37 : memref<10000x128xf32, #tpu.memory_space<hbm>>) target(%arg11 : memref<128x128xf32, #tpu.memory_space<vmem>>) offsets(%dma_start3A_34 : memref<128xi32, #tpu.memory_space<vmem>>) semaphore(%arg14 : memref<!tpu.dma_semaphore, #tpu.memory_space<semaphore_mem>>)
    %add3A_38 = arith.constant 2 : i32
    %add3A_39 = arith.addi %mul3A_2, %add3A_38 : i32
    %dma_start3A_40 = arith.constant 0 : i32
    %dma_start3A_41 = arith.constant 0 : i32
    %dma_start3A_42 = tpu.memref_slice %arg3[%add3A_39, %dma_start3A_40, %dma_start3A_41] : memref<2560x2x128xi32, #tpu.memory_space<hbm>> -> memref<1x2x128xi32, #tpu.memory_space<hbm>>
    %dma_start3A_43 = tpu.memref_squeeze %dma_start3A_42 : memref<1x2x128xi32, #tpu.memory_space<hbm>> -> memref<2x128xi32, #tpu.memory_space<hbm>>
    %dma_start3A_44 = arith.constant 0 : i32
    %dma_start3A_45 = arith.constant 0 : i32
    %dma_start3A_46 = tpu.memref_slice %arg3[%add3A_39, %dma_start3A_44, %dma_start3A_45] : memref<2560x2x128xi32, #tpu.memory_space<hbm>> -> memref<1x2x128xi32, #tpu.memory_space<hbm>>
    %dma_start3A_47 = tpu.memref_squeeze %dma_start3A_46 : memref<1x2x128xi32, #tpu.memory_space<hbm>> -> memref<2x128xi32, #tpu.memory_space<hbm>>
    tpu.enqueue_dma source(%dma_start3A_47 : memref<2x128xi32, #tpu.memory_space<hbm>>) target(%arg8 : memref<2x128xi32, #tpu.memory_space<vmem>>) target_semaphore(%arg17 : memref<!tpu.dma_semaphore, #tpu.memory_space<semaphore_mem>>)
    %add3A_48 = arith.constant 3 : i32
    %add3A_49 = arith.addi %mul3A_2, %add3A_48 : i32
    %dma_start3A_50 = arith.constant 0 : i32
    %dma_start3A_51 = arith.constant 0 : i32
    %dma_start3A_52 = tpu.memref_slice %arg3[%add3A_49, %dma_start3A_50, %dma_start3A_51] : memref<2560x2x128xi32, #tpu.memory_space<hbm>> -> memref<1x2x128xi32, #tpu.memory_space<hbm>>
    %dma_start3A_53 = tpu.memref_squeeze %dma_start3A_52 : memref<1x2x128xi32, #tpu.memory_space<hbm>> -> memref<2x128xi32, #tpu.memory_space<hbm>>
    %dma_start3A_54 = arith.constant 0 : i32
    %dma_start3A_55 = arith.constant 0 : i32
    %dma_start3A_56 = tpu.memref_slice %arg3[%add3A_49, %dma_start3A_54, %dma_start3A_55] : memref<2560x2x128xi32, #tpu.memory_space<hbm>> -> memref<1x2x128xi32, #tpu.memory_space<hbm>>
    %dma_start3A_57 = tpu.memref_squeeze %dma_start3A_56 : memref<1x2x128xi32, #tpu.memory_space<hbm>> -> memref<2x128xi32, #tpu.memory_space<hbm>>
    tpu.enqueue_dma source(%dma_start3A_57 : memref<2x128xi32, #tpu.memory_space<hbm>>) target(%arg9 : memref<2x128xi32, #tpu.memory_space<vmem>>) target_semaphore(%arg17 : memref<!tpu.dma_semaphore, #tpu.memory_space<semaphore_mem>>)
    %scan3A = arith.constant 0 : i32
    %scan3A_58 = arith.constant 0 : i32
    %scan3A_59 = arith.constant 20 : i32
    %scan3A_60 = arith.addi %scan3A_58, %scan3A_59 : i32
    %scan3A_61 = arith.constant 1 : i32
    scf.for %scan3A_81 = %scan3A_58 to %scan3A_60 step %scan3A_61  : i32 {
      %mul3A_82 = arith.constant 4 : i32
      %mul3A_83 = arith.muli %scan3A_81, %mul3A_82 : i32
      %add3A_84 = arith.addi %mul3A_2, %mul3A_83 : i32
      %dma_wait3A_85 = arith.constant 0 : i32
      %dma_wait3A_86 = arith.constant 0 : i32
      %dma_wait3A_87 = tpu.memref_slice %arg6[%dma_wait3A_85, %dma_wait3A_86] : memref<2x128xi32, #tpu.memory_space<vmem>> -> memref<1x128xi32, #tpu.memory_space<vmem>>
      %dma_wait3A_88 = tpu.memref_squeeze %dma_wait3A_87 : memref<1x128xi32, #tpu.memory_space<vmem>> -> memref<128xi32, #tpu.memory_space<vmem>>
      %dma_wait3A_89 = arith.constant 0 : i32
      %dma_wait3A_90 = arith.constant 0 : i32
      %dma_wait3A_91 = tpu.memref_slice %arg2[%dma_wait3A_89, %dma_wait3A_90] : memref<10000x128xf32, #tpu.memory_space<hbm>> -> memref<10000x128xf32, #tpu.memory_space<hbm>>
      tpu.wait_indirect_dma semaphore(%arg13 : memref<!tpu.dma_semaphore, #tpu.memory_space<semaphore_mem>>) src(%dma_wait3A_91 : memref<10000x128xf32, #tpu.memory_space<hbm>>) dst(%arg10 : memref<128x128xf32, #tpu.memory_space<vmem>>)
      %dma_start3A_92 = arith.constant 1 : i32
      %dma_start3A_93 = arith.constant 0 : i32
      %dma_start3A_94 = tpu.memref_slice %arg6[%dma_start3A_92, %dma_start3A_93] : memref<2x128xi32, #tpu.memory_space<vmem>> -> memref<1x128xi32, #tpu.memory_space<vmem>>
      %dma_start3A_95 = tpu.memref_squeeze %dma_start3A_94 : memref<1x128xi32, #tpu.memory_space<vmem>> -> memref<128xi32, #tpu.memory_space<vmem>>
      %dma_start3A_96 = arith.constant 0 : i32
      %dma_start3A_97 = arith.constant 0 : i32
      %dma_start3A_98 = tpu.memref_slice %arg12[%dma_start3A_96, %dma_start3A_97] : memref<10240x128xf32, #tpu.memory_space<vmem_shared>> -> memref<10240x128xf32, #tpu.memory_space<vmem_shared>>
      tpu.enqueue_indirect_dma source(%arg10 : memref<128x128xf32, #tpu.memory_space<vmem>>) target(%dma_start3A_98 : memref<10240x128xf32, #tpu.memory_space<vmem_shared>>) offsets(%dma_start3A_95 : memref<128xi32, #tpu.memory_space<vmem>>) semaphore(%arg15 : memref<!tpu.dma_semaphore, #tpu.memory_space<semaphore_mem>>) {add = true}
      %dma_wait3A_99 = arith.constant 0 : i32
      %dma_wait3A_100 = arith.constant 0 : i32
      %dma_wait3A_101 = tpu.memref_slice %arg7[%dma_wait3A_99, %dma_wait3A_100] : memref<2x128xi32, #tpu.memory_space<vmem>> -> memref<1x128xi32, #tpu.memory_space<vmem>>
      %dma_wait3A_102 = tpu.memref_squeeze %dma_wait3A_101 : memref<1x128xi32, #tpu.memory_space<vmem>> -> memref<128xi32, #tpu.memory_space<vmem>>
      %dma_wait3A_103 = arith.constant 0 : i32
      %dma_wait3A_104 = arith.constant 0 : i32
      %dma_wait3A_105 = tpu.memref_slice %arg2[%dma_wait3A_103, %dma_wait3A_104] : memref<10000x128xf32, #tpu.memory_space<hbm>> -> memref<10000x128xf32, #tpu.memory_space<hbm>>
      tpu.wait_indirect_dma semaphore(%arg14 : memref<!tpu.dma_semaphore, #tpu.memory_space<semaphore_mem>>) src(%dma_wait3A_105 : memref<10000x128xf32, #tpu.memory_space<hbm>>) dst(%arg11 : memref<128x128xf32, #tpu.memory_space<vmem>>)
      %dma_start3A_106 = arith.constant 1 : i32
      %dma_start3A_107 = arith.constant 0 : i32
      %dma_start3A_108 = tpu.memref_slice %arg7[%dma_start3A_106, %dma_start3A_107] : memref<2x128xi32, #tpu.memory_space<vmem>> -> memref<1x128xi32, #tpu.memory_space<vmem>>
      %dma_start3A_109 = tpu.memref_squeeze %dma_start3A_108 : memref<1x128xi32, #tpu.memory_space<vmem>> -> memref<128xi32, #tpu.memory_space<vmem>>
      %dma_start3A_110 = arith.constant 0 : i32
      %dma_start3A_111 = arith.constant 0 : i32
      %dma_start3A_112 = tpu.memref_slice %arg12[%dma_start3A_110, %dma_start3A_111] : memref<10240x128xf32, #tpu.memory_space<vmem_shared>> -> memref<10240x128xf32, #tpu.memory_space<vmem_shared>>
      tpu.enqueue_indirect_dma source(%arg11 : memref<128x128xf32, #tpu.memory_space<vmem>>) target(%dma_start3A_112 : memref<10240x128xf32, #tpu.memory_space<vmem_shared>>) offsets(%dma_start3A_109 : memref<128xi32, #tpu.memory_space<vmem>>) semaphore(%arg16 : memref<!tpu.dma_semaphore, #tpu.memory_space<semaphore_mem>>) {add = true}
      %add3A_113 = arith.constant 2 : i32
      %add3A_114 = arith.addi %add3A_84, %add3A_113 : i32
      %dma_wait3A_115 = arith.constant 0 : i32
      %dma_wait3A_116 = arith.constant 0 : i32
      %dma_wait3A_117 = tpu.memref_slice %arg3[%add3A_114, %dma_wait3A_115, %dma_wait3A_116] : memref<2560x2x128xi32, #tpu.memory_space<hbm>> -> memref<1x2x128xi32, #tpu.memory_space<hbm>>
      %dma_wait3A_118 = tpu.memref_squeeze %dma_wait3A_117 : memref<1x2x128xi32, #tpu.memory_space<hbm>> -> memref<2x128xi32, #tpu.memory_space<hbm>>
      %dma_wait3A_119 = arith.constant 0 : i32
      %dma_wait3A_120 = arith.constant 0 : i32
      %dma_wait3A_121 = tpu.memref_slice %arg3[%add3A_114, %dma_wait3A_119, %dma_wait3A_120] : memref<2560x2x128xi32, #tpu.memory_space<hbm>> -> memref<1x2x128xi32, #tpu.memory_space<hbm>>
      %dma_wait3A_122 = tpu.memref_squeeze %dma_wait3A_121 : memref<1x2x128xi32, #tpu.memory_space<hbm>> -> memref<2x128xi32, #tpu.memory_space<hbm>>
      tpu.wait_dma2 semaphore(%arg17 : memref<!tpu.dma_semaphore, #tpu.memory_space<semaphore_mem>>) src(%dma_wait3A_122 : memref<2x128xi32, #tpu.memory_space<hbm>>) dst(%arg8 : memref<2x128xi32, #tpu.memory_space<vmem>>)
      %add3A_123 = arith.constant 3 : i32
      %add3A_124 = arith.addi %add3A_84, %add3A_123 : i32
      %dma_wait3A_125 = arith.constant 0 : i32
      %dma_wait3A_126 = arith.constant 0 : i32
      %dma_wait3A_127 = tpu.memref_slice %arg3[%add3A_124, %dma_wait3A_125, %dma_wait3A_126] : memref<2560x2x128xi32, #tpu.memory_space<hbm>> -> memref<1x2x128xi32, #tpu.memory_space<hbm>>
      %dma_wait3A_128 = tpu.memref_squeeze %dma_wait3A_127 : memref<1x2x128xi32, #tpu.memory_space<hbm>> -> memref<2x128xi32, #tpu.memory_space<hbm>>
      %dma_wait3A_129 = arith.constant 0 : i32
      %dma_wait3A_130 = arith.constant 0 : i32
      %dma_wait3A_131 = tpu.memref_slice %arg3[%add3A_124, %dma_wait3A_129, %dma_wait3A_130] : memref<2560x2x128xi32, #tpu.memory_space<hbm>> -> memref<1x2x128xi32, #tpu.memory_space<hbm>>
      %dma_wait3A_132 = tpu.memref_squeeze %dma_wait3A_131 : memref<1x2x128xi32, #tpu.memory_space<hbm>> -> memref<2x128xi32, #tpu.memory_space<hbm>>
      tpu.wait_dma2 semaphore(%arg17 : memref<!tpu.dma_semaphore, #tpu.memory_space<semaphore_mem>>) src(%dma_wait3A_132 : memref<2x128xi32, #tpu.memory_space<hbm>>) dst(%arg9 : memref<2x128xi32, #tpu.memory_space<vmem>>)
      %dma_wait3A_133 = arith.constant 1 : i32
      %dma_wait3A_134 = arith.constant 0 : i32
      %dma_wait3A_135 = tpu.memref_slice %arg6[%dma_wait3A_133, %dma_wait3A_134] : memref<2x128xi32, #tpu.memory_space<vmem>> -> memref<1x128xi32, #tpu.memory_space<vmem>>
      %dma_wait3A_136 = tpu.memref_squeeze %dma_wait3A_135 : memref<1x128xi32, #tpu.memory_space<vmem>> -> memref<128xi32, #tpu.memory_space<vmem>>
      %dma_wait3A_137 = arith.constant 0 : i32
      %dma_wait3A_138 = arith.constant 0 : i32
      %dma_wait3A_139 = tpu.memref_slice %arg12[%dma_wait3A_137, %dma_wait3A_138] : memref<10240x128xf32, #tpu.memory_space<vmem_shared>> -> memref<10240x128xf32, #tpu.memory_space<vmem_shared>>
      tpu.wait_indirect_dma semaphore(%arg15 : memref<!tpu.dma_semaphore, #tpu.memory_space<semaphore_mem>>) src(%arg10 : memref<128x128xf32, #tpu.memory_space<vmem>>) dst(%dma_wait3A_139 : memref<10240x128xf32, #tpu.memory_space<vmem_shared>>)
      %dma_start3A_140 = arith.constant 0 : i32
      %dma_start3A_141 = arith.constant 0 : i32
      %dma_start3A_142 = tpu.memref_slice %arg8[%dma_start3A_140, %dma_start3A_141] : memref<2x128xi32, #tpu.memory_space<vmem>> -> memref<1x128xi32, #tpu.memory_space<vmem>>
      %dma_start3A_143 = tpu.memref_squeeze %dma_start3A_142 : memref<1x128xi32, #tpu.memory_space<vmem>> -> memref<128xi32, #tpu.memory_space<vmem>>
      %dma_start3A_144 = arith.constant 0 : i32
      %dma_start3A_145 = arith.constant 0 : i32
      %dma_start3A_146 = tpu.memref_slice %arg2[%dma_start3A_144, %dma_start3A_145] : memref<10000x128xf32, #tpu.memory_space<hbm>> -> memref<10000x128xf32, #tpu.memory_space<hbm>>
      tpu.enqueue_indirect_dma source(%dma_start3A_146 : memref<10000x128xf32, #tpu.memory_space<hbm>>) target(%arg10 : memref<128x128xf32, #tpu.memory_space<vmem>>) offsets(%dma_start3A_143 : memref<128xi32, #tpu.memory_space<vmem>>) semaphore(%arg13 : memref<!tpu.dma_semaphore, #tpu.memory_space<semaphore_mem>>)
      %dma_wait3A_147 = arith.constant 1 : i32
      %dma_wait3A_148 = arith.constant 0 : i32
      %dma_wait3A_149 = tpu.memref_slice %arg7[%dma_wait3A_147, %dma_wait3A_148] : memref<2x128xi32, #tpu.memory_space<vmem>> -> memref<1x128xi32, #tpu.memory_space<vmem>>
      %dma_wait3A_150 = tpu.memref_squeeze %dma_wait3A_149 : memref<1x128xi32, #tpu.memory_space<vmem>> -> memref<128xi32, #tpu.memory_space<vmem>>
      %dma_wait3A_151 = arith.constant 0 : i32
      %dma_wait3A_152 = arith.constant 0 : i32
      %dma_wait3A_153 = tpu.memref_slice %arg12[%dma_wait3A_151, %dma_wait3A_152] : memref<10240x128xf32, #tpu.memory_space<vmem_shared>> -> memref<10240x128xf32, #tpu.memory_space<vmem_shared>>
      tpu.wait_indirect_dma semaphore(%arg16 : memref<!tpu.dma_semaphore, #tpu.memory_space<semaphore_mem>>) src(%arg11 : memref<128x128xf32, #tpu.memory_space<vmem>>) dst(%dma_wait3A_153 : memref<10240x128xf32, #tpu.memory_space<vmem_shared>>)
      %dma_start3A_154 = arith.constant 0 : i32
      %dma_start3A_155 = arith.constant 0 : i32
      %dma_start3A_156 = tpu.memref_slice %arg9[%dma_start3A_154, %dma_start3A_155] : memref<2x128xi32, #tpu.memory_space<vmem>> -> memref<1x128xi32, #tpu.memory_space<vmem>>
      %dma_start3A_157 = tpu.memref_squeeze %dma_start3A_156 : memref<1x128xi32, #tpu.memory_space<vmem>> -> memref<128xi32, #tpu.memory_space<vmem>>
      %dma_start3A_158 = arith.constant 0 : i32
      %dma_start3A_159 = arith.constant 0 : i32
      %dma_start3A_160 = tpu.memref_slice %arg2[%dma_start3A_158, %dma_start3A_159] : memref<10000x128xf32, #tpu.memory_space<hbm>> -> memref<10000x128xf32, #tpu.memory_space<hbm>>
      tpu.enqueue_indirect_dma source(%dma_start3A_160 : memref<10000x128xf32, #tpu.memory_space<hbm>>) target(%arg11 : memref<128x128xf32, #tpu.memory_space<vmem>>) offsets(%dma_start3A_157 : memref<128xi32, #tpu.memory_space<vmem>>) semaphore(%arg14 : memref<!tpu.dma_semaphore, #tpu.memory_space<semaphore_mem>>)
      %lt3A = arith.constant 19 : i32
      %lt3A_161 = arith.cmpi slt, %scan3A_81, %lt3A : i32
      %convert_element_type3A = arith.extui %lt3A_161 : i1 to i32
      %cond3A = arith.constant 0 : i32
      %cond3A_162 = arith.cmpi ne, %convert_element_type3A, %cond3A : i32
      scf.if %cond3A_162 {
        %add3A_196 = arith.constant 4 : i32
        %add3A_197 = arith.addi %add3A_84, %add3A_196 : i32
        %dma_start3A_198 = arith.constant 0 : i32
        %dma_start3A_199 = arith.constant 0 : i32
        %dma_start3A_200 = tpu.memref_slice %arg3[%add3A_197, %dma_start3A_198, %dma_start3A_199] : memref<2560x2x128xi32, #tpu.memory_space<hbm>> -> memref<1x2x128xi32, #tpu.memory_space<hbm>>
        %dma_start3A_201 = tpu.memref_squeeze %dma_start3A_200 : memref<1x2x128xi32, #tpu.memory_space<hbm>> -> memref<2x128xi32, #tpu.memory_space<hbm>>
        %dma_start3A_202 = arith.constant 0 : i32
        %dma_start3A_203 = arith.constant 0 : i32
        %dma_start3A_204 = tpu.memref_slice %arg3[%add3A_197, %dma_start3A_202, %dma_start3A_203] : memref<2560x2x128xi32, #tpu.memory_space<hbm>> -> memref<1x2x128xi32, #tpu.memory_space<hbm>>
        %dma_start3A_205 = tpu.memref_squeeze %dma_start3A_204 : memref<1x2x128xi32, #tpu.memory_space<hbm>> -> memref<2x128xi32, #tpu.memory_space<hbm>>
        tpu.enqueue_dma source(%dma_start3A_205 : memref<2x128xi32, #tpu.memory_space<hbm>>) target(%arg6 : memref<2x128xi32, #tpu.memory_space<vmem>>) target_semaphore(%arg17 : memref<!tpu.dma_semaphore, #tpu.memory_space<semaphore_mem>>)
        %add3A_206 = arith.constant 5 : i32
        %add3A_207 = arith.addi %add3A_84, %add3A_206 : i32
        %dma_start3A_208 = arith.constant 0 : i32
        %dma_start3A_209 = arith.constant 0 : i32
        %dma_start3A_210 = tpu.memref_slice %arg3[%add3A_207, %dma_start3A_208, %dma_start3A_209] : memref<2560x2x128xi32, #tpu.memory_space<hbm>> -> memref<1x2x128xi32, #tpu.memory_space<hbm>>
        %dma_start3A_211 = tpu.memref_squeeze %dma_start3A_210 : memref<1x2x128xi32, #tpu.memory_space<hbm>> -> memref<2x128xi32, #tpu.memory_space<hbm>>
        %dma_start3A_212 = arith.constant 0 : i32
        %dma_start3A_213 = arith.constant 0 : i32
        %dma_start3A_214 = tpu.memref_slice %arg3[%add3A_207, %dma_start3A_212, %dma_start3A_213] : memref<2560x2x128xi32, #tpu.memory_space<hbm>> -> memref<1x2x128xi32, #tpu.memory_space<hbm>>
        %dma_start3A_215 = tpu.memref_squeeze %dma_start3A_214 : memref<1x2x128xi32, #tpu.memory_space<hbm>> -> memref<2x128xi32, #tpu.memory_space<hbm>>
        tpu.enqueue_dma source(%dma_start3A_215 : memref<2x128xi32, #tpu.memory_space<hbm>>) target(%arg7 : memref<2x128xi32, #tpu.memory_space<vmem>>) target_semaphore(%arg17 : memref<!tpu.dma_semaphore, #tpu.memory_space<semaphore_mem>>)
      } else {
      }
      %dma_wait3A_163 = arith.constant 0 : i32
      %dma_wait3A_164 = arith.constant 0 : i32
      %dma_wait3A_165 = tpu.memref_slice %arg8[%dma_wait3A_163, %dma_wait3A_164] : memref<2x128xi32, #tpu.memory_space<vmem>> -> memref<1x128xi32, #tpu.memory_space<vmem>>
      %dma_wait3A_166 = tpu.memref_squeeze %dma_wait3A_165 : memref<1x128xi32, #tpu.memory_space<vmem>> -> memref<128xi32, #tpu.memory_space<vmem>>
      %dma_wait3A_167 = arith.constant 0 : i32
      %dma_wait3A_168 = arith.constant 0 : i32
      %dma_wait3A_169 = tpu.memref_slice %arg2[%dma_wait3A_167, %dma_wait3A_168] : memref<10000x128xf32, #tpu.memory_space<hbm>> -> memref<10000x128xf32, #tpu.memory_space<hbm>>
      tpu.wait_indirect_dma semaphore(%arg13 : memref<!tpu.dma_semaphore, #tpu.memory_space<semaphore_mem>>) src(%dma_wait3A_169 : memref<10000x128xf32, #tpu.memory_space<hbm>>) dst(%arg10 : memref<128x128xf32, #tpu.memory_space<vmem>>)
      %dma_start3A_170 = arith.constant 1 : i32
      %dma_start3A_171 = arith.constant 0 : i32
      %dma_start3A_172 = tpu.memref_slice %arg8[%dma_start3A_170, %dma_start3A_171] : memref<2x128xi32, #tpu.memory_space<vmem>> -> memref<1x128xi32, #tpu.memory_space<vmem>>
      %dma_start3A_173 = tpu.memref_squeeze %dma_start3A_172 : memref<1x128xi32, #tpu.memory_space<vmem>> -> memref<128xi32, #tpu.memory_space<vmem>>
      %dma_start3A_174 = arith.constant 0 : i32
      %dma_start3A_175 = arith.constant 0 : i32
      %dma_start3A_176 = tpu.memref_slice %arg12[%dma_start3A_174, %dma_start3A_175] : memref<10240x128xf32, #tpu.memory_space<vmem_shared>> -> memref<10240x128xf32, #tpu.memory_space<vmem_shared>>
      tpu.enqueue_indirect_dma source(%arg10 : memref<128x128xf32, #tpu.memory_space<vmem>>) target(%dma_start3A_176 : memref<10240x128xf32, #tpu.memory_space<vmem_shared>>) offsets(%dma_start3A_173 : memref<128xi32, #tpu.memory_space<vmem>>) semaphore(%arg15 : memref<!tpu.dma_semaphore, #tpu.memory_space<semaphore_mem>>) {add = true}
      %dma_wait3A_177 = arith.constant 0 : i32
      %dma_wait3A_178 = arith.constant 0 : i32
      %dma_wait3A_179 = tpu.memref_slice %arg9[%dma_wait3A_177, %dma_wait3A_178] : memref<2x128xi32, #tpu.memory_space<vmem>> -> memref<1x128xi32, #tpu.memory_space<vmem>>
      %dma_wait3A_180 = tpu.memref_squeeze %dma_wait3A_179 : memref<1x128xi32, #tpu.memory_space<vmem>> -> memref<128xi32, #tpu.memory_space<vmem>>
      %dma_wait3A_181 = arith.constant 0 : i32
      %dma_wait3A_182 = arith.constant 0 : i32
      %dma_wait3A_183 = tpu.memref_slice %arg2[%dma_wait3A_181, %dma_wait3A_182] : memref<10000x128xf32, #tpu.memory_space<hbm>> -> memref<10000x128xf32, #tpu.memory_space<hbm>>
      tpu.wait_indirect_dma semaphore(%arg14 : memref<!tpu.dma_semaphore, #tpu.memory_space<semaphore_mem>>) src(%dma_wait3A_183 : memref<10000x128xf32, #tpu.memory_space<hbm>>) dst(%arg11 : memref<128x128xf32, #tpu.memory_space<vmem>>)
      %dma_start3A_184 = arith.constant 1 : i32
      %dma_start3A_185 = arith.constant 0 : i32
      %dma_start3A_186 = tpu.memref_slice %arg9[%dma_start3A_184, %dma_start3A_185] : memref<2x128xi32, #tpu.memory_space<vmem>> -> memref<1x128xi32, #tpu.memory_space<vmem>>
      %dma_start3A_187 = tpu.memref_squeeze %dma_start3A_186 : memref<1x128xi32, #tpu.memory_space<vmem>> -> memref<128xi32, #tpu.memory_space<vmem>>
      %dma_start3A_188 = arith.constant 0 : i32
      %dma_start3A_189 = arith.constant 0 : i32
      %dma_start3A_190 = tpu.memref_slice %arg12[%dma_start3A_188, %dma_start3A_189] : memref<10240x128xf32, #tpu.memory_space<vmem_shared>> -> memref<10240x128xf32, #tpu.memory_space<vmem_shared>>
      tpu.enqueue_indirect_dma source(%arg11 : memref<128x128xf32, #tpu.memory_space<vmem>>) target(%dma_start3A_190 : memref<10240x128xf32, #tpu.memory_space<vmem_shared>>) offsets(%dma_start3A_187 : memref<128xi32, #tpu.memory_space<vmem>>) semaphore(%arg16 : memref<!tpu.dma_semaphore, #tpu.memory_space<semaphore_mem>>) {add = true}
      %lt3A_191 = arith.constant 19 : i32
      %lt3A_192 = arith.cmpi slt, %scan3A_81, %lt3A_191 : i32
      %convert_element_type3A_193 = arith.extui %lt3A_192 : i1 to i32
      %cond3A_194 = arith.constant 0 : i32
      %cond3A_195 = arith.cmpi ne, %convert_element_type3A_193, %cond3A_194 : i32
      scf.if %cond3A_195 {
        %add3A_196 = arith.constant 4 : i32
        %add3A_197 = arith.addi %add3A_84, %add3A_196 : i32
        %dma_wait3A_198 = arith.constant 0 : i32
        %dma_wait3A_199 = arith.constant 0 : i32
        %dma_wait3A_200 = tpu.memref_slice %arg3[%add3A_197, %dma_wait3A_198, %dma_wait3A_199] : memref<2560x2x128xi32, #tpu.memory_space<hbm>> -> memref<1x2x128xi32, #tpu.memory_space<hbm>>
        %dma_wait3A_201 = tpu.memref_squeeze %dma_wait3A_200 : memref<1x2x128xi32, #tpu.memory_space<hbm>> -> memref<2x128xi32, #tpu.memory_space<hbm>>
        %dma_wait3A_202 = arith.constant 0 : i32
        %dma_wait3A_203 = arith.constant 0 : i32
        %dma_wait3A_204 = tpu.memref_slice %arg3[%add3A_197, %dma_wait3A_202, %dma_wait3A_203] : memref<2560x2x128xi32, #tpu.memory_space<hbm>> -> memref<1x2x128xi32, #tpu.memory_space<hbm>>
        %dma_wait3A_205 = tpu.memref_squeeze %dma_wait3A_204 : memref<1x2x128xi32, #tpu.memory_space<hbm>> -> memref<2x128xi32, #tpu.memory_space<hbm>>
        tpu.wait_dma2 semaphore(%arg17 : memref<!tpu.dma_semaphore, #tpu.memory_space<semaphore_mem>>) src(%dma_wait3A_205 : memref<2x128xi32, #tpu.memory_space<hbm>>) dst(%arg6 : memref<2x128xi32, #tpu.memory_space<vmem>>)
        %add3A_206 = arith.constant 5 : i32
        %add3A_207 = arith.addi %add3A_84, %add3A_206 : i32
        %dma_wait3A_208 = arith.constant 0 : i32
        %dma_wait3A_209 = arith.constant 0 : i32
        %dma_wait3A_210 = tpu.memref_slice %arg3[%add3A_207, %dma_wait3A_208, %dma_wait3A_209] : memref<2560x2x128xi32, #tpu.memory_space<hbm>> -> memref<1x2x128xi32, #tpu.memory_space<hbm>>
        %dma_wait3A_211 = tpu.memref_squeeze %dma_wait3A_210 : memref<1x2x128xi32, #tpu.memory_space<hbm>> -> memref<2x128xi32, #tpu.memory_space<hbm>>
        %dma_wait3A_212 = arith.constant 0 : i32
        %dma_wait3A_213 = arith.constant 0 : i32
        %dma_wait3A_214 = tpu.memref_slice %arg3[%add3A_207, %dma_wait3A_212, %dma_wait3A_213] : memref<2560x2x128xi32, #tpu.memory_space<hbm>> -> memref<1x2x128xi32, #tpu.memory_space<hbm>>
        %dma_wait3A_215 = tpu.memref_squeeze %dma_wait3A_214 : memref<1x2x128xi32, #tpu.memory_space<hbm>> -> memref<2x128xi32, #tpu.memory_space<hbm>>
        tpu.wait_dma2 semaphore(%arg17 : memref<!tpu.dma_semaphore, #tpu.memory_space<semaphore_mem>>) src(%dma_wait3A_215 : memref<2x128xi32, #tpu.memory_space<hbm>>) dst(%arg7 : memref<2x128xi32, #tpu.memory_space<vmem>>)
        %dma_wait3A_216 = arith.constant 1 : i32
        %dma_wait3A_217 = arith.constant 0 : i32
        %dma_wait3A_218 = tpu.memref_slice %arg8[%dma_wait3A_216, %dma_wait3A_217] : memref<2x128xi32, #tpu.memory_space<vmem>> -> memref<1x128xi32, #tpu.memory_space<vmem>>
        %dma_wait3A_219 = tpu.memref_squeeze %dma_wait3A_218 : memref<1x128xi32, #tpu.memory_space<vmem>> -> memref<128xi32, #tpu.memory_space<vmem>>
        %dma_wait3A_220 = arith.constant 0 : i32
        %dma_wait3A_221 = arith.constant 0 : i32
        %dma_wait3A_222 = tpu.memref_slice %arg12[%dma_wait3A_220, %dma_wait3A_221] : memref<10240x128xf32, #tpu.memory_space<vmem_shared>> -> memref<10240x128xf32, #tpu.memory_space<vmem_shared>>
        tpu.wait_indirect_dma semaphore(%arg15 : memref<!tpu.dma_semaphore, #tpu.memory_space<semaphore_mem>>) src(%arg10 : memref<128x128xf32, #tpu.memory_space<vmem>>) dst(%dma_wait3A_222 : memref<10240x128xf32, #tpu.memory_space<vmem_shared>>)
        %dma_start3A_223 = arith.constant 0 : i32
        %dma_start3A_224 = arith.constant 0 : i32
        %dma_start3A_225 = tpu.memref_slice %arg6[%dma_start3A_223, %dma_start3A_224] : memref<2x128xi32, #tpu.memory_space<vmem>> -> memref<1x128xi32, #tpu.memory_space<vmem>>
        %dma_start3A_226 = tpu.memref_squeeze %dma_start3A_225 : memref<1x128xi32, #tpu.memory_space<vmem>> -> memref<128xi32, #tpu.memory_space<vmem>>
        %dma_start3A_227 = arith.constant 0 : i32
        %dma_start3A_228 = arith.constant 0 : i32
        %dma_start3A_229 = tpu.memref_slice %arg2[%dma_start3A_227, %dma_start3A_228] : memref<10000x128xf32, #tpu.memory_space<hbm>> -> memref<10000x128xf32, #tpu.memory_space<hbm>>
        tpu.enqueue_indirect_dma source(%dma_start3A_229 : memref<10000x128xf32, #tpu.memory_space<hbm>>) target(%arg10 : memref<128x128xf32, #tpu.memory_space<vmem>>) offsets(%dma_start3A_226 : memref<128xi32, #tpu.memory_space<vmem>>) semaphore(%arg13 : memref<!tpu.dma_semaphore, #tpu.memory_space<semaphore_mem>>)
        %dma_wait3A_230 = arith.constant 1 : i32
        %dma_wait3A_231 = arith.constant 0 : i32
        %dma_wait3A_232 = tpu.memref_slice %arg9[%dma_wait3A_230, %dma_wait3A_231] : memref<2x128xi32, #tpu.memory_space<vmem>> -> memref<1x128xi32, #tpu.memory_space<vmem>>
        %dma_wait3A_233 = tpu.memref_squeeze %dma_wait3A_232 : memref<1x128xi32, #tpu.memory_space<vmem>> -> memref<128xi32, #tpu.memory_space<vmem>>
        %dma_wait3A_234 = arith.constant 0 : i32
        %dma_wait3A_235 = arith.constant 0 : i32
        %dma_wait3A_236 = tpu.memref_slice %arg12[%dma_wait3A_234, %dma_wait3A_235] : memref<10240x128xf32, #tpu.memory_space<vmem_shared>> -> memref<10240x128xf32, #tpu.memory_space<vmem_shared>>
        tpu.wait_indirect_dma semaphore(%arg16 : memref<!tpu.dma_semaphore, #tpu.memory_space<semaphore_mem>>) src(%arg11 : memref<128x128xf32, #tpu.memory_space<vmem>>) dst(%dma_wait3A_236 : memref<10240x128xf32, #tpu.memory_space<vmem_shared>>)
        %dma_start3A_237 = arith.constant 0 : i32
        %dma_start3A_238 = arith.constant 0 : i32
        %dma_start3A_239 = tpu.memref_slice %arg7[%dma_start3A_237, %dma_start3A_238] : memref<2x128xi32, #tpu.memory_space<vmem>> -> memref<1x128xi32, #tpu.memory_space<vmem>>
        %dma_start3A_240 = tpu.memref_squeeze %dma_start3A_239 : memref<1x128xi32, #tpu.memory_space<vmem>> -> memref<128xi32, #tpu.memory_space<vmem>>
        %dma_start3A_241 = arith.constant 0 : i32
        %dma_start3A_242 = arith.constant 0 : i32
        %dma_start3A_243 = tpu.memref_slice %arg2[%dma_start3A_241, %dma_start3A_242] : memref<10000x128xf32, #tpu.memory_space<hbm>> -> memref<10000x128xf32, #tpu.memory_space<hbm>>
        tpu.enqueue_indirect_dma source(%dma_start3A_243 : memref<10000x128xf32, #tpu.memory_space<hbm>>) target(%arg11 : memref<128x128xf32, #tpu.memory_space<vmem>>) offsets(%dma_start3A_240 : memref<128xi32, #tpu.memory_space<vmem>>) semaphore(%arg14 : memref<!tpu.dma_semaphore, #tpu.memory_space<semaphore_mem>>)
        %add3A_244 = arith.constant 6 : i32
        %add3A_245 = arith.addi %add3A_84, %add3A_244 : i32
        %dma_start3A_246 = arith.constant 0 : i32
        %dma_start3A_247 = arith.constant 0 : i32
        %dma_start3A_248 = tpu.memref_slice %arg3[%add3A_245, %dma_start3A_246, %dma_start3A_247] : memref<2560x2x128xi32, #tpu.memory_space<hbm>> -> memref<1x2x128xi32, #tpu.memory_space<hbm>>
        %dma_start3A_249 = tpu.memref_squeeze %dma_start3A_248 : memref<1x2x128xi32, #tpu.memory_space<hbm>> -> memref<2x128xi32, #tpu.memory_space<hbm>>
        %dma_start3A_250 = arith.constant 0 : i32
        %dma_start3A_251 = arith.constant 0 : i32
        %dma_start3A_252 = tpu.memref_slice %arg3[%add3A_245, %dma_start3A_250, %dma_start3A_251] : memref<2560x2x128xi32, #tpu.memory_space<hbm>> -> memref<1x2x128xi32, #tpu.memory_space<hbm>>
        %dma_start3A_253 = tpu.memref_squeeze %dma_start3A_252 : memref<1x2x128xi32, #tpu.memory_space<hbm>> -> memref<2x128xi32, #tpu.memory_space<hbm>>
        tpu.enqueue_dma source(%dma_start3A_253 : memref<2x128xi32, #tpu.memory_space<hbm>>) target(%arg8 : memref<2x128xi32, #tpu.memory_space<vmem>>) target_semaphore(%arg17 : memref<!tpu.dma_semaphore, #tpu.memory_space<semaphore_mem>>)
        %add3A_254 = arith.constant 7 : i32
        %add3A_255 = arith.addi %add3A_84, %add3A_254 : i32
        %dma_start3A_256 = arith.constant 0 : i32
        %dma_start3A_257 = arith.constant 0 : i32
        %dma_start3A_258 = tpu.memref_slice %arg3[%add3A_255, %dma_start3A_256, %dma_start3A_257] : memref<2560x2x128xi32, #tpu.memory_space<hbm>> -> memref<1x2x128xi32, #tpu.memory_space<hbm>>
        %dma_start3A_259 = tpu.memref_squeeze %dma_start3A_258 : memref<1x2x128xi32, #tpu.memory_space<hbm>> -> memref<2x128xi32, #tpu.memory_space<hbm>>
        %dma_start3A_260 = arith.constant 0 : i32
        %dma_start3A_261 = arith.constant 0 : i32
        %dma_start3A_262 = tpu.memref_slice %arg3[%add3A_255, %dma_start3A_260, %dma_start3A_261] : memref<2560x2x128xi32, #tpu.memory_space<hbm>> -> memref<1x2x128xi32, #tpu.memory_space<hbm>>
        %dma_start3A_263 = tpu.memref_squeeze %dma_start3A_262 : memref<1x2x128xi32, #tpu.memory_space<hbm>> -> memref<2x128xi32, #tpu.memory_space<hbm>>
        tpu.enqueue_dma source(%dma_start3A_263 : memref<2x128xi32, #tpu.memory_space<hbm>>) target(%arg9 : memref<2x128xi32, #tpu.memory_space<vmem>>) target_semaphore(%arg17 : memref<!tpu.dma_semaphore, #tpu.memory_space<semaphore_mem>>)
      } else {
      }
    }
    %scan3A_62 = arith.constant 20 : i32
    %dma_wait3A = arith.constant 1 : i32
    %dma_wait3A_63 = arith.constant 0 : i32
    %dma_wait3A_64 = tpu.memref_slice %arg8[%dma_wait3A, %dma_wait3A_63] : memref<2x128xi32, #tpu.memory_space<vmem>> -> memref<1x128xi32, #tpu.memory_space<vmem>>
    %dma_wait3A_65 = tpu.memref_squeeze %dma_wait3A_64 : memref<1x128xi32, #tpu.memory_space<vmem>> -> memref<128xi32, #tpu.memory_space<vmem>>
    %dma_wait3A_66 = arith.constant 0 : i32
    %dma_wait3A_67 = arith.constant 0 : i32
    %dma_wait3A_68 = tpu.memref_slice %arg12[%dma_wait3A_66, %dma_wait3A_67] : memref<10240x128xf32, #tpu.memory_space<vmem_shared>> -> memref<10240x128xf32, #tpu.memory_space<vmem_shared>>
    tpu.wait_indirect_dma semaphore(%arg15 : memref<!tpu.dma_semaphore, #tpu.memory_space<semaphore_mem>>) src(%arg10 : memref<128x128xf32, #tpu.memory_space<vmem>>) dst(%dma_wait3A_68 : memref<10240x128xf32, #tpu.memory_space<vmem_shared>>)
    %dma_wait3A_69 = arith.constant 1 : i32
    %dma_wait3A_70 = arith.constant 0 : i32
    %dma_wait3A_71 = tpu.memref_slice %arg9[%dma_wait3A_69, %dma_wait3A_70] : memref<2x128xi32, #tpu.memory_space<vmem>> -> memref<1x128xi32, #tpu.memory_space<vmem>>
    %dma_wait3A_72 = tpu.memref_squeeze %dma_wait3A_71 : memref<1x128xi32, #tpu.memory_space<vmem>> -> memref<128xi32, #tpu.memory_space<vmem>>
    %dma_wait3A_73 = arith.constant 0 : i32
    %dma_wait3A_74 = arith.constant 0 : i32
    %dma_wait3A_75 = tpu.memref_slice %arg12[%dma_wait3A_73, %dma_wait3A_74] : memref<10240x128xf32, #tpu.memory_space<vmem_shared>> -> memref<10240x128xf32, #tpu.memory_space<vmem_shared>>
    tpu.wait_indirect_dma semaphore(%arg16 : memref<!tpu.dma_semaphore, #tpu.memory_space<semaphore_mem>>) src(%arg11 : memref<128x128xf32, #tpu.memory_space<vmem>>) dst(%dma_wait3A_75 : memref<10240x128xf32, #tpu.memory_space<vmem_shared>>)
    %barrier3A_76 = arith.constant 0 : index
    tpu.barrier barrier_id(%barrier3A_76)
    %mul3A_77 = arith.constant 640 : i32
    %mul3A_78 = arith.muli %arg1, %mul3A_77 : i32
    %mul3A_79 = arith.constant 640 : i32
    %mul3A_80 = arith.muli %arg1, %mul3A_79 : i32
    "tpu.region"() ({
      %run_scoped3A = tpu.sem_alloc : memref<!tpu.dma_semaphore, #tpu.memory_space<semaphore_mem>>
      %dma_start3A_81 = arith.constant 0 : i32
      %dma_start3A_82 = tpu.memref_slice %arg5[%arg0, %mul3A_80, %dma_start3A_81] : memref<2x10240x128xf32, #tpu.memory_space<hbm>> -> memref<1x640x128xf32, #tpu.memory_space<hbm>>
      %dma_start3A_83 = tpu.memref_squeeze %dma_start3A_82 : memref<1x640x128xf32, #tpu.memory_space<hbm>> -> memref<640x128xf32, #tpu.memory_space<hbm>>
      %dma_start3A_84 = arith.constant 0 : i32
      %dma_start3A_85 = tpu.memref_slice %arg12[%mul3A_78, %dma_start3A_84] : memref<10240x128xf32, #tpu.memory_space<vmem_shared>> -> memref<640x128xf32, #tpu.memory_space<vmem_shared>>
      tpu.enqueue_dma source(%dma_start3A_85 : memref<640x128xf32, #tpu.memory_space<vmem_shared>>) target(%dma_start3A_83 : memref<640x128xf32, #tpu.memory_space<hbm>>) target_semaphore(%run_scoped3A : memref<!tpu.dma_semaphore, #tpu.memory_space<semaphore_mem>>)
      %dma_wait3A_86 = arith.constant 0 : i32
      %dma_wait3A_87 = tpu.memref_slice %arg5[%arg0, %mul3A_80, %dma_wait3A_86] : memref<2x10240x128xf32, #tpu.memory_space<hbm>> -> memref<1x640x128xf32, #tpu.memory_space<hbm>>
      %dma_wait3A_88 = tpu.memref_squeeze %dma_wait3A_87 : memref<1x640x128xf32, #tpu.memory_space<hbm>> -> memref<640x128xf32, #tpu.memory_space<hbm>>
      %dma_wait3A_89 = arith.constant 0 : i32
      %dma_wait3A_90 = tpu.memref_slice %arg12[%mul3A_78, %dma_wait3A_89] : memref<10240x128xf32, #tpu.memory_space<vmem_shared>> -> memref<640x128xf32, #tpu.memory_space<vmem_shared>>
      tpu.wait_dma2 semaphore(%run_scoped3A : memref<!tpu.dma_semaphore, #tpu.memory_space<semaphore_mem>>) src(%dma_wait3A_90 : memref<640x128xf32, #tpu.memory_space<vmem_shared>>) dst(%dma_wait3A_88 : memref<640x128xf32, #tpu.memory_space<hbm>>)
      tpu.yield
    }) : () -> ()
    return
  }
}

#map = affine_map<(d0, d1) -> (0, 0)>
#map1 = affine_map<(d0, d1) -> (0, 0, 0)>
module attributes {stable_mosaic.version = 14 : i64} {
  func.func @_sc_edge(%arg0: i32, %arg1: i32, %arg2: memref<10000x128xf32, #tpu.memory_space<hbm>>, %arg3: memref<2560x2x128xi32, #tpu.memory_space<hbm>>, %arg4: memref<128x128xf32, #tpu.memory_space<hbm>>, %arg5: memref<2x10240x128xf32, #tpu.memory_space<hbm>>, %arg6: memref<2x128xi32, #tpu.memory_space<vmem>>, %arg7: memref<2x128xi32, #tpu.memory_space<vmem>>, %arg8: memref<2x128xi32, #tpu.memory_space<vmem>>, %arg9: memref<2x128xi32, #tpu.memory_space<vmem>>, %arg10: memref<128x128xf32, #tpu.memory_space<vmem>>, %arg11: memref<128x128xf32, #tpu.memory_space<vmem>>, %arg12: memref<10240x128xf32, #tpu.memory_space<vmem_shared>>, %arg13: memref<!tpu.dma_semaphore, #tpu.memory_space<semaphore_mem>>, %arg14: memref<!tpu.dma_semaphore, #tpu.memory_space<semaphore_mem>>, %arg15: memref<!tpu.dma_semaphore, #tpu.memory_space<semaphore_mem>>, %arg16: memref<!tpu.dma_semaphore, #tpu.memory_space<semaphore_mem>>, %arg17: memref<!tpu.dma_semaphore, #tpu.memory_space<semaphore_mem>>) attributes {dimension_semantics = [#tpu.dimension_semantics<core_parallel>, #tpu.dimension_semantics<subcore_parallel>], iteration_bounds = array<i64: 2, 16>, scalar_prefetch = 0 : i64, scratch_operands = 12 : i64, tpu.core_type = #tpu.core_type<sc_vector_subcore>, window_params = [{transform_indices = #map}, {transform_indices = #map1}, {transform_indices = #map}, {transform_indices = #map1}]} {
    %mul3A = arith.constant 16 : i32
    %mul3A_0 = arith.muli %arg0, %mul3A : i32
    %add3A = arith.addi %mul3A_0, %arg1 : i32
    %mul3A_1 = arith.constant 80 : i32
    %mul3A_2 = arith.muli %add3A, %mul3A_1 : i32
    "tpu.region"() ({
      %run_scoped3A = tpu.sem_alloc : memref<!tpu.dma_semaphore, #tpu.memory_space<semaphore_mem>>
      tpu.enqueue_dma source(%arg4 : memref<128x128xf32, #tpu.memory_space<hbm>>) target(%arg10 : memref<128x128xf32, #tpu.memory_space<vmem>>) target_semaphore(%run_scoped3A : memref<!tpu.dma_semaphore, #tpu.memory_space<semaphore_mem>>)
      tpu.wait_dma2 semaphore(%run_scoped3A : memref<!tpu.dma_semaphore, #tpu.memory_space<semaphore_mem>>) src(%arg4 : memref<128x128xf32, #tpu.memory_space<hbm>>) dst(%arg10 : memref<128x128xf32, #tpu.memory_space<vmem>>)
      tpu.yield
    }) : () -> ()
    %mul3A_3 = arith.constant 640 : i32
    %mul3A_4 = arith.muli %arg1, %mul3A_3 : i32
    %add3A_5 = arith.constant 0 : i32
    %add3A_6 = arith.addi %mul3A_4, %add3A_5 : i32
    "tpu.region"() ({
      %run_scoped3A = tpu.sem_alloc : memref<!tpu.dma_semaphore, #tpu.memory_space<semaphore_mem>>
      %dma_start3A_81 = arith.constant 0 : i32
      %dma_start3A_82 = tpu.memref_slice %arg12[%add3A_6, %dma_start3A_81] : memref<10240x128xf32, #tpu.memory_space<vmem_shared>> -> memref<128x128xf32, #tpu.memory_space<vmem_shared>>
      %dma_start3A_83 = arith.constant 0 : i32
      %dma_start3A_84 = tpu.memref_slice %arg12[%add3A_6, %dma_start3A_83] : memref<10240x128xf32, #tpu.memory_space<vmem_shared>> -> memref<128x128xf32, #tpu.memory_space<vmem_shared>>
      tpu.enqueue_dma source(%arg10 : memref<128x128xf32, #tpu.memory_space<vmem>>) target(%dma_start3A_84 : memref<128x128xf32, #tpu.memory_space<vmem_shared>>) target_semaphore(%run_scoped3A : memref<!tpu.dma_semaphore, #tpu.memory_space<semaphore_mem>>)
      %dma_wait3A_85 = arith.constant 0 : i32
      %dma_wait3A_86 = tpu.memref_slice %arg12[%add3A_6, %dma_wait3A_85] : memref<10240x128xf32, #tpu.memory_space<vmem_shared>> -> memref<128x128xf32, #tpu.memory_space<vmem_shared>>
      %dma_wait3A_87 = arith.constant 0 : i32
      %dma_wait3A_88 = tpu.memref_slice %arg12[%add3A_6, %dma_wait3A_87] : memref<10240x128xf32, #tpu.memory_space<vmem_shared>> -> memref<128x128xf32, #tpu.memory_space<vmem_shared>>
      tpu.wait_dma2 semaphore(%run_scoped3A : memref<!tpu.dma_semaphore, #tpu.memory_space<semaphore_mem>>) src(%arg10 : memref<128x128xf32, #tpu.memory_space<vmem>>) dst(%dma_wait3A_88 : memref<128x128xf32, #tpu.memory_space<vmem_shared>>)
      tpu.yield
    }) : () -> ()
    %mul3A_7 = arith.constant 640 : i32
    %mul3A_8 = arith.muli %arg1, %mul3A_7 : i32
    %add3A_9 = arith.constant 128 : i32
    %add3A_10 = arith.addi %mul3A_8, %add3A_9 : i32
    "tpu.region"() ({
      %run_scoped3A = tpu.sem_alloc : memref<!tpu.dma_semaphore, #tpu.memory_space<semaphore_mem>>
      %dma_start3A_81 = arith.constant 0 : i32
      %dma_start3A_82 = tpu.memref_slice %arg12[%add3A_10, %dma_start3A_81] : memref<10240x128xf32, #tpu.memory_space<vmem_shared>> -> memref<128x128xf32, #tpu.memory_space<vmem_shared>>
      %dma_start3A_83 = arith.constant 0 : i32
      %dma_start3A_84 = tpu.memref_slice %arg12[%add3A_10, %dma_start3A_83] : memref<10240x128xf32, #tpu.memory_space<vmem_shared>> -> memref<128x128xf32, #tpu.memory_space<vmem_shared>>
      tpu.enqueue_dma source(%arg10 : memref<128x128xf32, #tpu.memory_space<vmem>>) target(%dma_start3A_84 : memref<128x128xf32, #tpu.memory_space<vmem_shared>>) target_semaphore(%run_scoped3A : memref<!tpu.dma_semaphore, #tpu.memory_space<semaphore_mem>>)
      %dma_wait3A_85 = arith.constant 0 : i32
      %dma_wait3A_86 = tpu.memref_slice %arg12[%add3A_10, %dma_wait3A_85] : memref<10240x128xf32, #tpu.memory_space<vmem_shared>> -> memref<128x128xf32, #tpu.memory_space<vmem_shared>>
      %dma_wait3A_87 = arith.constant 0 : i32
      %dma_wait3A_88 = tpu.memref_slice %arg12[%add3A_10, %dma_wait3A_87] : memref<10240x128xf32, #tpu.memory_space<vmem_shared>> -> memref<128x128xf32, #tpu.memory_space<vmem_shared>>
      tpu.wait_dma2 semaphore(%run_scoped3A : memref<!tpu.dma_semaphore, #tpu.memory_space<semaphore_mem>>) src(%arg10 : memref<128x128xf32, #tpu.memory_space<vmem>>) dst(%dma_wait3A_88 : memref<128x128xf32, #tpu.memory_space<vmem_shared>>)
      tpu.yield
    }) : () -> ()
    %mul3A_11 = arith.constant 640 : i32
    %mul3A_12 = arith.muli %arg1, %mul3A_11 : i32
    %add3A_13 = arith.constant 256 : i32
    %add3A_14 = arith.addi %mul3A_12, %add3A_13 : i32
    "tpu.region"() ({
      %run_scoped3A = tpu.sem_alloc : memref<!tpu.dma_semaphore, #tpu.memory_space<semaphore_mem>>
      %dma_start3A_81 = arith.constant 0 : i32
      %dma_start3A_82 = tpu.memref_slice %arg12[%add3A_14, %dma_start3A_81] : memref<10240x128xf32, #tpu.memory_space<vmem_shared>> -> memref<128x128xf32, #tpu.memory_space<vmem_shared>>
      %dma_start3A_83 = arith.constant 0 : i32
      %dma_start3A_84 = tpu.memref_slice %arg12[%add3A_14, %dma_start3A_83] : memref<10240x128xf32, #tpu.memory_space<vmem_shared>> -> memref<128x128xf32, #tpu.memory_space<vmem_shared>>
      tpu.enqueue_dma source(%arg10 : memref<128x128xf32, #tpu.memory_space<vmem>>) target(%dma_start3A_84 : memref<128x128xf32, #tpu.memory_space<vmem_shared>>) target_semaphore(%run_scoped3A : memref<!tpu.dma_semaphore, #tpu.memory_space<semaphore_mem>>)
      %dma_wait3A_85 = arith.constant 0 : i32
      %dma_wait3A_86 = tpu.memref_slice %arg12[%add3A_14, %dma_wait3A_85] : memref<10240x128xf32, #tpu.memory_space<vmem_shared>> -> memref<128x128xf32, #tpu.memory_space<vmem_shared>>
      %dma_wait3A_87 = arith.constant 0 : i32
      %dma_wait3A_88 = tpu.memref_slice %arg12[%add3A_14, %dma_wait3A_87] : memref<10240x128xf32, #tpu.memory_space<vmem_shared>> -> memref<128x128xf32, #tpu.memory_space<vmem_shared>>
      tpu.wait_dma2 semaphore(%run_scoped3A : memref<!tpu.dma_semaphore, #tpu.memory_space<semaphore_mem>>) src(%arg10 : memref<128x128xf32, #tpu.memory_space<vmem>>) dst(%dma_wait3A_88 : memref<128x128xf32, #tpu.memory_space<vmem_shared>>)
      tpu.yield
    }) : () -> ()
    %mul3A_15 = arith.constant 640 : i32
    %mul3A_16 = arith.muli %arg1, %mul3A_15 : i32
    %add3A_17 = arith.constant 384 : i32
    %add3A_18 = arith.addi %mul3A_16, %add3A_17 : i32
    "tpu.region"() ({
      %run_scoped3A = tpu.sem_alloc : memref<!tpu.dma_semaphore, #tpu.memory_space<semaphore_mem>>
      %dma_start3A_81 = arith.constant 0 : i32
      %dma_start3A_82 = tpu.memref_slice %arg12[%add3A_18, %dma_start3A_81] : memref<10240x128xf32, #tpu.memory_space<vmem_shared>> -> memref<128x128xf32, #tpu.memory_space<vmem_shared>>
      %dma_start3A_83 = arith.constant 0 : i32
      %dma_start3A_84 = tpu.memref_slice %arg12[%add3A_18, %dma_start3A_83] : memref<10240x128xf32, #tpu.memory_space<vmem_shared>> -> memref<128x128xf32, #tpu.memory_space<vmem_shared>>
      tpu.enqueue_dma source(%arg10 : memref<128x128xf32, #tpu.memory_space<vmem>>) target(%dma_start3A_84 : memref<128x128xf32, #tpu.memory_space<vmem_shared>>) target_semaphore(%run_scoped3A : memref<!tpu.dma_semaphore, #tpu.memory_space<semaphore_mem>>)
      %dma_wait3A_85 = arith.constant 0 : i32
      %dma_wait3A_86 = tpu.memref_slice %arg12[%add3A_18, %dma_wait3A_85] : memref<10240x128xf32, #tpu.memory_space<vmem_shared>> -> memref<128x128xf32, #tpu.memory_space<vmem_shared>>
      %dma_wait3A_87 = arith.constant 0 : i32
      %dma_wait3A_88 = tpu.memref_slice %arg12[%add3A_18, %dma_wait3A_87] : memref<10240x128xf32, #tpu.memory_space<vmem_shared>> -> memref<128x128xf32, #tpu.memory_space<vmem_shared>>
      tpu.wait_dma2 semaphore(%run_scoped3A : memref<!tpu.dma_semaphore, #tpu.memory_space<semaphore_mem>>) src(%arg10 : memref<128x128xf32, #tpu.memory_space<vmem>>) dst(%dma_wait3A_88 : memref<128x128xf32, #tpu.memory_space<vmem_shared>>)
      tpu.yield
    }) : () -> ()
    %mul3A_19 = arith.constant 640 : i32
    %mul3A_20 = arith.muli %arg1, %mul3A_19 : i32
    %add3A_21 = arith.constant 512 : i32
    %add3A_22 = arith.addi %mul3A_20, %add3A_21 : i32
    "tpu.region"() ({
      %run_scoped3A = tpu.sem_alloc : memref<!tpu.dma_semaphore, #tpu.memory_space<semaphore_mem>>
      %dma_start3A_81 = arith.constant 0 : i32
      %dma_start3A_82 = tpu.memref_slice %arg12[%add3A_22, %dma_start3A_81] : memref<10240x128xf32, #tpu.memory_space<vmem_shared>> -> memref<128x128xf32, #tpu.memory_space<vmem_shared>>
      %dma_start3A_83 = arith.constant 0 : i32
      %dma_start3A_84 = tpu.memref_slice %arg12[%add3A_22, %dma_start3A_83] : memref<10240x128xf32, #tpu.memory_space<vmem_shared>> -> memref<128x128xf32, #tpu.memory_space<vmem_shared>>
      tpu.enqueue_dma source(%arg10 : memref<128x128xf32, #tpu.memory_space<vmem>>) target(%dma_start3A_84 : memref<128x128xf32, #tpu.memory_space<vmem_shared>>) target_semaphore(%run_scoped3A : memref<!tpu.dma_semaphore, #tpu.memory_space<semaphore_mem>>)
      %dma_wait3A_85 = arith.constant 0 : i32
      %dma_wait3A_86 = tpu.memref_slice %arg12[%add3A_22, %dma_wait3A_85] : memref<10240x128xf32, #tpu.memory_space<vmem_shared>> -> memref<128x128xf32, #tpu.memory_space<vmem_shared>>
      %dma_wait3A_87 = arith.constant 0 : i32
      %dma_wait3A_88 = tpu.memref_slice %arg12[%add3A_22, %dma_wait3A_87] : memref<10240x128xf32, #tpu.memory_space<vmem_shared>> -> memref<128x128xf32, #tpu.memory_space<vmem_shared>>
      tpu.wait_dma2 semaphore(%run_scoped3A : memref<!tpu.dma_semaphore, #tpu.memory_space<semaphore_mem>>) src(%arg10 : memref<128x128xf32, #tpu.memory_space<vmem>>) dst(%dma_wait3A_88 : memref<128x128xf32, #tpu.memory_space<vmem_shared>>)
      tpu.yield
    }) : () -> ()
    %barrier3A = arith.constant 0 : index
    tpu.barrier barrier_id(%barrier3A)
    "tpu.region"() ({
      %run_scoped3A = tpu.sem_alloc : memref<!tpu.dma_semaphore, #tpu.memory_space<semaphore_mem>>
      %dma_start3A_81 = arith.constant 0 : i32
      %dma_start3A_82 = arith.constant 0 : i32
      %dma_start3A_83 = tpu.memref_slice %arg3[%mul3A_2, %dma_start3A_81, %dma_start3A_82] : memref<2560x2x128xi32, #tpu.memory_space<hbm>> -> memref<1x2x128xi32, #tpu.memory_space<hbm>>
      %dma_start3A_84 = tpu.memref_squeeze %dma_start3A_83 : memref<1x2x128xi32, #tpu.memory_space<hbm>> -> memref<2x128xi32, #tpu.memory_space<hbm>>
      %dma_start3A_85 = arith.constant 0 : i32
      %dma_start3A_86 = arith.constant 0 : i32
      %dma_start3A_87 = tpu.memref_slice %arg3[%mul3A_2, %dma_start3A_85, %dma_start3A_86] : memref<2560x2x128xi32, #tpu.memory_space<hbm>> -> memref<1x2x128xi32, #tpu.memory_space<hbm>>
      %dma_start3A_88 = tpu.memref_squeeze %dma_start3A_87 : memref<1x2x128xi32, #tpu.memory_space<hbm>> -> memref<2x128xi32, #tpu.memory_space<hbm>>
      tpu.enqueue_dma source(%dma_start3A_88 : memref<2x128xi32, #tpu.memory_space<hbm>>) target(%arg6 : memref<2x128xi32, #tpu.memory_space<vmem>>) target_semaphore(%run_scoped3A : memref<!tpu.dma_semaphore, #tpu.memory_space<semaphore_mem>>)
      %dma_wait3A_89 = arith.constant 0 : i32
      %dma_wait3A_90 = arith.constant 0 : i32
      %dma_wait3A_91 = tpu.memref_slice %arg3[%mul3A_2, %dma_wait3A_89, %dma_wait3A_90] : memref<2560x2x128xi32, #tpu.memory_space<hbm>> -> memref<1x2x128xi32, #tpu.memory_space<hbm>>
      %dma_wait3A_92 = tpu.memref_squeeze %dma_wait3A_91 : memref<1x2x128xi32, #tpu.memory_space<hbm>> -> memref<2x128xi32, #tpu.memory_space<hbm>>
      %dma_wait3A_93 = arith.constant 0 : i32
      %dma_wait3A_94 = arith.constant 0 : i32
      %dma_wait3A_95 = tpu.memref_slice %arg3[%mul3A_2, %dma_wait3A_93, %dma_wait3A_94] : memref<2560x2x128xi32, #tpu.memory_space<hbm>> -> memref<1x2x128xi32, #tpu.memory_space<hbm>>
      %dma_wait3A_96 = tpu.memref_squeeze %dma_wait3A_95 : memref<1x2x128xi32, #tpu.memory_space<hbm>> -> memref<2x128xi32, #tpu.memory_space<hbm>>
      tpu.wait_dma2 semaphore(%run_scoped3A : memref<!tpu.dma_semaphore, #tpu.memory_space<semaphore_mem>>) src(%dma_wait3A_96 : memref<2x128xi32, #tpu.memory_space<hbm>>) dst(%arg6 : memref<2x128xi32, #tpu.memory_space<vmem>>)
      tpu.yield
    }) : () -> ()
    %add3A_23 = arith.constant 1 : i32
    %add3A_24 = arith.addi %mul3A_2, %add3A_23 : i32
    "tpu.region"() ({
      %run_scoped3A = tpu.sem_alloc : memref<!tpu.dma_semaphore, #tpu.memory_space<semaphore_mem>>
      %dma_start3A_81 = arith.constant 0 : i32
      %dma_start3A_82 = arith.constant 0 : i32
      %dma_start3A_83 = tpu.memref_slice %arg3[%add3A_24, %dma_start3A_81, %dma_start3A_82] : memref<2560x2x128xi32, #tpu.memory_space<hbm>> -> memref<1x2x128xi32, #tpu.memory_space<hbm>>
      %dma_start3A_84 = tpu.memref_squeeze %dma_start3A_83 : memref<1x2x128xi32, #tpu.memory_space<hbm>> -> memref<2x128xi32, #tpu.memory_space<hbm>>
      %dma_start3A_85 = arith.constant 0 : i32
      %dma_start3A_86 = arith.constant 0 : i32
      %dma_start3A_87 = tpu.memref_slice %arg3[%add3A_24, %dma_start3A_85, %dma_start3A_86] : memref<2560x2x128xi32, #tpu.memory_space<hbm>> -> memref<1x2x128xi32, #tpu.memory_space<hbm>>
      %dma_start3A_88 = tpu.memref_squeeze %dma_start3A_87 : memref<1x2x128xi32, #tpu.memory_space<hbm>> -> memref<2x128xi32, #tpu.memory_space<hbm>>
      tpu.enqueue_dma source(%dma_start3A_88 : memref<2x128xi32, #tpu.memory_space<hbm>>) target(%arg7 : memref<2x128xi32, #tpu.memory_space<vmem>>) target_semaphore(%run_scoped3A : memref<!tpu.dma_semaphore, #tpu.memory_space<semaphore_mem>>)
      %dma_wait3A_89 = arith.constant 0 : i32
      %dma_wait3A_90 = arith.constant 0 : i32
      %dma_wait3A_91 = tpu.memref_slice %arg3[%add3A_24, %dma_wait3A_89, %dma_wait3A_90] : memref<2560x2x128xi32, #tpu.memory_space<hbm>> -> memref<1x2x128xi32, #tpu.memory_space<hbm>>
      %dma_wait3A_92 = tpu.memref_squeeze %dma_wait3A_91 : memref<1x2x128xi32, #tpu.memory_space<hbm>> -> memref<2x128xi32, #tpu.memory_space<hbm>>
      %dma_wait3A_93 = arith.constant 0 : i32
      %dma_wait3A_94 = arith.constant 0 : i32
      %dma_wait3A_95 = tpu.memref_slice %arg3[%add3A_24, %dma_wait3A_93, %dma_wait3A_94] : memref<2560x2x128xi32, #tpu.memory_space<hbm>> -> memref<1x2x128xi32, #tpu.memory_space<hbm>>
      %dma_wait3A_96 = tpu.memref_squeeze %dma_wait3A_95 : memref<1x2x128xi32, #tpu.memory_space<hbm>> -> memref<2x128xi32, #tpu.memory_space<hbm>>
      tpu.wait_dma2 semaphore(%run_scoped3A : memref<!tpu.dma_semaphore, #tpu.memory_space<semaphore_mem>>) src(%dma_wait3A_96 : memref<2x128xi32, #tpu.memory_space<hbm>>) dst(%arg7 : memref<2x128xi32, #tpu.memory_space<vmem>>)
      tpu.yield
    }) : () -> ()
    %dma_start3A = arith.constant 0 : i32
    %dma_start3A_25 = arith.constant 0 : i32
    %dma_start3A_26 = tpu.memref_slice %arg6[%dma_start3A, %dma_start3A_25] : memref<2x128xi32, #tpu.memory_space<vmem>> -> memref<1x128xi32, #tpu.memory_space<vmem>>
    %dma_start3A_27 = tpu.memref_squeeze %dma_start3A_26 : memref<1x128xi32, #tpu.memory_space<vmem>> -> memref<128xi32, #tpu.memory_space<vmem>>
    %dma_start3A_28 = arith.constant 0 : i32
    %dma_start3A_29 = arith.constant 0 : i32
    %dma_start3A_30 = tpu.memref_slice %arg2[%dma_start3A_28, %dma_start3A_29] : memref<10000x128xf32, #tpu.memory_space<hbm>> -> memref<10000x128xf32, #tpu.memory_space<hbm>>
    tpu.enqueue_indirect_dma source(%dma_start3A_30 : memref<10000x128xf32, #tpu.memory_space<hbm>>) target(%arg10 : memref<128x128xf32, #tpu.memory_space<vmem>>) offsets(%dma_start3A_27 : memref<128xi32, #tpu.memory_space<vmem>>) semaphore(%arg13 : memref<!tpu.dma_semaphore, #tpu.memory_space<semaphore_mem>>)
    %dma_start3A_31 = arith.constant 0 : i32
    %dma_start3A_32 = arith.constant 0 : i32
    %dma_start3A_33 = tpu.memref_slice %arg7[%dma_start3A_31, %dma_start3A_32] : memref<2x128xi32, #tpu.memory_space<vmem>> -> memref<1x128xi32, #tpu.memory_space<vmem>>
    %dma_start3A_34 = tpu.memref_squeeze %dma_start3A_33 : memref<1x128xi32, #tpu.memory_space<vmem>> -> memref<128xi32, #tpu.memory_space<vmem>>
    %dma_start3A_35 = arith.constant 0 : i32
    %dma_start3A_36 = arith.constant 0 : i32
    %dma_start3A_37 = tpu.memref_slice %arg2[%dma_start3A_35, %dma_start3A_36] : memref<10000x128xf32, #tpu.memory_space<hbm>> -> memref<10000x128xf32, #tpu.memory_space<hbm>>
    tpu.enqueue_indirect_dma source(%dma_start3A_37 : memref<10000x128xf32, #tpu.memory_space<hbm>>) target(%arg11 : memref<128x128xf32, #tpu.memory_space<vmem>>) offsets(%dma_start3A_34 : memref<128xi32, #tpu.memory_space<vmem>>) semaphore(%arg14 : memref<!tpu.dma_semaphore, #tpu.memory_space<semaphore_mem>>)
    %add3A_38 = arith.constant 2 : i32
    %add3A_39 = arith.addi %mul3A_2, %add3A_38 : i32
    %dma_start3A_40 = arith.constant 0 : i32
    %dma_start3A_41 = arith.constant 0 : i32
    %dma_start3A_42 = tpu.memref_slice %arg3[%add3A_39, %dma_start3A_40, %dma_start3A_41] : memref<2560x2x128xi32, #tpu.memory_space<hbm>> -> memref<1x2x128xi32, #tpu.memory_space<hbm>>
    %dma_start3A_43 = tpu.memref_squeeze %dma_start3A_42 : memref<1x2x128xi32, #tpu.memory_space<hbm>> -> memref<2x128xi32, #tpu.memory_space<hbm>>
    %dma_start3A_44 = arith.constant 0 : i32
    %dma_start3A_45 = arith.constant 0 : i32
    %dma_start3A_46 = tpu.memref_slice %arg3[%add3A_39, %dma_start3A_44, %dma_start3A_45] : memref<2560x2x128xi32, #tpu.memory_space<hbm>> -> memref<1x2x128xi32, #tpu.memory_space<hbm>>
    %dma_start3A_47 = tpu.memref_squeeze %dma_start3A_46 : memref<1x2x128xi32, #tpu.memory_space<hbm>> -> memref<2x128xi32, #tpu.memory_space<hbm>>
    tpu.enqueue_dma source(%dma_start3A_47 : memref<2x128xi32, #tpu.memory_space<hbm>>) target(%arg8 : memref<2x128xi32, #tpu.memory_space<vmem>>) target_semaphore(%arg17 : memref<!tpu.dma_semaphore, #tpu.memory_space<semaphore_mem>>)
    %add3A_48 = arith.constant 3 : i32
    %add3A_49 = arith.addi %mul3A_2, %add3A_48 : i32
    %dma_start3A_50 = arith.constant 0 : i32
    %dma_start3A_51 = arith.constant 0 : i32
    %dma_start3A_52 = tpu.memref_slice %arg3[%add3A_49, %dma_start3A_50, %dma_start3A_51] : memref<2560x2x128xi32, #tpu.memory_space<hbm>> -> memref<1x2x128xi32, #tpu.memory_space<hbm>>
    %dma_start3A_53 = tpu.memref_squeeze %dma_start3A_52 : memref<1x2x128xi32, #tpu.memory_space<hbm>> -> memref<2x128xi32, #tpu.memory_space<hbm>>
    %dma_start3A_54 = arith.constant 0 : i32
    %dma_start3A_55 = arith.constant 0 : i32
    %dma_start3A_56 = tpu.memref_slice %arg3[%add3A_49, %dma_start3A_54, %dma_start3A_55] : memref<2560x2x128xi32, #tpu.memory_space<hbm>> -> memref<1x2x128xi32, #tpu.memory_space<hbm>>
    %dma_start3A_57 = tpu.memref_squeeze %dma_start3A_56 : memref<1x2x128xi32, #tpu.memory_space<hbm>> -> memref<2x128xi32, #tpu.memory_space<hbm>>
    tpu.enqueue_dma source(%dma_start3A_57 : memref<2x128xi32, #tpu.memory_space<hbm>>) target(%arg9 : memref<2x128xi32, #tpu.memory_space<vmem>>) target_semaphore(%arg17 : memref<!tpu.dma_semaphore, #tpu.memory_space<semaphore_mem>>)
    %scan3A = arith.constant 0 : i32
    %scan3A_58 = arith.constant 0 : i32
    %scan3A_59 = arith.constant 20 : i32
    %scan3A_60 = arith.addi %scan3A_58, %scan3A_59 : i32
    %scan3A_61 = arith.constant 1 : i32
    scf.for %scan3A_81 = %scan3A_58 to %scan3A_60 step %scan3A_61  : i32 {
      %mul3A_82 = arith.constant 4 : i32
      %mul3A_83 = arith.muli %scan3A_81, %mul3A_82 : i32
      %add3A_84 = arith.addi %mul3A_2, %mul3A_83 : i32
      %dma_wait3A_85 = arith.constant 0 : i32
      %dma_wait3A_86 = arith.constant 0 : i32
      %dma_wait3A_87 = tpu.memref_slice %arg6[%dma_wait3A_85, %dma_wait3A_86] : memref<2x128xi32, #tpu.memory_space<vmem>> -> memref<1x128xi32, #tpu.memory_space<vmem>>
      %dma_wait3A_88 = tpu.memref_squeeze %dma_wait3A_87 : memref<1x128xi32, #tpu.memory_space<vmem>> -> memref<128xi32, #tpu.memory_space<vmem>>
      %dma_wait3A_89 = arith.constant 0 : i32
      %dma_wait3A_90 = arith.constant 0 : i32
      %dma_wait3A_91 = tpu.memref_slice %arg2[%dma_wait3A_89, %dma_wait3A_90] : memref<10000x128xf32, #tpu.memory_space<hbm>> -> memref<10000x128xf32, #tpu.memory_space<hbm>>
      tpu.wait_indirect_dma semaphore(%arg13 : memref<!tpu.dma_semaphore, #tpu.memory_space<semaphore_mem>>) src(%dma_wait3A_91 : memref<10000x128xf32, #tpu.memory_space<hbm>>) dst(%arg10 : memref<128x128xf32, #tpu.memory_space<vmem>>)
      %dma_start3A_92 = arith.constant 1 : i32
      %dma_start3A_93 = arith.constant 0 : i32
      %dma_start3A_94 = tpu.memref_slice %arg6[%dma_start3A_92, %dma_start3A_93] : memref<2x128xi32, #tpu.memory_space<vmem>> -> memref<1x128xi32, #tpu.memory_space<vmem>>
      %dma_start3A_95 = tpu.memref_squeeze %dma_start3A_94 : memref<1x128xi32, #tpu.memory_space<vmem>> -> memref<128xi32, #tpu.memory_space<vmem>>
      %dma_start3A_96 = arith.constant 0 : i32
      %dma_start3A_97 = arith.constant 0 : i32
      %dma_start3A_98 = tpu.memref_slice %arg12[%dma_start3A_96, %dma_start3A_97] : memref<10240x128xf32, #tpu.memory_space<vmem_shared>> -> memref<10240x128xf32, #tpu.memory_space<vmem_shared>>
      tpu.enqueue_indirect_dma source(%arg10 : memref<128x128xf32, #tpu.memory_space<vmem>>) target(%dma_start3A_98 : memref<10240x128xf32, #tpu.memory_space<vmem_shared>>) offsets(%dma_start3A_95 : memref<128xi32, #tpu.memory_space<vmem>>) semaphore(%arg15 : memref<!tpu.dma_semaphore, #tpu.memory_space<semaphore_mem>>) {add = true}
      %dma_wait3A_99 = arith.constant 0 : i32
      %dma_wait3A_100 = arith.constant 0 : i32
      %dma_wait3A_101 = tpu.memref_slice %arg7[%dma_wait3A_99, %dma_wait3A_100] : memref<2x128xi32, #tpu.memory_space<vmem>> -> memref<1x128xi32, #tpu.memory_space<vmem>>
      %dma_wait3A_102 = tpu.memref_squeeze %dma_wait3A_101 : memref<1x128xi32, #tpu.memory_space<vmem>> -> memref<128xi32, #tpu.memory_space<vmem>>
      %dma_wait3A_103 = arith.constant 0 : i32
      %dma_wait3A_104 = arith.constant 0 : i32
      %dma_wait3A_105 = tpu.memref_slice %arg2[%dma_wait3A_103, %dma_wait3A_104] : memref<10000x128xf32, #tpu.memory_space<hbm>> -> memref<10000x128xf32, #tpu.memory_space<hbm>>
      tpu.wait_indirect_dma semaphore(%arg14 : memref<!tpu.dma_semaphore, #tpu.memory_space<semaphore_mem>>) src(%dma_wait3A_105 : memref<10000x128xf32, #tpu.memory_space<hbm>>) dst(%arg11 : memref<128x128xf32, #tpu.memory_space<vmem>>)
      %dma_start3A_106 = arith.constant 1 : i32
      %dma_start3A_107 = arith.constant 0 : i32
      %dma_start3A_108 = tpu.memref_slice %arg7[%dma_start3A_106, %dma_start3A_107] : memref<2x128xi32, #tpu.memory_space<vmem>> -> memref<1x128xi32, #tpu.memory_space<vmem>>
      %dma_start3A_109 = tpu.memref_squeeze %dma_start3A_108 : memref<1x128xi32, #tpu.memory_space<vmem>> -> memref<128xi32, #tpu.memory_space<vmem>>
      %dma_start3A_110 = arith.constant 0 : i32
      %dma_start3A_111 = arith.constant 0 : i32
      %dma_start3A_112 = tpu.memref_slice %arg12[%dma_start3A_110, %dma_start3A_111] : memref<10240x128xf32, #tpu.memory_space<vmem_shared>> -> memref<10240x128xf32, #tpu.memory_space<vmem_shared>>
      tpu.enqueue_indirect_dma source(%arg11 : memref<128x128xf32, #tpu.memory_space<vmem>>) target(%dma_start3A_112 : memref<10240x128xf32, #tpu.memory_space<vmem_shared>>) offsets(%dma_start3A_109 : memref<128xi32, #tpu.memory_space<vmem>>) semaphore(%arg16 : memref<!tpu.dma_semaphore, #tpu.memory_space<semaphore_mem>>) {add = true}
      %add3A_113 = arith.constant 2 : i32
      %add3A_114 = arith.addi %add3A_84, %add3A_113 : i32
      %dma_wait3A_115 = arith.constant 0 : i32
      %dma_wait3A_116 = arith.constant 0 : i32
      %dma_wait3A_117 = tpu.memref_slice %arg3[%add3A_114, %dma_wait3A_115, %dma_wait3A_116] : memref<2560x2x128xi32, #tpu.memory_space<hbm>> -> memref<1x2x128xi32, #tpu.memory_space<hbm>>
      %dma_wait3A_118 = tpu.memref_squeeze %dma_wait3A_117 : memref<1x2x128xi32, #tpu.memory_space<hbm>> -> memref<2x128xi32, #tpu.memory_space<hbm>>
      %dma_wait3A_119 = arith.constant 0 : i32
      %dma_wait3A_120 = arith.constant 0 : i32
      %dma_wait3A_121 = tpu.memref_slice %arg3[%add3A_114, %dma_wait3A_119, %dma_wait3A_120] : memref<2560x2x128xi32, #tpu.memory_space<hbm>> -> memref<1x2x128xi32, #tpu.memory_space<hbm>>
      %dma_wait3A_122 = tpu.memref_squeeze %dma_wait3A_121 : memref<1x2x128xi32, #tpu.memory_space<hbm>> -> memref<2x128xi32, #tpu.memory_space<hbm>>
      tpu.wait_dma2 semaphore(%arg17 : memref<!tpu.dma_semaphore, #tpu.memory_space<semaphore_mem>>) src(%dma_wait3A_122 : memref<2x128xi32, #tpu.memory_space<hbm>>) dst(%arg8 : memref<2x128xi32, #tpu.memory_space<vmem>>)
      %add3A_123 = arith.constant 3 : i32
      %add3A_124 = arith.addi %add3A_84, %add3A_123 : i32
      %dma_wait3A_125 = arith.constant 0 : i32
      %dma_wait3A_126 = arith.constant 0 : i32
      %dma_wait3A_127 = tpu.memref_slice %arg3[%add3A_124, %dma_wait3A_125, %dma_wait3A_126] : memref<2560x2x128xi32, #tpu.memory_space<hbm>> -> memref<1x2x128xi32, #tpu.memory_space<hbm>>
      %dma_wait3A_128 = tpu.memref_squeeze %dma_wait3A_127 : memref<1x2x128xi32, #tpu.memory_space<hbm>> -> memref<2x128xi32, #tpu.memory_space<hbm>>
      %dma_wait3A_129 = arith.constant 0 : i32
      %dma_wait3A_130 = arith.constant 0 : i32
      %dma_wait3A_131 = tpu.memref_slice %arg3[%add3A_124, %dma_wait3A_129, %dma_wait3A_130] : memref<2560x2x128xi32, #tpu.memory_space<hbm>> -> memref<1x2x128xi32, #tpu.memory_space<hbm>>
      %dma_wait3A_132 = tpu.memref_squeeze %dma_wait3A_131 : memref<1x2x128xi32, #tpu.memory_space<hbm>> -> memref<2x128xi32, #tpu.memory_space<hbm>>
      tpu.wait_dma2 semaphore(%arg17 : memref<!tpu.dma_semaphore, #tpu.memory_space<semaphore_mem>>) src(%dma_wait3A_132 : memref<2x128xi32, #tpu.memory_space<hbm>>) dst(%arg9 : memref<2x128xi32, #tpu.memory_space<vmem>>)
      %dma_wait3A_133 = arith.constant 1 : i32
      %dma_wait3A_134 = arith.constant 0 : i32
      %dma_wait3A_135 = tpu.memref_slice %arg6[%dma_wait3A_133, %dma_wait3A_134] : memref<2x128xi32, #tpu.memory_space<vmem>> -> memref<1x128xi32, #tpu.memory_space<vmem>>
      %dma_wait3A_136 = tpu.memref_squeeze %dma_wait3A_135 : memref<1x128xi32, #tpu.memory_space<vmem>> -> memref<128xi32, #tpu.memory_space<vmem>>
      %dma_wait3A_137 = arith.constant 0 : i32
      %dma_wait3A_138 = arith.constant 0 : i32
      %dma_wait3A_139 = tpu.memref_slice %arg12[%dma_wait3A_137, %dma_wait3A_138] : memref<10240x128xf32, #tpu.memory_space<vmem_shared>> -> memref<10240x128xf32, #tpu.memory_space<vmem_shared>>
      tpu.wait_indirect_dma semaphore(%arg15 : memref<!tpu.dma_semaphore, #tpu.memory_space<semaphore_mem>>) src(%arg10 : memref<128x128xf32, #tpu.memory_space<vmem>>) dst(%dma_wait3A_139 : memref<10240x128xf32, #tpu.memory_space<vmem_shared>>)
      %dma_start3A_140 = arith.constant 0 : i32
      %dma_start3A_141 = arith.constant 0 : i32
      %dma_start3A_142 = tpu.memref_slice %arg8[%dma_start3A_140, %dma_start3A_141] : memref<2x128xi32, #tpu.memory_space<vmem>> -> memref<1x128xi32, #tpu.memory_space<vmem>>
      %dma_start3A_143 = tpu.memref_squeeze %dma_start3A_142 : memref<1x128xi32, #tpu.memory_space<vmem>> -> memref<128xi32, #tpu.memory_space<vmem>>
      %dma_start3A_144 = arith.constant 0 : i32
      %dma_start3A_145 = arith.constant 0 : i32
      %dma_start3A_146 = tpu.memref_slice %arg2[%dma_start3A_144, %dma_start3A_145] : memref<10000x128xf32, #tpu.memory_space<hbm>> -> memref<10000x128xf32, #tpu.memory_space<hbm>>
      tpu.enqueue_indirect_dma source(%dma_start3A_146 : memref<10000x128xf32, #tpu.memory_space<hbm>>) target(%arg10 : memref<128x128xf32, #tpu.memory_space<vmem>>) offsets(%dma_start3A_143 : memref<128xi32, #tpu.memory_space<vmem>>) semaphore(%arg13 : memref<!tpu.dma_semaphore, #tpu.memory_space<semaphore_mem>>)
      %dma_wait3A_147 = arith.constant 1 : i32
      %dma_wait3A_148 = arith.constant 0 : i32
      %dma_wait3A_149 = tpu.memref_slice %arg7[%dma_wait3A_147, %dma_wait3A_148] : memref<2x128xi32, #tpu.memory_space<vmem>> -> memref<1x128xi32, #tpu.memory_space<vmem>>
      %dma_wait3A_150 = tpu.memref_squeeze %dma_wait3A_149 : memref<1x128xi32, #tpu.memory_space<vmem>> -> memref<128xi32, #tpu.memory_space<vmem>>
      %dma_wait3A_151 = arith.constant 0 : i32
      %dma_wait3A_152 = arith.constant 0 : i32
      %dma_wait3A_153 = tpu.memref_slice %arg12[%dma_wait3A_151, %dma_wait3A_152] : memref<10240x128xf32, #tpu.memory_space<vmem_shared>> -> memref<10240x128xf32, #tpu.memory_space<vmem_shared>>
      tpu.wait_indirect_dma semaphore(%arg16 : memref<!tpu.dma_semaphore, #tpu.memory_space<semaphore_mem>>) src(%arg11 : memref<128x128xf32, #tpu.memory_space<vmem>>) dst(%dma_wait3A_153 : memref<10240x128xf32, #tpu.memory_space<vmem_shared>>)
      %dma_start3A_154 = arith.constant 0 : i32
      %dma_start3A_155 = arith.constant 0 : i32
      %dma_start3A_156 = tpu.memref_slice %arg9[%dma_start3A_154, %dma_start3A_155] : memref<2x128xi32, #tpu.memory_space<vmem>> -> memref<1x128xi32, #tpu.memory_space<vmem>>
      %dma_start3A_157 = tpu.memref_squeeze %dma_start3A_156 : memref<1x128xi32, #tpu.memory_space<vmem>> -> memref<128xi32, #tpu.memory_space<vmem>>
      %dma_start3A_158 = arith.constant 0 : i32
      %dma_start3A_159 = arith.constant 0 : i32
      %dma_start3A_160 = tpu.memref_slice %arg2[%dma_start3A_158, %dma_start3A_159] : memref<10000x128xf32, #tpu.memory_space<hbm>> -> memref<10000x128xf32, #tpu.memory_space<hbm>>
      tpu.enqueue_indirect_dma source(%dma_start3A_160 : memref<10000x128xf32, #tpu.memory_space<hbm>>) target(%arg11 : memref<128x128xf32, #tpu.memory_space<vmem>>) offsets(%dma_start3A_157 : memref<128xi32, #tpu.memory_space<vmem>>) semaphore(%arg14 : memref<!tpu.dma_semaphore, #tpu.memory_space<semaphore_mem>>)
      %lt3A = arith.constant 19 : i32
      %lt3A_161 = arith.cmpi slt, %scan3A_81, %lt3A : i32
      %convert_element_type3A = arith.extui %lt3A_161 : i1 to i32
      %cond3A = arith.constant 0 : i32
      %cond3A_162 = arith.cmpi ne, %convert_element_type3A, %cond3A : i32
      scf.if %cond3A_162 {
        %add3A_196 = arith.constant 4 : i32
        %add3A_197 = arith.addi %add3A_84, %add3A_196 : i32
        %dma_start3A_198 = arith.constant 0 : i32
        %dma_start3A_199 = arith.constant 0 : i32
        %dma_start3A_200 = tpu.memref_slice %arg3[%add3A_197, %dma_start3A_198, %dma_start3A_199] : memref<2560x2x128xi32, #tpu.memory_space<hbm>> -> memref<1x2x128xi32, #tpu.memory_space<hbm>>
        %dma_start3A_201 = tpu.memref_squeeze %dma_start3A_200 : memref<1x2x128xi32, #tpu.memory_space<hbm>> -> memref<2x128xi32, #tpu.memory_space<hbm>>
        %dma_start3A_202 = arith.constant 0 : i32
        %dma_start3A_203 = arith.constant 0 : i32
        %dma_start3A_204 = tpu.memref_slice %arg3[%add3A_197, %dma_start3A_202, %dma_start3A_203] : memref<2560x2x128xi32, #tpu.memory_space<hbm>> -> memref<1x2x128xi32, #tpu.memory_space<hbm>>
        %dma_start3A_205 = tpu.memref_squeeze %dma_start3A_204 : memref<1x2x128xi32, #tpu.memory_space<hbm>> -> memref<2x128xi32, #tpu.memory_space<hbm>>
        tpu.enqueue_dma source(%dma_start3A_205 : memref<2x128xi32, #tpu.memory_space<hbm>>) target(%arg6 : memref<2x128xi32, #tpu.memory_space<vmem>>) target_semaphore(%arg17 : memref<!tpu.dma_semaphore, #tpu.memory_space<semaphore_mem>>)
        %add3A_206 = arith.constant 5 : i32
        %add3A_207 = arith.addi %add3A_84, %add3A_206 : i32
        %dma_start3A_208 = arith.constant 0 : i32
        %dma_start3A_209 = arith.constant 0 : i32
        %dma_start3A_210 = tpu.memref_slice %arg3[%add3A_207, %dma_start3A_208, %dma_start3A_209] : memref<2560x2x128xi32, #tpu.memory_space<hbm>> -> memref<1x2x128xi32, #tpu.memory_space<hbm>>
        %dma_start3A_211 = tpu.memref_squeeze %dma_start3A_210 : memref<1x2x128xi32, #tpu.memory_space<hbm>> -> memref<2x128xi32, #tpu.memory_space<hbm>>
        %dma_start3A_212 = arith.constant 0 : i32
        %dma_start3A_213 = arith.constant 0 : i32
        %dma_start3A_214 = tpu.memref_slice %arg3[%add3A_207, %dma_start3A_212, %dma_start3A_213] : memref<2560x2x128xi32, #tpu.memory_space<hbm>> -> memref<1x2x128xi32, #tpu.memory_space<hbm>>
        %dma_start3A_215 = tpu.memref_squeeze %dma_start3A_214 : memref<1x2x128xi32, #tpu.memory_space<hbm>> -> memref<2x128xi32, #tpu.memory_space<hbm>>
        tpu.enqueue_dma source(%dma_start3A_215 : memref<2x128xi32, #tpu.memory_space<hbm>>) target(%arg7 : memref<2x128xi32, #tpu.memory_space<vmem>>) target_semaphore(%arg17 : memref<!tpu.dma_semaphore, #tpu.memory_space<semaphore_mem>>)
      } else {
      }
      %dma_wait3A_163 = arith.constant 0 : i32
      %dma_wait3A_164 = arith.constant 0 : i32
      %dma_wait3A_165 = tpu.memref_slice %arg8[%dma_wait3A_163, %dma_wait3A_164] : memref<2x128xi32, #tpu.memory_space<vmem>> -> memref<1x128xi32, #tpu.memory_space<vmem>>
      %dma_wait3A_166 = tpu.memref_squeeze %dma_wait3A_165 : memref<1x128xi32, #tpu.memory_space<vmem>> -> memref<128xi32, #tpu.memory_space<vmem>>
      %dma_wait3A_167 = arith.constant 0 : i32
      %dma_wait3A_168 = arith.constant 0 : i32
      %dma_wait3A_169 = tpu.memref_slice %arg2[%dma_wait3A_167, %dma_wait3A_168] : memref<10000x128xf32, #tpu.memory_space<hbm>> -> memref<10000x128xf32, #tpu.memory_space<hbm>>
      tpu.wait_indirect_dma semaphore(%arg13 : memref<!tpu.dma_semaphore, #tpu.memory_space<semaphore_mem>>) src(%dma_wait3A_169 : memref<10000x128xf32, #tpu.memory_space<hbm>>) dst(%arg10 : memref<128x128xf32, #tpu.memory_space<vmem>>)
      %dma_start3A_170 = arith.constant 1 : i32
      %dma_start3A_171 = arith.constant 0 : i32
      %dma_start3A_172 = tpu.memref_slice %arg8[%dma_start3A_170, %dma_start3A_171] : memref<2x128xi32, #tpu.memory_space<vmem>> -> memref<1x128xi32, #tpu.memory_space<vmem>>
      %dma_start3A_173 = tpu.memref_squeeze %dma_start3A_172 : memref<1x128xi32, #tpu.memory_space<vmem>> -> memref<128xi32, #tpu.memory_space<vmem>>
      %dma_start3A_174 = arith.constant 0 : i32
      %dma_start3A_175 = arith.constant 0 : i32
      %dma_start3A_176 = tpu.memref_slice %arg12[%dma_start3A_174, %dma_start3A_175] : memref<10240x128xf32, #tpu.memory_space<vmem_shared>> -> memref<10240x128xf32, #tpu.memory_space<vmem_shared>>
      tpu.enqueue_indirect_dma source(%arg10 : memref<128x128xf32, #tpu.memory_space<vmem>>) target(%dma_start3A_176 : memref<10240x128xf32, #tpu.memory_space<vmem_shared>>) offsets(%dma_start3A_173 : memref<128xi32, #tpu.memory_space<vmem>>) semaphore(%arg15 : memref<!tpu.dma_semaphore, #tpu.memory_space<semaphore_mem>>) {add = true}
      %dma_wait3A_177 = arith.constant 0 : i32
      %dma_wait3A_178 = arith.constant 0 : i32
      %dma_wait3A_179 = tpu.memref_slice %arg9[%dma_wait3A_177, %dma_wait3A_178] : memref<2x128xi32, #tpu.memory_space<vmem>> -> memref<1x128xi32, #tpu.memory_space<vmem>>
      %dma_wait3A_180 = tpu.memref_squeeze %dma_wait3A_179 : memref<1x128xi32, #tpu.memory_space<vmem>> -> memref<128xi32, #tpu.memory_space<vmem>>
      %dma_wait3A_181 = arith.constant 0 : i32
      %dma_wait3A_182 = arith.constant 0 : i32
      %dma_wait3A_183 = tpu.memref_slice %arg2[%dma_wait3A_181, %dma_wait3A_182] : memref<10000x128xf32, #tpu.memory_space<hbm>> -> memref<10000x128xf32, #tpu.memory_space<hbm>>
      tpu.wait_indirect_dma semaphore(%arg14 : memref<!tpu.dma_semaphore, #tpu.memory_space<semaphore_mem>>) src(%dma_wait3A_183 : memref<10000x128xf32, #tpu.memory_space<hbm>>) dst(%arg11 : memref<128x128xf32, #tpu.memory_space<vmem>>)
      %dma_start3A_184 = arith.constant 1 : i32
      %dma_start3A_185 = arith.constant 0 : i32
      %dma_start3A_186 = tpu.memref_slice %arg9[%dma_start3A_184, %dma_start3A_185] : memref<2x128xi32, #tpu.memory_space<vmem>> -> memref<1x128xi32, #tpu.memory_space<vmem>>
      %dma_start3A_187 = tpu.memref_squeeze %dma_start3A_186 : memref<1x128xi32, #tpu.memory_space<vmem>> -> memref<128xi32, #tpu.memory_space<vmem>>
      %dma_start3A_188 = arith.constant 0 : i32
      %dma_start3A_189 = arith.constant 0 : i32
      %dma_start3A_190 = tpu.memref_slice %arg12[%dma_start3A_188, %dma_start3A_189] : memref<10240x128xf32, #tpu.memory_space<vmem_shared>> -> memref<10240x128xf32, #tpu.memory_space<vmem_shared>>
      tpu.enqueue_indirect_dma source(%arg11 : memref<128x128xf32, #tpu.memory_space<vmem>>) target(%dma_start3A_190 : memref<10240x128xf32, #tpu.memory_space<vmem_shared>>) offsets(%dma_start3A_187 : memref<128xi32, #tpu.memory_space<vmem>>) semaphore(%arg16 : memref<!tpu.dma_semaphore, #tpu.memory_space<semaphore_mem>>) {add = true}
      %lt3A_191 = arith.constant 19 : i32
      %lt3A_192 = arith.cmpi slt, %scan3A_81, %lt3A_191 : i32
      %convert_element_type3A_193 = arith.extui %lt3A_192 : i1 to i32
      %cond3A_194 = arith.constant 0 : i32
      %cond3A_195 = arith.cmpi ne, %convert_element_type3A_193, %cond3A_194 : i32
      scf.if %cond3A_195 {
        %add3A_196 = arith.constant 4 : i32
        %add3A_197 = arith.addi %add3A_84, %add3A_196 : i32
        %dma_wait3A_198 = arith.constant 0 : i32
        %dma_wait3A_199 = arith.constant 0 : i32
        %dma_wait3A_200 = tpu.memref_slice %arg3[%add3A_197, %dma_wait3A_198, %dma_wait3A_199] : memref<2560x2x128xi32, #tpu.memory_space<hbm>> -> memref<1x2x128xi32, #tpu.memory_space<hbm>>
        %dma_wait3A_201 = tpu.memref_squeeze %dma_wait3A_200 : memref<1x2x128xi32, #tpu.memory_space<hbm>> -> memref<2x128xi32, #tpu.memory_space<hbm>>
        %dma_wait3A_202 = arith.constant 0 : i32
        %dma_wait3A_203 = arith.constant 0 : i32
        %dma_wait3A_204 = tpu.memref_slice %arg3[%add3A_197, %dma_wait3A_202, %dma_wait3A_203] : memref<2560x2x128xi32, #tpu.memory_space<hbm>> -> memref<1x2x128xi32, #tpu.memory_space<hbm>>
        %dma_wait3A_205 = tpu.memref_squeeze %dma_wait3A_204 : memref<1x2x128xi32, #tpu.memory_space<hbm>> -> memref<2x128xi32, #tpu.memory_space<hbm>>
        tpu.wait_dma2 semaphore(%arg17 : memref<!tpu.dma_semaphore, #tpu.memory_space<semaphore_mem>>) src(%dma_wait3A_205 : memref<2x128xi32, #tpu.memory_space<hbm>>) dst(%arg6 : memref<2x128xi32, #tpu.memory_space<vmem>>)
        %add3A_206 = arith.constant 5 : i32
        %add3A_207 = arith.addi %add3A_84, %add3A_206 : i32
        %dma_wait3A_208 = arith.constant 0 : i32
        %dma_wait3A_209 = arith.constant 0 : i32
        %dma_wait3A_210 = tpu.memref_slice %arg3[%add3A_207, %dma_wait3A_208, %dma_wait3A_209] : memref<2560x2x128xi32, #tpu.memory_space<hbm>> -> memref<1x2x128xi32, #tpu.memory_space<hbm>>
        %dma_wait3A_211 = tpu.memref_squeeze %dma_wait3A_210 : memref<1x2x128xi32, #tpu.memory_space<hbm>> -> memref<2x128xi32, #tpu.memory_space<hbm>>
        %dma_wait3A_212 = arith.constant 0 : i32
        %dma_wait3A_213 = arith.constant 0 : i32
        %dma_wait3A_214 = tpu.memref_slice %arg3[%add3A_207, %dma_wait3A_212, %dma_wait3A_213] : memref<2560x2x128xi32, #tpu.memory_space<hbm>> -> memref<1x2x128xi32, #tpu.memory_space<hbm>>
        %dma_wait3A_215 = tpu.memref_squeeze %dma_wait3A_214 : memref<1x2x128xi32, #tpu.memory_space<hbm>> -> memref<2x128xi32, #tpu.memory_space<hbm>>
        tpu.wait_dma2 semaphore(%arg17 : memref<!tpu.dma_semaphore, #tpu.memory_space<semaphore_mem>>) src(%dma_wait3A_215 : memref<2x128xi32, #tpu.memory_space<hbm>>) dst(%arg7 : memref<2x128xi32, #tpu.memory_space<vmem>>)
        %dma_wait3A_216 = arith.constant 1 : i32
        %dma_wait3A_217 = arith.constant 0 : i32
        %dma_wait3A_218 = tpu.memref_slice %arg8[%dma_wait3A_216, %dma_wait3A_217] : memref<2x128xi32, #tpu.memory_space<vmem>> -> memref<1x128xi32, #tpu.memory_space<vmem>>
        %dma_wait3A_219 = tpu.memref_squeeze %dma_wait3A_218 : memref<1x128xi32, #tpu.memory_space<vmem>> -> memref<128xi32, #tpu.memory_space<vmem>>
        %dma_wait3A_220 = arith.constant 0 : i32
        %dma_wait3A_221 = arith.constant 0 : i32
        %dma_wait3A_222 = tpu.memref_slice %arg12[%dma_wait3A_220, %dma_wait3A_221] : memref<10240x128xf32, #tpu.memory_space<vmem_shared>> -> memref<10240x128xf32, #tpu.memory_space<vmem_shared>>
        tpu.wait_indirect_dma semaphore(%arg15 : memref<!tpu.dma_semaphore, #tpu.memory_space<semaphore_mem>>) src(%arg10 : memref<128x128xf32, #tpu.memory_space<vmem>>) dst(%dma_wait3A_222 : memref<10240x128xf32, #tpu.memory_space<vmem_shared>>)
        %dma_start3A_223 = arith.constant 0 : i32
        %dma_start3A_224 = arith.constant 0 : i32
        %dma_start3A_225 = tpu.memref_slice %arg6[%dma_start3A_223, %dma_start3A_224] : memref<2x128xi32, #tpu.memory_space<vmem>> -> memref<1x128xi32, #tpu.memory_space<vmem>>
        %dma_start3A_226 = tpu.memref_squeeze %dma_start3A_225 : memref<1x128xi32, #tpu.memory_space<vmem>> -> memref<128xi32, #tpu.memory_space<vmem>>
        %dma_start3A_227 = arith.constant 0 : i32
        %dma_start3A_228 = arith.constant 0 : i32
        %dma_start3A_229 = tpu.memref_slice %arg2[%dma_start3A_227, %dma_start3A_228] : memref<10000x128xf32, #tpu.memory_space<hbm>> -> memref<10000x128xf32, #tpu.memory_space<hbm>>
        tpu.enqueue_indirect_dma source(%dma_start3A_229 : memref<10000x128xf32, #tpu.memory_space<hbm>>) target(%arg10 : memref<128x128xf32, #tpu.memory_space<vmem>>) offsets(%dma_start3A_226 : memref<128xi32, #tpu.memory_space<vmem>>) semaphore(%arg13 : memref<!tpu.dma_semaphore, #tpu.memory_space<semaphore_mem>>)
        %dma_wait3A_230 = arith.constant 1 : i32
        %dma_wait3A_231 = arith.constant 0 : i32
        %dma_wait3A_232 = tpu.memref_slice %arg9[%dma_wait3A_230, %dma_wait3A_231] : memref<2x128xi32, #tpu.memory_space<vmem>> -> memref<1x128xi32, #tpu.memory_space<vmem>>
        %dma_wait3A_233 = tpu.memref_squeeze %dma_wait3A_232 : memref<1x128xi32, #tpu.memory_space<vmem>> -> memref<128xi32, #tpu.memory_space<vmem>>
        %dma_wait3A_234 = arith.constant 0 : i32
        %dma_wait3A_235 = arith.constant 0 : i32
        %dma_wait3A_236 = tpu.memref_slice %arg12[%dma_wait3A_234, %dma_wait3A_235] : memref<10240x128xf32, #tpu.memory_space<vmem_shared>> -> memref<10240x128xf32, #tpu.memory_space<vmem_shared>>
        tpu.wait_indirect_dma semaphore(%arg16 : memref<!tpu.dma_semaphore, #tpu.memory_space<semaphore_mem>>) src(%arg11 : memref<128x128xf32, #tpu.memory_space<vmem>>) dst(%dma_wait3A_236 : memref<10240x128xf32, #tpu.memory_space<vmem_shared>>)
        %dma_start3A_237 = arith.constant 0 : i32
        %dma_start3A_238 = arith.constant 0 : i32
        %dma_start3A_239 = tpu.memref_slice %arg7[%dma_start3A_237, %dma_start3A_238] : memref<2x128xi32, #tpu.memory_space<vmem>> -> memref<1x128xi32, #tpu.memory_space<vmem>>
        %dma_start3A_240 = tpu.memref_squeeze %dma_start3A_239 : memref<1x128xi32, #tpu.memory_space<vmem>> -> memref<128xi32, #tpu.memory_space<vmem>>
        %dma_start3A_241 = arith.constant 0 : i32
        %dma_start3A_242 = arith.constant 0 : i32
        %dma_start3A_243 = tpu.memref_slice %arg2[%dma_start3A_241, %dma_start3A_242] : memref<10000x128xf32, #tpu.memory_space<hbm>> -> memref<10000x128xf32, #tpu.memory_space<hbm>>
        tpu.enqueue_indirect_dma source(%dma_start3A_243 : memref<10000x128xf32, #tpu.memory_space<hbm>>) target(%arg11 : memref<128x128xf32, #tpu.memory_space<vmem>>) offsets(%dma_start3A_240 : memref<128xi32, #tpu.memory_space<vmem>>) semaphore(%arg14 : memref<!tpu.dma_semaphore, #tpu.memory_space<semaphore_mem>>)
        %add3A_244 = arith.constant 6 : i32
        %add3A_245 = arith.addi %add3A_84, %add3A_244 : i32
        %dma_start3A_246 = arith.constant 0 : i32
        %dma_start3A_247 = arith.constant 0 : i32
        %dma_start3A_248 = tpu.memref_slice %arg3[%add3A_245, %dma_start3A_246, %dma_start3A_247] : memref<2560x2x128xi32, #tpu.memory_space<hbm>> -> memref<1x2x128xi32, #tpu.memory_space<hbm>>
        %dma_start3A_249 = tpu.memref_squeeze %dma_start3A_248 : memref<1x2x128xi32, #tpu.memory_space<hbm>> -> memref<2x128xi32, #tpu.memory_space<hbm>>
        %dma_start3A_250 = arith.constant 0 : i32
        %dma_start3A_251 = arith.constant 0 : i32
        %dma_start3A_252 = tpu.memref_slice %arg3[%add3A_245, %dma_start3A_250, %dma_start3A_251] : memref<2560x2x128xi32, #tpu.memory_space<hbm>> -> memref<1x2x128xi32, #tpu.memory_space<hbm>>
        %dma_start3A_253 = tpu.memref_squeeze %dma_start3A_252 : memref<1x2x128xi32, #tpu.memory_space<hbm>> -> memref<2x128xi32, #tpu.memory_space<hbm>>
        tpu.enqueue_dma source(%dma_start3A_253 : memref<2x128xi32, #tpu.memory_space<hbm>>) target(%arg8 : memref<2x128xi32, #tpu.memory_space<vmem>>) target_semaphore(%arg17 : memref<!tpu.dma_semaphore, #tpu.memory_space<semaphore_mem>>)
        %add3A_254 = arith.constant 7 : i32
        %add3A_255 = arith.addi %add3A_84, %add3A_254 : i32
        %dma_start3A_256 = arith.constant 0 : i32
        %dma_start3A_257 = arith.constant 0 : i32
        %dma_start3A_258 = tpu.memref_slice %arg3[%add3A_255, %dma_start3A_256, %dma_start3A_257] : memref<2560x2x128xi32, #tpu.memory_space<hbm>> -> memref<1x2x128xi32, #tpu.memory_space<hbm>>
        %dma_start3A_259 = tpu.memref_squeeze %dma_start3A_258 : memref<1x2x128xi32, #tpu.memory_space<hbm>> -> memref<2x128xi32, #tpu.memory_space<hbm>>
        %dma_start3A_260 = arith.constant 0 : i32
        %dma_start3A_261 = arith.constant 0 : i32
        %dma_start3A_262 = tpu.memref_slice %arg3[%add3A_255, %dma_start3A_260, %dma_start3A_261] : memref<2560x2x128xi32, #tpu.memory_space<hbm>> -> memref<1x2x128xi32, #tpu.memory_space<hbm>>
        %dma_start3A_263 = tpu.memref_squeeze %dma_start3A_262 : memref<1x2x128xi32, #tpu.memory_space<hbm>> -> memref<2x128xi32, #tpu.memory_space<hbm>>
        tpu.enqueue_dma source(%dma_start3A_263 : memref<2x128xi32, #tpu.memory_space<hbm>>) target(%arg9 : memref<2x128xi32, #tpu.memory_space<vmem>>) target_semaphore(%arg17 : memref<!tpu.dma_semaphore, #tpu.memory_space<semaphore_mem>>)
      } else {
      }
    }
    %scan3A_62 = arith.constant 20 : i32
    %dma_wait3A = arith.constant 1 : i32
    %dma_wait3A_63 = arith.constant 0 : i32
    %dma_wait3A_64 = tpu.memref_slice %arg8[%dma_wait3A, %dma_wait3A_63] : memref<2x128xi32, #tpu.memory_space<vmem>> -> memref<1x128xi32, #tpu.memory_space<vmem>>
    %dma_wait3A_65 = tpu.memref_squeeze %dma_wait3A_64 : memref<1x128xi32, #tpu.memory_space<vmem>> -> memref<128xi32, #tpu.memory_space<vmem>>
    %dma_wait3A_66 = arith.constant 0 : i32
    %dma_wait3A_67 = arith.constant 0 : i32
    %dma_wait3A_68 = tpu.memref_slice %arg12[%dma_wait3A_66, %dma_wait3A_67] : memref<10240x128xf32, #tpu.memory_space<vmem_shared>> -> memref<10240x128xf32, #tpu.memory_space<vmem_shared>>
    tpu.wait_indirect_dma semaphore(%arg15 : memref<!tpu.dma_semaphore, #tpu.memory_space<semaphore_mem>>) src(%arg10 : memref<128x128xf32, #tpu.memory_space<vmem>>) dst(%dma_wait3A_68 : memref<10240x128xf32, #tpu.memory_space<vmem_shared>>)
    %dma_wait3A_69 = arith.constant 1 : i32
    %dma_wait3A_70 = arith.constant 0 : i32
    %dma_wait3A_71 = tpu.memref_slice %arg9[%dma_wait3A_69, %dma_wait3A_70] : memref<2x128xi32, #tpu.memory_space<vmem>> -> memref<1x128xi32, #tpu.memory_space<vmem>>
    %dma_wait3A_72 = tpu.memref_squeeze %dma_wait3A_71 : memref<1x128xi32, #tpu.memory_space<vmem>> -> memref<128xi32, #tpu.memory_space<vmem>>
    %dma_wait3A_73 = arith.constant 0 : i32
    %dma_wait3A_74 = arith.constant 0 : i32
    %dma_wait3A_75 = tpu.memref_slice %arg12[%dma_wait3A_73, %dma_wait3A_74] : memref<10240x128xf32, #tpu.memory_space<vmem_shared>> -> memref<10240x128xf32, #tpu.memory_space<vmem_shared>>
    tpu.wait_indirect_dma semaphore(%arg16 : memref<!tpu.dma_semaphore, #tpu.memory_space<semaphore_mem>>) src(%arg11 : memref<128x128xf32, #tpu.memory_space<vmem>>) dst(%dma_wait3A_75 : memref<10240x128xf32, #tpu.memory_space<vmem_shared>>)
    %barrier3A_76 = arith.constant 0 : index
    tpu.barrier barrier_id(%barrier3A_76)
    %mul3A_77 = arith.constant 640 : i32
    %mul3A_78 = arith.muli %arg1, %mul3A_77 : i32
    %mul3A_79 = arith.constant 640 : i32
    %mul3A_80 = arith.muli %arg1, %mul3A_79 : i32
    "tpu.region"() ({
      %run_scoped3A = tpu.sem_alloc : memref<!tpu.dma_semaphore, #tpu.memory_space<semaphore_mem>>
      %dma_start3A_81 = arith.constant 0 : i32
      %dma_start3A_82 = tpu.memref_slice %arg5[%arg0, %mul3A_80, %dma_start3A_81] : memref<2x10240x128xf32, #tpu.memory_space<hbm>> -> memref<1x640x128xf32, #tpu.memory_space<hbm>>
      %dma_start3A_83 = tpu.memref_squeeze %dma_start3A_82 : memref<1x640x128xf32, #tpu.memory_space<hbm>> -> memref<640x128xf32, #tpu.memory_space<hbm>>
      %dma_start3A_84 = arith.constant 0 : i32
      %dma_start3A_85 = tpu.memref_slice %arg12[%mul3A_78, %dma_start3A_84] : memref<10240x128xf32, #tpu.memory_space<vmem_shared>> -> memref<640x128xf32, #tpu.memory_space<vmem_shared>>
      tpu.enqueue_dma source(%dma_start3A_85 : memref<640x128xf32, #tpu.memory_space<vmem_shared>>) target(%dma_start3A_83 : memref<640x128xf32, #tpu.memory_space<hbm>>) target_semaphore(%run_scoped3A : memref<!tpu.dma_semaphore, #tpu.memory_space<semaphore_mem>>)
      %dma_wait3A_86 = arith.constant 0 : i32
      %dma_wait3A_87 = tpu.memref_slice %arg5[%arg0, %mul3A_80, %dma_wait3A_86] : memref<2x10240x128xf32, #tpu.memory_space<hbm>> -> memref<1x640x128xf32, #tpu.memory_space<hbm>>
      %dma_wait3A_88 = tpu.memref_squeeze %dma_wait3A_87 : memref<1x640x128xf32, #tpu.memory_space<hbm>> -> memref<640x128xf32, #tpu.memory_space<hbm>>
      %dma_wait3A_89 = arith.constant 0 : i32
      %dma_wait3A_90 = tpu.memref_slice %arg12[%mul3A_78, %dma_wait3A_89] : memref<10240x128xf32, #tpu.memory_space<vmem_shared>> -> memref<640x128xf32, #tpu.memory_space<vmem_shared>>
      tpu.wait_dma2 semaphore(%run_scoped3A : memref<!tpu.dma_semaphore, #tpu.memory_space<semaphore_mem>>) src(%dma_wait3A_90 : memref<640x128xf32, #tpu.memory_space<vmem_shared>>) dst(%dma_wait3A_88 : memref<640x128xf32, #tpu.memory_space<hbm>>)
      tpu.yield
    }) : () -> ()
    return
  }
}

#map = affine_map<(d0, d1) -> (0, 0)>
#map1 = affine_map<(d0, d1) -> (0, 0, 0)>
module attributes {stable_mosaic.version = 14 : i64} {
  func.func @_sc_edge(%arg0: i32, %arg1: i32, %arg2: memref<10000x128xf32, #tpu.memory_space<hbm>>, %arg3: memref<2560x2x128xi32, #tpu.memory_space<hbm>>, %arg4: memref<128x128xf32, #tpu.memory_space<hbm>>, %arg5: memref<2x10240x128xf32, #tpu.memory_space<hbm>>, %arg6: memref<2x128xi32, #tpu.memory_space<vmem>>, %arg7: memref<2x128xi32, #tpu.memory_space<vmem>>, %arg8: memref<2x128xi32, #tpu.memory_space<vmem>>, %arg9: memref<2x128xi32, #tpu.memory_space<vmem>>, %arg10: memref<128x128xf32, #tpu.memory_space<vmem>>, %arg11: memref<128x128xf32, #tpu.memory_space<vmem>>, %arg12: memref<10240x128xf32, #tpu.memory_space<vmem_shared>>, %arg13: memref<!tpu.dma_semaphore, #tpu.memory_space<semaphore_mem>>, %arg14: memref<!tpu.dma_semaphore, #tpu.memory_space<semaphore_mem>>, %arg15: memref<!tpu.dma_semaphore, #tpu.memory_space<semaphore_mem>>, %arg16: memref<!tpu.dma_semaphore, #tpu.memory_space<semaphore_mem>>, %arg17: memref<!tpu.dma_semaphore, #tpu.memory_space<semaphore_mem>>) attributes {dimension_semantics = [#tpu.dimension_semantics<core_parallel>, #tpu.dimension_semantics<subcore_parallel>], iteration_bounds = array<i64: 2, 16>, scalar_prefetch = 0 : i64, scratch_operands = 12 : i64, tpu.core_type = #tpu.core_type<sc_vector_subcore>, window_params = [{transform_indices = #map}, {transform_indices = #map1}, {transform_indices = #map}, {transform_indices = #map1}]} {
    %mul3A = arith.constant 16 : i32
    %mul3A_0 = arith.muli %arg0, %mul3A : i32
    %add3A = arith.addi %mul3A_0, %arg1 : i32
    %mul3A_1 = arith.constant 80 : i32
    %mul3A_2 = arith.muli %add3A, %mul3A_1 : i32
    "tpu.region"() ({
      %run_scoped3A = tpu.sem_alloc : memref<!tpu.dma_semaphore, #tpu.memory_space<semaphore_mem>>
      tpu.enqueue_dma source(%arg4 : memref<128x128xf32, #tpu.memory_space<hbm>>) target(%arg10 : memref<128x128xf32, #tpu.memory_space<vmem>>) target_semaphore(%run_scoped3A : memref<!tpu.dma_semaphore, #tpu.memory_space<semaphore_mem>>)
      tpu.wait_dma2 semaphore(%run_scoped3A : memref<!tpu.dma_semaphore, #tpu.memory_space<semaphore_mem>>) src(%arg4 : memref<128x128xf32, #tpu.memory_space<hbm>>) dst(%arg10 : memref<128x128xf32, #tpu.memory_space<vmem>>)
      tpu.yield
    }) : () -> ()
    %mul3A_3 = arith.constant 640 : i32
    %mul3A_4 = arith.muli %arg1, %mul3A_3 : i32
    %add3A_5 = arith.constant 0 : i32
    %add3A_6 = arith.addi %mul3A_4, %add3A_5 : i32
    "tpu.region"() ({
      %run_scoped3A = tpu.sem_alloc : memref<!tpu.dma_semaphore, #tpu.memory_space<semaphore_mem>>
      %dma_start3A_81 = arith.constant 0 : i32
      %dma_start3A_82 = tpu.memref_slice %arg12[%add3A_6, %dma_start3A_81] : memref<10240x128xf32, #tpu.memory_space<vmem_shared>> -> memref<128x128xf32, #tpu.memory_space<vmem_shared>>
      %dma_start3A_83 = arith.constant 0 : i32
      %dma_start3A_84 = tpu.memref_slice %arg12[%add3A_6, %dma_start3A_83] : memref<10240x128xf32, #tpu.memory_space<vmem_shared>> -> memref<128x128xf32, #tpu.memory_space<vmem_shared>>
      tpu.enqueue_dma source(%arg10 : memref<128x128xf32, #tpu.memory_space<vmem>>) target(%dma_start3A_84 : memref<128x128xf32, #tpu.memory_space<vmem_shared>>) target_semaphore(%run_scoped3A : memref<!tpu.dma_semaphore, #tpu.memory_space<semaphore_mem>>)
      %dma_wait3A_85 = arith.constant 0 : i32
      %dma_wait3A_86 = tpu.memref_slice %arg12[%add3A_6, %dma_wait3A_85] : memref<10240x128xf32, #tpu.memory_space<vmem_shared>> -> memref<128x128xf32, #tpu.memory_space<vmem_shared>>
      %dma_wait3A_87 = arith.constant 0 : i32
      %dma_wait3A_88 = tpu.memref_slice %arg12[%add3A_6, %dma_wait3A_87] : memref<10240x128xf32, #tpu.memory_space<vmem_shared>> -> memref<128x128xf32, #tpu.memory_space<vmem_shared>>
      tpu.wait_dma2 semaphore(%run_scoped3A : memref<!tpu.dma_semaphore, #tpu.memory_space<semaphore_mem>>) src(%arg10 : memref<128x128xf32, #tpu.memory_space<vmem>>) dst(%dma_wait3A_88 : memref<128x128xf32, #tpu.memory_space<vmem_shared>>)
      tpu.yield
    }) : () -> ()
    %mul3A_7 = arith.constant 640 : i32
    %mul3A_8 = arith.muli %arg1, %mul3A_7 : i32
    %add3A_9 = arith.constant 128 : i32
    %add3A_10 = arith.addi %mul3A_8, %add3A_9 : i32
    "tpu.region"() ({
      %run_scoped3A = tpu.sem_alloc : memref<!tpu.dma_semaphore, #tpu.memory_space<semaphore_mem>>
      %dma_start3A_81 = arith.constant 0 : i32
      %dma_start3A_82 = tpu.memref_slice %arg12[%add3A_10, %dma_start3A_81] : memref<10240x128xf32, #tpu.memory_space<vmem_shared>> -> memref<128x128xf32, #tpu.memory_space<vmem_shared>>
      %dma_start3A_83 = arith.constant 0 : i32
      %dma_start3A_84 = tpu.memref_slice %arg12[%add3A_10, %dma_start3A_83] : memref<10240x128xf32, #tpu.memory_space<vmem_shared>> -> memref<128x128xf32, #tpu.memory_space<vmem_shared>>
      tpu.enqueue_dma source(%arg10 : memref<128x128xf32, #tpu.memory_space<vmem>>) target(%dma_start3A_84 : memref<128x128xf32, #tpu.memory_space<vmem_shared>>) target_semaphore(%run_scoped3A : memref<!tpu.dma_semaphore, #tpu.memory_space<semaphore_mem>>)
      %dma_wait3A_85 = arith.constant 0 : i32
      %dma_wait3A_86 = tpu.memref_slice %arg12[%add3A_10, %dma_wait3A_85] : memref<10240x128xf32, #tpu.memory_space<vmem_shared>> -> memref<128x128xf32, #tpu.memory_space<vmem_shared>>
      %dma_wait3A_87 = arith.constant 0 : i32
      %dma_wait3A_88 = tpu.memref_slice %arg12[%add3A_10, %dma_wait3A_87] : memref<10240x128xf32, #tpu.memory_space<vmem_shared>> -> memref<128x128xf32, #tpu.memory_space<vmem_shared>>
      tpu.wait_dma2 semaphore(%run_scoped3A : memref<!tpu.dma_semaphore, #tpu.memory_space<semaphore_mem>>) src(%arg10 : memref<128x128xf32, #tpu.memory_space<vmem>>) dst(%dma_wait3A_88 : memref<128x128xf32, #tpu.memory_space<vmem_shared>>)
      tpu.yield
    }) : () -> ()
    %mul3A_11 = arith.constant 640 : i32
    %mul3A_12 = arith.muli %arg1, %mul3A_11 : i32
    %add3A_13 = arith.constant 256 : i32
    %add3A_14 = arith.addi %mul3A_12, %add3A_13 : i32
    "tpu.region"() ({
      %run_scoped3A = tpu.sem_alloc : memref<!tpu.dma_semaphore, #tpu.memory_space<semaphore_mem>>
      %dma_start3A_81 = arith.constant 0 : i32
      %dma_start3A_82 = tpu.memref_slice %arg12[%add3A_14, %dma_start3A_81] : memref<10240x128xf32, #tpu.memory_space<vmem_shared>> -> memref<128x128xf32, #tpu.memory_space<vmem_shared>>
      %dma_start3A_83 = arith.constant 0 : i32
      %dma_start3A_84 = tpu.memref_slice %arg12[%add3A_14, %dma_start3A_83] : memref<10240x128xf32, #tpu.memory_space<vmem_shared>> -> memref<128x128xf32, #tpu.memory_space<vmem_shared>>
      tpu.enqueue_dma source(%arg10 : memref<128x128xf32, #tpu.memory_space<vmem>>) target(%dma_start3A_84 : memref<128x128xf32, #tpu.memory_space<vmem_shared>>) target_semaphore(%run_scoped3A : memref<!tpu.dma_semaphore, #tpu.memory_space<semaphore_mem>>)
      %dma_wait3A_85 = arith.constant 0 : i32
      %dma_wait3A_86 = tpu.memref_slice %arg12[%add3A_14, %dma_wait3A_85] : memref<10240x128xf32, #tpu.memory_space<vmem_shared>> -> memref<128x128xf32, #tpu.memory_space<vmem_shared>>
      %dma_wait3A_87 = arith.constant 0 : i32
      %dma_wait3A_88 = tpu.memref_slice %arg12[%add3A_14, %dma_wait3A_87] : memref<10240x128xf32, #tpu.memory_space<vmem_shared>> -> memref<128x128xf32, #tpu.memory_space<vmem_shared>>
      tpu.wait_dma2 semaphore(%run_scoped3A : memref<!tpu.dma_semaphore, #tpu.memory_space<semaphore_mem>>) src(%arg10 : memref<128x128xf32, #tpu.memory_space<vmem>>) dst(%dma_wait3A_88 : memref<128x128xf32, #tpu.memory_space<vmem_shared>>)
      tpu.yield
    }) : () -> ()
    %mul3A_15 = arith.constant 640 : i32
    %mul3A_16 = arith.muli %arg1, %mul3A_15 : i32
    %add3A_17 = arith.constant 384 : i32
    %add3A_18 = arith.addi %mul3A_16, %add3A_17 : i32
    "tpu.region"() ({
      %run_scoped3A = tpu.sem_alloc : memref<!tpu.dma_semaphore, #tpu.memory_space<semaphore_mem>>
      %dma_start3A_81 = arith.constant 0 : i32
      %dma_start3A_82 = tpu.memref_slice %arg12[%add3A_18, %dma_start3A_81] : memref<10240x128xf32, #tpu.memory_space<vmem_shared>> -> memref<128x128xf32, #tpu.memory_space<vmem_shared>>
      %dma_start3A_83 = arith.constant 0 : i32
      %dma_start3A_84 = tpu.memref_slice %arg12[%add3A_18, %dma_start3A_83] : memref<10240x128xf32, #tpu.memory_space<vmem_shared>> -> memref<128x128xf32, #tpu.memory_space<vmem_shared>>
      tpu.enqueue_dma source(%arg10 : memref<128x128xf32, #tpu.memory_space<vmem>>) target(%dma_start3A_84 : memref<128x128xf32, #tpu.memory_space<vmem_shared>>) target_semaphore(%run_scoped3A : memref<!tpu.dma_semaphore, #tpu.memory_space<semaphore_mem>>)
      %dma_wait3A_85 = arith.constant 0 : i32
      %dma_wait3A_86 = tpu.memref_slice %arg12[%add3A_18, %dma_wait3A_85] : memref<10240x128xf32, #tpu.memory_space<vmem_shared>> -> memref<128x128xf32, #tpu.memory_space<vmem_shared>>
      %dma_wait3A_87 = arith.constant 0 : i32
      %dma_wait3A_88 = tpu.memref_slice %arg12[%add3A_18, %dma_wait3A_87] : memref<10240x128xf32, #tpu.memory_space<vmem_shared>> -> memref<128x128xf32, #tpu.memory_space<vmem_shared>>
      tpu.wait_dma2 semaphore(%run_scoped3A : memref<!tpu.dma_semaphore, #tpu.memory_space<semaphore_mem>>) src(%arg10 : memref<128x128xf32, #tpu.memory_space<vmem>>) dst(%dma_wait3A_88 : memref<128x128xf32, #tpu.memory_space<vmem_shared>>)
      tpu.yield
    }) : () -> ()
    %mul3A_19 = arith.constant 640 : i32
    %mul3A_20 = arith.muli %arg1, %mul3A_19 : i32
    %add3A_21 = arith.constant 512 : i32
    %add3A_22 = arith.addi %mul3A_20, %add3A_21 : i32
    "tpu.region"() ({
      %run_scoped3A = tpu.sem_alloc : memref<!tpu.dma_semaphore, #tpu.memory_space<semaphore_mem>>
      %dma_start3A_81 = arith.constant 0 : i32
      %dma_start3A_82 = tpu.memref_slice %arg12[%add3A_22, %dma_start3A_81] : memref<10240x128xf32, #tpu.memory_space<vmem_shared>> -> memref<128x128xf32, #tpu.memory_space<vmem_shared>>
      %dma_start3A_83 = arith.constant 0 : i32
      %dma_start3A_84 = tpu.memref_slice %arg12[%add3A_22, %dma_start3A_83] : memref<10240x128xf32, #tpu.memory_space<vmem_shared>> -> memref<128x128xf32, #tpu.memory_space<vmem_shared>>
      tpu.enqueue_dma source(%arg10 : memref<128x128xf32, #tpu.memory_space<vmem>>) target(%dma_start3A_84 : memref<128x128xf32, #tpu.memory_space<vmem_shared>>) target_semaphore(%run_scoped3A : memref<!tpu.dma_semaphore, #tpu.memory_space<semaphore_mem>>)
      %dma_wait3A_85 = arith.constant 0 : i32
      %dma_wait3A_86 = tpu.memref_slice %arg12[%add3A_22, %dma_wait3A_85] : memref<10240x128xf32, #tpu.memory_space<vmem_shared>> -> memref<128x128xf32, #tpu.memory_space<vmem_shared>>
      %dma_wait3A_87 = arith.constant 0 : i32
      %dma_wait3A_88 = tpu.memref_slice %arg12[%add3A_22, %dma_wait3A_87] : memref<10240x128xf32, #tpu.memory_space<vmem_shared>> -> memref<128x128xf32, #tpu.memory_space<vmem_shared>>
      tpu.wait_dma2 semaphore(%run_scoped3A : memref<!tpu.dma_semaphore, #tpu.memory_space<semaphore_mem>>) src(%arg10 : memref<128x128xf32, #tpu.memory_space<vmem>>) dst(%dma_wait3A_88 : memref<128x128xf32, #tpu.memory_space<vmem_shared>>)
      tpu.yield
    }) : () -> ()
    %barrier3A = arith.constant 0 : index
    tpu.barrier barrier_id(%barrier3A)
    "tpu.region"() ({
      %run_scoped3A = tpu.sem_alloc : memref<!tpu.dma_semaphore, #tpu.memory_space<semaphore_mem>>
      %dma_start3A_81 = arith.constant 0 : i32
      %dma_start3A_82 = arith.constant 0 : i32
      %dma_start3A_83 = tpu.memref_slice %arg3[%mul3A_2, %dma_start3A_81, %dma_start3A_82] : memref<2560x2x128xi32, #tpu.memory_space<hbm>> -> memref<1x2x128xi32, #tpu.memory_space<hbm>>
      %dma_start3A_84 = tpu.memref_squeeze %dma_start3A_83 : memref<1x2x128xi32, #tpu.memory_space<hbm>> -> memref<2x128xi32, #tpu.memory_space<hbm>>
      %dma_start3A_85 = arith.constant 0 : i32
      %dma_start3A_86 = arith.constant 0 : i32
      %dma_start3A_87 = tpu.memref_slice %arg3[%mul3A_2, %dma_start3A_85, %dma_start3A_86] : memref<2560x2x128xi32, #tpu.memory_space<hbm>> -> memref<1x2x128xi32, #tpu.memory_space<hbm>>
      %dma_start3A_88 = tpu.memref_squeeze %dma_start3A_87 : memref<1x2x128xi32, #tpu.memory_space<hbm>> -> memref<2x128xi32, #tpu.memory_space<hbm>>
      tpu.enqueue_dma source(%dma_start3A_88 : memref<2x128xi32, #tpu.memory_space<hbm>>) target(%arg6 : memref<2x128xi32, #tpu.memory_space<vmem>>) target_semaphore(%run_scoped3A : memref<!tpu.dma_semaphore, #tpu.memory_space<semaphore_mem>>)
      %dma_wait3A_89 = arith.constant 0 : i32
      %dma_wait3A_90 = arith.constant 0 : i32
      %dma_wait3A_91 = tpu.memref_slice %arg3[%mul3A_2, %dma_wait3A_89, %dma_wait3A_90] : memref<2560x2x128xi32, #tpu.memory_space<hbm>> -> memref<1x2x128xi32, #tpu.memory_space<hbm>>
      %dma_wait3A_92 = tpu.memref_squeeze %dma_wait3A_91 : memref<1x2x128xi32, #tpu.memory_space<hbm>> -> memref<2x128xi32, #tpu.memory_space<hbm>>
      %dma_wait3A_93 = arith.constant 0 : i32
      %dma_wait3A_94 = arith.constant 0 : i32
      %dma_wait3A_95 = tpu.memref_slice %arg3[%mul3A_2, %dma_wait3A_93, %dma_wait3A_94] : memref<2560x2x128xi32, #tpu.memory_space<hbm>> -> memref<1x2x128xi32, #tpu.memory_space<hbm>>
      %dma_wait3A_96 = tpu.memref_squeeze %dma_wait3A_95 : memref<1x2x128xi32, #tpu.memory_space<hbm>> -> memref<2x128xi32, #tpu.memory_space<hbm>>
      tpu.wait_dma2 semaphore(%run_scoped3A : memref<!tpu.dma_semaphore, #tpu.memory_space<semaphore_mem>>) src(%dma_wait3A_96 : memref<2x128xi32, #tpu.memory_space<hbm>>) dst(%arg6 : memref<2x128xi32, #tpu.memory_space<vmem>>)
      tpu.yield
    }) : () -> ()
    %add3A_23 = arith.constant 1 : i32
    %add3A_24 = arith.addi %mul3A_2, %add3A_23 : i32
    "tpu.region"() ({
      %run_scoped3A = tpu.sem_alloc : memref<!tpu.dma_semaphore, #tpu.memory_space<semaphore_mem>>
      %dma_start3A_81 = arith.constant 0 : i32
      %dma_start3A_82 = arith.constant 0 : i32
      %dma_start3A_83 = tpu.memref_slice %arg3[%add3A_24, %dma_start3A_81, %dma_start3A_82] : memref<2560x2x128xi32, #tpu.memory_space<hbm>> -> memref<1x2x128xi32, #tpu.memory_space<hbm>>
      %dma_start3A_84 = tpu.memref_squeeze %dma_start3A_83 : memref<1x2x128xi32, #tpu.memory_space<hbm>> -> memref<2x128xi32, #tpu.memory_space<hbm>>
      %dma_start3A_85 = arith.constant 0 : i32
      %dma_start3A_86 = arith.constant 0 : i32
      %dma_start3A_87 = tpu.memref_slice %arg3[%add3A_24, %dma_start3A_85, %dma_start3A_86] : memref<2560x2x128xi32, #tpu.memory_space<hbm>> -> memref<1x2x128xi32, #tpu.memory_space<hbm>>
      %dma_start3A_88 = tpu.memref_squeeze %dma_start3A_87 : memref<1x2x128xi32, #tpu.memory_space<hbm>> -> memref<2x128xi32, #tpu.memory_space<hbm>>
      tpu.enqueue_dma source(%dma_start3A_88 : memref<2x128xi32, #tpu.memory_space<hbm>>) target(%arg7 : memref<2x128xi32, #tpu.memory_space<vmem>>) target_semaphore(%run_scoped3A : memref<!tpu.dma_semaphore, #tpu.memory_space<semaphore_mem>>)
      %dma_wait3A_89 = arith.constant 0 : i32
      %dma_wait3A_90 = arith.constant 0 : i32
      %dma_wait3A_91 = tpu.memref_slice %arg3[%add3A_24, %dma_wait3A_89, %dma_wait3A_90] : memref<2560x2x128xi32, #tpu.memory_space<hbm>> -> memref<1x2x128xi32, #tpu.memory_space<hbm>>
      %dma_wait3A_92 = tpu.memref_squeeze %dma_wait3A_91 : memref<1x2x128xi32, #tpu.memory_space<hbm>> -> memref<2x128xi32, #tpu.memory_space<hbm>>
      %dma_wait3A_93 = arith.constant 0 : i32
      %dma_wait3A_94 = arith.constant 0 : i32
      %dma_wait3A_95 = tpu.memref_slice %arg3[%add3A_24, %dma_wait3A_93, %dma_wait3A_94] : memref<2560x2x128xi32, #tpu.memory_space<hbm>> -> memref<1x2x128xi32, #tpu.memory_space<hbm>>
      %dma_wait3A_96 = tpu.memref_squeeze %dma_wait3A_95 : memref<1x2x128xi32, #tpu.memory_space<hbm>> -> memref<2x128xi32, #tpu.memory_space<hbm>>
      tpu.wait_dma2 semaphore(%run_scoped3A : memref<!tpu.dma_semaphore, #tpu.memory_space<semaphore_mem>>) src(%dma_wait3A_96 : memref<2x128xi32, #tpu.memory_space<hbm>>) dst(%arg7 : memref<2x128xi32, #tpu.memory_space<vmem>>)
      tpu.yield
    }) : () -> ()
    %dma_start3A = arith.constant 0 : i32
    %dma_start3A_25 = arith.constant 0 : i32
    %dma_start3A_26 = tpu.memref_slice %arg6[%dma_start3A, %dma_start3A_25] : memref<2x128xi32, #tpu.memory_space<vmem>> -> memref<1x128xi32, #tpu.memory_space<vmem>>
    %dma_start3A_27 = tpu.memref_squeeze %dma_start3A_26 : memref<1x128xi32, #tpu.memory_space<vmem>> -> memref<128xi32, #tpu.memory_space<vmem>>
    %dma_start3A_28 = arith.constant 0 : i32
    %dma_start3A_29 = arith.constant 0 : i32
    %dma_start3A_30 = tpu.memref_slice %arg2[%dma_start3A_28, %dma_start3A_29] : memref<10000x128xf32, #tpu.memory_space<hbm>> -> memref<10000x128xf32, #tpu.memory_space<hbm>>
    tpu.enqueue_indirect_dma source(%dma_start3A_30 : memref<10000x128xf32, #tpu.memory_space<hbm>>) target(%arg10 : memref<128x128xf32, #tpu.memory_space<vmem>>) offsets(%dma_start3A_27 : memref<128xi32, #tpu.memory_space<vmem>>) semaphore(%arg13 : memref<!tpu.dma_semaphore, #tpu.memory_space<semaphore_mem>>)
    %dma_start3A_31 = arith.constant 0 : i32
    %dma_start3A_32 = arith.constant 0 : i32
    %dma_start3A_33 = tpu.memref_slice %arg7[%dma_start3A_31, %dma_start3A_32] : memref<2x128xi32, #tpu.memory_space<vmem>> -> memref<1x128xi32, #tpu.memory_space<vmem>>
    %dma_start3A_34 = tpu.memref_squeeze %dma_start3A_33 : memref<1x128xi32, #tpu.memory_space<vmem>> -> memref<128xi32, #tpu.memory_space<vmem>>
    %dma_start3A_35 = arith.constant 0 : i32
    %dma_start3A_36 = arith.constant 0 : i32
    %dma_start3A_37 = tpu.memref_slice %arg2[%dma_start3A_35, %dma_start3A_36] : memref<10000x128xf32, #tpu.memory_space<hbm>> -> memref<10000x128xf32, #tpu.memory_space<hbm>>
    tpu.enqueue_indirect_dma source(%dma_start3A_37 : memref<10000x128xf32, #tpu.memory_space<hbm>>) target(%arg11 : memref<128x128xf32, #tpu.memory_space<vmem>>) offsets(%dma_start3A_34 : memref<128xi32, #tpu.memory_space<vmem>>) semaphore(%arg14 : memref<!tpu.dma_semaphore, #tpu.memory_space<semaphore_mem>>)
    %add3A_38 = arith.constant 2 : i32
    %add3A_39 = arith.addi %mul3A_2, %add3A_38 : i32
    %dma_start3A_40 = arith.constant 0 : i32
    %dma_start3A_41 = arith.constant 0 : i32
    %dma_start3A_42 = tpu.memref_slice %arg3[%add3A_39, %dma_start3A_40, %dma_start3A_41] : memref<2560x2x128xi32, #tpu.memory_space<hbm>> -> memref<1x2x128xi32, #tpu.memory_space<hbm>>
    %dma_start3A_43 = tpu.memref_squeeze %dma_start3A_42 : memref<1x2x128xi32, #tpu.memory_space<hbm>> -> memref<2x128xi32, #tpu.memory_space<hbm>>
    %dma_start3A_44 = arith.constant 0 : i32
    %dma_start3A_45 = arith.constant 0 : i32
    %dma_start3A_46 = tpu.memref_slice %arg3[%add3A_39, %dma_start3A_44, %dma_start3A_45] : memref<2560x2x128xi32, #tpu.memory_space<hbm>> -> memref<1x2x128xi32, #tpu.memory_space<hbm>>
    %dma_start3A_47 = tpu.memref_squeeze %dma_start3A_46 : memref<1x2x128xi32, #tpu.memory_space<hbm>> -> memref<2x128xi32, #tpu.memory_space<hbm>>
    tpu.enqueue_dma source(%dma_start3A_47 : memref<2x128xi32, #tpu.memory_space<hbm>>) target(%arg8 : memref<2x128xi32, #tpu.memory_space<vmem>>) target_semaphore(%arg17 : memref<!tpu.dma_semaphore, #tpu.memory_space<semaphore_mem>>)
    %add3A_48 = arith.constant 3 : i32
    %add3A_49 = arith.addi %mul3A_2, %add3A_48 : i32
    %dma_start3A_50 = arith.constant 0 : i32
    %dma_start3A_51 = arith.constant 0 : i32
    %dma_start3A_52 = tpu.memref_slice %arg3[%add3A_49, %dma_start3A_50, %dma_start3A_51] : memref<2560x2x128xi32, #tpu.memory_space<hbm>> -> memref<1x2x128xi32, #tpu.memory_space<hbm>>
    %dma_start3A_53 = tpu.memref_squeeze %dma_start3A_52 : memref<1x2x128xi32, #tpu.memory_space<hbm>> -> memref<2x128xi32, #tpu.memory_space<hbm>>
    %dma_start3A_54 = arith.constant 0 : i32
    %dma_start3A_55 = arith.constant 0 : i32
    %dma_start3A_56 = tpu.memref_slice %arg3[%add3A_49, %dma_start3A_54, %dma_start3A_55] : memref<2560x2x128xi32, #tpu.memory_space<hbm>> -> memref<1x2x128xi32, #tpu.memory_space<hbm>>
    %dma_start3A_57 = tpu.memref_squeeze %dma_start3A_56 : memref<1x2x128xi32, #tpu.memory_space<hbm>> -> memref<2x128xi32, #tpu.memory_space<hbm>>
    tpu.enqueue_dma source(%dma_start3A_57 : memref<2x128xi32, #tpu.memory_space<hbm>>) target(%arg9 : memref<2x128xi32, #tpu.memory_space<vmem>>) target_semaphore(%arg17 : memref<!tpu.dma_semaphore, #tpu.memory_space<semaphore_mem>>)
    %scan3A = arith.constant 0 : i32
    %scan3A_58 = arith.constant 0 : i32
    %scan3A_59 = arith.constant 20 : i32
    %scan3A_60 = arith.addi %scan3A_58, %scan3A_59 : i32
    %scan3A_61 = arith.constant 1 : i32
    scf.for %scan3A_81 = %scan3A_58 to %scan3A_60 step %scan3A_61  : i32 {
      %mul3A_82 = arith.constant 4 : i32
      %mul3A_83 = arith.muli %scan3A_81, %mul3A_82 : i32
      %add3A_84 = arith.addi %mul3A_2, %mul3A_83 : i32
      %dma_wait3A_85 = arith.constant 0 : i32
      %dma_wait3A_86 = arith.constant 0 : i32
      %dma_wait3A_87 = tpu.memref_slice %arg6[%dma_wait3A_85, %dma_wait3A_86] : memref<2x128xi32, #tpu.memory_space<vmem>> -> memref<1x128xi32, #tpu.memory_space<vmem>>
      %dma_wait3A_88 = tpu.memref_squeeze %dma_wait3A_87 : memref<1x128xi32, #tpu.memory_space<vmem>> -> memref<128xi32, #tpu.memory_space<vmem>>
      %dma_wait3A_89 = arith.constant 0 : i32
      %dma_wait3A_90 = arith.constant 0 : i32
      %dma_wait3A_91 = tpu.memref_slice %arg2[%dma_wait3A_89, %dma_wait3A_90] : memref<10000x128xf32, #tpu.memory_space<hbm>> -> memref<10000x128xf32, #tpu.memory_space<hbm>>
      tpu.wait_indirect_dma semaphore(%arg13 : memref<!tpu.dma_semaphore, #tpu.memory_space<semaphore_mem>>) src(%dma_wait3A_91 : memref<10000x128xf32, #tpu.memory_space<hbm>>) dst(%arg10 : memref<128x128xf32, #tpu.memory_space<vmem>>)
      %dma_start3A_92 = arith.constant 1 : i32
      %dma_start3A_93 = arith.constant 0 : i32
      %dma_start3A_94 = tpu.memref_slice %arg6[%dma_start3A_92, %dma_start3A_93] : memref<2x128xi32, #tpu.memory_space<vmem>> -> memref<1x128xi32, #tpu.memory_space<vmem>>
      %dma_start3A_95 = tpu.memref_squeeze %dma_start3A_94 : memref<1x128xi32, #tpu.memory_space<vmem>> -> memref<128xi32, #tpu.memory_space<vmem>>
      %dma_start3A_96 = arith.constant 0 : i32
      %dma_start3A_97 = arith.constant 0 : i32
      %dma_start3A_98 = tpu.memref_slice %arg12[%dma_start3A_96, %dma_start3A_97] : memref<10240x128xf32, #tpu.memory_space<vmem_shared>> -> memref<10240x128xf32, #tpu.memory_space<vmem_shared>>
      tpu.enqueue_indirect_dma source(%arg10 : memref<128x128xf32, #tpu.memory_space<vmem>>) target(%dma_start3A_98 : memref<10240x128xf32, #tpu.memory_space<vmem_shared>>) offsets(%dma_start3A_95 : memref<128xi32, #tpu.memory_space<vmem>>) semaphore(%arg15 : memref<!tpu.dma_semaphore, #tpu.memory_space<semaphore_mem>>) {add = true}
      %dma_wait3A_99 = arith.constant 0 : i32
      %dma_wait3A_100 = arith.constant 0 : i32
      %dma_wait3A_101 = tpu.memref_slice %arg7[%dma_wait3A_99, %dma_wait3A_100] : memref<2x128xi32, #tpu.memory_space<vmem>> -> memref<1x128xi32, #tpu.memory_space<vmem>>
      %dma_wait3A_102 = tpu.memref_squeeze %dma_wait3A_101 : memref<1x128xi32, #tpu.memory_space<vmem>> -> memref<128xi32, #tpu.memory_space<vmem>>
      %dma_wait3A_103 = arith.constant 0 : i32
      %dma_wait3A_104 = arith.constant 0 : i32
      %dma_wait3A_105 = tpu.memref_slice %arg2[%dma_wait3A_103, %dma_wait3A_104] : memref<10000x128xf32, #tpu.memory_space<hbm>> -> memref<10000x128xf32, #tpu.memory_space<hbm>>
      tpu.wait_indirect_dma semaphore(%arg14 : memref<!tpu.dma_semaphore, #tpu.memory_space<semaphore_mem>>) src(%dma_wait3A_105 : memref<10000x128xf32, #tpu.memory_space<hbm>>) dst(%arg11 : memref<128x128xf32, #tpu.memory_space<vmem>>)
      %dma_start3A_106 = arith.constant 1 : i32
      %dma_start3A_107 = arith.constant 0 : i32
      %dma_start3A_108 = tpu.memref_slice %arg7[%dma_start3A_106, %dma_start3A_107] : memref<2x128xi32, #tpu.memory_space<vmem>> -> memref<1x128xi32, #tpu.memory_space<vmem>>
      %dma_start3A_109 = tpu.memref_squeeze %dma_start3A_108 : memref<1x128xi32, #tpu.memory_space<vmem>> -> memref<128xi32, #tpu.memory_space<vmem>>
      %dma_start3A_110 = arith.constant 0 : i32
      %dma_start3A_111 = arith.constant 0 : i32
      %dma_start3A_112 = tpu.memref_slice %arg12[%dma_start3A_110, %dma_start3A_111] : memref<10240x128xf32, #tpu.memory_space<vmem_shared>> -> memref<10240x128xf32, #tpu.memory_space<vmem_shared>>
      tpu.enqueue_indirect_dma source(%arg11 : memref<128x128xf32, #tpu.memory_space<vmem>>) target(%dma_start3A_112 : memref<10240x128xf32, #tpu.memory_space<vmem_shared>>) offsets(%dma_start3A_109 : memref<128xi32, #tpu.memory_space<vmem>>) semaphore(%arg16 : memref<!tpu.dma_semaphore, #tpu.memory_space<semaphore_mem>>) {add = true}
      %add3A_113 = arith.constant 2 : i32
      %add3A_114 = arith.addi %add3A_84, %add3A_113 : i32
      %dma_wait3A_115 = arith.constant 0 : i32
      %dma_wait3A_116 = arith.constant 0 : i32
      %dma_wait3A_117 = tpu.memref_slice %arg3[%add3A_114, %dma_wait3A_115, %dma_wait3A_116] : memref<2560x2x128xi32, #tpu.memory_space<hbm>> -> memref<1x2x128xi32, #tpu.memory_space<hbm>>
      %dma_wait3A_118 = tpu.memref_squeeze %dma_wait3A_117 : memref<1x2x128xi32, #tpu.memory_space<hbm>> -> memref<2x128xi32, #tpu.memory_space<hbm>>
      %dma_wait3A_119 = arith.constant 0 : i32
      %dma_wait3A_120 = arith.constant 0 : i32
      %dma_wait3A_121 = tpu.memref_slice %arg3[%add3A_114, %dma_wait3A_119, %dma_wait3A_120] : memref<2560x2x128xi32, #tpu.memory_space<hbm>> -> memref<1x2x128xi32, #tpu.memory_space<hbm>>
      %dma_wait3A_122 = tpu.memref_squeeze %dma_wait3A_121 : memref<1x2x128xi32, #tpu.memory_space<hbm>> -> memref<2x128xi32, #tpu.memory_space<hbm>>
      tpu.wait_dma2 semaphore(%arg17 : memref<!tpu.dma_semaphore, #tpu.memory_space<semaphore_mem>>) src(%dma_wait3A_122 : memref<2x128xi32, #tpu.memory_space<hbm>>) dst(%arg8 : memref<2x128xi32, #tpu.memory_space<vmem>>)
      %add3A_123 = arith.constant 3 : i32
      %add3A_124 = arith.addi %add3A_84, %add3A_123 : i32
      %dma_wait3A_125 = arith.constant 0 : i32
      %dma_wait3A_126 = arith.constant 0 : i32
      %dma_wait3A_127 = tpu.memref_slice %arg3[%add3A_124, %dma_wait3A_125, %dma_wait3A_126] : memref<2560x2x128xi32, #tpu.memory_space<hbm>> -> memref<1x2x128xi32, #tpu.memory_space<hbm>>
      %dma_wait3A_128 = tpu.memref_squeeze %dma_wait3A_127 : memref<1x2x128xi32, #tpu.memory_space<hbm>> -> memref<2x128xi32, #tpu.memory_space<hbm>>
      %dma_wait3A_129 = arith.constant 0 : i32
      %dma_wait3A_130 = arith.constant 0 : i32
      %dma_wait3A_131 = tpu.memref_slice %arg3[%add3A_124, %dma_wait3A_129, %dma_wait3A_130] : memref<2560x2x128xi32, #tpu.memory_space<hbm>> -> memref<1x2x128xi32, #tpu.memory_space<hbm>>
      %dma_wait3A_132 = tpu.memref_squeeze %dma_wait3A_131 : memref<1x2x128xi32, #tpu.memory_space<hbm>> -> memref<2x128xi32, #tpu.memory_space<hbm>>
      tpu.wait_dma2 semaphore(%arg17 : memref<!tpu.dma_semaphore, #tpu.memory_space<semaphore_mem>>) src(%dma_wait3A_132 : memref<2x128xi32, #tpu.memory_space<hbm>>) dst(%arg9 : memref<2x128xi32, #tpu.memory_space<vmem>>)
      %dma_wait3A_133 = arith.constant 1 : i32
      %dma_wait3A_134 = arith.constant 0 : i32
      %dma_wait3A_135 = tpu.memref_slice %arg6[%dma_wait3A_133, %dma_wait3A_134] : memref<2x128xi32, #tpu.memory_space<vmem>> -> memref<1x128xi32, #tpu.memory_space<vmem>>
      %dma_wait3A_136 = tpu.memref_squeeze %dma_wait3A_135 : memref<1x128xi32, #tpu.memory_space<vmem>> -> memref<128xi32, #tpu.memory_space<vmem>>
      %dma_wait3A_137 = arith.constant 0 : i32
      %dma_wait3A_138 = arith.constant 0 : i32
      %dma_wait3A_139 = tpu.memref_slice %arg12[%dma_wait3A_137, %dma_wait3A_138] : memref<10240x128xf32, #tpu.memory_space<vmem_shared>> -> memref<10240x128xf32, #tpu.memory_space<vmem_shared>>
      tpu.wait_indirect_dma semaphore(%arg15 : memref<!tpu.dma_semaphore, #tpu.memory_space<semaphore_mem>>) src(%arg10 : memref<128x128xf32, #tpu.memory_space<vmem>>) dst(%dma_wait3A_139 : memref<10240x128xf32, #tpu.memory_space<vmem_shared>>)
      %dma_start3A_140 = arith.constant 0 : i32
      %dma_start3A_141 = arith.constant 0 : i32
      %dma_start3A_142 = tpu.memref_slice %arg8[%dma_start3A_140, %dma_start3A_141] : memref<2x128xi32, #tpu.memory_space<vmem>> -> memref<1x128xi32, #tpu.memory_space<vmem>>
      %dma_start3A_143 = tpu.memref_squeeze %dma_start3A_142 : memref<1x128xi32, #tpu.memory_space<vmem>> -> memref<128xi32, #tpu.memory_space<vmem>>
      %dma_start3A_144 = arith.constant 0 : i32
      %dma_start3A_145 = arith.constant 0 : i32
      %dma_start3A_146 = tpu.memref_slice %arg2[%dma_start3A_144, %dma_start3A_145] : memref<10000x128xf32, #tpu.memory_space<hbm>> -> memref<10000x128xf32, #tpu.memory_space<hbm>>
      tpu.enqueue_indirect_dma source(%dma_start3A_146 : memref<10000x128xf32, #tpu.memory_space<hbm>>) target(%arg10 : memref<128x128xf32, #tpu.memory_space<vmem>>) offsets(%dma_start3A_143 : memref<128xi32, #tpu.memory_space<vmem>>) semaphore(%arg13 : memref<!tpu.dma_semaphore, #tpu.memory_space<semaphore_mem>>)
      %dma_wait3A_147 = arith.constant 1 : i32
      %dma_wait3A_148 = arith.constant 0 : i32
      %dma_wait3A_149 = tpu.memref_slice %arg7[%dma_wait3A_147, %dma_wait3A_148] : memref<2x128xi32, #tpu.memory_space<vmem>> -> memref<1x128xi32, #tpu.memory_space<vmem>>
      %dma_wait3A_150 = tpu.memref_squeeze %dma_wait3A_149 : memref<1x128xi32, #tpu.memory_space<vmem>> -> memref<128xi32, #tpu.memory_space<vmem>>
      %dma_wait3A_151 = arith.constant 0 : i32
      %dma_wait3A_152 = arith.constant 0 : i32
      %dma_wait3A_153 = tpu.memref_slice %arg12[%dma_wait3A_151, %dma_wait3A_152] : memref<10240x128xf32, #tpu.memory_space<vmem_shared>> -> memref<10240x128xf32, #tpu.memory_space<vmem_shared>>
      tpu.wait_indirect_dma semaphore(%arg16 : memref<!tpu.dma_semaphore, #tpu.memory_space<semaphore_mem>>) src(%arg11 : memref<128x128xf32, #tpu.memory_space<vmem>>) dst(%dma_wait3A_153 : memref<10240x128xf32, #tpu.memory_space<vmem_shared>>)
      %dma_start3A_154 = arith.constant 0 : i32
      %dma_start3A_155 = arith.constant 0 : i32
      %dma_start3A_156 = tpu.memref_slice %arg9[%dma_start3A_154, %dma_start3A_155] : memref<2x128xi32, #tpu.memory_space<vmem>> -> memref<1x128xi32, #tpu.memory_space<vmem>>
      %dma_start3A_157 = tpu.memref_squeeze %dma_start3A_156 : memref<1x128xi32, #tpu.memory_space<vmem>> -> memref<128xi32, #tpu.memory_space<vmem>>
      %dma_start3A_158 = arith.constant 0 : i32
      %dma_start3A_159 = arith.constant 0 : i32
      %dma_start3A_160 = tpu.memref_slice %arg2[%dma_start3A_158, %dma_start3A_159] : memref<10000x128xf32, #tpu.memory_space<hbm>> -> memref<10000x128xf32, #tpu.memory_space<hbm>>
      tpu.enqueue_indirect_dma source(%dma_start3A_160 : memref<10000x128xf32, #tpu.memory_space<hbm>>) target(%arg11 : memref<128x128xf32, #tpu.memory_space<vmem>>) offsets(%dma_start3A_157 : memref<128xi32, #tpu.memory_space<vmem>>) semaphore(%arg14 : memref<!tpu.dma_semaphore, #tpu.memory_space<semaphore_mem>>)
      %lt3A = arith.constant 19 : i32
      %lt3A_161 = arith.cmpi slt, %scan3A_81, %lt3A : i32
      %convert_element_type3A = arith.extui %lt3A_161 : i1 to i32
      %cond3A = arith.constant 0 : i32
      %cond3A_162 = arith.cmpi ne, %convert_element_type3A, %cond3A : i32
      scf.if %cond3A_162 {
        %add3A_196 = arith.constant 4 : i32
        %add3A_197 = arith.addi %add3A_84, %add3A_196 : i32
        %dma_start3A_198 = arith.constant 0 : i32
        %dma_start3A_199 = arith.constant 0 : i32
        %dma_start3A_200 = tpu.memref_slice %arg3[%add3A_197, %dma_start3A_198, %dma_start3A_199] : memref<2560x2x128xi32, #tpu.memory_space<hbm>> -> memref<1x2x128xi32, #tpu.memory_space<hbm>>
        %dma_start3A_201 = tpu.memref_squeeze %dma_start3A_200 : memref<1x2x128xi32, #tpu.memory_space<hbm>> -> memref<2x128xi32, #tpu.memory_space<hbm>>
        %dma_start3A_202 = arith.constant 0 : i32
        %dma_start3A_203 = arith.constant 0 : i32
        %dma_start3A_204 = tpu.memref_slice %arg3[%add3A_197, %dma_start3A_202, %dma_start3A_203] : memref<2560x2x128xi32, #tpu.memory_space<hbm>> -> memref<1x2x128xi32, #tpu.memory_space<hbm>>
        %dma_start3A_205 = tpu.memref_squeeze %dma_start3A_204 : memref<1x2x128xi32, #tpu.memory_space<hbm>> -> memref<2x128xi32, #tpu.memory_space<hbm>>
        tpu.enqueue_dma source(%dma_start3A_205 : memref<2x128xi32, #tpu.memory_space<hbm>>) target(%arg6 : memref<2x128xi32, #tpu.memory_space<vmem>>) target_semaphore(%arg17 : memref<!tpu.dma_semaphore, #tpu.memory_space<semaphore_mem>>)
        %add3A_206 = arith.constant 5 : i32
        %add3A_207 = arith.addi %add3A_84, %add3A_206 : i32
        %dma_start3A_208 = arith.constant 0 : i32
        %dma_start3A_209 = arith.constant 0 : i32
        %dma_start3A_210 = tpu.memref_slice %arg3[%add3A_207, %dma_start3A_208, %dma_start3A_209] : memref<2560x2x128xi32, #tpu.memory_space<hbm>> -> memref<1x2x128xi32, #tpu.memory_space<hbm>>
        %dma_start3A_211 = tpu.memref_squeeze %dma_start3A_210 : memref<1x2x128xi32, #tpu.memory_space<hbm>> -> memref<2x128xi32, #tpu.memory_space<hbm>>
        %dma_start3A_212 = arith.constant 0 : i32
        %dma_start3A_213 = arith.constant 0 : i32
        %dma_start3A_214 = tpu.memref_slice %arg3[%add3A_207, %dma_start3A_212, %dma_start3A_213] : memref<2560x2x128xi32, #tpu.memory_space<hbm>> -> memref<1x2x128xi32, #tpu.memory_space<hbm>>
        %dma_start3A_215 = tpu.memref_squeeze %dma_start3A_214 : memref<1x2x128xi32, #tpu.memory_space<hbm>> -> memref<2x128xi32, #tpu.memory_space<hbm>>
        tpu.enqueue_dma source(%dma_start3A_215 : memref<2x128xi32, #tpu.memory_space<hbm>>) target(%arg7 : memref<2x128xi32, #tpu.memory_space<vmem>>) target_semaphore(%arg17 : memref<!tpu.dma_semaphore, #tpu.memory_space<semaphore_mem>>)
      } else {
      }
      %dma_wait3A_163 = arith.constant 0 : i32
      %dma_wait3A_164 = arith.constant 0 : i32
      %dma_wait3A_165 = tpu.memref_slice %arg8[%dma_wait3A_163, %dma_wait3A_164] : memref<2x128xi32, #tpu.memory_space<vmem>> -> memref<1x128xi32, #tpu.memory_space<vmem>>
      %dma_wait3A_166 = tpu.memref_squeeze %dma_wait3A_165 : memref<1x128xi32, #tpu.memory_space<vmem>> -> memref<128xi32, #tpu.memory_space<vmem>>
      %dma_wait3A_167 = arith.constant 0 : i32
      %dma_wait3A_168 = arith.constant 0 : i32
      %dma_wait3A_169 = tpu.memref_slice %arg2[%dma_wait3A_167, %dma_wait3A_168] : memref<10000x128xf32, #tpu.memory_space<hbm>> -> memref<10000x128xf32, #tpu.memory_space<hbm>>
      tpu.wait_indirect_dma semaphore(%arg13 : memref<!tpu.dma_semaphore, #tpu.memory_space<semaphore_mem>>) src(%dma_wait3A_169 : memref<10000x128xf32, #tpu.memory_space<hbm>>) dst(%arg10 : memref<128x128xf32, #tpu.memory_space<vmem>>)
      %dma_start3A_170 = arith.constant 1 : i32
      %dma_start3A_171 = arith.constant 0 : i32
      %dma_start3A_172 = tpu.memref_slice %arg8[%dma_start3A_170, %dma_start3A_171] : memref<2x128xi32, #tpu.memory_space<vmem>> -> memref<1x128xi32, #tpu.memory_space<vmem>>
      %dma_start3A_173 = tpu.memref_squeeze %dma_start3A_172 : memref<1x128xi32, #tpu.memory_space<vmem>> -> memref<128xi32, #tpu.memory_space<vmem>>
      %dma_start3A_174 = arith.constant 0 : i32
      %dma_start3A_175 = arith.constant 0 : i32
      %dma_start3A_176 = tpu.memref_slice %arg12[%dma_start3A_174, %dma_start3A_175] : memref<10240x128xf32, #tpu.memory_space<vmem_shared>> -> memref<10240x128xf32, #tpu.memory_space<vmem_shared>>
      tpu.enqueue_indirect_dma source(%arg10 : memref<128x128xf32, #tpu.memory_space<vmem>>) target(%dma_start3A_176 : memref<10240x128xf32, #tpu.memory_space<vmem_shared>>) offsets(%dma_start3A_173 : memref<128xi32, #tpu.memory_space<vmem>>) semaphore(%arg15 : memref<!tpu.dma_semaphore, #tpu.memory_space<semaphore_mem>>) {add = true}
      %dma_wait3A_177 = arith.constant 0 : i32
      %dma_wait3A_178 = arith.constant 0 : i32
      %dma_wait3A_179 = tpu.memref_slice %arg9[%dma_wait3A_177, %dma_wait3A_178] : memref<2x128xi32, #tpu.memory_space<vmem>> -> memref<1x128xi32, #tpu.memory_space<vmem>>
      %dma_wait3A_180 = tpu.memref_squeeze %dma_wait3A_179 : memref<1x128xi32, #tpu.memory_space<vmem>> -> memref<128xi32, #tpu.memory_space<vmem>>
      %dma_wait3A_181 = arith.constant 0 : i32
      %dma_wait3A_182 = arith.constant 0 : i32
      %dma_wait3A_183 = tpu.memref_slice %arg2[%dma_wait3A_181, %dma_wait3A_182] : memref<10000x128xf32, #tpu.memory_space<hbm>> -> memref<10000x128xf32, #tpu.memory_space<hbm>>
      tpu.wait_indirect_dma semaphore(%arg14 : memref<!tpu.dma_semaphore, #tpu.memory_space<semaphore_mem>>) src(%dma_wait3A_183 : memref<10000x128xf32, #tpu.memory_space<hbm>>) dst(%arg11 : memref<128x128xf32, #tpu.memory_space<vmem>>)
      %dma_start3A_184 = arith.constant 1 : i32
      %dma_start3A_185 = arith.constant 0 : i32
      %dma_start3A_186 = tpu.memref_slice %arg9[%dma_start3A_184, %dma_start3A_185] : memref<2x128xi32, #tpu.memory_space<vmem>> -> memref<1x128xi32, #tpu.memory_space<vmem>>
      %dma_start3A_187 = tpu.memref_squeeze %dma_start3A_186 : memref<1x128xi32, #tpu.memory_space<vmem>> -> memref<128xi32, #tpu.memory_space<vmem>>
      %dma_start3A_188 = arith.constant 0 : i32
      %dma_start3A_189 = arith.constant 0 : i32
      %dma_start3A_190 = tpu.memref_slice %arg12[%dma_start3A_188, %dma_start3A_189] : memref<10240x128xf32, #tpu.memory_space<vmem_shared>> -> memref<10240x128xf32, #tpu.memory_space<vmem_shared>>
      tpu.enqueue_indirect_dma source(%arg11 : memref<128x128xf32, #tpu.memory_space<vmem>>) target(%dma_start3A_190 : memref<10240x128xf32, #tpu.memory_space<vmem_shared>>) offsets(%dma_start3A_187 : memref<128xi32, #tpu.memory_space<vmem>>) semaphore(%arg16 : memref<!tpu.dma_semaphore, #tpu.memory_space<semaphore_mem>>) {add = true}
      %lt3A_191 = arith.constant 19 : i32
      %lt3A_192 = arith.cmpi slt, %scan3A_81, %lt3A_191 : i32
      %convert_element_type3A_193 = arith.extui %lt3A_192 : i1 to i32
      %cond3A_194 = arith.constant 0 : i32
      %cond3A_195 = arith.cmpi ne, %convert_element_type3A_193, %cond3A_194 : i32
      scf.if %cond3A_195 {
        %add3A_196 = arith.constant 4 : i32
        %add3A_197 = arith.addi %add3A_84, %add3A_196 : i32
        %dma_wait3A_198 = arith.constant 0 : i32
        %dma_wait3A_199 = arith.constant 0 : i32
        %dma_wait3A_200 = tpu.memref_slice %arg3[%add3A_197, %dma_wait3A_198, %dma_wait3A_199] : memref<2560x2x128xi32, #tpu.memory_space<hbm>> -> memref<1x2x128xi32, #tpu.memory_space<hbm>>
        %dma_wait3A_201 = tpu.memref_squeeze %dma_wait3A_200 : memref<1x2x128xi32, #tpu.memory_space<hbm>> -> memref<2x128xi32, #tpu.memory_space<hbm>>
        %dma_wait3A_202 = arith.constant 0 : i32
        %dma_wait3A_203 = arith.constant 0 : i32
        %dma_wait3A_204 = tpu.memref_slice %arg3[%add3A_197, %dma_wait3A_202, %dma_wait3A_203] : memref<2560x2x128xi32, #tpu.memory_space<hbm>> -> memref<1x2x128xi32, #tpu.memory_space<hbm>>
        %dma_wait3A_205 = tpu.memref_squeeze %dma_wait3A_204 : memref<1x2x128xi32, #tpu.memory_space<hbm>> -> memref<2x128xi32, #tpu.memory_space<hbm>>
        tpu.wait_dma2 semaphore(%arg17 : memref<!tpu.dma_semaphore, #tpu.memory_space<semaphore_mem>>) src(%dma_wait3A_205 : memref<2x128xi32, #tpu.memory_space<hbm>>) dst(%arg6 : memref<2x128xi32, #tpu.memory_space<vmem>>)
        %add3A_206 = arith.constant 5 : i32
        %add3A_207 = arith.addi %add3A_84, %add3A_206 : i32
        %dma_wait3A_208 = arith.constant 0 : i32
        %dma_wait3A_209 = arith.constant 0 : i32
        %dma_wait3A_210 = tpu.memref_slice %arg3[%add3A_207, %dma_wait3A_208, %dma_wait3A_209] : memref<2560x2x128xi32, #tpu.memory_space<hbm>> -> memref<1x2x128xi32, #tpu.memory_space<hbm>>
        %dma_wait3A_211 = tpu.memref_squeeze %dma_wait3A_210 : memref<1x2x128xi32, #tpu.memory_space<hbm>> -> memref<2x128xi32, #tpu.memory_space<hbm>>
        %dma_wait3A_212 = arith.constant 0 : i32
        %dma_wait3A_213 = arith.constant 0 : i32
        %dma_wait3A_214 = tpu.memref_slice %arg3[%add3A_207, %dma_wait3A_212, %dma_wait3A_213] : memref<2560x2x128xi32, #tpu.memory_space<hbm>> -> memref<1x2x128xi32, #tpu.memory_space<hbm>>
        %dma_wait3A_215 = tpu.memref_squeeze %dma_wait3A_214 : memref<1x2x128xi32, #tpu.memory_space<hbm>> -> memref<2x128xi32, #tpu.memory_space<hbm>>
        tpu.wait_dma2 semaphore(%arg17 : memref<!tpu.dma_semaphore, #tpu.memory_space<semaphore_mem>>) src(%dma_wait3A_215 : memref<2x128xi32, #tpu.memory_space<hbm>>) dst(%arg7 : memref<2x128xi32, #tpu.memory_space<vmem>>)
        %dma_wait3A_216 = arith.constant 1 : i32
        %dma_wait3A_217 = arith.constant 0 : i32
        %dma_wait3A_218 = tpu.memref_slice %arg8[%dma_wait3A_216, %dma_wait3A_217] : memref<2x128xi32, #tpu.memory_space<vmem>> -> memref<1x128xi32, #tpu.memory_space<vmem>>
        %dma_wait3A_219 = tpu.memref_squeeze %dma_wait3A_218 : memref<1x128xi32, #tpu.memory_space<vmem>> -> memref<128xi32, #tpu.memory_space<vmem>>
        %dma_wait3A_220 = arith.constant 0 : i32
        %dma_wait3A_221 = arith.constant 0 : i32
        %dma_wait3A_222 = tpu.memref_slice %arg12[%dma_wait3A_220, %dma_wait3A_221] : memref<10240x128xf32, #tpu.memory_space<vmem_shared>> -> memref<10240x128xf32, #tpu.memory_space<vmem_shared>>
        tpu.wait_indirect_dma semaphore(%arg15 : memref<!tpu.dma_semaphore, #tpu.memory_space<semaphore_mem>>) src(%arg10 : memref<128x128xf32, #tpu.memory_space<vmem>>) dst(%dma_wait3A_222 : memref<10240x128xf32, #tpu.memory_space<vmem_shared>>)
        %dma_start3A_223 = arith.constant 0 : i32
        %dma_start3A_224 = arith.constant 0 : i32
        %dma_start3A_225 = tpu.memref_slice %arg6[%dma_start3A_223, %dma_start3A_224] : memref<2x128xi32, #tpu.memory_space<vmem>> -> memref<1x128xi32, #tpu.memory_space<vmem>>
        %dma_start3A_226 = tpu.memref_squeeze %dma_start3A_225 : memref<1x128xi32, #tpu.memory_space<vmem>> -> memref<128xi32, #tpu.memory_space<vmem>>
        %dma_start3A_227 = arith.constant 0 : i32
        %dma_start3A_228 = arith.constant 0 : i32
        %dma_start3A_229 = tpu.memref_slice %arg2[%dma_start3A_227, %dma_start3A_228] : memref<10000x128xf32, #tpu.memory_space<hbm>> -> memref<10000x128xf32, #tpu.memory_space<hbm>>
        tpu.enqueue_indirect_dma source(%dma_start3A_229 : memref<10000x128xf32, #tpu.memory_space<hbm>>) target(%arg10 : memref<128x128xf32, #tpu.memory_space<vmem>>) offsets(%dma_start3A_226 : memref<128xi32, #tpu.memory_space<vmem>>) semaphore(%arg13 : memref<!tpu.dma_semaphore, #tpu.memory_space<semaphore_mem>>)
        %dma_wait3A_230 = arith.constant 1 : i32
        %dma_wait3A_231 = arith.constant 0 : i32
        %dma_wait3A_232 = tpu.memref_slice %arg9[%dma_wait3A_230, %dma_wait3A_231] : memref<2x128xi32, #tpu.memory_space<vmem>> -> memref<1x128xi32, #tpu.memory_space<vmem>>
        %dma_wait3A_233 = tpu.memref_squeeze %dma_wait3A_232 : memref<1x128xi32, #tpu.memory_space<vmem>> -> memref<128xi32, #tpu.memory_space<vmem>>
        %dma_wait3A_234 = arith.constant 0 : i32
        %dma_wait3A_235 = arith.constant 0 : i32
        %dma_wait3A_236 = tpu.memref_slice %arg12[%dma_wait3A_234, %dma_wait3A_235] : memref<10240x128xf32, #tpu.memory_space<vmem_shared>> -> memref<10240x128xf32, #tpu.memory_space<vmem_shared>>
        tpu.wait_indirect_dma semaphore(%arg16 : memref<!tpu.dma_semaphore, #tpu.memory_space<semaphore_mem>>) src(%arg11 : memref<128x128xf32, #tpu.memory_space<vmem>>) dst(%dma_wait3A_236 : memref<10240x128xf32, #tpu.memory_space<vmem_shared>>)
        %dma_start3A_237 = arith.constant 0 : i32
        %dma_start3A_238 = arith.constant 0 : i32
        %dma_start3A_239 = tpu.memref_slice %arg7[%dma_start3A_237, %dma_start3A_238] : memref<2x128xi32, #tpu.memory_space<vmem>> -> memref<1x128xi32, #tpu.memory_space<vmem>>
        %dma_start3A_240 = tpu.memref_squeeze %dma_start3A_239 : memref<1x128xi32, #tpu.memory_space<vmem>> -> memref<128xi32, #tpu.memory_space<vmem>>
        %dma_start3A_241 = arith.constant 0 : i32
        %dma_start3A_242 = arith.constant 0 : i32
        %dma_start3A_243 = tpu.memref_slice %arg2[%dma_start3A_241, %dma_start3A_242] : memref<10000x128xf32, #tpu.memory_space<hbm>> -> memref<10000x128xf32, #tpu.memory_space<hbm>>
        tpu.enqueue_indirect_dma source(%dma_start3A_243 : memref<10000x128xf32, #tpu.memory_space<hbm>>) target(%arg11 : memref<128x128xf32, #tpu.memory_space<vmem>>) offsets(%dma_start3A_240 : memref<128xi32, #tpu.memory_space<vmem>>) semaphore(%arg14 : memref<!tpu.dma_semaphore, #tpu.memory_space<semaphore_mem>>)
        %add3A_244 = arith.constant 6 : i32
        %add3A_245 = arith.addi %add3A_84, %add3A_244 : i32
        %dma_start3A_246 = arith.constant 0 : i32
        %dma_start3A_247 = arith.constant 0 : i32
        %dma_start3A_248 = tpu.memref_slice %arg3[%add3A_245, %dma_start3A_246, %dma_start3A_247] : memref<2560x2x128xi32, #tpu.memory_space<hbm>> -> memref<1x2x128xi32, #tpu.memory_space<hbm>>
        %dma_start3A_249 = tpu.memref_squeeze %dma_start3A_248 : memref<1x2x128xi32, #tpu.memory_space<hbm>> -> memref<2x128xi32, #tpu.memory_space<hbm>>
        %dma_start3A_250 = arith.constant 0 : i32
        %dma_start3A_251 = arith.constant 0 : i32
        %dma_start3A_252 = tpu.memref_slice %arg3[%add3A_245, %dma_start3A_250, %dma_start3A_251] : memref<2560x2x128xi32, #tpu.memory_space<hbm>> -> memref<1x2x128xi32, #tpu.memory_space<hbm>>
        %dma_start3A_253 = tpu.memref_squeeze %dma_start3A_252 : memref<1x2x128xi32, #tpu.memory_space<hbm>> -> memref<2x128xi32, #tpu.memory_space<hbm>>
        tpu.enqueue_dma source(%dma_start3A_253 : memref<2x128xi32, #tpu.memory_space<hbm>>) target(%arg8 : memref<2x128xi32, #tpu.memory_space<vmem>>) target_semaphore(%arg17 : memref<!tpu.dma_semaphore, #tpu.memory_space<semaphore_mem>>)
        %add3A_254 = arith.constant 7 : i32
        %add3A_255 = arith.addi %add3A_84, %add3A_254 : i32
        %dma_start3A_256 = arith.constant 0 : i32
        %dma_start3A_257 = arith.constant 0 : i32
        %dma_start3A_258 = tpu.memref_slice %arg3[%add3A_255, %dma_start3A_256, %dma_start3A_257] : memref<2560x2x128xi32, #tpu.memory_space<hbm>> -> memref<1x2x128xi32, #tpu.memory_space<hbm>>
        %dma_start3A_259 = tpu.memref_squeeze %dma_start3A_258 : memref<1x2x128xi32, #tpu.memory_space<hbm>> -> memref<2x128xi32, #tpu.memory_space<hbm>>
        %dma_start3A_260 = arith.constant 0 : i32
        %dma_start3A_261 = arith.constant 0 : i32
        %dma_start3A_262 = tpu.memref_slice %arg3[%add3A_255, %dma_start3A_260, %dma_start3A_261] : memref<2560x2x128xi32, #tpu.memory_space<hbm>> -> memref<1x2x128xi32, #tpu.memory_space<hbm>>
        %dma_start3A_263 = tpu.memref_squeeze %dma_start3A_262 : memref<1x2x128xi32, #tpu.memory_space<hbm>> -> memref<2x128xi32, #tpu.memory_space<hbm>>
        tpu.enqueue_dma source(%dma_start3A_263 : memref<2x128xi32, #tpu.memory_space<hbm>>) target(%arg9 : memref<2x128xi32, #tpu.memory_space<vmem>>) target_semaphore(%arg17 : memref<!tpu.dma_semaphore, #tpu.memory_space<semaphore_mem>>)
      } else {
      }
    }
    %scan3A_62 = arith.constant 20 : i32
    %dma_wait3A = arith.constant 1 : i32
    %dma_wait3A_63 = arith.constant 0 : i32
    %dma_wait3A_64 = tpu.memref_slice %arg8[%dma_wait3A, %dma_wait3A_63] : memref<2x128xi32, #tpu.memory_space<vmem>> -> memref<1x128xi32, #tpu.memory_space<vmem>>
    %dma_wait3A_65 = tpu.memref_squeeze %dma_wait3A_64 : memref<1x128xi32, #tpu.memory_space<vmem>> -> memref<128xi32, #tpu.memory_space<vmem>>
    %dma_wait3A_66 = arith.constant 0 : i32
    %dma_wait3A_67 = arith.constant 0 : i32
    %dma_wait3A_68 = tpu.memref_slice %arg12[%dma_wait3A_66, %dma_wait3A_67] : memref<10240x128xf32, #tpu.memory_space<vmem_shared>> -> memref<10240x128xf32, #tpu.memory_space<vmem_shared>>
    tpu.wait_indirect_dma semaphore(%arg15 : memref<!tpu.dma_semaphore, #tpu.memory_space<semaphore_mem>>) src(%arg10 : memref<128x128xf32, #tpu.memory_space<vmem>>) dst(%dma_wait3A_68 : memref<10240x128xf32, #tpu.memory_space<vmem_shared>>)
    %dma_wait3A_69 = arith.constant 1 : i32
    %dma_wait3A_70 = arith.constant 0 : i32
    %dma_wait3A_71 = tpu.memref_slice %arg9[%dma_wait3A_69, %dma_wait3A_70] : memref<2x128xi32, #tpu.memory_space<vmem>> -> memref<1x128xi32, #tpu.memory_space<vmem>>
    %dma_wait3A_72 = tpu.memref_squeeze %dma_wait3A_71 : memref<1x128xi32, #tpu.memory_space<vmem>> -> memref<128xi32, #tpu.memory_space<vmem>>
    %dma_wait3A_73 = arith.constant 0 : i32
    %dma_wait3A_74 = arith.constant 0 : i32
    %dma_wait3A_75 = tpu.memref_slice %arg12[%dma_wait3A_73, %dma_wait3A_74] : memref<10240x128xf32, #tpu.memory_space<vmem_shared>> -> memref<10240x128xf32, #tpu.memory_space<vmem_shared>>
    tpu.wait_indirect_dma semaphore(%arg16 : memref<!tpu.dma_semaphore, #tpu.memory_space<semaphore_mem>>) src(%arg11 : memref<128x128xf32, #tpu.memory_space<vmem>>) dst(%dma_wait3A_75 : memref<10240x128xf32, #tpu.memory_space<vmem_shared>>)
    %barrier3A_76 = arith.constant 0 : index
    tpu.barrier barrier_id(%barrier3A_76)
    %mul3A_77 = arith.constant 640 : i32
    %mul3A_78 = arith.muli %arg1, %mul3A_77 : i32
    %mul3A_79 = arith.constant 640 : i32
    %mul3A_80 = arith.muli %arg1, %mul3A_79 : i32
    "tpu.region"() ({
      %run_scoped3A = tpu.sem_alloc : memref<!tpu.dma_semaphore, #tpu.memory_space<semaphore_mem>>
      %dma_start3A_81 = arith.constant 0 : i32
      %dma_start3A_82 = tpu.memref_slice %arg5[%arg0, %mul3A_80, %dma_start3A_81] : memref<2x10240x128xf32, #tpu.memory_space<hbm>> -> memref<1x640x128xf32, #tpu.memory_space<hbm>>
      %dma_start3A_83 = tpu.memref_squeeze %dma_start3A_82 : memref<1x640x128xf32, #tpu.memory_space<hbm>> -> memref<640x128xf32, #tpu.memory_space<hbm>>
      %dma_start3A_84 = arith.constant 0 : i32
      %dma_start3A_85 = tpu.memref_slice %arg12[%mul3A_78, %dma_start3A_84] : memref<10240x128xf32, #tpu.memory_space<vmem_shared>> -> memref<640x128xf32, #tpu.memory_space<vmem_shared>>
      tpu.enqueue_dma source(%dma_start3A_85 : memref<640x128xf32, #tpu.memory_space<vmem_shared>>) target(%dma_start3A_83 : memref<640x128xf32, #tpu.memory_space<hbm>>) target_semaphore(%run_scoped3A : memref<!tpu.dma_semaphore, #tpu.memory_space<semaphore_mem>>)
      %dma_wait3A_86 = arith.constant 0 : i32
      %dma_wait3A_87 = tpu.memref_slice %arg5[%arg0, %mul3A_80, %dma_wait3A_86] : memref<2x10240x128xf32, #tpu.memory_space<hbm>> -> memref<1x640x128xf32, #tpu.memory_space<hbm>>
      %dma_wait3A_88 = tpu.memref_squeeze %dma_wait3A_87 : memref<1x640x128xf32, #tpu.memory_space<hbm>> -> memref<640x128xf32, #tpu.memory_space<hbm>>
      %dma_wait3A_89 = arith.constant 0 : i32
      %dma_wait3A_90 = tpu.memref_slice %arg12[%mul3A_78, %dma_wait3A_89] : memref<10240x128xf32, #tpu.memory_space<vmem_shared>> -> memref<640x128xf32, #tpu.memory_space<vmem_shared>>
      tpu.wait_dma2 semaphore(%run_scoped3A : memref<!tpu.dma_semaphore, #tpu.memory_space<semaphore_mem>>) src(%dma_wait3A_90 : memref<640x128xf32, #tpu.memory_space<vmem_shared>>) dst(%dma_wait3A_88 : memref<640x128xf32, #tpu.memory_space<hbm>>)
      tpu.yield
    }) : () -> ()
    return
  }
}

module attributes {stable_mosaic.version = 14 : i64} {
  func.func @_tc_first_body(%arg0: i32, %arg1: memref<1000x128xf32, #tpu.memory_space<vmem>>, %arg2: memref<128x128xf32, #tpu.memory_space<vmem>>, %arg3: memref<2x1000x128xf32, #tpu.memory_space<vmem>>, %arg4: memref<1000x128xf32, #tpu.memory_space<vmem>>, %arg5: memref<1x1x1000xf32, #tpu.memory_space<vmem>>) attributes {dimension_semantics = [#tpu.dimension_semantics<arbitrary>], iteration_bounds = array<i64: 10>, scalar_prefetch = 0 : i64, scratch_operands = 0 : i64, tpu.core_type = #tpu.core_type<tc>, window_params = [{transform_indices = @transform_0, window_bounds = array<i64: 1000, 128>}, {pipeline_mode = #tpu.pipeline_mode<synchronous>, transform_indices = @transform_1, window_bounds = array<i64: 128, 128>}, {transform_indices = @transform_2, window_bounds = array<i64: 2, 1000, 128>}, {transform_indices = @transform_3, window_bounds = array<i64: 1000, 128>}, {transform_indices = @transform_4, window_bounds = array<i64: 1, 1, 1000>}]} {
    %get3A = arith.constant 0 : index
    %get3A_0 = arith.constant 0 : index
    %get3A_1 = arith.constant 0 : index
    %get3A_2 = vector.load %arg3[%get3A, %get3A_0, %get3A_1] : memref<2x1000x128xf32, #tpu.memory_space<vmem>>, vector<1x1000x1xf32>
    %get3A_3 = vector.shape_cast %get3A_2 : vector<1x1000x1xf32> to vector<1000x1xf32>
    %get3A_4 = arith.constant 1 : index
    %get3A_5 = arith.constant 0 : index
    %get3A_6 = arith.constant 0 : index
    %get3A_7 = vector.load %arg3[%get3A_4, %get3A_5, %get3A_6] : memref<2x1000x128xf32, #tpu.memory_space<vmem>>, vector<1x1000x1xf32>
    %get3A_8 = vector.shape_cast %get3A_7 : vector<1x1000x1xf32> to vector<1000x1xf32>
    %add3A = arith.addf %get3A_3, %get3A_8 : vector<1000x1xf32>
    %add3A_9 = arith.constant 1.000000e+00 : f32
    %add3A_10 = vector.broadcast %add3A_9 : f32 to vector<1000x1xf32>
    %add3A_11 = arith.addf %add3A, %add3A_10 : vector<1000x1xf32>
    %rsqrt3A = math.rsqrt %add3A_11 : vector<1000x1xf32>
    %get3A_12 = arith.constant 0 : index
    %get3A_13 = arith.constant 0 : index
    %get3A_14 = vector.load %arg1[%get3A_12, %get3A_13] : memref<1000x128xf32, #tpu.memory_space<vmem>>, vector<1000x128xf32>
    %get3A_15 = arith.constant 0 : index
    %get3A_16 = arith.constant 0 : index
    %get3A_17 = vector.load %arg2[%get3A_15, %get3A_16] : memref<128x128xf32, #tpu.memory_space<vmem>>, vector<128x128xf32>
    %dot_general3A = arith.constant dense<0.000000e+00> : vector<1000x128xf32>
    %dot_general3A_18 = tpu.matmul %get3A_14, %get3A_17, %dot_general3A {dimension_numbers = #tpu.dot_dimension_numbers<[1], [0], [0], [1], [0, 0, 1, 1], [], []>, transpose_lhs_hint = false} : vector<1000x128xf32>, vector<128x128xf32>, vector<1000x128xf32> -> vector<1000x128xf32>
    %mul3A = vector.broadcast %rsqrt3A : vector<1000x1xf32> to vector<1000x128xf32>
    %mul3A_19 = arith.mulf %dot_general3A_18, %mul3A : vector<1000x128xf32>
    %swap3A = arith.constant 0 : index
    %swap3A_20 = arith.constant 0 : index
    %swap3A_21 = vector.load %arg4[%swap3A, %swap3A_20] : memref<1000x128xf32, #tpu.memory_space<vmem>>, vector<1000x128xf32>
    tpu.vector_store %arg4[%swap3A, %swap3A_20], %mul3A_19 {strides = array<i32>} : memref<1000x128xf32, #tpu.memory_space<vmem>>, vector<1000x128xf32>,
    %squeeze3A = vector.shape_cast %rsqrt3A : vector<1000x1xf32> to vector<1000xf32>
    %swap3A_22 = arith.constant 0 : index
    %swap3A_23 = arith.constant 0 : index
    %swap3A_24 = arith.constant 0 : index
    %swap3A_25 = vector.load %arg5[%swap3A_22, %swap3A_23, %swap3A_24] : memref<1x1x1000xf32, #tpu.memory_space<vmem>>, vector<1x1x1000xf32>
    %swap3A_26 = vector.shape_cast %swap3A_25 : vector<1x1x1000xf32> to vector<1000xf32>
    %swap3A_27 = vector.shape_cast %squeeze3A : vector<1000xf32> to vector<1x1x1000xf32>
    tpu.vector_store %arg5[%swap3A_22, %swap3A_23, %swap3A_24], %swap3A_27 {strides = array<i32>} : memref<1x1x1000xf32, #tpu.memory_space<vmem>>, vector<1x1x1000xf32>,
    return
  }
  func.func @transform_0(%arg0: i32) -> (i32, i32) {
    %c0_i32 = arith.constant 0 : i32
    %c0_i32_0 = arith.constant 0 : i32
    return %arg0, %c0_i32 : i32, i32
  }
  func.func @transform_1(%arg0: i32) -> (i32, i32) {
    %c0_i32 = arith.constant 0 : i32
    %c0_i32_0 = arith.constant 0 : i32
    %c0_i32_1 = arith.constant 0 : i32
    return %c0_i32, %c0_i32_0 : i32, i32
  }
  func.func @transform_2(%arg0: i32) -> (i32, i32, i32) {
    %c0_i32 = arith.constant 0 : i32
    %c0_i32_0 = arith.constant 0 : i32
    %c0_i32_1 = arith.constant 0 : i32
    return %c0_i32, %arg0, %c0_i32_0 : i32, i32, i32
  }
  func.func @transform_3(%arg0: i32) -> (i32, i32) {
    %c0_i32 = arith.constant 0 : i32
    %c0_i32_0 = arith.constant 0 : i32
    return %arg0, %c0_i32 : i32, i32
  }
  func.func @transform_4(%arg0: i32) -> (i32, i32, i32) {
    %c0_i32 = arith.constant 0 : i32
    %c0_i32_0 = arith.constant 0 : i32
    %c0_i32_1 = arith.constant 0 : i32
    return %arg0, %c0_i32, %c0_i32_0 : i32, i32, i32
  }
}

module attributes {stable_mosaic.version = 14 : i64} {
  func.func @_tc_mid_body(%arg0: i32, %arg1: memref<2x1000x128xf32, #tpu.memory_space<vmem>>, %arg2: memref<1000x128xf32, #tpu.memory_space<vmem>>, %arg3: memref<1x1x1000xf32, #tpu.memory_space<vmem>>, %arg4: memref<1x128xf32, #tpu.memory_space<vmem>>, %arg5: memref<128x128xf32, #tpu.memory_space<vmem>>, %arg6: memref<1000x128xf32, #tpu.memory_space<vmem>>) attributes {dimension_semantics = [#tpu.dimension_semantics<arbitrary>], iteration_bounds = array<i64: 10>, scalar_prefetch = 0 : i64, scratch_operands = 0 : i64, tpu.core_type = #tpu.core_type<tc>, window_params = [{transform_indices = @transform_0, window_bounds = array<i64: 2, 1000, 128>}, {transform_indices = @transform_1, window_bounds = array<i64: 1000, 128>}, {transform_indices = @transform_2, window_bounds = array<i64: 1, 1, 1000>}, {pipeline_mode = #tpu.pipeline_mode<synchronous>, transform_indices = @transform_3, window_bounds = array<i64: 1, 128>}, {pipeline_mode = #tpu.pipeline_mode<synchronous>, transform_indices = @transform_4, window_bounds = array<i64: 128, 128>}, {transform_indices = @transform_5, window_bounds = array<i64: 1000, 128>}]} {
    %get3A = arith.constant 0 : index
    %get3A_0 = arith.constant 0 : index
    %get3A_1 = arith.constant 0 : index
    %get3A_2 = vector.load %arg3[%get3A, %get3A_0, %get3A_1] : memref<1x1x1000xf32, #tpu.memory_space<vmem>>, vector<1x1x1000xf32>
    %get3A_3 = vector.shape_cast %get3A_2 : vector<1x1x1000xf32> to vector<1000xf32>
    %reshape3A = vector.shape_cast %get3A_3 : vector<1000xf32> to vector<1000x1xf32>
    %get3A_4 = arith.constant 0 : index
    %get3A_5 = arith.constant 0 : index
    %get3A_6 = arith.constant 0 : index
    %get3A_7 = vector.load %arg1[%get3A_4, %get3A_5, %get3A_6] : memref<2x1000x128xf32, #tpu.memory_space<vmem>>, vector<1x1000x128xf32>
    %get3A_8 = vector.shape_cast %get3A_7 : vector<1x1000x128xf32> to vector<1000x128xf32>
    %get3A_9 = arith.constant 1 : index
    %get3A_10 = arith.constant 0 : index
    %get3A_11 = arith.constant 0 : index
    %get3A_12 = vector.load %arg1[%get3A_9, %get3A_10, %get3A_11] : memref<2x1000x128xf32, #tpu.memory_space<vmem>>, vector<1x1000x128xf32>
    %get3A_13 = vector.shape_cast %get3A_12 : vector<1x1000x128xf32> to vector<1000x128xf32>
    %add3A = arith.addf %get3A_8, %get3A_13 : vector<1000x128xf32>
    %get3A_14 = arith.constant 0 : index
    %get3A_15 = arith.constant 0 : index
    %get3A_16 = vector.load %arg2[%get3A_14, %get3A_15] : memref<1000x128xf32, #tpu.memory_space<vmem>>, vector<1000x128xf32>
    %add3A_17 = arith.addf %add3A, %get3A_16 : vector<1000x128xf32>
    %mul3A = vector.broadcast %reshape3A : vector<1000x1xf32> to vector<1000x128xf32>
    %mul3A_18 = arith.mulf %mul3A, %add3A_17 : vector<1000x128xf32>
    %get3A_19 = arith.constant 0 : index
    %get3A_20 = arith.constant 0 : index
    %get3A_21 = vector.load %arg4[%get3A_19, %get3A_20] : memref<1x128xf32, #tpu.memory_space<vmem>>, vector<1x128xf32>
    %add3A_22 = vector.broadcast %get3A_21 : vector<1x128xf32> to vector<1000x128xf32>
    %add3A_23 = arith.addf %mul3A_18, %add3A_22 : vector<1000x128xf32>
    %max3A = arith.constant 0.000000e+00 : f32
    %max3A_24 = vector.broadcast %max3A : f32 to vector<1000x128xf32>
    %max3A_25 = arith.maximumf %add3A_23, %max3A_24 : vector<1000x128xf32>
    %get3A_26 = arith.constant 0 : index
    %get3A_27 = arith.constant 0 : index
    %get3A_28 = vector.load %arg5[%get3A_26, %get3A_27] : memref<128x128xf32, #tpu.memory_space<vmem>>, vector<128x128xf32>
    %dot_general3A = arith.constant dense<0.000000e+00> : vector<1000x128xf32>
    %dot_general3A_29 = tpu.matmul %max3A_25, %get3A_28, %dot_general3A {dimension_numbers = #tpu.dot_dimension_numbers<[1], [0], [0], [1], [0, 0, 1, 1], [], []>, transpose_lhs_hint = false} : vector<1000x128xf32>, vector<128x128xf32>, vector<1000x128xf32> -> vector<1000x128xf32>
    %mul3A_30 = vector.broadcast %reshape3A : vector<1000x1xf32> to vector<1000x128xf32>
    %mul3A_31 = arith.mulf %dot_general3A_29, %mul3A_30 : vector<1000x128xf32>
    %swap3A = arith.constant 0 : index
    %swap3A_32 = arith.constant 0 : index
    %swap3A_33 = vector.load %arg6[%swap3A, %swap3A_32] : memref<1000x128xf32, #tpu.memory_space<vmem>>, vector<1000x128xf32>
    tpu.vector_store %arg6[%swap3A, %swap3A_32], %mul3A_31 {strides = array<i32>} : memref<1000x128xf32, #tpu.memory_space<vmem>>, vector<1000x128xf32>,
    return
  }
  func.func @transform_0(%arg0: i32) -> (i32, i32, i32) {
    %c0_i32 = arith.constant 0 : i32
    %c0_i32_0 = arith.constant 0 : i32
    %c0_i32_1 = arith.constant 0 : i32
    return %c0_i32, %arg0, %c0_i32_0 : i32, i32, i32
  }
  func.func @transform_1(%arg0: i32) -> (i32, i32) {
    %c0_i32 = arith.constant 0 : i32
    %c0_i32_0 = arith.constant 0 : i32
    return %arg0, %c0_i32 : i32, i32
  }
  func.func @transform_2(%arg0: i32) -> (i32, i32, i32) {
    %c0_i32 = arith.constant 0 : i32
    %c0_i32_0 = arith.constant 0 : i32
    %c0_i32_1 = arith.constant 0 : i32
    return %arg0, %c0_i32, %c0_i32_0 : i32, i32, i32
  }
  func.func @transform_3(%arg0: i32) -> (i32, i32) {
    %c0_i32 = arith.constant 0 : i32
    %c0_i32_0 = arith.constant 0 : i32
    %c0_i32_1 = arith.constant 0 : i32
    return %c0_i32, %c0_i32_0 : i32, i32
  }
  func.func @transform_4(%arg0: i32) -> (i32, i32) {
    %c0_i32 = arith.constant 0 : i32
    %c0_i32_0 = arith.constant 0 : i32
    %c0_i32_1 = arith.constant 0 : i32
    return %c0_i32, %c0_i32_0 : i32, i32
  }
  func.func @transform_5(%arg0: i32) -> (i32, i32) {
    %c0_i32 = arith.constant 0 : i32
    %c0_i32_0 = arith.constant 0 : i32
    return %arg0, %c0_i32 : i32, i32
  }
}

module attributes {stable_mosaic.version = 14 : i64} {
  func.func @_tc_final_body(%arg0: i32, %arg1: memref<2x1000x128xf32, #tpu.memory_space<vmem>>, %arg2: memref<1000x128xf32, #tpu.memory_space<vmem>>, %arg3: memref<1x1x1000xf32, #tpu.memory_space<vmem>>, %arg4: memref<1x128xf32, #tpu.memory_space<vmem>>, %arg5: memref<1x1x1000xi32, #tpu.memory_space<vmem>>, %arg6: memref<128x64xf32, #tpu.memory_space<vmem>>, %arg7: memref<1x64xf32, #tpu.memory_space<vmem>>, %arg8: memref<64x1xf32, #tpu.memory_space<vmem>>, %arg9: memref<1x1xf32, #tpu.memory_space<vmem>>, %arg10: memref<64x1xf32, #tpu.memory_space<vmem>>, %arg11: memref<64x128xf32, #tpu.memory_space<vmem>>, %arg12: memref<64x128xf32, #tpu.memory_space<vmem>>) attributes {dimension_semantics = [#tpu.dimension_semantics<arbitrary>], iteration_bounds = array<i64: 10>, scalar_prefetch = 0 : i64, scratch_operands = 2 : i64, tpu.core_type = #tpu.core_type<tc>, window_params = [{transform_indices = @transform_0, window_bounds = array<i64: 2, 1000, 128>}, {transform_indices = @transform_1, window_bounds = array<i64: 1000, 128>}, {transform_indices = @transform_2, window_bounds = array<i64: 1, 1, 1000>}, {pipeline_mode = #tpu.pipeline_mode<synchronous>, transform_indices = @transform_3, window_bounds = array<i64: 1, 128>}, {transform_indices = @transform_4, window_bounds = array<i64: 1, 1, 1000>}, {pipeline_mode = #tpu.pipeline_mode<synchronous>, transform_indices = @transform_5, window_bounds = array<i64: 128, 64>}, {pipeline_mode = #tpu.pipeline_mode<synchronous>, transform_indices = @transform_6, window_bounds = array<i64: 1, 64>}, {pipeline_mode = #tpu.pipeline_mode<synchronous>, transform_indices = @transform_7, window_bounds = array<i64: 64, 1>}, {pipeline_mode = #tpu.pipeline_mode<synchronous>, transform_indices = @transform_8, window_bounds = array<i64: 1, 1>}, {pipeline_mode = #tpu.pipeline_mode<synchronous>, transform_indices = @transform_9, window_bounds = array<i64: 64, 1>}]} {
    %eq3A = arith.constant 0 : i32
    %eq3A_0 = arith.cmpi eq, %arg0, %eq3A : i32
    %convert_element_type3A = arith.extui %eq3A_0 : i1 to i32
    %cond3A = arith.constant 0 : i32
    %cond3A_1 = arith.cmpi ne, %convert_element_type3A, %cond3A : i32
    scf.if %cond3A_1 {
      %broadcast_in_dim3A_60 = arith.constant 0.000000e+00 : f32
      %broadcast_in_dim3A_61 = vector.broadcast %broadcast_in_dim3A_60 : f32 to vector<64x128xf32>
      %swap3A_62 = arith.constant 0 : index
      %swap3A_63 = arith.constant 0 : index
      %swap3A_64 = vector.load %arg11[%swap3A_62, %swap3A_63] : memref<64x128xf32, #tpu.memory_space<vmem>>, vector<64x128xf32>
      tpu.vector_store %arg11[%swap3A_62, %swap3A_63], %broadcast_in_dim3A_61 {strides = array<i32>} : memref<64x128xf32, #tpu.memory_space<vmem>>, vector<64x128xf32>,
      %broadcast_in_dim3A_65 = arith.constant 0.000000e+00 : f32
      %broadcast_in_dim3A_66 = vector.broadcast %broadcast_in_dim3A_65 : f32 to vector<64x128xf32>
      %swap3A_67 = arith.constant 0 : index
      %swap3A_68 = arith.constant 0 : index
      %swap3A_69 = vector.load %arg12[%swap3A_67, %swap3A_68] : memref<64x128xf32, #tpu.memory_space<vmem>>, vector<64x128xf32>
      tpu.vector_store %arg12[%swap3A_67, %swap3A_68], %broadcast_in_dim3A_66 {strides = array<i32>} : memref<64x128xf32, #tpu.memory_space<vmem>>, vector<64x128xf32>,
    } else {
    }
    %get3A = arith.constant 0 : index
    %get3A_2 = arith.constant 0 : index
    %get3A_3 = arith.constant 0 : index
    %get3A_4 = vector.load %arg3[%get3A, %get3A_2, %get3A_3] : memref<1x1x1000xf32, #tpu.memory_space<vmem>>, vector<1x1x1000xf32>
    %get3A_5 = vector.shape_cast %get3A_4 : vector<1x1x1000xf32> to vector<1000xf32>
    %reshape3A = vector.shape_cast %get3A_5 : vector<1000xf32> to vector<1000x1xf32>
    %get3A_6 = arith.constant 0 : index
    %get3A_7 = arith.constant 0 : index
    %get3A_8 = arith.constant 0 : index
    %get3A_9 = vector.load %arg1[%get3A_6, %get3A_7, %get3A_8] : memref<2x1000x128xf32, #tpu.memory_space<vmem>>, vector<1x1000x128xf32>
    %get3A_10 = vector.shape_cast %get3A_9 : vector<1x1000x128xf32> to vector<1000x128xf32>
    %get3A_11 = arith.constant 1 : index
    %get3A_12 = arith.constant 0 : index
    %get3A_13 = arith.constant 0 : index
    %get3A_14 = vector.load %arg1[%get3A_11, %get3A_12, %get3A_13] : memref<2x1000x128xf32, #tpu.memory_space<vmem>>, vector<1x1000x128xf32>
    %get3A_15 = vector.shape_cast %get3A_14 : vector<1x1000x128xf32> to vector<1000x128xf32>
    %add3A = arith.addf %get3A_10, %get3A_15 : vector<1000x128xf32>
    %get3A_16 = arith.constant 0 : index
    %get3A_17 = arith.constant 0 : index
    %get3A_18 = vector.load %arg2[%get3A_16, %get3A_17] : memref<1000x128xf32, #tpu.memory_space<vmem>>, vector<1000x128xf32>
    %add3A_19 = arith.addf %add3A, %get3A_18 : vector<1000x128xf32>
    %mul3A = vector.broadcast %reshape3A : vector<1000x1xf32> to vector<1000x128xf32>
    %mul3A_20 = arith.mulf %mul3A, %add3A_19 : vector<1000x128xf32>
    %get3A_21 = arith.constant 0 : index
    %get3A_22 = arith.constant 0 : index
    %get3A_23 = vector.load %arg4[%get3A_21, %get3A_22] : memref<1x128xf32, #tpu.memory_space<vmem>>, vector<1x128xf32>
    %add3A_24 = vector.broadcast %get3A_23 : vector<1x128xf32> to vector<1000x128xf32>
    %add3A_25 = arith.addf %mul3A_20, %add3A_24 : vector<1000x128xf32>
    %max3A = arith.constant 0.000000e+00 : f32
    %max3A_26 = vector.broadcast %max3A : f32 to vector<1000x128xf32>
    %max3A_27 = arith.maximumf %add3A_25, %max3A_26 : vector<1000x128xf32>
    %get3A_28 = arith.constant 0 : index
    %get3A_29 = arith.constant 0 : index
    %get3A_30 = arith.constant 0 : index
    %get3A_31 = vector.load %arg5[%get3A_28, %get3A_29, %get3A_30] : memref<1x1x1000xi32, #tpu.memory_space<vmem>>, vector<1x1x1000xi32>
    %get3A_32 = vector.shape_cast %get3A_31 : vector<1x1x1000xi32> to vector<1000xi32>
    %broadcast_in_dim3A = vector.shape_cast %get3A_32 : vector<1000xi32> to vector<1x1000xi32>
    %iota3A = tpu.iota {dimensions = array<i32: 0>} : vector<64x1000xi32>
    %eq3A_33 = vector.broadcast %broadcast_in_dim3A : vector<1x1000xi32> to vector<64x1000xi32>
    %eq3A_34 = arith.cmpi eq, %eq3A_33, %iota3A : vector<64x1000xi32>
    %convert_element_type3A_35 = arith.extui %eq3A_34 : vector<64x1000xi1> to vector<64x1000xi32>
    %convert_element_type3A_36 = arith.sitofp %convert_element_type3A_35 : vector<64x1000xi32> to vector<64x1000xf32>
    %get3A_37 = arith.constant 0 : index
    %get3A_38 = arith.constant 0 : index
    %get3A_39 = vector.load %arg11[%get3A_37, %get3A_38] : memref<64x128xf32, #tpu.memory_space<vmem>>, vector<64x128xf32>
    %dot_general3A = arith.constant dense<0.000000e+00> : vector<64x128xf32>
    %dot_general3A_40 = tpu.matmul %convert_element_type3A_36, %max3A_27, %dot_general3A {dimension_numbers = #tpu.dot_dimension_numbers<[1], [0], [0], [1], [0, 0, 1, 1], [], []>, transpose_lhs_hint = false} : vector<64x1000xf32>, vector<1000x128xf32>, vector<64x128xf32> -> vector<64x128xf32>
    %add3A_41 = arith.addf %get3A_39, %dot_general3A_40 : vector<64x128xf32>
    %swap3A = arith.constant 0 : index
    %swap3A_42 = arith.constant 0 : index
    %swap3A_43 = vector.load %arg11[%swap3A, %swap3A_42] : memref<64x128xf32, #tpu.memory_space<vmem>>, vector<64x128xf32>
    tpu.vector_store %arg11[%swap3A, %swap3A_42], %add3A_41 {strides = array<i32>} : memref<64x128xf32, #tpu.memory_space<vmem>>, vector<64x128xf32>,
    %get3A_44 = arith.constant 0 : index
    %get3A_45 = arith.constant 0 : index
    %get3A_46 = vector.load %arg12[%get3A_44, %get3A_45] : memref<64x128xf32, #tpu.memory_space<vmem>>, vector<64x128xf32>
    %broadcast_in_dim3A_47 = arith.constant 1.000000e+00 : f32
    %broadcast_in_dim3A_48 = vector.broadcast %broadcast_in_dim3A_47 : f32 to vector<1000x128xf32>
    %dot_general3A_49 = arith.constant dense<0.000000e+00> : vector<64x128xf32>
    %dot_general3A_50 = tpu.matmul %convert_element_type3A_36, %broadcast_in_dim3A_48, %dot_general3A_49 {dimension_numbers = #tpu.dot_dimension_numbers<[1], [0], [0], [1], [0, 0, 1, 1], [], []>, transpose_lhs_hint = false} : vector<64x1000xf32>, vector<1000x128xf32>, vector<64x128xf32> -> vector<64x128xf32>
    %add3A_51 = arith.addf %get3A_46, %dot_general3A_50 : vector<64x128xf32>
    %swap3A_52 = arith.constant 0 : index
    %swap3A_53 = arith.constant 0 : index
    %swap3A_54 = vector.load %arg12[%swap3A_52, %swap3A_53] : memref<64x128xf32, #tpu.memory_space<vmem>>, vector<64x128xf32>
    tpu.vector_store %arg12[%swap3A_52, %swap3A_53], %add3A_51 {strides = array<i32>} : memref<64x128xf32, #tpu.memory_space<vmem>>, vector<64x128xf32>,
    %eq3A_55 = arith.constant 9 : i32
    %eq3A_56 = arith.cmpi eq, %arg0, %eq3A_55 : i32
    %convert_element_type3A_57 = arith.extui %eq3A_56 : i1 to i32
    %cond3A_58 = arith.constant 0 : i32
    %cond3A_59 = arith.cmpi ne, %convert_element_type3A_57, %cond3A_58 : i32
    scf.if %cond3A_59 {
      %get3A_60 = arith.constant 0 : index
      %get3A_61 = arith.constant 0 : index
      %get3A_62 = vector.load %arg11[%get3A_60, %get3A_61] : memref<64x128xf32, #tpu.memory_space<vmem>>, vector<64x128xf32>
      %get3A_63 = arith.constant 0 : index
      %get3A_64 = arith.constant 0 : index
      %get3A_65 = vector.load %arg12[%get3A_63, %get3A_64] : memref<64x128xf32, #tpu.memory_space<vmem>>, vector<64x128xf32>
      %max3A_66 = arith.constant 1.000000e+00 : f32
      %max3A_67 = vector.broadcast %max3A_66 : f32 to vector<64x128xf32>
      %max3A_68 = arith.maximumf %get3A_65, %max3A_67 : vector<64x128xf32>
      %div3A = arith.divf %get3A_62, %max3A_68 : vector<64x128xf32>
      %get3A_69 = arith.constant 0 : index
      %get3A_70 = arith.constant 0 : index
      %get3A_71 = vector.load %arg6[%get3A_69, %get3A_70] : memref<128x64xf32, #tpu.memory_space<vmem>>, vector<128x64xf32>
      %dot_general3A_72 = arith.constant dense<0.000000e+00> : vector<64x64xf32>
      %dot_general3A_73 = tpu.matmul %div3A, %get3A_71, %dot_general3A_72 {dimension_numbers = #tpu.dot_dimension_numbers<[1], [0], [0], [1], [0, 0, 1, 1], [], []>, transpose_lhs_hint = false} : vector<64x128xf32>, vector<128x64xf32>, vector<64x64xf32> -> vector<64x64xf32>
      %get3A_74 = arith.constant 0 : index
      %get3A_75 = arith.constant 0 : index
      %get3A_76 = vector.load %arg7[%get3A_74, %get3A_75] : memref<1x64xf32, #tpu.memory_space<vmem>>, vector<1x64xf32>
      %add3A_77 = vector.broadcast %get3A_76 : vector<1x64xf32> to vector<64x64xf32>
      %add3A_78 = arith.addf %dot_general3A_73, %add3A_77 : vector<64x64xf32>
      %max3A_79 = arith.constant 0.000000e+00 : f32
      %max3A_80 = vector.broadcast %max3A_79 : f32 to vector<64x64xf32>
      %max3A_81 = arith.maximumf %add3A_78, %max3A_80 : vector<64x64xf32>
      %get3A_82 = arith.constant 0 : index
      %get3A_83 = arith.constant 0 : index
      %get3A_84 = vector.load %arg8[%get3A_82, %get3A_83] : memref<64x1xf32, #tpu.memory_space<vmem>>, vector<64x1xf32>
      %dot_general3A_85 = arith.constant dense<0.000000e+00> : vector<64x1xf32>
      %dot_general3A_86 = tpu.matmul %max3A_81, %get3A_84, %dot_general3A_85 {dimension_numbers = #tpu.dot_dimension_numbers<[1], [0], [0], [1], [0, 0, 1, 1], [], []>, transpose_lhs_hint = false} : vector<64x64xf32>, vector<64x1xf32>, vector<64x1xf32> -> vector<64x1xf32>
      %get3A_87 = arith.constant 0 : index
      %get3A_88 = arith.constant 0 : index
      %get3A_89 = vector.load %arg9[%get3A_87, %get3A_88] : memref<1x1xf32, #tpu.memory_space<vmem>>, vector<1x1xf32>
      %add3A_90 = vector.broadcast %get3A_89 : vector<1x1xf32> to vector<64x1xf32>
      %add3A_91 = arith.addf %dot_general3A_86, %add3A_90 : vector<64x1xf32>
      %swap3A_92 = arith.constant 0 : index
      %swap3A_93 = arith.constant 0 : index
      %swap3A_94 = vector.load %arg10[%swap3A_92, %swap3A_93] : memref<64x1xf32, #tpu.memory_space<vmem>>, vector<64x1xf32>
      tpu.vector_store %arg10[%swap3A_92, %swap3A_93], %add3A_91 {strides = array<i32>} : memref<64x1xf32, #tpu.memory_space<vmem>>, vector<64x1xf32>,
    } else {
    }
    return
  }
  func.func @transform_0(%arg0: i32) -> (i32, i32, i32) {
    %c0_i32 = arith.constant 0 : i32
    %c0_i32_0 = arith.constant 0 : i32
    %c0_i32_1 = arith.constant 0 : i32
    return %c0_i32, %arg0, %c0_i32_0 : i32, i32, i32
  }
  func.func @transform_1(%arg0: i32) -> (i32, i32) {
    %c0_i32 = arith.constant 0 : i32
    %c0_i32_0 = arith.constant 0 : i32
    return %arg0, %c0_i32 : i32, i32
  }
  func.func @transform_2(%arg0: i32) -> (i32, i32, i32) {
    %c0_i32 = arith.constant 0 : i32
    %c0_i32_0 = arith.constant 0 : i32
    %c0_i32_1 = arith.constant 0 : i32
    return %arg0, %c0_i32, %c0_i32_0 : i32, i32, i32
  }
  func.func @transform_3(%arg0: i32) -> (i32, i32) {
    %c0_i32 = arith.constant 0 : i32
    %c0_i32_0 = arith.constant 0 : i32
    %c0_i32_1 = arith.constant 0 : i32
    return %c0_i32, %c0_i32_0 : i32, i32
  }
  func.func @transform_4(%arg0: i32) -> (i32, i32, i32) {
    %c0_i32 = arith.constant 0 : i32
    %c0_i32_0 = arith.constant 0 : i32
    %c0_i32_1 = arith.constant 0 : i32
    return %arg0, %c0_i32, %c0_i32_0 : i32, i32, i32
  }
  func.func @transform_5(%arg0: i32) -> (i32, i32) {
    %c0_i32 = arith.constant 0 : i32
    %c0_i32_0 = arith.constant 0 : i32
    %c0_i32_1 = arith.constant 0 : i32
    return %c0_i32, %c0_i32_0 : i32, i32
  }
  func.func @transform_6(%arg0: i32) -> (i32, i32) {
    %c0_i32 = arith.constant 0 : i32
    %c0_i32_0 = arith.constant 0 : i32
    %c0_i32_1 = arith.constant 0 : i32
    return %c0_i32, %c0_i32_0 : i32, i32
  }
  func.func @transform_7(%arg0: i32) -> (i32, i32) {
    %c0_i32 = arith.constant 0 : i32
    %c0_i32_0 = arith.constant 0 : i32
    %c0_i32_1 = arith.constant 0 : i32
    return %c0_i32, %c0_i32_0 : i32, i32
  }
  func.func @transform_8(%arg0: i32) -> (i32, i32) {
    %c0_i32 = arith.constant 0 : i32
    %c0_i32_0 = arith.constant 0 : i32
    %c0_i32_1 = arith.constant 0 : i32
    return %c0_i32, %c0_i32_0 : i32, i32
  }
  func.func @transform_9(%arg0: i32) -> (i32, i32) {
    %c0_i32 = arith.constant 0 : i32
    %c0_i32_0 = arith.constant 0 : i32
    %c0_i32_1 = arith.constant 0 : i32
    return %c0_i32, %c0_i32_0 : i32, i32
  }
}

</mosaic_0001>

<sc_bundles>
// kernel: kernel.10.cloned.1.call-start
scs
__scs_entry_jumppad:
0x0: {  	(pc) =	sbr.rel $0x88, $3  }
0x1: {  	(tag) =	ssettag $0x0;
	lr =	simm.s32 $0x1  }
0x2: {  	[smem:$0x3F94] =	sst lr;
	_ =	strace $0xD0000000  }
0x3: {  	_ = 	snop  }
0x4: {  	_ = 	snop  }
0x5: {  	_ = 	snop  }
0x6: {  	_ = 	snop  }
0x7: {  	_ = 	snop  }
__scs_overlays_trampoline_lowered:
0x8: {  	[smem:$0x3FA3] =	sst s0  }
0x9: {  	[smem:$0x3FA4] =	sst s1  }
0xa: {  	[smem:$0x3FA5] =	sst s2  }
0xb: {  	[smem:$0x3FA6] =	sst s3  }
0xc: {  	[smem:$0x3FA7] =	sst s4  }
0xd: {  	[smem:$0x3FA8] =	sst s5  }
0xe: {  	[smem:$0x3FA9] =	sst s6  }
0xf: {  	[smem:$0x3FAA] =	sst s7  }
0x10: {  	[smem:$0x3FAB] =	sst s8  }
0x11: {  	[smem:$0x3FAC] =	sst s9;
	s0 =	simm.s32 @!p0 $0x0  }
0x12: {  	s1 =	sld [smem:$0x3F92];
	s0 =	simm.s32 @p0 $0x1  }
0x13: {  	[smem:$0x3FAD] =	sst s0;
	s0 =	simm.s32 @!p1 $0x0  }
0x14: {  	s2 =	sld [smem:$0x3F91];
	s0 =	simm.s32 @p1 $0x1  }
0x15: {  	[smem:$0x3FAE] =	sst s0;
	s0 =	simm.s32 @!p2 $0x0  }
0x16: {  	s3 =	sld [smem:$0x3FDB];
	s0 =	simm.s32 @p2 $0x1  }
0x17: {  	s4 =	simm.s32 $0x1BF5;
	[smem:$0x3FB0] =	sst s0  }
0x18: {  	s0 =	sld [smem:$0x3F93];
	_ =	swait.ge [sflag:s4], $0x0  }
0x19: {  	s7 =	sld [smem:$0x3F94]  }
0x1a: {  	s8 =	sadd.s32 $0xFFFFE003, lr  }
0x1b: {  	s9 =	sadd.s32 $0xFFFFFEF7, lr;
	s5 =	simm.s32 $0xFFFFFFFF;
	p2 =	slt.u32 s8, $0xFFFFF086  }
0x1c: {  	p1 =	slt.u32 s9, $0xF7A;
	s5 =	simm.s32 @!p2 $0x0  }
0x1d: {  	s5 =	simm.s32 @p1 $0x1;
	p0 =	seq.s32 s7, s2  }
0x1e: {  	s7 =	smul.u32 @!p0 $0xF7A, s2;
	p2 =	seq.s32 @!p0 s5, $0x0  }
0x1f: {  	s9 =	smul.u32 $0xF7A, s1;
	s8 =	simm.s32 @!p0 $0x1BF5;
	p2 =	por !p2, p0  }
0x20: {  	[sflag:s8] =	ssyncset.s32 @!p0 $0xFFFFF086;
	s6 =	sadd.s32 @!p0 s3, s7;
	s7 =	simm.s32 @!p0 $0x108  }
0x21: {  	s3 =	sadd.s32 s3, s9;
	s6 =	sadd.s32 @!p0 $0x88, s6;
	s7 =	simm.s32 @p2 $0x1082  }
0x22: {  	[simem:s7], [sflag:s8] =	dma.local @!p0 [hbm:s6], $0xF7A  }
0x23: {  	s9 =	sor.u32 $0xD0000000, s2;
	s6 =	simm.s32 $0x108;
	_ =	swait.ge @!p0 [sflag:s8], $0x0  }
0x24: {  	s3 =	sadd.s32 $0x88, s3;
	s6 =	simm.s32 @!p1 $0x1082;
	[sflag:s4] =	ssyncset.s32 $0xFFFFF086  }
0x25: {  	[simem:s6], [sflag:s4] =	dma.local [hbm:s3], $0xF7A  }
0x26: {  	[smem:$0x3F94] =	sst s1;
	(tag) =	ssettag s2;
	_ =	strace s9  }
0x27: {  	s1 =	sld [smem:$0x3FA4]  }
0x28: {  	s2 =	sld [smem:$0x3FA5]  }
0x29: {  	s4 =	sld [smem:$0x3FA7]  }
0x2a: {  	p0 =	seq.s32 s5, $0x0;
	s5 =	sld [smem:$0x3FA8]  }
0x2b: {  	s6 =	sld [smem:$0x3FA9]  }
0x2c: {  	s7 =	sld [smem:$0x3FAA]  }
0x2d: {  	s3 =	simm.s32 $0x108;
	s8 =	sld [smem:$0x3FAB]  }
0x2e: {  	s3 =	simm.s32 @!p0 $0x1082;
	s9 =	sld [smem:$0x3FAC]  }
0x2f: {  	lr =	sadd.s32 s0, s3;
	s0 =	sld [smem:$0x3FA3]  }
0x30: {  	s3 =	sld [smem:$0x3FA6]  }
0x31: {  	[smem:$0x3FAF] =	sst s10  }
0x32: {  	s10 =	sld [smem:$0x3FAD];
	_ =	sdelay $0x3  }
0x33: {  	p0 =	seq.s32 s10, $0x1;
	s10 =	sld [smem:$0x3FAF];
	_ =	sdelay $0x3  }
0x34: {  	[smem:$0x3FAF] =	sst s10  }
0x35: {  	s10 =	sld [smem:$0x3FAE];
	_ =	sdelay $0x3  }
0x36: {  	p1 =	seq.s32 s10, $0x1;
	s10 =	sld [smem:$0x3FAF];
	_ =	sdelay $0x3  }
0x37: {  	[smem:$0x3FAF] =	sst s10  }
0x38: {  	s10 =	sld [smem:$0x3FB0]  }
0x39: {  	_ = 	snop;
	(pc) =	sbr.ind lr, $3  }
0x3a: {  	_ = 	snop  }
0x3b: {  	_ = 	snop  }
0x3c: {  	p2 =	seq.s32 s10, $0x1;
	s10 =	sld [smem:$0x3FAF]  }
0x3d: {  	_ =	shalt  }
0x3e: {  	_ =	shalt  }
0x3f: {  	_ =	shalt  }
0x40: {  	_ =	shalt  }
0x41: {  	_ =	shalt  }
0x42: {  	_ =	shalt  }
0x43: {  	_ =	shalt  }
0x44: {  	_ =	shalt  }
0x45: {  	_ =	shalt  }
0x46: {  	_ =	shalt  }
0x47: {  	_ =	shalt  }
0x48: {  	_ =	shalt  }
0x49: {  	_ =	shalt  }
0x4a: {  	_ =	shalt  }
0x4b: {  	_ =	shalt  }
0x4c: {  	_ =	shalt  }
0x4d: {  	_ =	shalt  }
0x4e: {  	_ =	shalt  }
0x4f: {  	_ =	shalt  }
0x50: {  	_ =	shalt  }
0x51: {  	_ =	shalt  }
0x52: {  	_ =	shalt  }
0x53: {  	_ =	shalt  }
0x54: {  	_ =	shalt  }
0x55: {  	_ =	shalt  }
0x56: {  	_ =	shalt  }
0x57: {  	_ =	shalt  }
0x58: {  	_ =	shalt  }
0x59: {  	_ =	shalt  }
0x5a: {  	_ =	shalt  }
0x5b: {  	_ =	shalt  }
0x5c: {  	_ =	shalt  }
0x5d: {  	_ =	shalt  }
0x5e: {  	_ =	shalt  }
0x5f: {  	_ =	shalt  }
0x60: {  	_ =	shalt  }
0x61: {  	_ =	shalt  }
0x62: {  	_ =	shalt  }
0x63: {  	_ =	shalt  }
0x64: {  	_ =	shalt  }
0x65: {  	_ =	shalt  }
0x66: {  	_ =	shalt  }
0x67: {  	_ =	shalt  }
0x68: {  	_ =	shalt  }
0x69: {  	_ =	shalt  }
0x6a: {  	_ =	shalt  }
0x6b: {  	_ =	shalt  }
0x6c: {  	_ =	shalt  }
0x6d: {  	_ =	shalt  }
0x6e: {  	_ =	shalt  }
0x6f: {  	_ =	shalt  }
0x70: {  	_ =	shalt  }
0x71: {  	_ =	shalt  }
0x72: {  	_ =	shalt  }
0x73: {  	_ =	shalt  }
0x74: {  	_ =	shalt  }
0x75: {  	_ =	shalt  }
0x76: {  	_ =	shalt  }
0x77: {  	_ =	shalt  }
0x78: {  	_ =	shalt  }
0x79: {  	_ =	shalt  }
0x7a: {  	_ =	shalt  }
0x7b: {  	_ =	shalt  }
0x7c: {  	_ =	shalt  }
0x7d: {  	_ =	shalt  }
0x7e: {  	_ =	shalt  }
0x7f: {  	_ =	shalt  }
0x80: {  	_ =	shalt  }
0x81: {  	_ =	shalt  }
0x82: {  	_ =	shalt  }
0x83: {  	_ =	shalt  }
0x84: {  	_ =	shalt  }
0x85: {  	_ =	shalt  }
0x86: {  	_ =	shalt  }
0x87: {  	_ =	shalt  }
.Lfunc_end0:
.L_simem_size_0:
called_computation_lowered:
.L_overlay_start_0:
0x88: {  	s2 =	sld [smem:$0x3FD9]  }
0x89: {  	s3 =	sld [smem:$0x3FFE];
	_ =	sdelay $0x1  }
0x8a: {  	s1 =	srdreg.scid  }
0x8b: {  	s0 =	sand.u32 $0x1, s1  }
0x8c: {  	s16 =	sshll.u32 s0, $0xA;
	s2 =	sadd.s32 s3, s2  }
0x8d: {  	s2 =	sadd.s32 s2, s16  }
0x8e: {  	[smem:$0x3FBB] =	sst s2  }
0x8f: {  	_ = 	snop  }
0x90: {  	(tm) =	ssettm $0x1  }
0x91: {  	s17 =	sld [smem:$0x3FFB];
	_ =	sdelay $0x3  }
0x92: {  	_ =	strace s17  }
0x93: {  	s2 =	sld [smem:$0x3FFC];
	_ =	sdelay $0x3  }
0x94: {  	_ =	strace s2  }
0x95: {  	s2 =	sld [smem:$0x3FFD];
	_ =	sdelay $0x3  }
0x96: {  	_ =	strace s2  }
0x97: {  	_ =	strace $0x8FFFFFFF  }
0x98: {  	s18 =	sld [smem:$0x3FDB];
	_ =	sdelay $0x1  }
0x99: {  	s19 =	simm.s32 $_scs_section_size  }
0x9a: {  	s4 =	simm.s32 $_size__tile_overlayer_lowered;
	s5 =	simm.s32 $_tile_overlayer_lowered  }
0x9b: {  	s22 =	simm.s32 $0x1BFF;
	s21 =	sshll.u32 s5, $0x1;
	s2 =	sadd.s32 s19, s18  }
0x9c: {  	s6 =	simm.s32 $0x0;
	s20 =	sshll.u32 s4, $0x1;
	s4 =	sadd.s32 s21, s2  }
0x9d: {  	[timem:s6], [sflag:s22] =	dma.local [hbm:s4], s20  }
0x9e: {  	_ =	swait.ge [sflag:s22], s20  }
0x9f: {  	s3 =	ssub.s32 $0x0, s20;
	[sflag:s22] =	ssyncset.done $0x0  }
0xa0: {  	[sflag:s22] =	ssyncadd.s32 s3;
	_ =	sdelay $0x1  }
0xa1: {  	s23 =	simm.s32 $0x1B8B  }
0xa2: {  	_ =	swait.ge [sflag:s23], $0x1  }
0xa3: {  	[sflag:s23] =	ssyncset.done $0x0  }
0xa4: {  	s25 =	simm.s32 $0x1B8E;
	s24 =	sld [smem:$0x3FFE];
	[sflag:s23] =	ssyncadd.s32 $0xFFFFFFFF  }
0xa5: {  	s26 =	simm.s32 $execute0_lowered;
	[smem:$0x3FD2] =	sst s25  }
0xa6: {  	s4 =	sshll.u32 s26, $0x1;
	_ =	strace $0x80000046;
	[dreg:$0x1] =	wrdreg $0xFFFFFFFF  }
0xa7: {  	s28 =	simm.s32 $_size_execute0_lowered;
	s2 =	sadd.s32 s2, s4;
	[dreg:$0x0] =	wrdreg $0x0  }
0xa8: {  	s4 =	sshll.u32 s28, $0x1;
	[dreg:$0x2] =	wrdreg s2  }
0xa9: {  	[dreg:$0x3] =	wrdreg s4  }
0xaa: {  	[dreg:$0x4] =	wrdreg $0xC0  }
0xab: {  	_ =	task [dreg:s6], $0x5FFFF  }
0xac: {  	[dreg:$0x1] =	wrdreg $0xFFFFFFFF  }
0xad: {  	[dreg:$0x0] =	wrdreg $0x60  }
0xae: {  	[dreg:$0x2] =	wrdreg s24  }
0xaf: {  	[dreg:$0x3] =	wrdreg $0x68000  }
0xb0: {  	[dreg:$0x4] =	wrdreg $0x9  }
0xb1: {  	_ =	task.clear_ibuf [dreg:s6], $0x5FFFF;
	_ =	strace $0x90000046  }
0xb2: {  	s29 =	simm.s32 $0x9;
	_ =	strace $0x80000048  }
0xb3: {  	_ =	swait.ge [sflag:s29], $0x1  }
0xb4: {  	[sflag:s29] =	ssyncadd.s32 $0xFFFFFFFF  }
0xb5: {  	_ =	strace $0x90000048  }
0xb6: {  	_ =	sfence  }
0xb7: {  	s30 =	sld [smem:$0x0];
	_ =	sdelay $0x2  }
0xb8: {  	s31 =	sshll.u32 s1, $0xD;
	s1 =	sshrl.u32 s1, $0x2  }
0xb9: {  	s3 =	sand.u32 $0x4000, s31;
	s1 =	sadd.s32 s1, s30  }
0xba: {  	s0 =	sor.u32 s3, s0;
	s1 =	sshll.u32 s1, $0x11  }
0xbb: {  	s0 =	sor.u32 s1, s0  }
0xbc: {  	s0 =	sadd.s32 $0x8F2B, s0  }
0xbd: {  	[sflag:s0] =	ssyncadd.remote.s32 $0x1  }
0xbe: {  	_ =	sfence.sel $0xFFFF  }
0xbf: {  	[dreg:$0x0] =	wrdreg $0xFFFFFFFF;
	(pc) =	sbr.abs _section_cstart, $3  }
0xc0: {  	[dreg:$0x1] =	wrdreg $0xFFFFFFFF  }
0xc1: {  	_ =	task.clear_ibuf [dreg:s6], $0x2FFFF;
	_ =	strace $0x9FFFFFFF  }
0xc2: {  	(tm) =	ssettm $0x7FFFFFFF  }
0xc3: {  	_ =	shalt  }
tec
execute0_lowered:
.L_overlay_start_1:
0x0: {  	(tag) =	ssettag $0x1  }
0x1: {  	s0 =	srdreg.scid;
	s7 =	rddreg [dreg:$0x0]  }
0x2: {  	s2 =	rddreg [dreg:$0x1];
	s3 =	simm.s32 $0x0;
	s14 =	simm.s32 $0x2800  }
0x3: {  	s15 =	simm.s32 $0x2;
	s16 =	simm.s32 $0x80;
	s6 =	sand.u32 $0x1, s0  }
0x4: {  	s17 =	simm.s32 $0x1;
	s0 =	stileid.u32;
	s8 =	smul.u32 $0x140000, s6  }
0x5: {  	s20 =	simm.s32 $0x0;
	[smem:$0x7FF] =	sst s3;
	s9 =	smul.u32 $0x14000, s0  }
0x6: {  	s5 =	sadd.s32 $0xE400, s7;
	s1 =	sshll.u32 s6, $0x4;
	s10 =	smul.u32 $0x50000, s0  }
0x7: {  	s6 =	ssub.s32 $0x2, s6;
	s18 =	sshll.u32 s0, $0x6;
	s4 =	sor.u32 s0, s1  }
0x8: {  	s1 =	rddreg [dreg:$0x2];
	_ =	strace $0x80000047;
	s31 =	sshrl.u32 s6, $0x1  }
0x9: {  	s18 =	sor.u32 $0x1C02, s18;
	s4 =	smul.u32 $0x500, s4;
	s8 =	sadd.s32 s9, s8  }
0xa: {  	s10 =	sshrl.u32 s10, $0x2;
	s13 =	ssub.s32 s6, s31;
	s8 =	sshrl.u32 s8, $0x3  }
0xb: {  	s6 =	sadd.s32 s10, s2;
	s13 =	smax.u32 s13, $0x1;
	s11 =	sadd.s32 s4, s7  }
0xc: {  	s4 =	sadd.s32 $0xEC00, s7;
	s12 =	sadd.s32 s8, s7;
	s7 =	sadd.s32 $0x4000, s6  }
0xd: {  	s8 =	sadd.s32 $0x8000, s6;
	s9 =	sadd.s32 $0xC000, s6;
	s10 =	sadd.s32 $0x10000, s6  }
0xe: {  	s19 =	sshrl.u32 s6, $0x3;
	s11 =	sadd.s32 $0x4400, s11;
	s12 =	sadd.s32 $0xF400, s12  }
.LBB2_1:
0xf: {  	[tilespmem:s14], [sflag:$0x2] =	stream.linear.gather [hbm4b:s5+s3], $0x4000, $0x38;
	[tilespmem:$0x1A800] =	vst v63  }
0x10: {  	_ =	swait.ge [sflag:s15], $0x4000  }
0x11: {  	[sflag:s15] =	ssyncset.done $0x0  }
0x12: {  	[sflag:s15] =	ssyncadd.s32 $0xFFFFC000  }
0x13: {  	[spmem:s6] =	stream.linear.scatter [tilespmem:s14], [sflag:$0x2], $0x4000, $0x38;
	[tilespmem:$0x1A800] =	vst v63  }
0x14: {  	_ =	swait.ge [sflag:s15], $0x4000  }
0x15: {  	[sflag:s15] =	ssyncset.done $0x0  }
0x16: {  	[sflag:s15] =	ssyncadd.s32 $0xFFFFC000  }
0x17: {  	[spmem:s7] =	stream.linear.scatter [tilespmem:s14], [sflag:$0x2], $0x4000, $0x38;
	[tilespmem:$0x1A800] =	vst v63  }
0x18: {  	_ =	swait.ge [sflag:s15], $0x4000  }
0x19: {  	[sflag:s15] =	ssyncset.done $0x0  }
0x1a: {  	[sflag:s15] =	ssyncadd.s32 $0xFFFFC000  }
0x1b: {  	[spmem:s8] =	stream.linear.scatter [tilespmem:s14], [sflag:$0x2], $0x4000, $0x38;
	[tilespmem:$0x1A800] =	vst v63  }
0x1c: {  	_ =	swait.ge [sflag:s15], $0x4000  }
0x1d: {  	[sflag:s15] =	ssyncset.done $0x0  }
0x1e: {  	[sflag:s15] =	ssyncadd.s32 $0xFFFFC000  }
0x1f: {  	[spmem:s9] =	stream.linear.scatter [tilespmem:s14], [sflag:$0x2], $0x4000, $0x38;
	[tilespmem:$0x1A800] =	vst v63  }
0x20: {  	_ =	swait.ge [sflag:s15], $0x4000  }
0x21: {  	[sflag:s15] =	ssyncset.done $0x0  }
0x22: {  	[sflag:s15] =	ssyncadd.s32 $0xFFFFC000  }
0x23: {  	[spmem:s10] =	stream.linear.scatter [tilespmem:s14], [sflag:$0x2], $0x4000, $0x38;
	[tilespmem:$0x1A800] =	vst v63  }
0x24: {  	_ =	swait.ge [sflag:s15], $0x4000  }
0x25: {  	[sflag:s15] =	ssyncset.done $0x0  }
0x26: {  	[sflag:s15] =	ssyncadd.s32 $0xFFFFC000  }
0x27: {  	[tilespmem:s14], [sflag:$0x2] =	stream.linear.gather [hbm4b:s4+s3], $0x4000, $0x38;
	[tilespmem:$0x1A800] =	vst v63  }
0x28: {  	_ =	swait.ge [sflag:s15], $0x4000  }
0x29: {  	[sflag:s15] =	ssyncset.done $0x0  }
0x2a: {  	[sflag:s15] =	ssyncadd.s32 $0xFFFFC000  }
0x2b: {  	[tilespmem:s3], [sflag:$0x2] =	stream.linear.gather [hbm4b:s11+s3], $0x2800, $0x38;
	[tilespmem:$0x1A800] =	vst v63  }
0x2c: {  	_ =	swait.ge [sflag:s15], $0x2800  }
0x2d: {  	[sflag:s15] =	ssyncset.done $0x0  }
0x2e: {  	[sflag:s15] =	ssyncadd.s32 $0xFFFFD800  }
0x2f: {  	s21 =	simm.s32 $0x0;
	[bflag:$0x0] =	sbarrier.arrive $0xFFFF  }
0x30: {  	[spmem:s2] =	stream.indirect.scatter.add.f32 [tilespmem:s14], [sflag:$0x1], $0x80, s21, s16, $0xb8;
	[tilespmem:$0x1A800] =	vst v63  }
0x31: {  	s24 =	simm.s32 $0x80  }
0x32: {  	[spmem:s2] =	stream.indirect.scatter.add.f32 [tilespmem:s14], [sflag:$0x1], $0x80, s24, s16, $0xb8;
	[tilespmem:$0x1A800] =	vst v63  }
0x33: {  	s25 =	simm.s32 $0x100  }
0x34: {  	[spmem:s2] =	stream.indirect.scatter.add.f32 [tilespmem:s14], [sflag:$0x1], $0x80, s25, s16, $0xb8;
	[tilespmem:$0x1A800] =	vst v63  }
0x35: {  	s26 =	simm.s32 $0x180  }
0x36: {  	[spmem:s2] =	stream.indirect.scatter.add.f32 [tilespmem:s14], [sflag:$0x1], $0x80, s26, s16, $0xb8;
	[tilespmem:$0x1A800] =	vst v63  }
0x37: {  	s28 =	simm.s32 $0x200  }
0x38: {  	[spmem:s2] =	stream.indirect.scatter.add.f32 [tilespmem:s14], [sflag:$0x1], $0x80, s28, s16, $0xb8;
	[tilespmem:$0x1A800] =	vst v63  }
0x39: {  	s29 =	simm.s32 $0x280  }
0x3a: {  	[spmem:s2] =	stream.indirect.scatter.add.f32 [tilespmem:s14], [sflag:$0x1], $0x80, s29, s16, $0xb8;
	[tilespmem:$0x1A800] =	vst v63  }
0x3b: {  	s30 =	simm.s32 $0x300  }
0x3c: {  	[spmem:s2] =	stream.indirect.scatter.add.f32 [tilespmem:s14], [sflag:$0x1], $0x80, s30, s16, $0xb8;
	[tilespmem:$0x1A800] =	vst v63  }
0x3d: {  	s31 =	simm.s32 $0x380  }
0x3e: {  	[spmem:s2] =	stream.indirect.scatter.add.f32 [tilespmem:s14], [sflag:$0x1], $0x80, s31, s16, $0xb8;
	[tilespmem:$0x1A800] =	vst v63  }
0x3f: {  	_ =	swait.ge [sflag:s17], $0x4000  }
0x40: {  	[sflag:s17] =	ssyncset.done $0x0  }
0x41: {  	[sflag:s17] =	ssyncadd.s32 $0xFFFFC000  }
0x42: {  	_ =	swait.ge [sflag:s17], $0x4000  }
0x43: {  	[sflag:s17] =	ssyncset.done $0x0  }
0x44: {  	[sflag:s17] =	ssyncadd.s32 $0xFFFFC000  }
0x45: {  	_ =	swait.ge [sflag:s17], $0x4000  }
0x46: {  	[sflag:s17] =	ssyncset.done $0x0  }
0x47: {  	[sflag:s17] =	ssyncadd.s32 $0xFFFFC000  }
0x48: {  	_ =	swait.ge [sflag:s17], $0x4000  }
0x49: {  	[sflag:s17] =	ssyncset.done $0x0  }
0x4a: {  	[sflag:s17] =	ssyncadd.s32 $0xFFFFC000  }
0x4b: {  	_ =	swait.ge [sflag:s17], $0x4000  }
0x4c: {  	[sflag:s17] =	ssyncset.done $0x0  }
0x4d: {  	[sflag:s17] =	ssyncadd.s32 $0xFFFFC000  }
0x4e: {  	_ =	swait.ge [sflag:s17], $0x4000  }
0x4f: {  	[sflag:s17] =	ssyncset.done $0x0  }
0x50: {  	[sflag:s17] =	ssyncadd.s32 $0xFFFFC000  }
0x51: {  	_ =	swait.ge [sflag:s17], $0x4000  }
0x52: {  	[sflag:s17] =	ssyncset.done $0x0  }
0x53: {  	[sflag:s17] =	ssyncadd.s32 $0xFFFFC000  }
0x54: {  	_ =	swait.ge [sflag:s17], $0x4000  }
0x55: {  	s23 =	simm.s32 $0x2000;
	s21 =	simm.s32 $0x1000;
	[sflag:s17] =	ssyncset.done $0x0  }
.LBB2_2:
0x56: {  	s24 =	sshra.s32 s21, $0x2  }
0x57: {  	[sflag:s17] =	ssyncadd.s32 $0xFFFFC000;
	s21 =	smov.u32 s23;
	s22 =	sadd.s32 $0x1000, s23  }
0x58: {  	[spmem:s2] =	stream.indirect.scatter.add.f32 [tilespmem:s14], [sflag:$0x1], $0x80, s24, s16, $0xb8;
	[tilespmem:$0x1A800] =	vst v63  }
0x59: {  	p0 =	sne.s32 s23, $0x9000;
	s23 =	sadd.s32 $0x80, s24  }
0x5a: {  	[spmem:s2] =	stream.indirect.scatter.add.f32 [tilespmem:s14], [sflag:$0x1], $0x80, s23, s16, $0xb8;
	[tilespmem:$0x1A800] =	vst v63  }
0x5b: {  	s23 =	sadd.s32 $0x100, s24  }
0x5c: {  	[spmem:s2] =	stream.indirect.scatter.add.f32 [tilespmem:s14], [sflag:$0x1], $0x80, s23, s16, $0xb8;
	[tilespmem:$0x1A800] =	vst v63  }
0x5d: {  	s23 =	sadd.s32 $0x180, s24  }
0x5e: {  	[spmem:s2] =	stream.indirect.scatter.add.f32 [tilespmem:s14], [sflag:$0x1], $0x80, s23, s16, $0xb8;
	[tilespmem:$0x1A800] =	vst v63  }
0x5f: {  	s23 =	sadd.s32 $0x200, s24  }
0x60: {  	[spmem:s2] =	stream.indirect.scatter.add.f32 [tilespmem:s14], [sflag:$0x1], $0x80, s23, s16, $0xb8;
	[tilespmem:$0x1A800] =	vst v63  }
0x61: {  	s23 =	sadd.s32 $0x280, s24  }
0x62: {  	[spmem:s2] =	stream.indirect.scatter.add.f32 [tilespmem:s14], [sflag:$0x1], $0x80, s23, s16, $0xb8;
	[tilespmem:$0x1A800] =	vst v63  }
0x63: {  	s23 =	sadd.s32 $0x300, s24  }
0x64: {  	[spmem:s2] =	stream.indirect.scatter.add.f32 [tilespmem:s14], [sflag:$0x1], $0x80, s23, s16, $0xb8;
	[tilespmem:$0x1A800] =	vst v63  }
0x65: {  	s23 =	sadd.s32 $0x380, s24  }
0x66: {  	[spmem:s2] =	stream.indirect.scatter.add.f32 [tilespmem:s14], [sflag:$0x1], $0x80, s23, s16, $0xb8;
	[tilespmem:$0x1A800] =	vst v63  }
0x67: {  	_ =	swait.ge [sflag:s17], $0x4000  }
0x68: {  	[sflag:s17] =	ssyncset.done $0x0  }
0x69: {  	[sflag:s17] =	ssyncadd.s32 $0xFFFFC000  }
0x6a: {  	_ =	swait.ge [sflag:s17], $0x4000  }
0x6b: {  	[sflag:s17] =	ssyncset.done $0x0  }
0x6c: {  	[sflag:s17] =	ssyncadd.s32 $0xFFFFC000  }
0x6d: {  	_ =	swait.ge [sflag:s17], $0x4000  }
0x6e: {  	[sflag:s17] =	ssyncset.done $0x0  }
0x6f: {  	[sflag:s17] =	ssyncadd.s32 $0xFFFFC000  }
0x70: {  	_ =	swait.ge [sflag:s17], $0x4000  }
0x71: {  	[sflag:s17] =	ssyncset.done $0x0  }
0x72: {  	[sflag:s17] =	ssyncadd.s32 $0xFFFFC000  }
0x73: {  	_ =	swait.ge [sflag:s17], $0x4000  }
0x74: {  	[sflag:s17] =	ssyncset.done $0x0  }
0x75: {  	[sflag:s17] =	ssyncadd.s32 $0xFFFFC000  }
0x76: {  	_ =	swait.ge [sflag:s17], $0x4000  }
0x77: {  	[sflag:s17] =	ssyncset.done $0x0  }
0x78: {  	[sflag:s17] =	ssyncadd.s32 $0xFFFFC000  }
.Ltmp0:
0x79: {  	_ =	swait.ge [sflag:s17], $0x4000;
	(pc) =	sbr.rel @p0 .LBB2_2-.Ltmp0, $4  }
0x7a: {  	[sflag:s17] =	ssyncset.done $0x0  }
0x7b: {  	[sflag:s17] =	ssyncadd.s32 $0xFFFFC000  }
0x7c: {  	_ =	swait.ge [sflag:s17], $0x4000  }
0x7d: {  	s23 =	smov.u32 s22;
	[sflag:s17] =	ssyncset.done $0x0  }
0x7e: {  	s21 =	sshra.s32 s21, $0x2;
	[sflag:s17] =	ssyncadd.s32 $0xFFFFC000  }
0x7f: {  	[spmem:s2] =	stream.indirect.scatter.add.f32 [tilespmem:s14], [sflag:$0x1], $0x80, s21, s16, $0xb8;
	[tilespmem:$0x1A800] =	vst v63  }
0x80: {  	s22 =	sadd.s32 $0x80, s21  }
0x81: {  	[spmem:s2] =	stream.indirect.scatter.add.f32 [tilespmem:s14], [sflag:$0x1], $0x80, s22, s16, $0xb8;
	[tilespmem:$0x1A800] =	vst v63  }
0x82: {  	s26 =	sadd.s32 $0x100, s21  }
0x83: {  	[spmem:s2] =	stream.indirect.scatter.add.f32 [tilespmem:s14], [sflag:$0x1], $0x80, s26, s16, $0xb8;
	[tilespmem:$0x1A800] =	vst v63  }
0x84: {  	s28 =	sadd.s32 $0x180, s21  }
0x85: {  	[spmem:s2] =	stream.indirect.scatter.add.f32 [tilespmem:s14], [sflag:$0x1], $0x80, s28, s16, $0xb8;
	[tilespmem:$0x1A800] =	vst v63  }
0x86: {  	s29 =	sadd.s32 $0x200, s21  }
0x87: {  	[spmem:s2] =	stream.indirect.scatter.add.f32 [tilespmem:s14], [sflag:$0x1], $0x80, s29, s16, $0xb8;
	[tilespmem:$0x1A800] =	vst v63  }
0x88: {  	s30 =	sadd.s32 $0x280, s21  }
0x89: {  	[spmem:s2] =	stream.indirect.scatter.add.f32 [tilespmem:s14], [sflag:$0x1], $0x80, s30, s16, $0xb8;
	[tilespmem:$0x1A800] =	vst v63  }
0x8a: {  	s31 =	sadd.s32 $0x300, s21  }
0x8b: {  	[spmem:s2] =	stream.indirect.scatter.add.f32 [tilespmem:s14], [sflag:$0x1], $0x80, s31, s16, $0xb8;
	[tilespmem:$0x1A800] =	vst v63  }
0x8c: {  	s21 =	sadd.s32 $0x380, s21  }
0x8d: {  	[spmem:s2] =	stream.indirect.scatter.add.f32 [tilespmem:s14], [sflag:$0x1], $0x80, s21, s16, $0xb8;
	[tilespmem:$0x1A800] =	vst v63  }
0x8e: {  	_ =	swait.ge [sflag:s17], $0x4000  }
0x8f: {  	[sflag:s17] =	ssyncset.done $0x0  }
0x90: {  	[sflag:s17] =	ssyncadd.s32 $0xFFFFC000  }
0x91: {  	_ =	swait.ge [sflag:s17], $0x4000  }
0x92: {  	[sflag:s17] =	ssyncset.done $0x0  }
0x93: {  	[sflag:s17] =	ssyncadd.s32 $0xFFFFC000  }
0x94: {  	_ =	swait.ge [sflag:s17], $0x4000  }
0x95: {  	[sflag:s17] =	ssyncset.done $0x0  }
0x96: {  	[sflag:s17] =	ssyncadd.s32 $0xFFFFC000  }
0x97: {  	_ =	swait.ge [sflag:s17], $0x4000  }
0x98: {  	[sflag:s17] =	ssyncset.done $0x0  }
0x99: {  	[sflag:s17] =	ssyncadd.s32 $0xFFFFC000  }
0x9a: {  	_ =	swait.ge [sflag:s17], $0x4000  }
0x9b: {  	[sflag:s17] =	ssyncset.done $0x0  }
0x9c: {  	[sflag:s17] =	ssyncadd.s32 $0xFFFFC000  }
0x9d: {  	_ =	swait.ge [sflag:s17], $0x4000  }
0x9e: {  	[sflag:s17] =	ssyncset.done $0x0  }
0x9f: {  	[sflag:s17] =	ssyncadd.s32 $0xFFFFC000  }
0xa0: {  	_ =	swait.ge [sflag:s17], $0x4000  }
0xa1: {  	[sflag:s17] =	ssyncset.done $0x0  }
0xa2: {  	[sflag:s17] =	ssyncadd.s32 $0xFFFFC000  }
0xa3: {  	_ =	swait.ge [sflag:s17], $0x4000  }
0xa4: {  	s20 =	sadd.s32 $0x1, s20;
	[sflag:s17] =	ssyncset.done $0x0  }
0xa5: {  	p0 =	sne.s32 s20, s13;
	[sflag:s17] =	ssyncadd.s32 $0xFFFFC000  }
.Ltmp1:
0xa6: {  	[bflag:$0x0] =	sbarrier.arrive $0xFFFF;
	(pc) =	sbr.rel @p0 .LBB2_1-.Ltmp1, $4  }
0xa7: {  	[hbm:s12], [sflag:s18] =	dma.local [spmem:s19], $0x2800  }
0xa8: {  	_ =	swait.ge [sflag:s15], $0x2800  }
0xa9: {  	[sflag:s15] =	ssyncset.done $0x0  }
0xaa: {  	[sflag:s15] =	ssyncadd.s32 $0xFFFFD800  }
0xab: {  	_ =	sfence.sel $0x180000  }
0xac: {  	[bflag:$0x0] =	sbarrier.arrive $0xFFFF  }
0xad: {  	p0 =	sne.s32 s0, $0x0;
	_ =	strace $0x90000047  }
0xae: {  	s0 =	sadd.s32 @!p0 $0x100000, s1;
	[bflag:$0x2] =	sbarrier.arrive $0xFFFF  }
0xaf: {  	[sflag:s0] =	ssyncadd.tile.s32 @!p0 $0x1;
	_ =	shalt  }
.Lfunc_end2:
_tile_overlayer_lowered:
.L_overlay_start_2:
0xb0: {  	(tag) =	ssettag $0x2  }
0xb1: {  	s0 =	rddreg [dreg:$0x0];
	s2 =	stileid.u32  }
0xb2: {  	s1 =	rddreg [dreg:$0x1];
	p0 =	sne.s32 s2, $0x0  }
0xb3: {  	s3 =	rddreg [dreg:$0x2];
	[bflag:$0x3] =	sbarrier.arrive $0xFFFF;
	s2 =	simm.s32 @!p0 $0x1C02  }
0xb4: {  	[timem:s3], [sflag:s2] =	dma.local @!p0 [hbm:s0], s1  }
0xb5: {  	s0 =	simm.s32 @!p0 $0x2  }
0xb6: {  	_ =	swait.ge @!p0 [sflag:s0], s1  }
0xb7: {  	s1 =	ssub.s32 @!p0 $0x0, s1;
	[sflag:s0] =	ssyncset.done @!p0 $0x0  }
0xb8: {  	[sflag:s0] =	ssyncadd.s32 @!p0 s1  }
0xb9: {  	[bflag:$0x3] =	sbarrier.arrive $0xFFFF  }
0xba: {  	_ =	shalt  }

// kernel: kernel.13.cloned.1.call-start
scs
__scs_entry_jumppad:
0x0: {  	(pc) =	sbr.rel $0x88, $3  }
0x1: {  	(tag) =	ssettag $0x0;
	lr =	simm.s32 $0x1  }
0x2: {  	[smem:$0x3F94] =	sst lr;
	_ =	strace $0xD0000000  }
0x3: {  	_ = 	snop  }
0x4: {  	_ = 	snop  }
0x5: {  	_ = 	snop  }
0x6: {  	_ = 	snop  }
0x7: {  	_ = 	snop  }
__scs_overlays_trampoline_lowered:
0x8: {  	[smem:$0x3FA3] =	sst s0  }
0x9: {  	[smem:$0x3FA4] =	sst s1  }
0xa: {  	[smem:$0x3FA5] =	sst s2  }
0xb: {  	[smem:$0x3FA6] =	sst s3  }
0xc: {  	[smem:$0x3FA7] =	sst s4  }
0xd: {  	[smem:$0x3FA8] =	sst s5  }
0xe: {  	[smem:$0x3FA9] =	sst s6  }
0xf: {  	[smem:$0x3FAA] =	sst s7  }
0x10: {  	[smem:$0x3FAB] =	sst s8  }
0x11: {  	[smem:$0x3FAC] =	sst s9;
	s0 =	simm.s32 @!p0 $0x0  }
0x12: {  	s1 =	sld [smem:$0x3F92];
	s0 =	simm.s32 @p0 $0x1  }
0x13: {  	[smem:$0x3FAD] =	sst s0;
	s0 =	simm.s32 @!p1 $0x0  }
0x14: {  	s2 =	sld [smem:$0x3F91];
	s0 =	simm.s32 @p1 $0x1  }
0x15: {  	[smem:$0x3FAE] =	sst s0;
	s0 =	simm.s32 @!p2 $0x0  }
0x16: {  	s3 =	sld [smem:$0x3FDB];
	s0 =	simm.s32 @p2 $0x1  }
0x17: {  	s4 =	simm.s32 $0x1BF5;
	[smem:$0x3FB0] =	sst s0  }
0x18: {  	s0 =	sld [smem:$0x3F93];
	_ =	swait.ge [sflag:s4], $0x0  }
0x19: {  	s7 =	sld [smem:$0x3F94]  }
0x1a: {  	s8 =	sadd.s32 $0xFFFFE003, lr  }
0x1b: {  	s9 =	sadd.s32 $0xFFFFFEF7, lr;
	s5 =	simm.s32 $0xFFFFFFFF;
	p2 =	slt.u32 s8, $0xFFFFF086  }
0x1c: {  	p1 =	slt.u32 s9, $0xF7A;
	s5 =	simm.s32 @!p2 $0x0  }
0x1d: {  	s5 =	simm.s32 @p1 $0x1;
	p0 =	seq.s32 s7, s2  }
0x1e: {  	s7 =	smul.u32 @!p0 $0xF7A, s2;
	p2 =	seq.s32 @!p0 s5, $0x0  }
0x1f: {  	s9 =	smul.u32 $0xF7A, s1;
	s8 =	simm.s32 @!p0 $0x1BF5;
	p2 =	por !p2, p0  }
0x20: {  	[sflag:s8] =	ssyncset.s32 @!p0 $0xFFFFF086;
	s6 =	sadd.s32 @!p0 s3, s7;
	s7 =	simm.s32 @!p0 $0x108  }
0x21: {  	s3 =	sadd.s32 s3, s9;
	s6 =	sadd.s32 @!p0 $0x88, s6;
	s7 =	simm.s32 @p2 $0x1082  }
0x22: {  	[simem:s7], [sflag:s8] =	dma.local @!p0 [hbm:s6], $0xF7A  }
0x23: {  	s9 =	sor.u32 $0xD0000000, s2;
	s6 =	simm.s32 $0x108;
	_ =	swait.ge @!p0 [sflag:s8], $0x0  }
0x24: {  	s3 =	sadd.s32 $0x88, s3;
	s6 =	simm.s32 @!p1 $0x1082;
	[sflag:s4] =	ssyncset.s32 $0xFFFFF086  }
0x25: {  	[simem:s6], [sflag:s4] =	dma.local [hbm:s3], $0xF7A  }
0x26: {  	[smem:$0x3F94] =	sst s1;
	(tag) =	ssettag s2;
	_ =	strace s9  }
0x27: {  	s1 =	sld [smem:$0x3FA4]  }
0x28: {  	s2 =	sld [smem:$0x3FA5]  }
0x29: {  	s4 =	sld [smem:$0x3FA7]  }
0x2a: {  	p0 =	seq.s32 s5, $0x0;
	s5 =	sld [smem:$0x3FA8]  }
0x2b: {  	s6 =	sld [smem:$0x3FA9]  }
0x2c: {  	s7 =	sld [smem:$0x3FAA]  }
0x2d: {  	s3 =	simm.s32 $0x108;
	s8 =	sld [smem:$0x3FAB]  }
0x2e: {  	s3 =	simm.s32 @!p0 $0x1082;
	s9 =	sld [smem:$0x3FAC]  }
0x2f: {  	lr =	sadd.s32 s0, s3;
	s0 =	sld [smem:$0x3FA3]  }
0x30: {  	s3 =	sld [smem:$0x3FA6]  }
0x31: {  	[smem:$0x3FAF] =	sst s10  }
0x32: {  	s10 =	sld [smem:$0x3FAD];
	_ =	sdelay $0x3  }
0x33: {  	p0 =	seq.s32 s10, $0x1;
	s10 =	sld [smem:$0x3FAF];
	_ =	sdelay $0x3  }
0x34: {  	[smem:$0x3FAF] =	sst s10  }
0x35: {  	s10 =	sld [smem:$0x3FAE];
	_ =	sdelay $0x3  }
0x36: {  	p1 =	seq.s32 s10, $0x1;
	s10 =	sld [smem:$0x3FAF];
	_ =	sdelay $0x3  }
0x37: {  	[smem:$0x3FAF] =	sst s10  }
0x38: {  	s10 =	sld [smem:$0x3FB0]  }
0x39: {  	_ = 	snop;
	(pc) =	sbr.ind lr, $3  }
0x3a: {  	_ = 	snop  }
0x3b: {  	_ = 	snop  }
0x3c: {  	p2 =	seq.s32 s10, $0x1;
	s10 =	sld [smem:$0x3FAF]  }
0x3d: {  	_ =	shalt  }
0x3e: {  	_ =	shalt  }
0x3f: {  	_ =	shalt  }
0x40: {  	_ =	shalt  }
0x41: {  	_ =	shalt  }
0x42: {  	_ =	shalt  }
0x43: {  	_ =	shalt  }
0x44: {  	_ =	shalt  }
0x45: {  	_ =	shalt  }
0x46: {  	_ =	shalt  }
0x47: {  	_ =	shalt  }
0x48: {  	_ =	shalt  }
0x49: {  	_ =	shalt  }
0x4a: {  	_ =	shalt  }
0x4b: {  	_ =	shalt  }
0x4c: {  	_ =	shalt  }
0x4d: {  	_ =	shalt  }
0x4e: {  	_ =	shalt  }
0x4f: {  	_ =	shalt  }
0x50: {  	_ =	shalt  }
0x51: {  	_ =	shalt  }
0x52: {  	_ =	shalt  }
0x53: {  	_ =	shalt  }
0x54: {  	_ =	shalt  }
0x55: {  	_ =	shalt  }
0x56: {  	_ =	shalt  }
0x57: {  	_ =	shalt  }
0x58: {  	_ =	shalt  }
0x59: {  	_ =	shalt  }
0x5a: {  	_ =	shalt  }
0x5b: {  	_ =	shalt  }
0x5c: {  	_ =	shalt  }
0x5d: {  	_ =	shalt  }
0x5e: {  	_ =	shalt  }
0x5f: {  	_ =	shalt  }
0x60: {  	_ =	shalt  }
0x61: {  	_ =	shalt  }
0x62: {  	_ =	shalt  }
0x63: {  	_ =	shalt  }
0x64: {  	_ =	shalt  }
0x65: {  	_ =	shalt  }
0x66: {  	_ =	shalt  }
0x67: {  	_ =	shalt  }
0x68: {  	_ =	shalt  }
0x69: {  	_ =	shalt  }
0x6a: {  	_ =	shalt  }
0x6b: {  	_ =	shalt  }
0x6c: {  	_ =	shalt  }
0x6d: {  	_ =	shalt  }
0x6e: {  	_ =	shalt  }
0x6f: {  	_ =	shalt  }
0x70: {  	_ =	shalt  }
0x71: {  	_ =	shalt  }
0x72: {  	_ =	shalt  }
0x73: {  	_ =	shalt  }
0x74: {  	_ =	shalt  }
0x75: {  	_ =	shalt  }
0x76: {  	_ =	shalt  }
0x77: {  	_ =	shalt  }
0x78: {  	_ =	shalt  }
0x79: {  	_ =	shalt  }
0x7a: {  	_ =	shalt  }
0x7b: {  	_ =	shalt  }
0x7c: {  	_ =	shalt  }
0x7d: {  	_ =	shalt  }
0x7e: {  	_ =	shalt  }
0x7f: {  	_ =	shalt  }
0x80: {  	_ =	shalt  }
0x81: {  	_ =	shalt  }
0x82: {  	_ =	shalt  }
0x83: {  	_ =	shalt  }
0x84: {  	_ =	shalt  }
0x85: {  	_ =	shalt  }
0x86: {  	_ =	shalt  }
0x87: {  	_ =	shalt  }
.Lfunc_end0:
.L_simem_size_0:
called_computation.1_lowered:
.L_overlay_start_0:
0x88: {  	s2 =	sld [smem:$0x3FD9]  }
0x89: {  	s3 =	sld [smem:$0x3FFE];
	_ =	sdelay $0x1  }
0x8a: {  	s1 =	srdreg.scid  }
0x8b: {  	s0 =	sand.u32 $0x1, s1  }
0x8c: {  	s16 =	sshll.u32 s0, $0xA;
	s2 =	sadd.s32 s3, s2  }
0x8d: {  	s2 =	sadd.s32 s2, s16  }
0x8e: {  	[smem:$0x3FBB] =	sst s2  }
0x8f: {  	_ = 	snop  }
0x90: {  	(tm) =	ssettm $0x1  }
0x91: {  	s17 =	sld [smem:$0x3FFB];
	_ =	sdelay $0x3  }
0x92: {  	_ =	strace s17  }
0x93: {  	s2 =	sld [smem:$0x3FFC];
	_ =	sdelay $0x3  }
0x94: {  	_ =	strace s2  }
0x95: {  	s2 =	sld [smem:$0x3FFD];
	_ =	sdelay $0x3  }
0x96: {  	_ =	strace s2  }
0x97: {  	_ =	strace $0x8FFFFFFF  }
0x98: {  	s18 =	sld [smem:$0x3FDB];
	_ =	sdelay $0x1  }
0x99: {  	s19 =	simm.s32 $_scs_section_size  }
0x9a: {  	s4 =	simm.s32 $_size__tile_overlayer_lowered;
	s5 =	simm.s32 $_tile_overlayer_lowered  }
0x9b: {  	s22 =	simm.s32 $0x1BFF;
	s21 =	sshll.u32 s5, $0x1;
	s2 =	sadd.s32 s19, s18  }
0x9c: {  	s6 =	simm.s32 $0x0;
	s20 =	sshll.u32 s4, $0x1;
	s4 =	sadd.s32 s21, s2  }
0x9d: {  	[timem:s6], [sflag:s22] =	dma.local [hbm:s4], s20  }
0x9e: {  	_ =	swait.ge [sflag:s22], s20  }
0x9f: {  	s3 =	ssub.s32 $0x0, s20;
	[sflag:s22] =	ssyncset.done $0x0  }
0xa0: {  	[sflag:s22] =	ssyncadd.s32 s3;
	_ =	sdelay $0x1  }
0xa1: {  	s23 =	simm.s32 $0x1B8B  }
0xa2: {  	_ =	swait.ge [sflag:s23], $0x1  }
0xa3: {  	[sflag:s23] =	ssyncset.done $0x0  }
0xa4: {  	s25 =	simm.s32 $0x1B8E;
	s24 =	sld [smem:$0x3FFE];
	[sflag:s23] =	ssyncadd.s32 $0xFFFFFFFF  }
0xa5: {  	s26 =	simm.s32 $execute0_lowered;
	[smem:$0x3FD2] =	sst s25  }
0xa6: {  	s4 =	sshll.u32 s26, $0x1;
	_ =	strace $0x80000049;
	[dreg:$0x1] =	wrdreg $0xFFFFFFFF  }
0xa7: {  	s28 =	simm.s32 $_size_execute0_lowered;
	s2 =	sadd.s32 s2, s4;
	[dreg:$0x0] =	wrdreg $0x0  }
0xa8: {  	s4 =	sshll.u32 s28, $0x1;
	[dreg:$0x2] =	wrdreg s2  }
0xa9: {  	[dreg:$0x3] =	wrdreg s4  }
0xaa: {  	[dreg:$0x4] =	wrdreg $0xC0  }
0xab: {  	_ =	task [dreg:s6], $0x5FFFF  }
0xac: {  	[dreg:$0x1] =	wrdreg $0xFFFFFFFF  }
0xad: {  	[dreg:$0x0] =	wrdreg $0x60  }
0xae: {  	[dreg:$0x2] =	wrdreg s24  }
0xaf: {  	[dreg:$0x3] =	wrdreg $0x84000  }
0xb0: {  	[dreg:$0x4] =	wrdreg $0x9  }
0xb1: {  	_ =	task.clear_ibuf [dreg:s6], $0x5FFFF;
	_ =	strace $0x90000049  }
0xb2: {  	s29 =	simm.s32 $0x9;
	_ =	strace $0x8000004B  }
0xb3: {  	_ =	swait.ge [sflag:s29], $0x1  }
0xb4: {  	[sflag:s29] =	ssyncadd.s32 $0xFFFFFFFF  }
0xb5: {  	_ =	strace $0x9000004B  }
0xb6: {  	_ =	sfence  }
0xb7: {  	s30 =	sld [smem:$0x0];
	_ =	sdelay $0x2  }
0xb8: {  	s31 =	sshll.u32 s1, $0xD;
	s1 =	sshrl.u32 s1, $0x2  }
0xb9: {  	s3 =	sand.u32 $0x4000, s31;
	s1 =	sadd.s32 s1, s30  }
0xba: {  	s0 =	sor.u32 s3, s0;
	s1 =	sshll.u32 s1, $0x11  }
0xbb: {  	s0 =	sor.u32 s1, s0  }
0xbc: {  	s0 =	sadd.s32 $0x8F2B, s0  }
0xbd: {  	[sflag:s0] =	ssyncadd.remote.s32 $0x1  }
0xbe: {  	_ =	sfence.sel $0xFFFF  }
0xbf: {  	[dreg:$0x0] =	wrdreg $0xFFFFFFFF;
	(pc) =	sbr.abs _section_cstart, $3  }
0xc0: {  	[dreg:$0x1] =	wrdreg $0xFFFFFFFF  }
0xc1: {  	_ =	task.clear_ibuf [dreg:s6], $0x2FFFF;
	_ =	strace $0x9FFFFFFF  }
0xc2: {  	(tm) =	ssettm $0x7FFFFFFF  }
0xc3: {  	_ =	shalt  }
tec
execute0_lowered:
.L_overlay_start_1:
0x0: {  	(tag) =	ssettag $0x1  }
0x1: {  	s0 =	rddreg [dreg:$0x0]  }
0x2: {  	s1 =	rddreg [dreg:$0x1];
	s2 =	srdreg.scid  }
0x3: {  	s3 =	simm.s32 $0x0;
	s14 =	stileid.u32;
	s18 =	simm.s32 $0x400  }
0x4: {  	s19 =	simm.s32 $0x6;
	s28 =	simm.s32 $0x180;
	s29 =	simm.s32 $0x5  }
0x5: {  	s30 =	simm.s32 $0x3;
	s31 =	simm.s32 $0x4;
	s6 =	smul.u32 $0x14000, s14  }
0x6: {  	s2 =	sand.u32 $0x1, s2;
	[smem:$0x7FF] =	sst s3;
	s21 =	smul.u32 $0x50000, s14  }
0x7: {  	s4 =	sadd.s32 $0xEC00, s0;
	s7 =	sadd.s32 $0x5F400, s0;
	s17 =	smul.u32 $0xA00, s14  }
0x8: {  	s20 =	sadd.s32 $0xE400, s0;
	s5 =	smul.u32 $0x140000, s2;
	_ =	strace $0x8000004A  }
0x9: {  	[dreg:$0x3] =	wrdreg s20;
	s22 =	ssub.s32 $0x2, s2;
	s8 =	sshll.u32 s2, $0x4  }
0xa: {  	s2 =	smul.u32 $0xA000, s2;
	s20 =	simm.s32 $0x100;
	s9 =	sshrl.u32 s22, $0x1  }
0xb: {  	s8 =	sor.u32 s14, s8;
	s5 =	sadd.s32 s6, s5;
	s6 =	sshrl.u32 s21, $0x2  }
0xc: {  	s11 =	smul.u32 $0xA00, s8;
	s26 =	sadd.s32 s2, s7;
	s21 =	simm.s32 $0x80  }
0xd: {  	s2 =	simm.s32 $0x380;
	s5 =	sshrl.u32 s5, $0x3;
	s6 =	sadd.s32 s6, s1  }
0xe: {  	s17 =	sadd.s32 s17, s26;
	s26 =	simm.s32 $0x2;
	s0 =	sadd.s32 s5, s0  }
0xf: {  	s5 =	ssub.s32 s22, s9;
	s23 =	sadd.s32 $0x4000, s6;
	s24 =	sadd.s32 $0x8000, s6  }
0x10: {  	s25 =	sadd.s32 $0xC000, s6;
	s10 =	sadd.s32 $0x10000, s6;
	[dreg:$0x4] =	wrdreg s23  }
.Ltmp0:
0x11: {  	s11 =	sadd.s32 s7, s11;
	[dreg:$0x5] =	wrdreg s24;
	(pc) =	sbr.rel .LBB2_1-.Ltmp0, $4  }
0x12: {  	s22 =	simm.s32 $0x4400;
	[dreg:$0x6] =	wrdreg s25;
	s12 =	sadd.s32 $0x20, s11  }
0x13: {  	s13 =	sadd.s32 $0x40, s11;
	s14 =	sadd.s32 $0x60, s11;
	s15 =	sadd.s32 $0x73400, s0  }
0x14: {  	s16 =	smax.u32 s5, $0x1;
	s23 =	simm.s32 $0x200;
	s24 =	simm.s32 $0x300  }
0x15: {  	s25 =	simm.s32 $0x1;
	s0 =	simm.s32 $0x280;
	s5 =	simm.s32 $0x0  }
.LBB2_4:
0x16: {  	_ =	swait.ge [sflag:s25], $0x4000  }
0x17: {  	[sflag:s25] =	ssyncset.done $0x0  }
0x18: {  	[sflag:s25] =	ssyncadd.s32 $0xFFFFC000  }
0x19: {  	[spmem:s1] =	stream.indirect.scatter.add.f32 [tilespmem:s18], [sflag:$0x3], $0x80, s0, s21, $0xb8;
	[tilespmem:$0x1C400] =	vst v63  }
0x1a: {  	_ =	swait.ge [sflag:s26], $0x4000  }
0x1b: {  	[sflag:s26] =	ssyncset.done $0x0  }
0x1c: {  	[sflag:s26] =	ssyncadd.s32 $0xFFFFC000  }
0x1d: {  	[spmem:s1] =	stream.indirect.scatter.add.f32 [tilespmem:s22], [sflag:$0x4], $0x80, s2, s21, $0xb8;
	[tilespmem:$0x1C400] =	vst v63  }
0x1e: {  	_ =	swait.ge [sflag:s30], $0x4000  }
0x1f: {  	[sflag:s30] =	ssyncset.done $0x0  }
0x20: {  	[sflag:s30] =	ssyncadd.s32 $0xFFFFC000  }
0x21: {  	s7 =	stileid.u32;
	_ =	swait.ge [sflag:s31], $0x4000  }
0x22: {  	s8 =	sshrl.u32 s6, $0x3;
	s5 =	sadd.s32 $0x1, s5;
	[sflag:s31] =	ssyncset.done $0x0  }
0x23: {  	s7 =	sshll.u32 s7, $0x6;
	p0 =	sne.s32 s5, s16;
	[sflag:s31] =	ssyncadd.s32 $0xFFFFC000  }
.Ltmp1:
0x24: {  	s7 =	sor.u32 $0x1C06, s7;
	[bflag:$0x0] =	sbarrier.arrive $0xFFFF;
	(pc) =	sbr.rel @!p0 .LBB2_5-.Ltmp1, $4  }
0x25: {  	[hbm:s15], [sflag:s7] =	dma.local [spmem:s8], $0x2800  }
0x26: {  	_ =	swait.ge [sflag:s19], $0x2800  }
0x27: {  	[sflag:s19] =	ssyncset.done $0x0  }
0x28: {  	[sflag:s19] =	ssyncadd.s32 $0xFFFFD800  }
.LBB2_1:
0x29: {  	s7 =	rddreg [dreg:$0x3]  }
0x2a: {  	[tilespmem:s18], [sflag:$0x6] =	stream.linear.gather [hbm4b:s7+s3], $0x4000, $0x38;
	[tilespmem:$0x1C400] =	vst v63  }
0x2b: {  	_ =	swait.ge [sflag:s19], $0x4000  }
0x2c: {  	[sflag:s19] =	ssyncset.done $0x0  }
0x2d: {  	[sflag:s19] =	ssyncadd.s32 $0xFFFFC000  }
0x2e: {  	[spmem:s6] =	stream.linear.scatter [tilespmem:s18], [sflag:$0x6], $0x4000, $0x38;
	[tilespmem:$0x1C400] =	vst v63  }
0x2f: {  	_ =	swait.ge [sflag:s19], $0x4000  }
0x30: {  	[sflag:s19] =	ssyncset.done $0x0  }
0x31: {  	s9 =	rddreg [dreg:$0x4];
	[sflag:s19] =	ssyncadd.s32 $0xFFFFC000  }
0x32: {  	[spmem:s9] =	stream.linear.scatter [tilespmem:s18], [sflag:$0x6], $0x4000, $0x38;
	[tilespmem:$0x1C400] =	vst v63  }
0x33: {  	_ =	swait.ge [sflag:s19], $0x4000  }
0x34: {  	[sflag:s19] =	ssyncset.done $0x0  }
0x35: {  	s8 =	rddreg [dreg:$0x5];
	[sflag:s19] =	ssyncadd.s32 $0xFFFFC000  }
0x36: {  	[spmem:s8] =	stream.linear.scatter [tilespmem:s18], [sflag:$0x6], $0x4000, $0x38;
	[tilespmem:$0x1C400] =	vst v63  }
0x37: {  	_ =	swait.ge [sflag:s19], $0x4000  }
0x38: {  	[sflag:s19] =	ssyncset.done $0x0  }
0x39: {  	s9 =	rddreg [dreg:$0x6];
	[sflag:s19] =	ssyncadd.s32 $0xFFFFC000  }
0x3a: {  	[spmem:s9] =	stream.linear.scatter [tilespmem:s18], [sflag:$0x6], $0x4000, $0x38;
	[tilespmem:$0x1C400] =	vst v63  }
0x3b: {  	_ =	swait.ge [sflag:s19], $0x4000  }
0x3c: {  	[sflag:s19] =	ssyncset.done $0x0  }
0x3d: {  	[sflag:s19] =	ssyncadd.s32 $0xFFFFC000  }
0x3e: {  	[spmem:s10] =	stream.linear.scatter [tilespmem:s18], [sflag:$0x6], $0x4000, $0x38;
	[tilespmem:$0x1C400] =	vst v63  }
0x3f: {  	_ =	swait.ge [sflag:s19], $0x4000  }
0x40: {  	[sflag:s19] =	ssyncset.done $0x0  }
0x41: {  	[sflag:s19] =	ssyncadd.s32 $0xFFFFC000  }
0x42: {  	[bflag:$0x0] =	sbarrier.arrive $0xFFFF  }
0x43: {  	[tilespmem:s3], [sflag:$0x6] =	stream.linear.gather [hbm4b:s11+s3], $0x100, $0x38;
	[tilespmem:$0x1C400] =	vst v63  }
0x44: {  	_ =	swait.ge [sflag:s19], $0x100  }
0x45: {  	[sflag:s19] =	ssyncset.done $0x0  }
0x46: {  	[sflag:s19] =	ssyncadd.s32 $0xFFFFFF00  }
0x47: {  	[tilespmem:s20], [sflag:$0x6] =	stream.linear.gather [hbm4b:s12+s3], $0x100, $0x38;
	[tilespmem:$0x1C400] =	vst v63  }
0x48: {  	_ =	swait.ge [sflag:s19], $0x100  }
0x49: {  	[sflag:s19] =	ssyncset.done $0x0  }
0x4a: {  	[sflag:s19] =	ssyncadd.s32 $0xFFFFFF00  }
0x4b: {  	[tilespmem:s18], [sflag:$0x1] =	stream.indirect.gather [hbm4b:s4+s21], $0x80, s3, s21, $0xb8;
	[tilespmem:$0x1C400] =	vst v63  }
0x4c: {  	_ = 	snop  }
0x4d: {  	[tilespmem:s22], [sflag:$0x2] =	stream.indirect.gather [hbm4b:s4+s21], $0x80, s20, s21, $0xb8;
	[tilespmem:$0x1C400] =	vst v63  }
0x4e: {  	_ = 	snop  }
0x4f: {  	[tilespmem:s23], [sflag:$0x5] =	stream.linear.gather [hbm4b:s13+s3], $0x100, $0x38;
	[tilespmem:$0x1C400] =	vst v63  }
0x50: {  	s7 =	simm.s32 $0x0  }
0x51: {  	[tilespmem:s24], [sflag:$0x5] =	stream.linear.gather [hbm4b:s14+s3], $0x100, $0x38;
	[tilespmem:$0x1C400] =	vst v63  }
.LBB2_2:
0x52: {  	_ =	swait.ge [sflag:s25], $0x4000  }
0x53: {  	[sflag:s25] =	ssyncset.done $0x0  }
0x54: {  	[sflag:s25] =	ssyncadd.s32 $0xFFFFC000  }
0x55: {  	[spmem:s1] =	stream.indirect.scatter.add.f32 [tilespmem:s18], [sflag:$0x3], $0x80, s21, s21, $0xb8;
	[tilespmem:$0x1C400] =	vst v63  }
0x56: {  	_ =	swait.ge [sflag:s26], $0x4000  }
0x57: {  	[sflag:s26] =	ssyncset.done $0x0  }
0x58: {  	[sflag:s26] =	ssyncadd.s32 $0xFFFFC000  }
0x59: {  	[spmem:s1] =	stream.indirect.scatter.add.f32 [tilespmem:s22], [sflag:$0x4], $0x80, s28, s21, $0xb8;
	[tilespmem:$0x1C400] =	vst v63  }
0x5a: {  	_ =	swait.ge [sflag:s29], $0x100  }
0x5b: {  	[sflag:s29] =	ssyncset.done $0x0  }
0x5c: {  	[sflag:s29] =	ssyncadd.s32 $0xFFFFFF00  }
0x5d: {  	_ =	swait.ge [sflag:s29], $0x100  }
0x5e: {  	[sflag:s29] =	ssyncset.done $0x0  }
0x5f: {  	[sflag:s29] =	ssyncadd.s32 $0xFFFFFF00  }
0x60: {  	_ =	swait.ge [sflag:s30], $0x4000  }
0x61: {  	[sflag:s30] =	ssyncset.done $0x0  }
0x62: {  	p0 =	seq.s32 s7, $0x980;
	[sflag:s30] =	ssyncadd.s32 $0xFFFFC000  }
0x63: {  	[tilespmem:s18], [sflag:$0x1] =	stream.indirect.gather [hbm4b:s4+s21], $0x80, s23, s21, $0xb8;
	[tilespmem:$0x1C400] =	vst v63  }
.Ltmp2:
0x64: {  	_ = 	snop;
	(pc) =	sbr.rel @p0 .LBB2_4-.Ltmp2, $4  }
0x65: {  	_ =	swait.ge [sflag:s31], $0x4000  }
0x66: {  	[sflag:s31] =	ssyncset.done $0x0  }
0x67: {  	[sflag:s31] =	ssyncadd.s32 $0xFFFFC000  }
0x68: {  	[tilespmem:s22], [sflag:$0x2] =	stream.indirect.gather [hbm4b:s4+s21], $0x80, s24, s21, $0xb8;
	[tilespmem:$0x1C400] =	vst v63  }
0x69: {  	s8 =	sadd.s32 s7, s17  }
0x6a: {  	s9 =	sadd.s32 $0x80, s8  }
0x6b: {  	[tilespmem:s3], [sflag:$0x5] =	stream.linear.gather [hbm4b:s9+s3], $0x100, $0x38;
	[tilespmem:$0x1C400] =	vst v63  }
0x6c: {  	s9 =	sadd.s32 $0xA0, s8  }
0x6d: {  	[tilespmem:s20], [sflag:$0x5] =	stream.linear.gather [hbm4b:s9+s3], $0x100, $0x38;
	[tilespmem:$0x1C400] =	vst v63  }
0x6e: {  	_ =	swait.ge [sflag:s25], $0x4000  }
0x6f: {  	[sflag:s25] =	ssyncset.done $0x0  }
0x70: {  	[sflag:s25] =	ssyncadd.s32 $0xFFFFC000  }
0x71: {  	[spmem:s1] =	stream.indirect.scatter.add.f32 [tilespmem:s18], [sflag:$0x3], $0x80, s0, s21, $0xb8;
	[tilespmem:$0x1C400] =	vst v63  }
0x72: {  	_ =	swait.ge [sflag:s26], $0x4000  }
0x73: {  	[sflag:s26] =	ssyncset.done $0x0  }
0x74: {  	[sflag:s26] =	ssyncadd.s32 $0xFFFFC000  }
0x75: {  	[spmem:s1] =	stream.indirect.scatter.add.f32 [tilespmem:s22], [sflag:$0x4], $0x80, s2, s21, $0xb8;
	[tilespmem:$0x1C400] =	vst v63  }
0x76: {  	_ =	swait.ge [sflag:s29], $0x100  }
0x77: {  	[sflag:s29] =	ssyncset.done $0x0  }
0x78: {  	[sflag:s29] =	ssyncadd.s32 $0xFFFFFF00  }
0x79: {  	_ =	swait.ge [sflag:s29], $0x100  }
0x7a: {  	[sflag:s29] =	ssyncset.done $0x0  }
0x7b: {  	[sflag:s29] =	ssyncadd.s32 $0xFFFFFF00  }
0x7c: {  	_ =	swait.ge [sflag:s30], $0x4000  }
0x7d: {  	[sflag:s30] =	ssyncset.done $0x0  }
0x7e: {  	[sflag:s30] =	ssyncadd.s32 $0xFFFFC000  }
0x7f: {  	[tilespmem:s18], [sflag:$0x1] =	stream.indirect.gather [hbm4b:s4+s21], $0x80, s3, s21, $0xb8;
	[tilespmem:$0x1C400] =	vst v63  }
0x80: {  	_ =	swait.ge [sflag:s31], $0x4000  }
0x81: {  	[sflag:s31] =	ssyncset.done $0x0  }
0x82: {  	[sflag:s31] =	ssyncadd.s32 $0xFFFFC000  }
0x83: {  	[tilespmem:s22], [sflag:$0x2] =	stream.indirect.gather [hbm4b:s4+s21], $0x80, s20, s21, $0xb8;
	[tilespmem:$0x1C400] =	vst v63  }
.Ltmp3:
0x84: {  	_ = 	snop;
	(pc) =	sbr.rel .LBB2_2-.Ltmp3, $4  }
0x85: {  	s9 =	sadd.s32 $0xC0, s8  }
0x86: {  	[tilespmem:s23], [sflag:$0x5] =	stream.linear.gather [hbm4b:s9+s3], $0x100, $0x38;
	[tilespmem:$0x1C400] =	vst v63  }
0x87: {  	s7 =	sadd.s32 $0x80, s7;
	s8 =	sadd.s32 $0xE0, s8  }
0x88: {  	[tilespmem:s24], [sflag:$0x5] =	stream.linear.gather [hbm4b:s8+s3], $0x100, $0x38;
	[tilespmem:$0x1C400] =	vst v63  }
.LBB2_5:
0x89: {  	_ =	sfence.sel $0x180000  }
0x8a: {  	[bflag:$0x0] =	sbarrier.arrive $0xFFFF  }
0x8b: {  	_ =	strace $0x9000004A  }
0x8c: {  	s0 =	stileid.u32;
	[bflag:$0x2] =	sbarrier.arrive $0xFFFF  }
0x8d: {  	p0 =	sne.s32 s0, $0x0;
	s0 =	rddreg [dreg:$0x2]  }
0x8e: {  	s0 =	sadd.s32 @!p0 $0x100000, s0  }
0x8f: {  	[sflag:s0] =	ssyncadd.tile.s32 @!p0 $0x1;
	_ =	shalt  }
.Lfunc_end2:
_tile_overlayer_lowered:
.L_overlay_start_2:
0x90: {  	(tag) =	ssettag $0x2  }
0x91: {  	s0 =	rddreg [dreg:$0x0];
	s2 =	stileid.u32  }
0x92: {  	s1 =	rddreg [dreg:$0x1];
	p0 =	sne.s32 s2, $0x0  }
0x93: {  	s3 =	rddreg [dreg:$0x2];
	[bflag:$0x3] =	sbarrier.arrive $0xFFFF;
	s2 =	simm.s32 @!p0 $0x1C06  }
0x94: {  	[timem:s3], [sflag:s2] =	dma.local @!p0 [hbm:s0], s1  }
0x95: {  	s0 =	simm.s32 @!p0 $0x6  }
0x96: {  	_ =	swait.ge @!p0 [sflag:s0], s1  }
0x97: {  	s1 =	ssub.s32 @!p0 $0x0, s1;
	[sflag:s0] =	ssyncset.done @!p0 $0x0  }
0x98: {  	[sflag:s0] =	ssyncadd.s32 @!p0 s1  }
0x99: {  	[bflag:$0x3] =	sbarrier.arrive $0xFFFF  }
0x9a: {  	_ =	shalt  }

// kernel: kernel.16.cloned.1.call-start
scs
__scs_entry_jumppad:
0x0: {  	(pc) =	sbr.rel $0x88, $3  }
0x1: {  	(tag) =	ssettag $0x0;
	lr =	simm.s32 $0x1  }
0x2: {  	[smem:$0x3F94] =	sst lr;
	_ =	strace $0xD0000000  }
0x3: {  	_ = 	snop  }
0x4: {  	_ = 	snop  }
0x5: {  	_ = 	snop  }
0x6: {  	_ = 	snop  }
0x7: {  	_ = 	snop  }
__scs_overlays_trampoline_lowered:
0x8: {  	[smem:$0x3FA3] =	sst s0  }
0x9: {  	[smem:$0x3FA4] =	sst s1  }
0xa: {  	[smem:$0x3FA5] =	sst s2  }
0xb: {  	[smem:$0x3FA6] =	sst s3  }
0xc: {  	[smem:$0x3FA7] =	sst s4  }
0xd: {  	[smem:$0x3FA8] =	sst s5  }
0xe: {  	[smem:$0x3FA9] =	sst s6  }
0xf: {  	[smem:$0x3FAA] =	sst s7  }
0x10: {  	[smem:$0x3FAB] =	sst s8  }
0x11: {  	[smem:$0x3FAC] =	sst s9;
	s0 =	simm.s32 @!p0 $0x0  }
0x12: {  	s1 =	sld [smem:$0x3F92];
	s0 =	simm.s32 @p0 $0x1  }
0x13: {  	[smem:$0x3FAD] =	sst s0;
	s0 =	simm.s32 @!p1 $0x0  }
0x14: {  	s2 =	sld [smem:$0x3F91];
	s0 =	simm.s32 @p1 $0x1  }
0x15: {  	[smem:$0x3FAE] =	sst s0;
	s0 =	simm.s32 @!p2 $0x0  }
0x16: {  	s3 =	sld [smem:$0x3FDB];
	s0 =	simm.s32 @p2 $0x1  }
0x17: {  	s4 =	simm.s32 $0x1BF5;
	[smem:$0x3FB0] =	sst s0  }
0x18: {  	s0 =	sld [smem:$0x3F93];
	_ =	swait.ge [sflag:s4], $0x0  }
0x19: {  	s7 =	sld [smem:$0x3F94]  }
0x1a: {  	s8 =	sadd.s32 $0xFFFFE003, lr  }
0x1b: {  	s9 =	sadd.s32 $0xFFFFFEF7, lr;
	s5 =	simm.s32 $0xFFFFFFFF;
	p2 =	slt.u32 s8, $0xFFFFF086  }
0x1c: {  	p1 =	slt.u32 s9, $0xF7A;
	s5 =	simm.s32 @!p2 $0x0  }
0x1d: {  	s5 =	simm.s32 @p1 $0x1;
	p0 =	seq.s32 s7, s2  }
0x1e: {  	s7 =	smul.u32 @!p0 $0xF7A, s2;
	p2 =	seq.s32 @!p0 s5, $0x0  }
0x1f: {  	s9 =	smul.u32 $0xF7A, s1;
	s8 =	simm.s32 @!p0 $0x1BF5;
	p2 =	por !p2, p0  }
0x20: {  	[sflag:s8] =	ssyncset.s32 @!p0 $0xFFFFF086;
	s6 =	sadd.s32 @!p0 s3, s7;
	s7 =	simm.s32 @!p0 $0x108  }
0x21: {  	s3 =	sadd.s32 s3, s9;
	s6 =	sadd.s32 @!p0 $0x88, s6;
	s7 =	simm.s32 @p2 $0x1082  }
0x22: {  	[simem:s7], [sflag:s8] =	dma.local @!p0 [hbm:s6], $0xF7A  }
0x23: {  	s9 =	sor.u32 $0xD0000000, s2;
	s6 =	simm.s32 $0x108;
	_ =	swait.ge @!p0 [sflag:s8], $0x0  }
0x24: {  	s3 =	sadd.s32 $0x88, s3;
	s6 =	simm.s32 @!p1 $0x1082;
	[sflag:s4] =	ssyncset.s32 $0xFFFFF086  }
0x25: {  	[simem:s6], [sflag:s4] =	dma.local [hbm:s3], $0xF7A  }
0x26: {  	[smem:$0x3F94] =	sst s1;
	(tag) =	ssettag s2;
	_ =	strace s9  }
0x27: {  	s1 =	sld [smem:$0x3FA4]  }
0x28: {  	s2 =	sld [smem:$0x3FA5]  }
0x29: {  	s4 =	sld [smem:$0x3FA7]  }
0x2a: {  	p0 =	seq.s32 s5, $0x0;
	s5 =	sld [smem:$0x3FA8]  }
0x2b: {  	s6 =	sld [smem:$0x3FA9]  }
0x2c: {  	s7 =	sld [smem:$0x3FAA]  }
0x2d: {  	s3 =	simm.s32 $0x108;
	s8 =	sld [smem:$0x3FAB]  }
0x2e: {  	s3 =	simm.s32 @!p0 $0x1082;
	s9 =	sld [smem:$0x3FAC]  }
0x2f: {  	lr =	sadd.s32 s0, s3;
	s0 =	sld [smem:$0x3FA3]  }
0x30: {  	s3 =	sld [smem:$0x3FA6]  }
0x31: {  	[smem:$0x3FAF] =	sst s10  }
0x32: {  	s10 =	sld [smem:$0x3FAD];
	_ =	sdelay $0x3  }
0x33: {  	p0 =	seq.s32 s10, $0x1;
	s10 =	sld [smem:$0x3FAF];
	_ =	sdelay $0x3  }
0x34: {  	[smem:$0x3FAF] =	sst s10  }
0x35: {  	s10 =	sld [smem:$0x3FAE];
	_ =	sdelay $0x3  }
0x36: {  	p1 =	seq.s32 s10, $0x1;
	s10 =	sld [smem:$0x3FAF];
	_ =	sdelay $0x3  }
0x37: {  	[smem:$0x3FAF] =	sst s10  }
0x38: {  	s10 =	sld [smem:$0x3FB0]  }
0x39: {  	_ = 	snop;
	(pc) =	sbr.ind lr, $3  }
0x3a: {  	_ = 	snop  }
0x3b: {  	_ = 	snop  }
0x3c: {  	p2 =	seq.s32 s10, $0x1;
	s10 =	sld [smem:$0x3FAF]  }
0x3d: {  	_ =	shalt  }
0x3e: {  	_ =	shalt  }
0x3f: {  	_ =	shalt  }
0x40: {  	_ =	shalt  }
0x41: {  	_ =	shalt  }
0x42: {  	_ =	shalt  }
0x43: {  	_ =	shalt  }
0x44: {  	_ =	shalt  }
0x45: {  	_ =	shalt  }
0x46: {  	_ =	shalt  }
0x47: {  	_ =	shalt  }
0x48: {  	_ =	shalt  }
0x49: {  	_ =	shalt  }
0x4a: {  	_ =	shalt  }
0x4b: {  	_ =	shalt  }
0x4c: {  	_ =	shalt  }
0x4d: {  	_ =	shalt  }
0x4e: {  	_ =	shalt  }
0x4f: {  	_ =	shalt  }
0x50: {  	_ =	shalt  }
0x51: {  	_ =	shalt  }
0x52: {  	_ =	shalt  }
0x53: {  	_ =	shalt  }
0x54: {  	_ =	shalt  }
0x55: {  	_ =	shalt  }
0x56: {  	_ =	shalt  }
0x57: {  	_ =	shalt  }
0x58: {  	_ =	shalt  }
0x59: {  	_ =	shalt  }
0x5a: {  	_ =	shalt  }
0x5b: {  	_ =	shalt  }
0x5c: {  	_ =	shalt  }
0x5d: {  	_ =	shalt  }
0x5e: {  	_ =	shalt  }
0x5f: {  	_ =	shalt  }
0x60: {  	_ =	shalt  }
0x61: {  	_ =	shalt  }
0x62: {  	_ =	shalt  }
0x63: {  	_ =	shalt  }
0x64: {  	_ =	shalt  }
0x65: {  	_ =	shalt  }
0x66: {  	_ =	shalt  }
0x67: {  	_ =	shalt  }
0x68: {  	_ =	shalt  }
0x69: {  	_ =	shalt  }
0x6a: {  	_ =	shalt  }
0x6b: {  	_ =	shalt  }
0x6c: {  	_ =	shalt  }
0x6d: {  	_ =	shalt  }
0x6e: {  	_ =	shalt  }
0x6f: {  	_ =	shalt  }
0x70: {  	_ =	shalt  }
0x71: {  	_ =	shalt  }
0x72: {  	_ =	shalt  }
0x73: {  	_ =	shalt  }
0x74: {  	_ =	shalt  }
0x75: {  	_ =	shalt  }
0x76: {  	_ =	shalt  }
0x77: {  	_ =	shalt  }
0x78: {  	_ =	shalt  }
0x79: {  	_ =	shalt  }
0x7a: {  	_ =	shalt  }
0x7b: {  	_ =	shalt  }
0x7c: {  	_ =	shalt  }
0x7d: {  	_ =	shalt  }
0x7e: {  	_ =	shalt  }
0x7f: {  	_ =	shalt  }
0x80: {  	_ =	shalt  }
0x81: {  	_ =	shalt  }
0x82: {  	_ =	shalt  }
0x83: {  	_ =	shalt  }
0x84: {  	_ =	shalt  }
0x85: {  	_ =	shalt  }
0x86: {  	_ =	shalt  }
0x87: {  	_ =	shalt  }
.Lfunc_end0:
.L_simem_size_0:
called_computation.2_lowered:
.L_overlay_start_0:
0x88: {  	s2 =	sld [smem:$0x3FD9]  }
0x89: {  	s3 =	sld [smem:$0x3FFE];
	_ =	sdelay $0x1  }
0x8a: {  	s1 =	srdreg.scid  }
0x8b: {  	s0 =	sand.u32 $0x1, s1  }
0x8c: {  	s16 =	sshll.u32 s0, $0xA;
	s2 =	sadd.s32 s3, s2  }
0x8d: {  	s2 =	sadd.s32 s2, s16  }
0x8e: {  	[smem:$0x3FBB] =	sst s2  }
0x8f: {  	_ = 	snop  }
0x90: {  	(tm) =	ssettm $0x1  }
0x91: {  	s17 =	sld [smem:$0x3FFB];
	_ =	sdelay $0x3  }
0x92: {  	_ =	strace s17  }
0x93: {  	s2 =	sld [smem:$0x3FFC];
	_ =	sdelay $0x3  }
0x94: {  	_ =	strace s2  }
0x95: {  	s2 =	sld [smem:$0x3FFD];
	_ =	sdelay $0x3  }
0x96: {  	_ =	strace s2  }
0x97: {  	_ =	strace $0x8FFFFFFF  }
0x98: {  	s18 =	sld [smem:$0x3FDB];
	_ =	sdelay $0x1  }
0x99: {  	s19 =	simm.s32 $_scs_section_size  }
0x9a: {  	s4 =	simm.s32 $_size__tile_overlayer_lowered;
	s5 =	simm.s32 $_tile_overlayer_lowered  }
0x9b: {  	s22 =	simm.s32 $0x1BFF;
	s21 =	sshll.u32 s5, $0x1;
	s2 =	sadd.s32 s19, s18  }
0x9c: {  	s6 =	simm.s32 $0x0;
	s20 =	sshll.u32 s4, $0x1;
	s4 =	sadd.s32 s21, s2  }
0x9d: {  	[timem:s6], [sflag:s22] =	dma.local [hbm:s4], s20  }
0x9e: {  	_ =	swait.ge [sflag:s22], s20  }
0x9f: {  	s3 =	ssub.s32 $0x0, s20;
	[sflag:s22] =	ssyncset.done $0x0  }
0xa0: {  	[sflag:s22] =	ssyncadd.s32 s3;
	_ =	sdelay $0x1  }
0xa1: {  	s23 =	simm.s32 $0x1B8B  }
0xa2: {  	_ =	swait.ge [sflag:s23], $0x1  }
0xa3: {  	[sflag:s23] =	ssyncset.done $0x0  }
0xa4: {  	s25 =	simm.s32 $0x1B8E;
	s24 =	sld [smem:$0x3FFE];
	[sflag:s23] =	ssyncadd.s32 $0xFFFFFFFF  }
0xa5: {  	s26 =	simm.s32 $execute0_lowered;
	[smem:$0x3FD2] =	sst s25  }
0xa6: {  	s4 =	sshll.u32 s26, $0x1;
	_ =	strace $0x8000004C;
	[dreg:$0x1] =	wrdreg $0xFFFFFFFF  }
0xa7: {  	s28 =	simm.s32 $_size_execute0_lowered;
	s2 =	sadd.s32 s2, s4;
	[dreg:$0x0] =	wrdreg $0x0  }
0xa8: {  	s4 =	sshll.u32 s28, $0x1;
	[dreg:$0x2] =	wrdreg s2  }
0xa9: {  	[dreg:$0x3] =	wrdreg s4  }
0xaa: {  	[dreg:$0x4] =	wrdreg $0xC0  }
0xab: {  	_ =	task [dreg:s6], $0x5FFFF  }
0xac: {  	[dreg:$0x1] =	wrdreg $0xFFFFFFFF  }
0xad: {  	[dreg:$0x0] =	wrdreg $0x60  }
0xae: {  	[dreg:$0x2] =	wrdreg s24  }
0xaf: {  	[dreg:$0x3] =	wrdreg $0x84000  }
0xb0: {  	[dreg:$0x4] =	wrdreg $0x9  }
0xb1: {  	_ =	task.clear_ibuf [dreg:s6], $0x5FFFF;
	_ =	strace $0x9000004C  }
0xb2: {  	s29 =	simm.s32 $0x9;
	_ =	strace $0x8000004E  }
0xb3: {  	_ =	swait.ge [sflag:s29], $0x1  }
0xb4: {  	[sflag:s29] =	ssyncadd.s32 $0xFFFFFFFF  }
0xb5: {  	_ =	strace $0x9000004E  }
0xb6: {  	_ =	sfence  }
0xb7: {  	s30 =	sld [smem:$0x0];
	_ =	sdelay $0x2  }
0xb8: {  	s31 =	sshll.u32 s1, $0xD;
	s1 =	sshrl.u32 s1, $0x2  }
0xb9: {  	s3 =	sand.u32 $0x4000, s31;
	s1 =	sadd.s32 s1, s30  }
0xba: {  	s0 =	sor.u32 s3, s0;
	s1 =	sshll.u32 s1, $0x11  }
0xbb: {  	s0 =	sor.u32 s1, s0  }
0xbc: {  	s0 =	sadd.s32 $0x8F2B, s0  }
0xbd: {  	[sflag:s0] =	ssyncadd.remote.s32 $0x1  }
0xbe: {  	_ =	sfence.sel $0xFFFF  }
0xbf: {  	[dreg:$0x0] =	wrdreg $0xFFFFFFFF;
	(pc) =	sbr.abs _section_cstart, $3  }
0xc0: {  	[dreg:$0x1] =	wrdreg $0xFFFFFFFF  }
0xc1: {  	_ =	task.clear_ibuf [dreg:s6], $0x2FFFF;
	_ =	strace $0x9FFFFFFF  }
0xc2: {  	(tm) =	ssettm $0x7FFFFFFF  }
0xc3: {  	_ =	shalt  }
tec
execute0_lowered:
.L_overlay_start_1:
0x0: {  	(tag) =	ssettag $0x1  }
0x1: {  	s0 =	rddreg [dreg:$0x0]  }
0x2: {  	s1 =	rddreg [dreg:$0x1];
	s2 =	srdreg.scid  }
0x3: {  	s3 =	simm.s32 $0x0;
	s14 =	stileid.u32;
	s18 =	simm.s32 $0x400  }
0x4: {  	s19 =	simm.s32 $0x6;
	s28 =	simm.s32 $0x180;
	s29 =	simm.s32 $0x5  }
0x5: {  	s30 =	simm.s32 $0x3;
	s31 =	simm.s32 $0x4;
	s6 =	smul.u32 $0x14000, s14  }
0x6: {  	s2 =	sand.u32 $0x1, s2;
	[smem:$0x7FF] =	sst s3;
	s21 =	smul.u32 $0x50000, s14  }
0x7: {  	s4 =	sadd.s32 $0xEC00, s0;
	s7 =	sadd.s32 $0x5F400, s0;
	s17 =	smul.u32 $0xA00, s14  }
0x8: {  	s20 =	sadd.s32 $0xE400, s0;
	s5 =	smul.u32 $0x140000, s2;
	_ =	strace $0x8000004D  }
0x9: {  	[dreg:$0x3] =	wrdreg s20;
	s22 =	ssub.s32 $0x2, s2;
	s8 =	sshll.u32 s2, $0x4  }
0xa: {  	s2 =	smul.u32 $0xA000, s2;
	s20 =	simm.s32 $0x100;
	s9 =	sshrl.u32 s22, $0x1  }
0xb: {  	s8 =	sor.u32 s14, s8;
	s5 =	sadd.s32 s6, s5;
	s6 =	sshrl.u32 s21, $0x2  }
0xc: {  	s11 =	smul.u32 $0xA00, s8;
	s26 =	sadd.s32 s2, s7;
	s21 =	simm.s32 $0x80  }
0xd: {  	s2 =	simm.s32 $0x380;
	s5 =	sshrl.u32 s5, $0x3;
	s6 =	sadd.s32 s6, s1  }
0xe: {  	s17 =	sadd.s32 s17, s26;
	s26 =	simm.s32 $0x2;
	s0 =	sadd.s32 s5, s0  }
0xf: {  	s5 =	ssub.s32 s22, s9;
	s23 =	sadd.s32 $0x4000, s6;
	s24 =	sadd.s32 $0x8000, s6  }
0x10: {  	s25 =	sadd.s32 $0xC000, s6;
	s10 =	sadd.s32 $0x10000, s6;
	[dreg:$0x4] =	wrdreg s23  }
.Ltmp0:
0x11: {  	s11 =	sadd.s32 s7, s11;
	[dreg:$0x5] =	wrdreg s24;
	(pc) =	sbr.rel .LBB2_1-.Ltmp0, $4  }
0x12: {  	s22 =	simm.s32 $0x4400;
	[dreg:$0x6] =	wrdreg s25;
	s12 =	sadd.s32 $0x20, s11  }
0x13: {  	s13 =	sadd.s32 $0x40, s11;
	s14 =	sadd.s32 $0x60, s11;
	s15 =	sadd.s32 $0x73400, s0  }
0x14: {  	s16 =	smax.u32 s5, $0x1;
	s23 =	simm.s32 $0x200;
	s24 =	simm.s32 $0x300  }
0x15: {  	s25 =	simm.s32 $0x1;
	s0 =	simm.s32 $0x280;
	s5 =	simm.s32 $0x0  }
.LBB2_4:
0x16: {  	_ =	swait.ge [sflag:s25], $0x4000  }
0x17: {  	[sflag:s25] =	ssyncset.done $0x0  }
0x18: {  	[sflag:s25] =	ssyncadd.s32 $0xFFFFC000  }
0x19: {  	[spmem:s1] =	stream.indirect.scatter.add.f32 [tilespmem:s18], [sflag:$0x3], $0x80, s0, s21, $0xb8;
	[tilespmem:$0x1C400] =	vst v63  }
0x1a: {  	_ =	swait.ge [sflag:s26], $0x4000  }
0x1b: {  	[sflag:s26] =	ssyncset.done $0x0  }
0x1c: {  	[sflag:s26] =	ssyncadd.s32 $0xFFFFC000  }
0x1d: {  	[spmem:s1] =	stream.indirect.scatter.add.f32 [tilespmem:s22], [sflag:$0x4], $0x80, s2, s21, $0xb8;
	[tilespmem:$0x1C400] =	vst v63  }
0x1e: {  	_ =	swait.ge [sflag:s30], $0x4000  }
0x1f: {  	[sflag:s30] =	ssyncset.done $0x0  }
0x20: {  	[sflag:s30] =	ssyncadd.s32 $0xFFFFC000  }
0x21: {  	s7 =	stileid.u32;
	_ =	swait.ge [sflag:s31], $0x4000  }
0x22: {  	s8 =	sshrl.u32 s6, $0x3;
	s5 =	sadd.s32 $0x1, s5;
	[sflag:s31] =	ssyncset.done $0x0  }
0x23: {  	s7 =	sshll.u32 s7, $0x6;
	p0 =	sne.s32 s5, s16;
	[sflag:s31] =	ssyncadd.s32 $0xFFFFC000  }
.Ltmp1:
0x24: {  	s7 =	sor.u32 $0x1C06, s7;
	[bflag:$0x0] =	sbarrier.arrive $0xFFFF;
	(pc) =	sbr.rel @!p0 .LBB2_5-.Ltmp1, $4  }
0x25: {  	[hbm:s15], [sflag:s7] =	dma.local [spmem:s8], $0x2800  }
0x26: {  	_ =	swait.ge [sflag:s19], $0x2800  }
0x27: {  	[sflag:s19] =	ssyncset.done $0x0  }
0x28: {  	[sflag:s19] =	ssyncadd.s32 $0xFFFFD800  }
.LBB2_1:
0x29: {  	s7 =	rddreg [dreg:$0x3]  }
0x2a: {  	[tilespmem:s18], [sflag:$0x6] =	stream.linear.gather [hbm4b:s7+s3], $0x4000, $0x38;
	[tilespmem:$0x1C400] =	vst v63  }
0x2b: {  	_ =	swait.ge [sflag:s19], $0x4000  }
0x2c: {  	[sflag:s19] =	ssyncset.done $0x0  }
0x2d: {  	[sflag:s19] =	ssyncadd.s32 $0xFFFFC000  }
0x2e: {  	[spmem:s6] =	stream.linear.scatter [tilespmem:s18], [sflag:$0x6], $0x4000, $0x38;
	[tilespmem:$0x1C400] =	vst v63  }
0x2f: {  	_ =	swait.ge [sflag:s19], $0x4000  }
0x30: {  	[sflag:s19] =	ssyncset.done $0x0  }
0x31: {  	s9 =	rddreg [dreg:$0x4];
	[sflag:s19] =	ssyncadd.s32 $0xFFFFC000  }
0x32: {  	[spmem:s9] =	stream.linear.scatter [tilespmem:s18], [sflag:$0x6], $0x4000, $0x38;
	[tilespmem:$0x1C400] =	vst v63  }
0x33: {  	_ =	swait.ge [sflag:s19], $0x4000  }
0x34: {  	[sflag:s19] =	ssyncset.done $0x0  }
0x35: {  	s8 =	rddreg [dreg:$0x5];
	[sflag:s19] =	ssyncadd.s32 $0xFFFFC000  }
0x36: {  	[spmem:s8] =	stream.linear.scatter [tilespmem:s18], [sflag:$0x6], $0x4000, $0x38;
	[tilespmem:$0x1C400] =	vst v63  }
0x37: {  	_ =	swait.ge [sflag:s19], $0x4000  }
0x38: {  	[sflag:s19] =	ssyncset.done $0x0  }
0x39: {  	s9 =	rddreg [dreg:$0x6];
	[sflag:s19] =	ssyncadd.s32 $0xFFFFC000  }
0x3a: {  	[spmem:s9] =	stream.linear.scatter [tilespmem:s18], [sflag:$0x6], $0x4000, $0x38;
	[tilespmem:$0x1C400] =	vst v63  }
0x3b: {  	_ =	swait.ge [sflag:s19], $0x4000  }
0x3c: {  	[sflag:s19] =	ssyncset.done $0x0  }
0x3d: {  	[sflag:s19] =	ssyncadd.s32 $0xFFFFC000  }
0x3e: {  	[spmem:s10] =	stream.linear.scatter [tilespmem:s18], [sflag:$0x6], $0x4000, $0x38;
	[tilespmem:$0x1C400] =	vst v63  }
0x3f: {  	_ =	swait.ge [sflag:s19], $0x4000  }
0x40: {  	[sflag:s19] =	ssyncset.done $0x0  }
0x41: {  	[sflag:s19] =	ssyncadd.s32 $0xFFFFC000  }
0x42: {  	[bflag:$0x0] =	sbarrier.arrive $0xFFFF  }
0x43: {  	[tilespmem:s3], [sflag:$0x6] =	stream.linear.gather [hbm4b:s11+s3], $0x100, $0x38;
	[tilespmem:$0x1C400] =	vst v63  }
0x44: {  	_ =	swait.ge [sflag:s19], $0x100  }
0x45: {  	[sflag:s19] =	ssyncset.done $0x0  }
0x46: {  	[sflag:s19] =	ssyncadd.s32 $0xFFFFFF00  }
0x47: {  	[tilespmem:s20], [sflag:$0x6] =	stream.linear.gather [hbm4b:s12+s3], $0x100, $0x38;
	[tilespmem:$0x1C400] =	vst v63  }
0x48: {  	_ =	swait.ge [sflag:s19], $0x100  }
0x49: {  	[sflag:s19] =	ssyncset.done $0x0  }
0x4a: {  	[sflag:s19] =	ssyncadd.s32 $0xFFFFFF00  }
0x4b: {  	[tilespmem:s18], [sflag:$0x1] =	stream.indirect.gather [hbm4b:s4+s21], $0x80, s3, s21, $0xb8;
	[tilespmem:$0x1C400] =	vst v63  }
0x4c: {  	_ = 	snop  }
0x4d: {  	[tilespmem:s22], [sflag:$0x2] =	stream.indirect.gather [hbm4b:s4+s21], $0x80, s20, s21, $0xb8;
	[tilespmem:$0x1C400] =	vst v63  }
0x4e: {  	_ = 	snop  }
0x4f: {  	[tilespmem:s23], [sflag:$0x5] =	stream.linear.gather [hbm4b:s13+s3], $0x100, $0x38;
	[tilespmem:$0x1C400] =	vst v63  }
0x50: {  	s7 =	simm.s32 $0x0  }
0x51: {  	[tilespmem:s24], [sflag:$0x5] =	stream.linear.gather [hbm4b:s14+s3], $0x100, $0x38;
	[tilespmem:$0x1C400] =	vst v63  }
.LBB2_2:
0x52: {  	_ =	swait.ge [sflag:s25], $0x4000  }
0x53: {  	[sflag:s25] =	ssyncset.done $0x0  }
0x54: {  	[sflag:s25] =	ssyncadd.s32 $0xFFFFC000  }
0x55: {  	[spmem:s1] =	stream.indirect.scatter.add.f32 [tilespmem:s18], [sflag:$0x3], $0x80, s21, s21, $0xb8;
	[tilespmem:$0x1C400] =	vst v63  }
0x56: {  	_ =	swait.ge [sflag:s26], $0x4000  }
0x57: {  	[sflag:s26] =	ssyncset.done $0x0  }
0x58: {  	[sflag:s26] =	ssyncadd.s32 $0xFFFFC000  }
0x59: {  	[spmem:s1] =	stream.indirect.scatter.add.f32 [tilespmem:s22], [sflag:$0x4], $0x80, s28, s21, $0xb8;
	[tilespmem:$0x1C400] =	vst v63  }
0x5a: {  	_ =	swait.ge [sflag:s29], $0x100  }
0x5b: {  	[sflag:s29] =	ssyncset.done $0x0  }
0x5c: {  	[sflag:s29] =	ssyncadd.s32 $0xFFFFFF00  }
0x5d: {  	_ =	swait.ge [sflag:s29], $0x100  }
0x5e: {  	[sflag:s29] =	ssyncset.done $0x0  }
0x5f: {  	[sflag:s29] =	ssyncadd.s32 $0xFFFFFF00  }
0x60: {  	_ =	swait.ge [sflag:s30], $0x4000  }
0x61: {  	[sflag:s30] =	ssyncset.done $0x0  }
0x62: {  	p0 =	seq.s32 s7, $0x980;
	[sflag:s30] =	ssyncadd.s32 $0xFFFFC000  }
0x63: {  	[tilespmem:s18], [sflag:$0x1] =	stream.indirect.gather [hbm4b:s4+s21], $0x80, s23, s21, $0xb8;
	[tilespmem:$0x1C400] =	vst v63  }
.Ltmp2:
0x64: {  	_ = 	snop;
	(pc) =	sbr.rel @p0 .LBB2_4-.Ltmp2, $4  }
0x65: {  	_ =	swait.ge [sflag:s31], $0x4000  }
0x66: {  	[sflag:s31] =	ssyncset.done $0x0  }
0x67: {  	[sflag:s31] =	ssyncadd.s32 $0xFFFFC000  }
0x68: {  	[tilespmem:s22], [sflag:$0x2] =	stream.indirect.gather [hbm4b:s4+s21], $0x80, s24, s21, $0xb8;
	[tilespmem:$0x1C400] =	vst v63  }
0x69: {  	s8 =	sadd.s32 s7, s17  }
0x6a: {  	s9 =	sadd.s32 $0x80, s8  }
0x6b: {  	[tilespmem:s3], [sflag:$0x5] =	stream.linear.gather [hbm4b:s9+s3], $0x100, $0x38;
	[tilespmem:$0x1C400] =	vst v63  }
0x6c: {  	s9 =	sadd.s32 $0xA0, s8  }
0x6d: {  	[tilespmem:s20], [sflag:$0x5] =	stream.linear.gather [hbm4b:s9+s3], $0x100, $0x38;
	[tilespmem:$0x1C400] =	vst v63  }
0x6e: {  	_ =	swait.ge [sflag:s25], $0x4000  }
0x6f: {  	[sflag:s25] =	ssyncset.done $0x0  }
0x70: {  	[sflag:s25] =	ssyncadd.s32 $0xFFFFC000  }
0x71: {  	[spmem:s1] =	stream.indirect.scatter.add.f32 [tilespmem:s18], [sflag:$0x3], $0x80, s0, s21, $0xb8;
	[tilespmem:$0x1C400] =	vst v63  }
0x72: {  	_ =	swait.ge [sflag:s26], $0x4000  }
0x73: {  	[sflag:s26] =	ssyncset.done $0x0  }
0x74: {  	[sflag:s26] =	ssyncadd.s32 $0xFFFFC000  }
0x75: {  	[spmem:s1] =	stream.indirect.scatter.add.f32 [tilespmem:s22], [sflag:$0x4], $0x80, s2, s21, $0xb8;
	[tilespmem:$0x1C400] =	vst v63  }
0x76: {  	_ =	swait.ge [sflag:s29], $0x100  }
0x77: {  	[sflag:s29] =	ssyncset.done $0x0  }
0x78: {  	[sflag:s29] =	ssyncadd.s32 $0xFFFFFF00  }
0x79: {  	_ =	swait.ge [sflag:s29], $0x100  }
0x7a: {  	[sflag:s29] =	ssyncset.done $0x0  }
0x7b: {  	[sflag:s29] =	ssyncadd.s32 $0xFFFFFF00  }
0x7c: {  	_ =	swait.ge [sflag:s30], $0x4000  }
0x7d: {  	[sflag:s30] =	ssyncset.done $0x0  }
0x7e: {  	[sflag:s30] =	ssyncadd.s32 $0xFFFFC000  }
0x7f: {  	[tilespmem:s18], [sflag:$0x1] =	stream.indirect.gather [hbm4b:s4+s21], $0x80, s3, s21, $0xb8;
	[tilespmem:$0x1C400] =	vst v63  }
0x80: {  	_ =	swait.ge [sflag:s31], $0x4000  }
0x81: {  	[sflag:s31] =	ssyncset.done $0x0  }
0x82: {  	[sflag:s31] =	ssyncadd.s32 $0xFFFFC000  }
0x83: {  	[tilespmem:s22], [sflag:$0x2] =	stream.indirect.gather [hbm4b:s4+s21], $0x80, s20, s21, $0xb8;
	[tilespmem:$0x1C400] =	vst v63  }
.Ltmp3:
0x84: {  	_ = 	snop;
	(pc) =	sbr.rel .LBB2_2-.Ltmp3, $4  }
0x85: {  	s9 =	sadd.s32 $0xC0, s8  }
0x86: {  	[tilespmem:s23], [sflag:$0x5] =	stream.linear.gather [hbm4b:s9+s3], $0x100, $0x38;
	[tilespmem:$0x1C400] =	vst v63  }
0x87: {  	s7 =	sadd.s32 $0x80, s7;
	s8 =	sadd.s32 $0xE0, s8  }
0x88: {  	[tilespmem:s24], [sflag:$0x5] =	stream.linear.gather [hbm4b:s8+s3], $0x100, $0x38;
	[tilespmem:$0x1C400] =	vst v63  }
.LBB2_5:
0x89: {  	_ =	sfence.sel $0x180000  }
0x8a: {  	[bflag:$0x0] =	sbarrier.arrive $0xFFFF  }
0x8b: {  	_ =	strace $0x9000004D  }
0x8c: {  	s0 =	stileid.u32;
	[bflag:$0x2] =	sbarrier.arrive $0xFFFF  }
0x8d: {  	p0 =	sne.s32 s0, $0x0;
	s0 =	rddreg [dreg:$0x2]  }
0x8e: {  	s0 =	sadd.s32 @!p0 $0x100000, s0  }
0x8f: {  	[sflag:s0] =	ssyncadd.tile.s32 @!p0 $0x1;
	_ =	shalt  }
.Lfunc_end2:
_tile_overlayer_lowered:
.L_overlay_start_2:
0x90: {  	(tag) =	ssettag $0x2  }
0x91: {  	s0 =	rddreg [dreg:$0x0];
	s2 =	stileid.u32  }
0x92: {  	s1 =	rddreg [dreg:$0x1];
	p0 =	sne.s32 s2, $0x0  }
0x93: {  	s3 =	rddreg [dreg:$0x2];
	[bflag:$0x3] =	sbarrier.arrive $0xFFFF;
	s2 =	simm.s32 @!p0 $0x1C06  }
0x94: {  	[timem:s3], [sflag:s2] =	dma.local @!p0 [hbm:s0], s1  }
0x95: {  	s0 =	simm.s32 @!p0 $0x6  }
0x96: {  	_ =	swait.ge @!p0 [sflag:s0], s1  }
0x97: {  	s1 =	ssub.s32 @!p0 $0x0, s1;
	[sflag:s0] =	ssyncset.done @!p0 $0x0  }
0x98: {  	[sflag:s0] =	ssyncadd.s32 @!p0 s1  }
0x99: {  	[bflag:$0x3] =	sbarrier.arrive $0xFFFF  }
0x9a: {  	_ =	shalt  }

// kernel: kernel.19.cloned.1.call-start
scs
__scs_entry_jumppad:
0x0: {  	(pc) =	sbr.rel $0x88, $3  }
0x1: {  	(tag) =	ssettag $0x0;
	lr =	simm.s32 $0x1  }
0x2: {  	[smem:$0x3F94] =	sst lr;
	_ =	strace $0xD0000000  }
0x3: {  	_ = 	snop  }
0x4: {  	_ = 	snop  }
0x5: {  	_ = 	snop  }
0x6: {  	_ = 	snop  }
0x7: {  	_ = 	snop  }
__scs_overlays_trampoline_lowered:
0x8: {  	[smem:$0x3FA3] =	sst s0  }
0x9: {  	[smem:$0x3FA4] =	sst s1  }
0xa: {  	[smem:$0x3FA5] =	sst s2  }
0xb: {  	[smem:$0x3FA6] =	sst s3  }
0xc: {  	[smem:$0x3FA7] =	sst s4  }
0xd: {  	[smem:$0x3FA8] =	sst s5  }
0xe: {  	[smem:$0x3FA9] =	sst s6  }
0xf: {  	[smem:$0x3FAA] =	sst s7  }
0x10: {  	[smem:$0x3FAB] =	sst s8  }
0x11: {  	[smem:$0x3FAC] =	sst s9;
	s0 =	simm.s32 @!p0 $0x0  }
0x12: {  	s1 =	sld [smem:$0x3F92];
	s0 =	simm.s32 @p0 $0x1  }
0x13: {  	[smem:$0x3FAD] =	sst s0;
	s0 =	simm.s32 @!p1 $0x0  }
0x14: {  	s2 =	sld [smem:$0x3F91];
	s0 =	simm.s32 @p1 $0x1  }
0x15: {  	[smem:$0x3FAE] =	sst s0;
	s0 =	simm.s32 @!p2 $0x0  }
0x16: {  	s3 =	sld [smem:$0x3FDB];
	s0 =	simm.s32 @p2 $0x1  }
0x17: {  	s4 =	simm.s32 $0x1BF5;
	[smem:$0x3FB0] =	sst s0  }
0x18: {  	s0 =	sld [smem:$0x3F93];
	_ =	swait.ge [sflag:s4], $0x0  }
0x19: {  	s7 =	sld [smem:$0x3F94]  }
0x1a: {  	s8 =	sadd.s32 $0xFFFFE003, lr  }
0x1b: {  	s9 =	sadd.s32 $0xFFFFFEF7, lr;
	s5 =	simm.s32 $0xFFFFFFFF;
	p2 =	slt.u32 s8, $0xFFFFF086  }
0x1c: {  	p1 =	slt.u32 s9, $0xF7A;
	s5 =	simm.s32 @!p2 $0x0  }
0x1d: {  	s5 =	simm.s32 @p1 $0x1;
	p0 =	seq.s32 s7, s2  }
0x1e: {  	s7 =	smul.u32 @!p0 $0xF7A, s2;
	p2 =	seq.s32 @!p0 s5, $0x0  }
0x1f: {  	s9 =	smul.u32 $0xF7A, s1;
	s8 =	simm.s32 @!p0 $0x1BF5;
	p2 =	por !p2, p0  }
0x20: {  	[sflag:s8] =	ssyncset.s32 @!p0 $0xFFFFF086;
	s6 =	sadd.s32 @!p0 s3, s7;
	s7 =	simm.s32 @!p0 $0x108  }
0x21: {  	s3 =	sadd.s32 s3, s9;
	s6 =	sadd.s32 @!p0 $0x88, s6;
	s7 =	simm.s32 @p2 $0x1082  }
0x22: {  	[simem:s7], [sflag:s8] =	dma.local @!p0 [hbm:s6], $0xF7A  }
0x23: {  	s9 =	sor.u32 $0xD0000000, s2;
	s6 =	simm.s32 $0x108;
	_ =	swait.ge @!p0 [sflag:s8], $0x0  }
0x24: {  	s3 =	sadd.s32 $0x88, s3;
	s6 =	simm.s32 @!p1 $0x1082;
	[sflag:s4] =	ssyncset.s32 $0xFFFFF086  }
0x25: {  	[simem:s6], [sflag:s4] =	dma.local [hbm:s3], $0xF7A  }
0x26: {  	[smem:$0x3F94] =	sst s1;
	(tag) =	ssettag s2;
	_ =	strace s9  }
0x27: {  	s1 =	sld [smem:$0x3FA4]  }
0x28: {  	s2 =	sld [smem:$0x3FA5]  }
0x29: {  	s4 =	sld [smem:$0x3FA7]  }
0x2a: {  	p0 =	seq.s32 s5, $0x0;
	s5 =	sld [smem:$0x3FA8]  }
0x2b: {  	s6 =	sld [smem:$0x3FA9]  }
0x2c: {  	s7 =	sld [smem:$0x3FAA]  }
0x2d: {  	s3 =	simm.s32 $0x108;
	s8 =	sld [smem:$0x3FAB]  }
0x2e: {  	s3 =	simm.s32 @!p0 $0x1082;
	s9 =	sld [smem:$0x3FAC]  }
0x2f: {  	lr =	sadd.s32 s0, s3;
	s0 =	sld [smem:$0x3FA3]  }
0x30: {  	s3 =	sld [smem:$0x3FA6]  }
0x31: {  	[smem:$0x3FAF] =	sst s10  }
0x32: {  	s10 =	sld [smem:$0x3FAD];
	_ =	sdelay $0x3  }
0x33: {  	p0 =	seq.s32 s10, $0x1;
	s10 =	sld [smem:$0x3FAF];
	_ =	sdelay $0x3  }
0x34: {  	[smem:$0x3FAF] =	sst s10  }
0x35: {  	s10 =	sld [smem:$0x3FAE];
	_ =	sdelay $0x3  }
0x36: {  	p1 =	seq.s32 s10, $0x1;
	s10 =	sld [smem:$0x3FAF];
	_ =	sdelay $0x3  }
0x37: {  	[smem:$0x3FAF] =	sst s10  }
0x38: {  	s10 =	sld [smem:$0x3FB0]  }
0x39: {  	_ = 	snop;
	(pc) =	sbr.ind lr, $3  }
0x3a: {  	_ = 	snop  }
0x3b: {  	_ = 	snop  }
0x3c: {  	p2 =	seq.s32 s10, $0x1;
	s10 =	sld [smem:$0x3FAF]  }
0x3d: {  	_ =	shalt  }
0x3e: {  	_ =	shalt  }
0x3f: {  	_ =	shalt  }
0x40: {  	_ =	shalt  }
0x41: {  	_ =	shalt  }
0x42: {  	_ =	shalt  }
0x43: {  	_ =	shalt  }
0x44: {  	_ =	shalt  }
0x45: {  	_ =	shalt  }
0x46: {  	_ =	shalt  }
0x47: {  	_ =	shalt  }
0x48: {  	_ =	shalt  }
0x49: {  	_ =	shalt  }
0x4a: {  	_ =	shalt  }
0x4b: {  	_ =	shalt  }
0x4c: {  	_ =	shalt  }
0x4d: {  	_ =	shalt  }
0x4e: {  	_ =	shalt  }
0x4f: {  	_ =	shalt  }
0x50: {  	_ =	shalt  }
0x51: {  	_ =	shalt  }
0x52: {  	_ =	shalt  }
0x53: {  	_ =	shalt  }
0x54: {  	_ =	shalt  }
0x55: {  	_ =	shalt  }
0x56: {  	_ =	shalt  }
0x57: {  	_ =	shalt  }
0x58: {  	_ =	shalt  }
0x59: {  	_ =	shalt  }
0x5a: {  	_ =	shalt  }
0x5b: {  	_ =	shalt  }
0x5c: {  	_ =	shalt  }
0x5d: {  	_ =	shalt  }
0x5e: {  	_ =	shalt  }
0x5f: {  	_ =	shalt  }
0x60: {  	_ =	shalt  }
0x61: {  	_ =	shalt  }
0x62: {  	_ =	shalt  }
0x63: {  	_ =	shalt  }
0x64: {  	_ =	shalt  }
0x65: {  	_ =	shalt  }
0x66: {  	_ =	shalt  }
0x67: {  	_ =	shalt  }
0x68: {  	_ =	shalt  }
0x69: {  	_ =	shalt  }
0x6a: {  	_ =	shalt  }
0x6b: {  	_ =	shalt  }
0x6c: {  	_ =	shalt  }
0x6d: {  	_ =	shalt  }
0x6e: {  	_ =	shalt  }
0x6f: {  	_ =	shalt  }
0x70: {  	_ =	shalt  }
0x71: {  	_ =	shalt  }
0x72: {  	_ =	shalt  }
0x73: {  	_ =	shalt  }
0x74: {  	_ =	shalt  }
0x75: {  	_ =	shalt  }
0x76: {  	_ =	shalt  }
0x77: {  	_ =	shalt  }
0x78: {  	_ =	shalt  }
0x79: {  	_ =	shalt  }
0x7a: {  	_ =	shalt  }
0x7b: {  	_ =	shalt  }
0x7c: {  	_ =	shalt  }
0x7d: {  	_ =	shalt  }
0x7e: {  	_ =	shalt  }
0x7f: {  	_ =	shalt  }
0x80: {  	_ =	shalt  }
0x81: {  	_ =	shalt  }
0x82: {  	_ =	shalt  }
0x83: {  	_ =	shalt  }
0x84: {  	_ =	shalt  }
0x85: {  	_ =	shalt  }
0x86: {  	_ =	shalt  }
0x87: {  	_ =	shalt  }
.Lfunc_end0:
.L_simem_size_0:
called_computation.3_lowered:
.L_overlay_start_0:
0x88: {  	s2 =	sld [smem:$0x3FD9]  }
0x89: {  	s3 =	sld [smem:$0x3FFE];
	_ =	sdelay $0x1  }
0x8a: {  	s1 =	srdreg.scid  }
0x8b: {  	s0 =	sand.u32 $0x1, s1  }
0x8c: {  	s16 =	sshll.u32 s0, $0xA;
	s2 =	sadd.s32 s3, s2  }
0x8d: {  	s2 =	sadd.s32 s2, s16  }
0x8e: {  	[smem:$0x3FBB] =	sst s2  }
0x8f: {  	_ = 	snop  }
0x90: {  	(tm) =	ssettm $0x1  }
0x91: {  	s17 =	sld [smem:$0x3FFB];
	_ =	sdelay $0x3  }
0x92: {  	_ =	strace s17  }
0x93: {  	s2 =	sld [smem:$0x3FFC];
	_ =	sdelay $0x3  }
0x94: {  	_ =	strace s2  }
0x95: {  	s2 =	sld [smem:$0x3FFD];
	_ =	sdelay $0x3  }
0x96: {  	_ =	strace s2  }
0x97: {  	_ =	strace $0x8FFFFFFF  }
0x98: {  	s18 =	sld [smem:$0x3FDB];
	_ =	sdelay $0x1  }
0x99: {  	s19 =	simm.s32 $_scs_section_size  }
0x9a: {  	s4 =	simm.s32 $_size__tile_overlayer_lowered;
	s5 =	simm.s32 $_tile_overlayer_lowered  }
0x9b: {  	s22 =	simm.s32 $0x1BFF;
	s21 =	sshll.u32 s5, $0x1;
	s2 =	sadd.s32 s19, s18  }
0x9c: {  	s6 =	simm.s32 $0x0;
	s20 =	sshll.u32 s4, $0x1;
	s4 =	sadd.s32 s21, s2  }
0x9d: {  	[timem:s6], [sflag:s22] =	dma.local [hbm:s4], s20  }
0x9e: {  	_ =	swait.ge [sflag:s22], s20  }
0x9f: {  	s3 =	ssub.s32 $0x0, s20;
	[sflag:s22] =	ssyncset.done $0x0  }
0xa0: {  	[sflag:s22] =	ssyncadd.s32 s3;
	_ =	sdelay $0x1  }
0xa1: {  	s23 =	simm.s32 $0x1B8B  }
0xa2: {  	_ =	swait.ge [sflag:s23], $0x1  }
0xa3: {  	[sflag:s23] =	ssyncset.done $0x0  }
0xa4: {  	s25 =	simm.s32 $0x1B8E;
	s24 =	sld [smem:$0x3FFE];
	[sflag:s23] =	ssyncadd.s32 $0xFFFFFFFF  }
0xa5: {  	s26 =	simm.s32 $execute0_lowered;
	[smem:$0x3FD2] =	sst s25  }
0xa6: {  	s4 =	sshll.u32 s26, $0x1;
	_ =	strace $0x8000004F;
	[dreg:$0x1] =	wrdreg $0xFFFFFFFF  }
0xa7: {  	s28 =	simm.s32 $_size_execute0_lowered;
	s2 =	sadd.s32 s2, s4;
	[dreg:$0x0] =	wrdreg $0x0  }
0xa8: {  	s4 =	sshll.u32 s28, $0x1;
	[dreg:$0x2] =	wrdreg s2  }
0xa9: {  	[dreg:$0x3] =	wrdreg s4  }
0xaa: {  	[dreg:$0x4] =	wrdreg $0xC0  }
0xab: {  	_ =	task [dreg:s6], $0x5FFFF  }
0xac: {  	[dreg:$0x1] =	wrdreg $0xFFFFFFFF  }
0xad: {  	[dreg:$0x0] =	wrdreg $0x60  }
0xae: {  	[dreg:$0x2] =	wrdreg s24  }
0xaf: {  	[dreg:$0x3] =	wrdreg $0x84000  }
0xb0: {  	[dreg:$0x4] =	wrdreg $0x9  }
0xb1: {  	_ =	task.clear_ibuf [dreg:s6], $0x5FFFF;
	_ =	strace $0x9000004F  }
0xb2: {  	s29 =	simm.s32 $0x9;
	_ =	strace $0x80000051  }
0xb3: {  	_ =	swait.ge [sflag:s29], $0x1  }
0xb4: {  	[sflag:s29] =	ssyncadd.s32 $0xFFFFFFFF  }
0xb5: {  	_ =	strace $0x90000051  }
0xb6: {  	_ =	sfence  }
0xb7: {  	s30 =	sld [smem:$0x0];
	_ =	sdelay $0x2  }
0xb8: {  	s31 =	sshll.u32 s1, $0xD;
	s1 =	sshrl.u32 s1, $0x2  }
0xb9: {  	s3 =	sand.u32 $0x4000, s31;
	s1 =	sadd.s32 s1, s30  }
0xba: {  	s0 =	sor.u32 s3, s0;
	s1 =	sshll.u32 s1, $0x11  }
0xbb: {  	s0 =	sor.u32 s1, s0  }
0xbc: {  	s0 =	sadd.s32 $0x8F2B, s0  }
0xbd: {  	[sflag:s0] =	ssyncadd.remote.s32 $0x1  }
0xbe: {  	_ =	sfence.sel $0xFFFF  }
0xbf: {  	[dreg:$0x0] =	wrdreg $0xFFFFFFFF;
	(pc) =	sbr.abs _section_cstart, $3  }
0xc0: {  	[dreg:$0x1] =	wrdreg $0xFFFFFFFF  }
0xc1: {  	_ =	task.clear_ibuf [dreg:s6], $0x2FFFF;
	_ =	strace $0x9FFFFFFF  }
0xc2: {  	(tm) =	ssettm $0x7FFFFFFF  }
0xc3: {  	_ =	shalt  }
tec
execute0_lowered:
.L_overlay_start_1:
0x0: {  	(tag) =	ssettag $0x1  }
0x1: {  	s0 =	rddreg [dreg:$0x0]  }
0x2: {  	s1 =	rddreg [dreg:$0x1];
	s2 =	srdreg.scid  }
0x3: {  	s3 =	simm.s32 $0x0;
	s14 =	stileid.u32;
	s18 =	simm.s32 $0x400  }
0x4: {  	s19 =	simm.s32 $0x6;
	s28 =	simm.s32 $0x180;
	s29 =	simm.s32 $0x5  }
0x5: {  	s30 =	simm.s32 $0x3;
	s31 =	simm.s32 $0x4;
	s6 =	smul.u32 $0x14000, s14  }
0x6: {  	s2 =	sand.u32 $0x1, s2;
	[smem:$0x7FF] =	sst s3;
	s21 =	smul.u32 $0x50000, s14  }
0x7: {  	s4 =	sadd.s32 $0xEC00, s0;
	s7 =	sadd.s32 $0x5F400, s0;
	s17 =	smul.u32 $0xA00, s14  }
0x8: {  	s20 =	sadd.s32 $0xE400, s0;
	s5 =	smul.u32 $0x140000, s2;
	_ =	strace $0x80000050  }
0x9: {  	[dreg:$0x3] =	wrdreg s20;
	s22 =	ssub.s32 $0x2, s2;
	s8 =	sshll.u32 s2, $0x4  }
0xa: {  	s2 =	smul.u32 $0xA000, s2;
	s20 =	simm.s32 $0x100;
	s9 =	sshrl.u32 s22, $0x1  }
0xb: {  	s8 =	sor.u32 s14, s8;
	s5 =	sadd.s32 s6, s5;
	s6 =	sshrl.u32 s21, $0x2  }
0xc: {  	s11 =	smul.u32 $0xA00, s8;
	s26 =	sadd.s32 s2, s7;
	s21 =	simm.s32 $0x80  }
0xd: {  	s2 =	simm.s32 $0x380;
	s5 =	sshrl.u32 s5, $0x3;
	s6 =	sadd.s32 s6, s1  }
0xe: {  	s17 =	sadd.s32 s17, s26;
	s26 =	simm.s32 $0x2;
	s0 =	sadd.s32 s5, s0  }
0xf: {  	s5 =	ssub.s32 s22, s9;
	s23 =	sadd.s32 $0x4000, s6;
	s24 =	sadd.s32 $0x8000, s6  }
0x10: {  	s25 =	sadd.s32 $0xC000, s6;
	s10 =	sadd.s32 $0x10000, s6;
	[dreg:$0x4] =	wrdreg s23  }
.Ltmp0:
0x11: {  	s11 =	sadd.s32 s7, s11;
	[dreg:$0x5] =	wrdreg s24;
	(pc) =	sbr.rel .LBB2_1-.Ltmp0, $4  }
0x12: {  	s22 =	simm.s32 $0x4400;
	[dreg:$0x6] =	wrdreg s25;
	s12 =	sadd.s32 $0x20, s11  }
0x13: {  	s13 =	sadd.s32 $0x40, s11;
	s14 =	sadd.s32 $0x60, s11;
	s15 =	sadd.s32 $0x73400, s0  }
0x14: {  	s16 =	smax.u32 s5, $0x1;
	s23 =	simm.s32 $0x200;
	s24 =	simm.s32 $0x300  }
0x15: {  	s25 =	simm.s32 $0x1;
	s0 =	simm.s32 $0x280;
	s5 =	simm.s32 $0x0  }
.LBB2_4:
0x16: {  	_ =	swait.ge [sflag:s25], $0x4000  }
0x17: {  	[sflag:s25] =	ssyncset.done $0x0  }
0x18: {  	[sflag:s25] =	ssyncadd.s32 $0xFFFFC000  }
0x19: {  	[spmem:s1] =	stream.indirect.scatter.add.f32 [tilespmem:s18], [sflag:$0x3], $0x80, s0, s21, $0xb8;
	[tilespmem:$0x1C400] =	vst v63  }
0x1a: {  	_ =	swait.ge [sflag:s26], $0x4000  }
0x1b: {  	[sflag:s26] =	ssyncset.done $0x0  }
0x1c: {  	[sflag:s26] =	ssyncadd.s32 $0xFFFFC000  }
0x1d: {  	[spmem:s1] =	stream.indirect.scatter.add.f32 [tilespmem:s22], [sflag:$0x4], $0x80, s2, s21, $0xb8;
	[tilespmem:$0x1C400] =	vst v63  }
0x1e: {  	_ =	swait.ge [sflag:s30], $0x4000  }
0x1f: {  	[sflag:s30] =	ssyncset.done $0x0  }
0x20: {  	[sflag:s30] =	ssyncadd.s32 $0xFFFFC000  }
0x21: {  	s7 =	stileid.u32;
	_ =	swait.ge [sflag:s31], $0x4000  }
0x22: {  	s8 =	sshrl.u32 s6, $0x3;
	s5 =	sadd.s32 $0x1, s5;
	[sflag:s31] =	ssyncset.done $0x0  }
0x23: {  	s7 =	sshll.u32 s7, $0x6;
	p0 =	sne.s32 s5, s16;
	[sflag:s31] =	ssyncadd.s32 $0xFFFFC000  }
.Ltmp1:
0x24: {  	s7 =	sor.u32 $0x1C06, s7;
	[bflag:$0x0] =	sbarrier.arrive $0xFFFF;
	(pc) =	sbr.rel @!p0 .LBB2_5-.Ltmp1, $4  }
0x25: {  	[hbm:s15], [sflag:s7] =	dma.local [spmem:s8], $0x2800  }
0x26: {  	_ =	swait.ge [sflag:s19], $0x2800  }
0x27: {  	[sflag:s19] =	ssyncset.done $0x0  }
0x28: {  	[sflag:s19] =	ssyncadd.s32 $0xFFFFD800  }
.LBB2_1:
0x29: {  	s7 =	rddreg [dreg:$0x3]  }
0x2a: {  	[tilespmem:s18], [sflag:$0x6] =	stream.linear.gather [hbm4b:s7+s3], $0x4000, $0x38;
	[tilespmem:$0x1C400] =	vst v63  }
0x2b: {  	_ =	swait.ge [sflag:s19], $0x4000  }
0x2c: {  	[sflag:s19] =	ssyncset.done $0x0  }
0x2d: {  	[sflag:s19] =	ssyncadd.s32 $0xFFFFC000  }
0x2e: {  	[spmem:s6] =	stream.linear.scatter [tilespmem:s18], [sflag:$0x6], $0x4000, $0x38;
	[tilespmem:$0x1C400] =	vst v63  }
0x2f: {  	_ =	swait.ge [sflag:s19], $0x4000  }
0x30: {  	[sflag:s19] =	ssyncset.done $0x0  }
0x31: {  	s9 =	rddreg [dreg:$0x4];
	[sflag:s19] =	ssyncadd.s32 $0xFFFFC000  }
0x32: {  	[spmem:s9] =	stream.linear.scatter [tilespmem:s18], [sflag:$0x6], $0x4000, $0x38;
	[tilespmem:$0x1C400] =	vst v63  }
0x33: {  	_ =	swait.ge [sflag:s19], $0x4000  }
0x34: {  	[sflag:s19] =	ssyncset.done $0x0  }
0x35: {  	s8 =	rddreg [dreg:$0x5];
	[sflag:s19] =	ssyncadd.s32 $0xFFFFC000  }
0x36: {  	[spmem:s8] =	stream.linear.scatter [tilespmem:s18], [sflag:$0x6], $0x4000, $0x38;
	[tilespmem:$0x1C400] =	vst v63  }
0x37: {  	_ =	swait.ge [sflag:s19], $0x4000  }
0x38: {  	[sflag:s19] =	ssyncset.done $0x0  }
0x39: {  	s9 =	rddreg [dreg:$0x6];
	[sflag:s19] =	ssyncadd.s32 $0xFFFFC000  }
0x3a: {  	[spmem:s9] =	stream.linear.scatter [tilespmem:s18], [sflag:$0x6], $0x4000, $0x38;
	[tilespmem:$0x1C400] =	vst v63  }
0x3b: {  	_ =	swait.ge [sflag:s19], $0x4000  }
0x3c: {  	[sflag:s19] =	ssyncset.done $0x0  }
0x3d: {  	[sflag:s19] =	ssyncadd.s32 $0xFFFFC000  }
0x3e: {  	[spmem:s10] =	stream.linear.scatter [tilespmem:s18], [sflag:$0x6], $0x4000, $0x38;
	[tilespmem:$0x1C400] =	vst v63  }
0x3f: {  	_ =	swait.ge [sflag:s19], $0x4000  }
0x40: {  	[sflag:s19] =	ssyncset.done $0x0  }
0x41: {  	[sflag:s19] =	ssyncadd.s32 $0xFFFFC000  }
0x42: {  	[bflag:$0x0] =	sbarrier.arrive $0xFFFF  }
0x43: {  	[tilespmem:s3], [sflag:$0x6] =	stream.linear.gather [hbm4b:s11+s3], $0x100, $0x38;
	[tilespmem:$0x1C400] =	vst v63  }
0x44: {  	_ =	swait.ge [sflag:s19], $0x100  }
0x45: {  	[sflag:s19] =	ssyncset.done $0x0  }
0x46: {  	[sflag:s19] =	ssyncadd.s32 $0xFFFFFF00  }
0x47: {  	[tilespmem:s20], [sflag:$0x6] =	stream.linear.gather [hbm4b:s12+s3], $0x100, $0x38;
	[tilespmem:$0x1C400] =	vst v63  }
0x48: {  	_ =	swait.ge [sflag:s19], $0x100  }
0x49: {  	[sflag:s19] =	ssyncset.done $0x0  }
0x4a: {  	[sflag:s19] =	ssyncadd.s32 $0xFFFFFF00  }
0x4b: {  	[tilespmem:s18], [sflag:$0x1] =	stream.indirect.gather [hbm4b:s4+s21], $0x80, s3, s21, $0xb8;
	[tilespmem:$0x1C400] =	vst v63  }
0x4c: {  	_ = 	snop  }
0x4d: {  	[tilespmem:s22], [sflag:$0x2] =	stream.indirect.gather [hbm4b:s4+s21], $0x80, s20, s21, $0xb8;
	[tilespmem:$0x1C400] =	vst v63  }
0x4e: {  	_ = 	snop  }
0x4f: {  	[tilespmem:s23], [sflag:$0x5] =	stream.linear.gather [hbm4b:s13+s3], $0x100, $0x38;
	[tilespmem:$0x1C400] =	vst v63  }
0x50: {  	s7 =	simm.s32 $0x0  }
0x51: {  	[tilespmem:s24], [sflag:$0x5] =	stream.linear.gather [hbm4b:s14+s3], $0x100, $0x38;
	[tilespmem:$0x1C400] =	vst v63  }
.LBB2_2:
0x52: {  	_ =	swait.ge [sflag:s25], $0x4000  }
0x53: {  	[sflag:s25] =	ssyncset.done $0x0  }
0x54: {  	[sflag:s25] =	ssyncadd.s32 $0xFFFFC000  }
0x55: {  	[spmem:s1] =	stream.indirect.scatter.add.f32 [tilespmem:s18], [sflag:$0x3], $0x80, s21, s21, $0xb8;
	[tilespmem:$0x1C400] =	vst v63  }
0x56: {  	_ =	swait.ge [sflag:s26], $0x4000  }
0x57: {  	[sflag:s26] =	ssyncset.done $0x0  }
0x58: {  	[sflag:s26] =	ssyncadd.s32 $0xFFFFC000  }
0x59: {  	[spmem:s1] =	stream.indirect.scatter.add.f32 [tilespmem:s22], [sflag:$0x4], $0x80, s28, s21, $0xb8;
	[tilespmem:$0x1C400] =	vst v63  }
0x5a: {  	_ =	swait.ge [sflag:s29], $0x100  }
0x5b: {  	[sflag:s29] =	ssyncset.done $0x0  }
0x5c: {  	[sflag:s29] =	ssyncadd.s32 $0xFFFFFF00  }
0x5d: {  	_ =	swait.ge [sflag:s29], $0x100  }
0x5e: {  	[sflag:s29] =	ssyncset.done $0x0  }
0x5f: {  	[sflag:s29] =	ssyncadd.s32 $0xFFFFFF00  }
0x60: {  	_ =	swait.ge [sflag:s30], $0x4000  }
0x61: {  	[sflag:s30] =	ssyncset.done $0x0  }
0x62: {  	p0 =	seq.s32 s7, $0x980;
	[sflag:s30] =	ssyncadd.s32 $0xFFFFC000  }
0x63: {  	[tilespmem:s18], [sflag:$0x1] =	stream.indirect.gather [hbm4b:s4+s21], $0x80, s23, s21, $0xb8;
	[tilespmem:$0x1C400] =	vst v63  }
.Ltmp2:
0x64: {  	_ = 	snop;
	(pc) =	sbr.rel @p0 .LBB2_4-.Ltmp2, $4  }
0x65: {  	_ =	swait.ge [sflag:s31], $0x4000  }
0x66: {  	[sflag:s31] =	ssyncset.done $0x0  }
0x67: {  	[sflag:s31] =	ssyncadd.s32 $0xFFFFC000  }
0x68: {  	[tilespmem:s22], [sflag:$0x2] =	stream.indirect.gather [hbm4b:s4+s21], $0x80, s24, s21, $0xb8;
	[tilespmem:$0x1C400] =	vst v63  }
0x69: {  	s8 =	sadd.s32 s7, s17  }
0x6a: {  	s9 =	sadd.s32 $0x80, s8  }
0x6b: {  	[tilespmem:s3], [sflag:$0x5] =	stream.linear.gather [hbm4b:s9+s3], $0x100, $0x38;
	[tilespmem:$0x1C400] =	vst v63  }
0x6c: {  	s9 =	sadd.s32 $0xA0, s8  }
0x6d: {  	[tilespmem:s20], [sflag:$0x5] =	stream.linear.gather [hbm4b:s9+s3], $0x100, $0x38;
	[tilespmem:$0x1C400] =	vst v63  }
0x6e: {  	_ =	swait.ge [sflag:s25], $0x4000  }
0x6f: {  	[sflag:s25] =	ssyncset.done $0x0  }
0x70: {  	[sflag:s25] =	ssyncadd.s32 $0xFFFFC000  }
0x71: {  	[spmem:s1] =	stream.indirect.scatter.add.f32 [tilespmem:s18], [sflag:$0x3], $0x80, s0, s21, $0xb8;
	[tilespmem:$0x1C400] =	vst v63  }
0x72: {  	_ =	swait.ge [sflag:s26], $0x4000  }
0x73: {  	[sflag:s26] =	ssyncset.done $0x0  }
0x74: {  	[sflag:s26] =	ssyncadd.s32 $0xFFFFC000  }
0x75: {  	[spmem:s1] =	stream.indirect.scatter.add.f32 [tilespmem:s22], [sflag:$0x4], $0x80, s2, s21, $0xb8;
	[tilespmem:$0x1C400] =	vst v63  }
0x76: {  	_ =	swait.ge [sflag:s29], $0x100  }
0x77: {  	[sflag:s29] =	ssyncset.done $0x0  }
0x78: {  	[sflag:s29] =	ssyncadd.s32 $0xFFFFFF00  }
0x79: {  	_ =	swait.ge [sflag:s29], $0x100  }
0x7a: {  	[sflag:s29] =	ssyncset.done $0x0  }
0x7b: {  	[sflag:s29] =	ssyncadd.s32 $0xFFFFFF00  }
0x7c: {  	_ =	swait.ge [sflag:s30], $0x4000  }
0x7d: {  	[sflag:s30] =	ssyncset.done $0x0  }
0x7e: {  	[sflag:s30] =	ssyncadd.s32 $0xFFFFC000  }
0x7f: {  	[tilespmem:s18], [sflag:$0x1] =	stream.indirect.gather [hbm4b:s4+s21], $0x80, s3, s21, $0xb8;
	[tilespmem:$0x1C400] =	vst v63  }
0x80: {  	_ =	swait.ge [sflag:s31], $0x4000  }
0x81: {  	[sflag:s31] =	ssyncset.done $0x0  }
0x82: {  	[sflag:s31] =	ssyncadd.s32 $0xFFFFC000  }
0x83: {  	[tilespmem:s22], [sflag:$0x2] =	stream.indirect.gather [hbm4b:s4+s21], $0x80, s20, s21, $0xb8;
	[tilespmem:$0x1C400] =	vst v63  }
.Ltmp3:
0x84: {  	_ = 	snop;
	(pc) =	sbr.rel .LBB2_2-.Ltmp3, $4  }
0x85: {  	s9 =	sadd.s32 $0xC0, s8  }
0x86: {  	[tilespmem:s23], [sflag:$0x5] =	stream.linear.gather [hbm4b:s9+s3], $0x100, $0x38;
	[tilespmem:$0x1C400] =	vst v63  }
0x87: {  	s7 =	sadd.s32 $0x80, s7;
	s8 =	sadd.s32 $0xE0, s8  }
0x88: {  	[tilespmem:s24], [sflag:$0x5] =	stream.linear.gather [hbm4b:s8+s3], $0x100, $0x38;
	[tilespmem:$0x1C400] =	vst v63  }
.LBB2_5:
0x89: {  	_ =	sfence.sel $0x180000  }
0x8a: {  	[bflag:$0x0] =	sbarrier.arrive $0xFFFF  }
0x8b: {  	_ =	strace $0x90000050  }
0x8c: {  	s0 =	stileid.u32;
	[bflag:$0x2] =	sbarrier.arrive $0xFFFF  }
0x8d: {  	p0 =	sne.s32 s0, $0x0;
	s0 =	rddreg [dreg:$0x2]  }
0x8e: {  	s0 =	sadd.s32 @!p0 $0x100000, s0  }
0x8f: {  	[sflag:s0] =	ssyncadd.tile.s32 @!p0 $0x1;
	_ =	shalt  }
.Lfunc_end2:
_tile_overlayer_lowered:
.L_overlay_start_2:
0x90: {  	(tag) =	ssettag $0x2  }
0x91: {  	s0 =	rddreg [dreg:$0x0];
	s2 =	stileid.u32  }
0x92: {  	s1 =	rddreg [dreg:$0x1];
	p0 =	sne.s32 s2, $0x0  }
0x93: {  	s3 =	rddreg [dreg:$0x2];
	[bflag:$0x3] =	sbarrier.arrive $0xFFFF;
	s2 =	simm.s32 @!p0 $0x1C06  }
0x94: {  	[timem:s3], [sflag:s2] =	dma.local @!p0 [hbm:s0], s1  }
0x95: {  	s0 =	simm.s32 @!p0 $0x6  }
0x96: {  	_ =	swait.ge @!p0 [sflag:s0], s1  }
0x97: {  	s1 =	ssub.s32 @!p0 $0x0, s1;
	[sflag:s0] =	ssyncset.done @!p0 $0x0  }
0x98: {  	[sflag:s0] =	ssyncadd.s32 @!p0 s1  }
0x99: {  	[bflag:$0x3] =	sbarrier.arrive $0xFFFF  }
0x9a: {  	_ =	shalt  }

</sc_bundles>
